<compile_context>
chip_gen: v7x
topology: tpu7x:2x2x1
jax: 0.10.2.dev20260603
libtpu: 0.0.44.dev20260713+nightly
codegen_flags: <defaults>
</compile_context>

<pallas_src>
import functools

import jax
import jax.numpy as jnp
from jax import lax
from jax.experimental import pallas as pl
from jax.experimental.pallas import tpu as pltpu
from jax.experimental.pallas import tpu_sc as plsc

_N = 8
_P = 256
_L = 12544
_TPB = 4
_CHUNK = _L // _TPB
_NV = _CHUNK // 16
_BINS_PAD = 264
_CS = 400
_HB = 272
_BIG = 3.0e38
_UNR = 4


def _vsort(x, descending):
    return plsc.sort_key_val(x, x, descending=descending)[0]


def _bitonic_sort_256(vals):
    for v in range(16):
        vals[v] = _vsort(vals[v], descending=(v & 1) != 0)
    for k in (32, 64, 128, 256):
        j = k // 2
        while j >= 16:
            jj = j >> 4
            for v in range(16):
                if v & jj:
                    continue
                a, b = vals[v], vals[v ^ jj]
                mn = jnp.minimum(a, b)
                mx = jnp.maximum(a, b)
                if ((v * 16) & k) == 0:
                    vals[v], vals[v ^ jj] = mn, mx
                else:
                    vals[v], vals[v ^ jj] = mx, mn
            j //= 2
        for v in range(16):
            vals[v] = _vsort(vals[v], descending=((v * 16) & k) != 0)
    return vals


def _splat(v, lane):
    return jnp.take_along_axis(v, jnp.full((16,), lane, jnp.int32), axis=0)


def _sc_body(bins_hbm, y_hbm, out_hbm,
             binsv, yv, csort, kseq, xmx, xmn, hiv, lov, pmax,
             smin, tmpv, sumt, sumv, outv, sh_hi, sh_lo, sh_sum,
             sem_b, sem_y):
    iota = lax.iota(jnp.int32, 16)
    c_idx = lax.axis_index("c")
    s_idx = lax.axis_index("s")
    b = c_idx * 4 + s_idx // _TPB
    q = s_idx % _TPB

    cp_b = pltpu.async_copy(bins_hbm.at[pl.ds(b * _BINS_PAD, _BINS_PAD)],
                            binsv, sem_b)
    cp_y = pltpu.async_copy(y_hbm.at[pl.ds(b * _L + q * _CHUNK, _CHUNK)],
                            yv, sem_y)
    cp_b.wait()
    cp_y.wait()

    cen = []
    for i in range(16):
        a = binsv[pl.ds(16 * i, 16)]
        bb = plsc.load_gather(binsv, [iota + (16 * i + 1)])
        cen.append(0.5 * (a + bb))
    cen = _bitonic_sort_256(cen)

    bigv = jnp.full((16,), _BIG, jnp.float32)
    for i in range(16):
        csort[pl.ds(16 * i, 16)] = cen[i]
    for i in range(16, _CS // 16):
        csort[pl.ds(16 * i, 16)] = bigv

    for i in range(_HB // 16):
        hiv[pl.ds(16 * i, 16)] = -bigv
        lov[pl.ds(16 * i, 16)] = bigv

    roots = plsc.load_gather(csort, [iota * 16 + 15])
    rsp = [_splat(roots, t) for t in range(16)]

    ione = jnp.minimum(iota + 1, 15)

    @plsc.parallel_loop(0, _NV, 1, unroll=_UNR,
                        carry=jnp.zeros((16,), jnp.float32))
    def _pass1(i, acc):
        y = plsc.load_gather(yv, [iota + i * 16])
        terms = [(rsp[t] < y).astype(jnp.int32) for t in range(16)]
        while len(terms) > 1:
            terms = [terms[a] + terms[a + 1] for a in range(0, len(terms), 2)]
        cnt = terms[0] * 16
        for w in (8, 4, 2, 1):
            probe = plsc.load_gather(csort, [cnt + (w - 1)])
            cnt = jnp.where(probe < y, cnt + w, cnt)
        left = plsc.load_gather(csort, [jnp.maximum(cnt - 1, 0)])
        left = jnp.where(cnt > 0, left, -_BIG)
        right = plsc.load_gather(csort, [cnt])
        dl = y - left
        dr = right - y

        ck, ys = plsc.sort_key_val(cnt, y)
        xmax = ys
        xmin = ys
        for dsh in (1, 2, 4, 8):
            idx = jnp.maximum(iota - dsh, 0)
            pk = jnp.take_along_axis(ck, idx, axis=0)
            pmx = jnp.take_along_axis(xmax, idx, axis=0)
            pmn = jnp.take_along_axis(xmin, idx, axis=0)
            same = (pk == ck) & (iota >= dsh)
            xmax = jnp.where(same, jnp.maximum(xmax, pmx), xmax)
            xmin = jnp.where(same, jnp.minimum(xmin, pmn), xmin)
        kseq[pl.ds(i * 16, 16)] = ck
        xmx[pl.ds(i * 16, 16)] = xmax
        xmn[pl.ds(i * 16, 16)] = xmin
        return acc + jnp.minimum(dl * dl, dr * dr)

    ysum = _pass1

    def _pass2(i, _):
        ck = plsc.load_gather(kseq, [iota + i * 16])
        xmax = plsc.load_gather(xmx, [iota + i * 16])
        xmin = plsc.load_gather(xmn, [iota + i * 16])
        nxt = jnp.take_along_axis(ck, ione, axis=0)
        last = (ck != nxt) | (iota == 15)
        newh = jnp.maximum(plsc.load_gather(hiv, [ck]), xmax)
        plsc.store_scatter(hiv, [ck], newh, mask=last)
        newl = jnp.minimum(plsc.load_gather(lov, [ck]), xmin)
        plsc.store_scatter(lov, [ck], newl, mask=last)
        return 0

    lax.fori_loop(0, _NV, _pass2, 0)

    sumv[...] = ysum
    pltpu.sync_copy(hiv, sh_hi.at[pl.ds(s_idx * _HB, _HB)])
    pltpu.sync_copy(lov, sh_lo.at[pl.ds(s_idx * _HB, _HB)])
    pltpu.sync_copy(sumv, sh_sum.at[pl.ds(s_idx * 16, 16)])
    plsc.subcore_barrier()

    @pl.when(q == 0)
    def _finish():
        for t in range(1, _TPB):
            pltpu.sync_copy(sh_hi.at[pl.ds((s_idx + t) * _HB, _HB)],
                            tmpv.at[pl.ds((t - 1) * _HB, _HB)])
            pltpu.sync_copy(sh_lo.at[pl.ds((s_idx + t) * _HB, _HB)],
                            tmpv.at[pl.ds((t + 2) * _HB, _HB)])
            pltpu.sync_copy(sh_sum.at[pl.ds((s_idx + t) * 16, 16)],
                            sumt.at[pl.ds((t - 1) * 16, 16)])
        for i in range(_HB // 16):
            sl = pl.ds(16 * i, 16)
            h = hiv[sl]
            l = lov[sl]
            for t in range(_TPB - 1):
                h = jnp.maximum(h, tmpv[pl.ds(t * _HB + 16 * i, 16)])
                l = jnp.minimum(l, tmpv[pl.ds((t + 3) * _HB + 16 * i, 16)])
            hiv[sl] = h
            lov[sl] = l
        ytot = ysum
        for t in range(_TPB - 1):
            ytot = ytot + sumt[pl.ds(t * 16, 16)]

        run = -bigv
        for i in range(_HB // 16):
            v = hiv[pl.ds(16 * i, 16)]
            pm = jnp.maximum(plsc.cummax(v), run)
            pmax[pl.ds(16 * i, 16)] = pm
            run = _splat(pm, 15)
        run = bigv
        for i in range(_HB // 16 - 1, -1, -1):
            v = lov[pl.ds(16 * i, 16)]
            sm = lax.rev(-plsc.cummax(-lax.rev(v, (0,))), (0,))
            sm = jnp.minimum(sm, run)
            smin[pl.ds(16 * i, 16)] = sm
            run = _splat(sm, 0)

        chx = jnp.zeros((16,), jnp.float32)
        for i in range(16):
            s = csort[pl.ds(16 * i, 16)]
            bel = pmax[pl.ds(16 * i, 16)]
            abv = plsc.load_gather(smin, [iota + (16 * i + 1)])
            dl = s - bel
            dr = abv - s
            chx = chx + jnp.minimum(dl * dl, dr * dr)

        val = jnp.sum(chx) * (1.0 / _P) + jnp.sum(ytot) * (1.0 / _L)
        outv[...] = jnp.full((16,), 1.0, jnp.float32) * val
        pltpu.sync_copy(outv, out_hbm.at[pl.ds(b * 16, 16)])


_sc_chamfer = functools.partial(
    pl.kernel,
    mesh=plsc.VectorSubcoreMesh(core_axis_name="c", subcore_axis_name="s",
                                num_cores=2, num_subcores=16),
    out_type=jax.ShapeDtypeStruct((_N * 16,), jnp.float32),
    compiler_params=pltpu.CompilerParams(needs_layout_passes=False),
    scratch_types=[
        pltpu.VMEM((_BINS_PAD,), jnp.float32),
        pltpu.VMEM((_CHUNK,), jnp.float32),
        pltpu.VMEM((_CS,), jnp.float32),
        pltpu.VMEM((_CHUNK,), jnp.int32),
        pltpu.VMEM((_CHUNK,), jnp.float32),
        pltpu.VMEM((_CHUNK,), jnp.float32),
        pltpu.VMEM((_HB,), jnp.float32),
        pltpu.VMEM((_HB,), jnp.float32),
        pltpu.VMEM((_HB,), jnp.float32),
        pltpu.VMEM((_HB,), jnp.float32),
        pltpu.VMEM((6 * _HB,), jnp.float32),
        pltpu.VMEM((3 * 16,), jnp.float32),
        pltpu.VMEM((16,), jnp.float32),
        pltpu.VMEM((16,), jnp.float32),
        pltpu.VMEM_SHARED((16 * _HB,), jnp.float32),
        pltpu.VMEM_SHARED((16 * _HB,), jnp.float32),
        pltpu.VMEM_SHARED((16 * 16,), jnp.float32),
        pltpu.SemaphoreType.DMA,
        pltpu.SemaphoreType.DMA,
    ],
)(_sc_body)


def kernel(bins, target_depth_maps):
    N, B, _, _ = bins.shape
    b2 = bins.reshape(N, B)
    bins_pad = jnp.pad(b2, ((0, 0), (0, _BINS_PAD - B))).reshape(-1)
    y = target_depth_maps[:, 0, 112:, 112:].reshape(-1)
    out = _sc_chamfer(bins_pad, y)
    return jnp.mean(out.reshape(N, 16)[:, 0])

# --- scband reference (transcript-rebuilt; emitter-appended) ---
"""Pipeline reference for scband-bins-chamfer-loss-multi-16200616640819 (READ-ONLY COPY).

The authoritative reference and input builder live on the scoring server;
editing this copy changes nothing except your own understanding.
"""

import jax, jax.numpy as jnp
import numpy as np


def _unfold_112(x):
    # torch nn.Unfold(kernel_size=112, stride=112) for C=1, H=W=224
    N, C, H, W = x.shape
    k = 112
    blocks = x.reshape(N, C, H // k, k, W // k, k)          # n, c, i, kh, j, kw
    blocks = jnp.transpose(blocks, (0, 1, 3, 5, 2, 4))       # n, c, kh, kw, i, j
    return blocks.reshape(N, C * k * k, (H // k) * (W // k)) # [N, C*k*k, L]


def setup_inputs(seed: int = 0) -> dict:
    key = jax.random.key(seed)
    k1, k2 = jax.random.split(key)
    # bins: [N, B, H, W] with H=W=1 (per-image 1D bin edges, AdaBins-style), positive
    bins = jax.random.uniform(k1, (8, 257, 1, 1), dtype=jnp.float32)
    # depth maps: [N, 1, 224, 224], strictly positive so mask (target>0) is all-true
    target_depth_maps = jax.random.uniform(k2, (8, 1, 224, 224), dtype=jnp.float32)
    return {"bins": bins, "target_depth_maps": target_depth_maps}


def reference(bins, target_depth_maps):
    N, B, H, W = bins.shape
    b = bins.reshape(N, B, H * W)
    bin_centers = 0.5 * (b[:, 1:, :] + b[:, :-1, :])   # [N, B-1, H*W]
    n, p, l = bin_centers.shape
    x = bin_centers.reshape(n, p, l)                    # input point clouds [N, P, d=1]
    unf = _unfold_112(target_depth_maps)                # [N, 12544, 4]
    Lp = unf.shape[2]
    # loop in the torch code overwrites target_points each iteration; only the
    # last patch (i = l-1) survives into chamfer_distance
    target_points = unf[:, :, Lp - 1]                   # [N, 12544]
    # mask = target_points > 0 is all-true for uniform(0,1) depths -> static shape
    y = target_points[:, :, None]                       # [N, 12544, 1]
    y_lengths = jnp.full((n,), y.shape[1], dtype=jnp.int32)
    # chamfer_distance (pytorch3d semantics, point_reduction='mean', batch 'mean')
    d2 = jnp.sum((x[:, :, None, :] - y[:, None, :, :]) ** 2, axis=-1)  # [N, P, L]
    cham_x = jnp.mean(jnp.min(d2, axis=2), axis=1)      # nearest target for each bin center
    cham_y = jnp.mean(jnp.min(d2, axis=1), axis=1)      # nearest bin center for each target
    loss = jnp.mean(cham_x + cham_y)
    return loss

if __name__ == "__main__":
    import jax
    _d = setup_inputs()
    print(jax.jit(kernel)(*tuple(_d.values())))

</pallas_src>

<mosaic_0001>
#map = affine_map<(d0, d1) -> (0)>
module attributes {stable_mosaic.version = 14 : i64} {
  func.func @_sc_body(%arg0: i32, %arg1: i32, %arg2: memref<2112xf32, #tpu.memory_space<hbm>>, %arg3: memref<100352xf32, #tpu.memory_space<hbm>>, %arg4: memref<128xf32, #tpu.memory_space<hbm>>, %arg5: memref<264xf32, #tpu.memory_space<vmem>>, %arg6: memref<3136xf32, #tpu.memory_space<vmem>>, %arg7: memref<400xf32, #tpu.memory_space<vmem>>, %arg8: memref<3136xi32, #tpu.memory_space<vmem>>, %arg9: memref<3136xf32, #tpu.memory_space<vmem>>, %arg10: memref<3136xf32, #tpu.memory_space<vmem>>, %arg11: memref<272xf32, #tpu.memory_space<vmem>>, %arg12: memref<272xf32, #tpu.memory_space<vmem>>, %arg13: memref<272xf32, #tpu.memory_space<vmem>>, %arg14: memref<272xf32, #tpu.memory_space<vmem>>, %arg15: memref<1632xf32, #tpu.memory_space<vmem>>, %arg16: memref<48xf32, #tpu.memory_space<vmem>>, %arg17: memref<16xf32, #tpu.memory_space<vmem>>, %arg18: memref<16xf32, #tpu.memory_space<vmem>>, %arg19: memref<4352xf32, #tpu.memory_space<vmem_shared>>, %arg20: memref<4352xf32, #tpu.memory_space<vmem_shared>>, %arg21: memref<256xf32, #tpu.memory_space<vmem_shared>>, %arg22: memref<!tpu.dma_semaphore, #tpu.memory_space<semaphore_mem>>, %arg23: memref<!tpu.dma_semaphore, #tpu.memory_space<semaphore_mem>>) attributes {dimension_semantics = [#tpu.dimension_semantics<core_parallel>, #tpu.dimension_semantics<subcore_parallel>], iteration_bounds = array<i64: 2, 16>, scalar_prefetch = 0 : i64, scratch_operands = 19 : i64, tpu.core_type = #tpu.core_type<sc_vector_subcore>, window_params = [{transform_indices = #map}, {transform_indices = #map}, {transform_indices = #map}]} {
    %iota3A = tpu.iota {dimensions = array<i32: 0>} : vector<16xi32>
    %mul3A = arith.constant 4 : i32
    %mul3A_0 = arith.muli %arg0, %mul3A : i32
    %jit3A = arith.constant 4 : i32
    %div3A = arith.divsi %arg1, %jit3A : i32
    %sign3A = arith.constant 0 : i32
    %sign3A_1 = arith.cmpi sgt, %arg1, %sign3A : i32
    %sign3A_2 = arith.extui %sign3A_1 : i1 to i32
    %sign3A_3 = arith.constant 0 : i32
    %sign3A_4 = arith.cmpi slt, %arg1, %sign3A_3 : i32
    %sign3A_5 = arith.extui %sign3A_4 : i1 to i32
    %sign3A_6 = arith.subi %sign3A_2, %sign3A_5 : i32
    %sign3A_7 = arith.constant 0 : i32
    %sign3A_8 = arith.cmpi sgt, %jit3A, %sign3A_7 : i32
    %sign3A_9 = arith.extui %sign3A_8 : i1 to i32
    %sign3A_10 = arith.constant 0 : i32
    %sign3A_11 = arith.cmpi slt, %jit3A, %sign3A_10 : i32
    %sign3A_12 = arith.extui %sign3A_11 : i1 to i32
    %sign3A_13 = arith.subi %sign3A_9, %sign3A_12 : i32
    %ne3A = arith.cmpi ne, %sign3A_6, %sign3A_13 : i32
    %rem3A = arith.remsi %arg1, %jit3A : i32
    %ne3A_14 = arith.constant 0 : i32
    %ne3A_15 = arith.cmpi ne, %rem3A, %ne3A_14 : i32
    %and3A = arith.andi %ne3A, %ne3A_15 : i1
    %sub3A = arith.constant 1 : i32
    %sub3A_16 = arith.subi %div3A, %sub3A : i32
    %select_n3A = arith.select %and3A, %sub3A_16, %div3A : i32
    %add3A = arith.addi %mul3A_0, %select_n3A : i32
    %jit3A_17 = arith.constant 4 : i32
    %eq3A = arith.constant 0 : i32
    %eq3A_18 = arith.cmpi eq, %jit3A_17, %eq3A : i32
    %jit3A_19 = arith.constant 1 : i32
    %select_n3A_20 = arith.select %eq3A_18, %jit3A_19, %jit3A_17 : i32
    %rem3A_21 = arith.remsi %arg1, %select_n3A_20 : i32
    %ne3A_22 = arith.constant 0 : i32
    %ne3A_23 = arith.cmpi ne, %rem3A_21, %ne3A_22 : i32
    %lt3A = arith.constant 0 : i32
    %lt3A_24 = arith.cmpi slt, %rem3A_21, %lt3A : i32
    %lt3A_25 = arith.constant 0 : i32
    %lt3A_26 = arith.cmpi slt, %select_n3A_20, %lt3A_25 : i32
    %ne3A_27 = arith.xori %lt3A_24, %lt3A_26 : i1
    %and3A_28 = arith.andi %ne3A_27, %ne3A_23 : i1
    %add3A_29 = arith.addi %rem3A_21, %select_n3A_20 : i32
    %select_n3A_30 = arith.select %and3A_28, %add3A_29, %rem3A_21 : i32
    %mul3A_31 = arith.constant 264 : i32
    %mul3A_32 = arith.muli %add3A, %mul3A_31 : i32
    %dma_start3A = tpu.memref_slice %arg2[%mul3A_32] : memref<2112xf32, #tpu.memory_space<hbm>> -> memref<264xf32, #tpu.memory_space<hbm>>
    %dma_start3A_33 = tpu.memref_slice %arg2[%mul3A_32] : memref<2112xf32, #tpu.memory_space<hbm>> -> memref<264xf32, #tpu.memory_space<hbm>>
    tpu.enqueue_dma source(%dma_start3A_33 : memref<264xf32, #tpu.memory_space<hbm>>) target(%arg5 : memref<264xf32, #tpu.memory_space<vmem>>) target_semaphore(%arg22 : memref<!tpu.dma_semaphore, #tpu.memory_space<semaphore_mem>>)
    %mul3A_34 = arith.constant 12544 : i32
    %mul3A_35 = arith.muli %add3A, %mul3A_34 : i32
    %mul3A_36 = arith.constant 3136 : i32
    %mul3A_37 = arith.muli %select_n3A_30, %mul3A_36 : i32
    %add3A_38 = arith.addi %mul3A_35, %mul3A_37 : i32
    %dma_start3A_39 = tpu.memref_slice %arg3[%add3A_38] : memref<100352xf32, #tpu.memory_space<hbm>> -> memref<3136xf32, #tpu.memory_space<hbm>>
    %dma_start3A_40 = tpu.memref_slice %arg3[%add3A_38] : memref<100352xf32, #tpu.memory_space<hbm>> -> memref<3136xf32, #tpu.memory_space<hbm>>
    tpu.enqueue_dma source(%dma_start3A_40 : memref<3136xf32, #tpu.memory_space<hbm>>) target(%arg6 : memref<3136xf32, #tpu.memory_space<vmem>>) target_semaphore(%arg23 : memref<!tpu.dma_semaphore, #tpu.memory_space<semaphore_mem>>)
    %dma_wait3A = tpu.memref_slice %arg2[%mul3A_32] : memref<2112xf32, #tpu.memory_space<hbm>> -> memref<264xf32, #tpu.memory_space<hbm>>
    %dma_wait3A_41 = tpu.memref_slice %arg2[%mul3A_32] : memref<2112xf32, #tpu.memory_space<hbm>> -> memref<264xf32, #tpu.memory_space<hbm>>
    tpu.wait_dma2 semaphore(%arg22 : memref<!tpu.dma_semaphore, #tpu.memory_space<semaphore_mem>>) src(%dma_wait3A_41 : memref<264xf32, #tpu.memory_space<hbm>>) dst(%arg5 : memref<264xf32, #tpu.memory_space<vmem>>)
    %dma_wait3A_42 = tpu.memref_slice %arg3[%add3A_38] : memref<100352xf32, #tpu.memory_space<hbm>> -> memref<3136xf32, #tpu.memory_space<hbm>>
    %dma_wait3A_43 = tpu.memref_slice %arg3[%add3A_38] : memref<100352xf32, #tpu.memory_space<hbm>> -> memref<3136xf32, #tpu.memory_space<hbm>>
    tpu.wait_dma2 semaphore(%arg23 : memref<!tpu.dma_semaphore, #tpu.memory_space<semaphore_mem>>) src(%dma_wait3A_43 : memref<3136xf32, #tpu.memory_space<hbm>>) dst(%arg6 : memref<3136xf32, #tpu.memory_space<vmem>>)
    %get3A = arith.constant 0 : index
    %get3A_44 = tpu.vector_load %arg5[%get3A] {strides = array<i32>} : memref<264xf32, #tpu.memory_space<vmem>>, vector<16xf32>,
    %add3A_45 = arith.constant 1 : i32
    %add3A_46 = vector.broadcast %add3A_45 : i32 to vector<16xi32>
    %add3A_47 = arith.addi %iota3A, %add3A_46 : vector<16xi32>
    %gather3A = tpu.vector_load_idx %arg5[%add3A_47] : memref<264xf32, #tpu.memory_space<vmem>>[vector<16xi32>], vector<16xf32>,
    %add3A_48 = arith.addf %get3A_44, %gather3A : vector<16xf32>
    %mul3A_49 = arith.constant 5.000000e-01 : f32
    %mul3A_50 = vector.broadcast %mul3A_49 : f32 to vector<16xf32>
    %mul3A_51 = arith.mulf %mul3A_50, %add3A_48 : vector<16xf32>
    %get3A_52 = arith.constant 16 : index
    %get3A_53 = tpu.vector_load %arg5[%get3A_52] {strides = array<i32>} : memref<264xf32, #tpu.memory_space<vmem>>, vector<16xf32>,
    %add3A_54 = arith.constant 17 : i32
    %add3A_55 = vector.broadcast %add3A_54 : i32 to vector<16xi32>
    %add3A_56 = arith.addi %iota3A, %add3A_55 : vector<16xi32>
    %gather3A_57 = tpu.vector_load_idx %arg5[%add3A_56] : memref<264xf32, #tpu.memory_space<vmem>>[vector<16xi32>], vector<16xf32>,
    %add3A_58 = arith.addf %get3A_53, %gather3A_57 : vector<16xf32>
    %mul3A_59 = arith.constant 5.000000e-01 : f32
    %mul3A_60 = vector.broadcast %mul3A_59 : f32 to vector<16xf32>
    %mul3A_61 = arith.mulf %mul3A_60, %add3A_58 : vector<16xf32>
    %get3A_62 = arith.constant 32 : index
    %get3A_63 = tpu.vector_load %arg5[%get3A_62] {strides = array<i32>} : memref<264xf32, #tpu.memory_space<vmem>>, vector<16xf32>,
    %add3A_64 = arith.constant 33 : i32
    %add3A_65 = vector.broadcast %add3A_64 : i32 to vector<16xi32>
    %add3A_66 = arith.addi %iota3A, %add3A_65 : vector<16xi32>
    %gather3A_67 = tpu.vector_load_idx %arg5[%add3A_66] : memref<264xf32, #tpu.memory_space<vmem>>[vector<16xi32>], vector<16xf32>,
    %add3A_68 = arith.addf %get3A_63, %gather3A_67 : vector<16xf32>
    %mul3A_69 = arith.constant 5.000000e-01 : f32
    %mul3A_70 = vector.broadcast %mul3A_69 : f32 to vector<16xf32>
    %mul3A_71 = arith.mulf %mul3A_70, %add3A_68 : vector<16xf32>
    %get3A_72 = arith.constant 48 : index
    %get3A_73 = tpu.vector_load %arg5[%get3A_72] {strides = array<i32>} : memref<264xf32, #tpu.memory_space<vmem>>, vector<16xf32>,
    %add3A_74 = arith.constant 49 : i32
    %add3A_75 = vector.broadcast %add3A_74 : i32 to vector<16xi32>
    %add3A_76 = arith.addi %iota3A, %add3A_75 : vector<16xi32>
    %gather3A_77 = tpu.vector_load_idx %arg5[%add3A_76] : memref<264xf32, #tpu.memory_space<vmem>>[vector<16xi32>], vector<16xf32>,
    %add3A_78 = arith.addf %get3A_73, %gather3A_77 : vector<16xf32>
    %mul3A_79 = arith.constant 5.000000e-01 : f32
    %mul3A_80 = vector.broadcast %mul3A_79 : f32 to vector<16xf32>
    %mul3A_81 = arith.mulf %mul3A_80, %add3A_78 : vector<16xf32>
    %get3A_82 = arith.constant 64 : index
    %get3A_83 = tpu.vector_load %arg5[%get3A_82] {strides = array<i32>} : memref<264xf32, #tpu.memory_space<vmem>>, vector<16xf32>,
    %add3A_84 = arith.constant 65 : i32
    %add3A_85 = vector.broadcast %add3A_84 : i32 to vector<16xi32>
    %add3A_86 = arith.addi %iota3A, %add3A_85 : vector<16xi32>
    %gather3A_87 = tpu.vector_load_idx %arg5[%add3A_86] : memref<264xf32, #tpu.memory_space<vmem>>[vector<16xi32>], vector<16xf32>,
    %add3A_88 = arith.addf %get3A_83, %gather3A_87 : vector<16xf32>
    %mul3A_89 = arith.constant 5.000000e-01 : f32
    %mul3A_90 = vector.broadcast %mul3A_89 : f32 to vector<16xf32>
    %mul3A_91 = arith.mulf %mul3A_90, %add3A_88 : vector<16xf32>
    %get3A_92 = arith.constant 80 : index
    %get3A_93 = tpu.vector_load %arg5[%get3A_92] {strides = array<i32>} : memref<264xf32, #tpu.memory_space<vmem>>, vector<16xf32>,
    %add3A_94 = arith.constant 81 : i32
    %add3A_95 = vector.broadcast %add3A_94 : i32 to vector<16xi32>
    %add3A_96 = arith.addi %iota3A, %add3A_95 : vector<16xi32>
    %gather3A_97 = tpu.vector_load_idx %arg5[%add3A_96] : memref<264xf32, #tpu.memory_space<vmem>>[vector<16xi32>], vector<16xf32>,
    %add3A_98 = arith.addf %get3A_93, %gather3A_97 : vector<16xf32>
    %mul3A_99 = arith.constant 5.000000e-01 : f32
    %mul3A_100 = vector.broadcast %mul3A_99 : f32 to vector<16xf32>
    %mul3A_101 = arith.mulf %mul3A_100, %add3A_98 : vector<16xf32>
    %get3A_102 = arith.constant 96 : index
    %get3A_103 = tpu.vector_load %arg5[%get3A_102] {strides = array<i32>} : memref<264xf32, #tpu.memory_space<vmem>>, vector<16xf32>,
    %add3A_104 = arith.constant 97 : i32
    %add3A_105 = vector.broadcast %add3A_104 : i32 to vector<16xi32>
    %add3A_106 = arith.addi %iota3A, %add3A_105 : vector<16xi32>
    %gather3A_107 = tpu.vector_load_idx %arg5[%add3A_106] : memref<264xf32, #tpu.memory_space<vmem>>[vector<16xi32>], vector<16xf32>,
    %add3A_108 = arith.addf %get3A_103, %gather3A_107 : vector<16xf32>
    %mul3A_109 = arith.constant 5.000000e-01 : f32
    %mul3A_110 = vector.broadcast %mul3A_109 : f32 to vector<16xf32>
    %mul3A_111 = arith.mulf %mul3A_110, %add3A_108 : vector<16xf32>
    %get3A_112 = arith.constant 112 : index
    %get3A_113 = tpu.vector_load %arg5[%get3A_112] {strides = array<i32>} : memref<264xf32, #tpu.memory_space<vmem>>, vector<16xf32>,
    %add3A_114 = arith.constant 113 : i32
    %add3A_115 = vector.broadcast %add3A_114 : i32 to vector<16xi32>
    %add3A_116 = arith.addi %iota3A, %add3A_115 : vector<16xi32>
    %gather3A_117 = tpu.vector_load_idx %arg5[%add3A_116] : memref<264xf32, #tpu.memory_space<vmem>>[vector<16xi32>], vector<16xf32>,
    %add3A_118 = arith.addf %get3A_113, %gather3A_117 : vector<16xf32>
    %mul3A_119 = arith.constant 5.000000e-01 : f32
    %mul3A_120 = vector.broadcast %mul3A_119 : f32 to vector<16xf32>
    %mul3A_121 = arith.mulf %mul3A_120, %add3A_118 : vector<16xf32>
    %get3A_122 = arith.constant 128 : index
    %get3A_123 = tpu.vector_load %arg5[%get3A_122] {strides = array<i32>} : memref<264xf32, #tpu.memory_space<vmem>>, vector<16xf32>,
    %add3A_124 = arith.constant 129 : i32
    %add3A_125 = vector.broadcast %add3A_124 : i32 to vector<16xi32>
    %add3A_126 = arith.addi %iota3A, %add3A_125 : vector<16xi32>
    %gather3A_127 = tpu.vector_load_idx %arg5[%add3A_126] : memref<264xf32, #tpu.memory_space<vmem>>[vector<16xi32>], vector<16xf32>,
    %add3A_128 = arith.addf %get3A_123, %gather3A_127 : vector<16xf32>
    %mul3A_129 = arith.constant 5.000000e-01 : f32
    %mul3A_130 = vector.broadcast %mul3A_129 : f32 to vector<16xf32>
    %mul3A_131 = arith.mulf %mul3A_130, %add3A_128 : vector<16xf32>
    %get3A_132 = arith.constant 144 : index
    %get3A_133 = tpu.vector_load %arg5[%get3A_132] {strides = array<i32>} : memref<264xf32, #tpu.memory_space<vmem>>, vector<16xf32>,
    %add3A_134 = arith.constant 145 : i32
    %add3A_135 = vector.broadcast %add3A_134 : i32 to vector<16xi32>
    %add3A_136 = arith.addi %iota3A, %add3A_135 : vector<16xi32>
    %gather3A_137 = tpu.vector_load_idx %arg5[%add3A_136] : memref<264xf32, #tpu.memory_space<vmem>>[vector<16xi32>], vector<16xf32>,
    %add3A_138 = arith.addf %get3A_133, %gather3A_137 : vector<16xf32>
    %mul3A_139 = arith.constant 5.000000e-01 : f32
    %mul3A_140 = vector.broadcast %mul3A_139 : f32 to vector<16xf32>
    %mul3A_141 = arith.mulf %mul3A_140, %add3A_138 : vector<16xf32>
    %get3A_142 = arith.constant 160 : index
    %get3A_143 = tpu.vector_load %arg5[%get3A_142] {strides = array<i32>} : memref<264xf32, #tpu.memory_space<vmem>>, vector<16xf32>,
    %add3A_144 = arith.constant 161 : i32
    %add3A_145 = vector.broadcast %add3A_144 : i32 to vector<16xi32>
    %add3A_146 = arith.addi %iota3A, %add3A_145 : vector<16xi32>
    %gather3A_147 = tpu.vector_load_idx %arg5[%add3A_146] : memref<264xf32, #tpu.memory_space<vmem>>[vector<16xi32>], vector<16xf32>,
    %add3A_148 = arith.addf %get3A_143, %gather3A_147 : vector<16xf32>
    %mul3A_149 = arith.constant 5.000000e-01 : f32
    %mul3A_150 = vector.broadcast %mul3A_149 : f32 to vector<16xf32>
    %mul3A_151 = arith.mulf %mul3A_150, %add3A_148 : vector<16xf32>
    %get3A_152 = arith.constant 176 : index
    %get3A_153 = tpu.vector_load %arg5[%get3A_152] {strides = array<i32>} : memref<264xf32, #tpu.memory_space<vmem>>, vector<16xf32>,
    %add3A_154 = arith.constant 177 : i32
    %add3A_155 = vector.broadcast %add3A_154 : i32 to vector<16xi32>
    %add3A_156 = arith.addi %iota3A, %add3A_155 : vector<16xi32>
    %gather3A_157 = tpu.vector_load_idx %arg5[%add3A_156] : memref<264xf32, #tpu.memory_space<vmem>>[vector<16xi32>], vector<16xf32>,
    %add3A_158 = arith.addf %get3A_153, %gather3A_157 : vector<16xf32>
    %mul3A_159 = arith.constant 5.000000e-01 : f32
    %mul3A_160 = vector.broadcast %mul3A_159 : f32 to vector<16xf32>
    %mul3A_161 = arith.mulf %mul3A_160, %add3A_158 : vector<16xf32>
    %get3A_162 = arith.constant 192 : index
    %get3A_163 = tpu.vector_load %arg5[%get3A_162] {strides = array<i32>} : memref<264xf32, #tpu.memory_space<vmem>>, vector<16xf32>,
    %add3A_164 = arith.constant 193 : i32
    %add3A_165 = vector.broadcast %add3A_164 : i32 to vector<16xi32>
    %add3A_166 = arith.addi %iota3A, %add3A_165 : vector<16xi32>
    %gather3A_167 = tpu.vector_load_idx %arg5[%add3A_166] : memref<264xf32, #tpu.memory_space<vmem>>[vector<16xi32>], vector<16xf32>,
    %add3A_168 = arith.addf %get3A_163, %gather3A_167 : vector<16xf32>
    %mul3A_169 = arith.constant 5.000000e-01 : f32
    %mul3A_170 = vector.broadcast %mul3A_169 : f32 to vector<16xf32>
    %mul3A_171 = arith.mulf %mul3A_170, %add3A_168 : vector<16xf32>
    %get3A_172 = arith.constant 208 : index
    %get3A_173 = tpu.vector_load %arg5[%get3A_172] {strides = array<i32>} : memref<264xf32, #tpu.memory_space<vmem>>, vector<16xf32>,
    %add3A_174 = arith.constant 209 : i32
    %add3A_175 = vector.broadcast %add3A_174 : i32 to vector<16xi32>
    %add3A_176 = arith.addi %iota3A, %add3A_175 : vector<16xi32>
    %gather3A_177 = tpu.vector_load_idx %arg5[%add3A_176] : memref<264xf32, #tpu.memory_space<vmem>>[vector<16xi32>], vector<16xf32>,
    %add3A_178 = arith.addf %get3A_173, %gather3A_177 : vector<16xf32>
    %mul3A_179 = arith.constant 5.000000e-01 : f32
    %mul3A_180 = vector.broadcast %mul3A_179 : f32 to vector<16xf32>
    %mul3A_181 = arith.mulf %mul3A_180, %add3A_178 : vector<16xf32>
    %get3A_182 = arith.constant 224 : index
    %get3A_183 = tpu.vector_load %arg5[%get3A_182] {strides = array<i32>} : memref<264xf32, #tpu.memory_space<vmem>>, vector<16xf32>,
    %add3A_184 = arith.constant 225 : i32
    %add3A_185 = vector.broadcast %add3A_184 : i32 to vector<16xi32>
    %add3A_186 = arith.addi %iota3A, %add3A_185 : vector<16xi32>
    %gather3A_187 = tpu.vector_load_idx %arg5[%add3A_186] : memref<264xf32, #tpu.memory_space<vmem>>[vector<16xi32>], vector<16xf32>,
    %add3A_188 = arith.addf %get3A_183, %gather3A_187 : vector<16xf32>
    %mul3A_189 = arith.constant 5.000000e-01 : f32
    %mul3A_190 = vector.broadcast %mul3A_189 : f32 to vector<16xf32>
    %mul3A_191 = arith.mulf %mul3A_190, %add3A_188 : vector<16xf32>
    %get3A_192 = arith.constant 240 : index
    %get3A_193 = tpu.vector_load %arg5[%get3A_192] {strides = array<i32>} : memref<264xf32, #tpu.memory_space<vmem>>, vector<16xf32>,
    %add3A_194 = arith.constant 241 : i32
    %add3A_195 = vector.broadcast %add3A_194 : i32 to vector<16xi32>
    %add3A_196 = arith.addi %iota3A, %add3A_195 : vector<16xi32>
    %gather3A_197 = tpu.vector_load_idx %arg5[%add3A_196] : memref<264xf32, #tpu.memory_space<vmem>>[vector<16xi32>], vector<16xf32>,
    %add3A_198 = arith.addf %get3A_193, %gather3A_197 : vector<16xf32>
    %mul3A_199 = arith.constant 5.000000e-01 : f32
    %mul3A_200 = vector.broadcast %mul3A_199 : f32 to vector<16xf32>
    %mul3A_201 = arith.mulf %mul3A_200, %add3A_198 : vector<16xf32>
    %masked_sort3A = arith.constant dense<true> : vector<16xi1>
    %masked_sort3A_202, %masked_sort3A_203, %masked_sort3A_204 = tpu.sort %mul3A_51, %mul3A_51 masked %masked_sort3A : (vector<16xf32>, vector<16xf32>, vector<16xi1>) -> (vector<16xi1>, vector<16xf32>, vector<16xf32>)
    %masked_sort3A_205 = arith.constant dense<true> : vector<16xi1>
    %masked_sort3A_206, %masked_sort3A_207, %masked_sort3A_208 = tpu.sort %mul3A_61, %mul3A_61 masked %masked_sort3A_205 {descending = true} : (vector<16xf32>, vector<16xf32>, vector<16xi1>) -> (vector<16xi1>, vector<16xf32>, vector<16xf32>)
    %masked_sort3A_209 = arith.constant dense<true> : vector<16xi1>
    %masked_sort3A_210, %masked_sort3A_211, %masked_sort3A_212 = tpu.sort %mul3A_71, %mul3A_71 masked %masked_sort3A_209 : (vector<16xf32>, vector<16xf32>, vector<16xi1>) -> (vector<16xi1>, vector<16xf32>, vector<16xf32>)
    %masked_sort3A_213 = arith.constant dense<true> : vector<16xi1>
    %masked_sort3A_214, %masked_sort3A_215, %masked_sort3A_216 = tpu.sort %mul3A_81, %mul3A_81 masked %masked_sort3A_213 {descending = true} : (vector<16xf32>, vector<16xf32>, vector<16xi1>) -> (vector<16xi1>, vector<16xf32>, vector<16xf32>)
    %masked_sort3A_217 = arith.constant dense<true> : vector<16xi1>
    %masked_sort3A_218, %masked_sort3A_219, %masked_sort3A_220 = tpu.sort %mul3A_91, %mul3A_91 masked %masked_sort3A_217 : (vector<16xf32>, vector<16xf32>, vector<16xi1>) -> (vector<16xi1>, vector<16xf32>, vector<16xf32>)
    %masked_sort3A_221 = arith.constant dense<true> : vector<16xi1>
    %masked_sort3A_222, %masked_sort3A_223, %masked_sort3A_224 = tpu.sort %mul3A_101, %mul3A_101 masked %masked_sort3A_221 {descending = true} : (vector<16xf32>, vector<16xf32>, vector<16xi1>) -> (vector<16xi1>, vector<16xf32>, vector<16xf32>)
    %masked_sort3A_225 = arith.constant dense<true> : vector<16xi1>
    %masked_sort3A_226, %masked_sort3A_227, %masked_sort3A_228 = tpu.sort %mul3A_111, %mul3A_111 masked %masked_sort3A_225 : (vector<16xf32>, vector<16xf32>, vector<16xi1>) -> (vector<16xi1>, vector<16xf32>, vector<16xf32>)
    %masked_sort3A_229 = arith.constant dense<true> : vector<16xi1>
    %masked_sort3A_230, %masked_sort3A_231, %masked_sort3A_232 = tpu.sort %mul3A_121, %mul3A_121 masked %masked_sort3A_229 {descending = true} : (vector<16xf32>, vector<16xf32>, vector<16xi1>) -> (vector<16xi1>, vector<16xf32>, vector<16xf32>)
    %masked_sort3A_233 = arith.constant dense<true> : vector<16xi1>
    %masked_sort3A_234, %masked_sort3A_235, %masked_sort3A_236 = tpu.sort %mul3A_131, %mul3A_131 masked %masked_sort3A_233 : (vector<16xf32>, vector<16xf32>, vector<16xi1>) -> (vector<16xi1>, vector<16xf32>, vector<16xf32>)
    %masked_sort3A_237 = arith.constant dense<true> : vector<16xi1>
    %masked_sort3A_238, %masked_sort3A_239, %masked_sort3A_240 = tpu.sort %mul3A_141, %mul3A_141 masked %masked_sort3A_237 {descending = true} : (vector<16xf32>, vector<16xf32>, vector<16xi1>) -> (vector<16xi1>, vector<16xf32>, vector<16xf32>)
    %masked_sort3A_241 = arith.constant dense<true> : vector<16xi1>
    %masked_sort3A_242, %masked_sort3A_243, %masked_sort3A_244 = tpu.sort %mul3A_151, %mul3A_151 masked %masked_sort3A_241 : (vector<16xf32>, vector<16xf32>, vector<16xi1>) -> (vector<16xi1>, vector<16xf32>, vector<16xf32>)
    %masked_sort3A_245 = arith.constant dense<true> : vector<16xi1>
    %masked_sort3A_246, %masked_sort3A_247, %masked_sort3A_248 = tpu.sort %mul3A_161, %mul3A_161 masked %masked_sort3A_245 {descending = true} : (vector<16xf32>, vector<16xf32>, vector<16xi1>) -> (vector<16xi1>, vector<16xf32>, vector<16xf32>)
    %masked_sort3A_249 = arith.constant dense<true> : vector<16xi1>
    %masked_sort3A_250, %masked_sort3A_251, %masked_sort3A_252 = tpu.sort %mul3A_171, %mul3A_171 masked %masked_sort3A_249 : (vector<16xf32>, vector<16xf32>, vector<16xi1>) -> (vector<16xi1>, vector<16xf32>, vector<16xf32>)
    %masked_sort3A_253 = arith.constant dense<true> : vector<16xi1>
    %masked_sort3A_254, %masked_sort3A_255, %masked_sort3A_256 = tpu.sort %mul3A_181, %mul3A_181 masked %masked_sort3A_253 {descending = true} : (vector<16xf32>, vector<16xf32>, vector<16xi1>) -> (vector<16xi1>, vector<16xf32>, vector<16xf32>)
    %masked_sort3A_257 = arith.constant dense<true> : vector<16xi1>
    %masked_sort3A_258, %masked_sort3A_259, %masked_sort3A_260 = tpu.sort %mul3A_191, %mul3A_191 masked %masked_sort3A_257 : (vector<16xf32>, vector<16xf32>, vector<16xi1>) -> (vector<16xi1>, vector<16xf32>, vector<16xf32>)
    %masked_sort3A_261 = arith.constant dense<true> : vector<16xi1>
    %masked_sort3A_262, %masked_sort3A_263, %masked_sort3A_264 = tpu.sort %mul3A_201, %mul3A_201 masked %masked_sort3A_261 {descending = true} : (vector<16xf32>, vector<16xf32>, vector<16xi1>) -> (vector<16xi1>, vector<16xf32>, vector<16xf32>)
    %min3A = arith.minimumf %masked_sort3A_203, %masked_sort3A_207 : vector<16xf32>
    %max3A = arith.maximumf %masked_sort3A_203, %masked_sort3A_207 : vector<16xf32>
    %min3A_265 = arith.minimumf %masked_sort3A_211, %masked_sort3A_215 : vector<16xf32>
    %max3A_266 = arith.maximumf %masked_sort3A_211, %masked_sort3A_215 : vector<16xf32>
    %min3A_267 = arith.minimumf %masked_sort3A_219, %masked_sort3A_223 : vector<16xf32>
    %max3A_268 = arith.maximumf %masked_sort3A_219, %masked_sort3A_223 : vector<16xf32>
    %min3A_269 = arith.minimumf %masked_sort3A_227, %masked_sort3A_231 : vector<16xf32>
    %max3A_270 = arith.maximumf %masked_sort3A_227, %masked_sort3A_231 : vector<16xf32>
    %min3A_271 = arith.minimumf %masked_sort3A_235, %masked_sort3A_239 : vector<16xf32>
    %max3A_272 = arith.maximumf %masked_sort3A_235, %masked_sort3A_239 : vector<16xf32>
    %min3A_273 = arith.minimumf %masked_sort3A_243, %masked_sort3A_247 : vector<16xf32>
    %max3A_274 = arith.maximumf %masked_sort3A_243, %masked_sort3A_247 : vector<16xf32>
    %min3A_275 = arith.minimumf %masked_sort3A_251, %masked_sort3A_255 : vector<16xf32>
    %max3A_276 = arith.maximumf %masked_sort3A_251, %masked_sort3A_255 : vector<16xf32>
    %min3A_277 = arith.minimumf %masked_sort3A_259, %masked_sort3A_263 : vector<16xf32>
    %max3A_278 = arith.maximumf %masked_sort3A_259, %masked_sort3A_263 : vector<16xf32>
    %masked_sort3A_279 = arith.constant dense<true> : vector<16xi1>
    %masked_sort3A_280, %masked_sort3A_281, %masked_sort3A_282 = tpu.sort %min3A, %min3A masked %masked_sort3A_279 : (vector<16xf32>, vector<16xf32>, vector<16xi1>) -> (vector<16xi1>, vector<16xf32>, vector<16xf32>)
    %masked_sort3A_283 = arith.constant dense<true> : vector<16xi1>
    %masked_sort3A_284, %masked_sort3A_285, %masked_sort3A_286 = tpu.sort %max3A, %max3A masked %masked_sort3A_283 : (vector<16xf32>, vector<16xf32>, vector<16xi1>) -> (vector<16xi1>, vector<16xf32>, vector<16xf32>)
    %masked_sort3A_287 = arith.constant dense<true> : vector<16xi1>
    %masked_sort3A_288, %masked_sort3A_289, %masked_sort3A_290 = tpu.sort %max3A_266, %max3A_266 masked %masked_sort3A_287 {descending = true} : (vector<16xf32>, vector<16xf32>, vector<16xi1>) -> (vector<16xi1>, vector<16xf32>, vector<16xf32>)
    %masked_sort3A_291 = arith.constant dense<true> : vector<16xi1>
    %masked_sort3A_292, %masked_sort3A_293, %masked_sort3A_294 = tpu.sort %min3A_265, %min3A_265 masked %masked_sort3A_291 {descending = true} : (vector<16xf32>, vector<16xf32>, vector<16xi1>) -> (vector<16xi1>, vector<16xf32>, vector<16xf32>)
    %masked_sort3A_295 = arith.constant dense<true> : vector<16xi1>
    %masked_sort3A_296, %masked_sort3A_297, %masked_sort3A_298 = tpu.sort %min3A_267, %min3A_267 masked %masked_sort3A_295 : (vector<16xf32>, vector<16xf32>, vector<16xi1>) -> (vector<16xi1>, vector<16xf32>, vector<16xf32>)
    %masked_sort3A_299 = arith.constant dense<true> : vector<16xi1>
    %masked_sort3A_300, %masked_sort3A_301, %masked_sort3A_302 = tpu.sort %max3A_268, %max3A_268 masked %masked_sort3A_299 : (vector<16xf32>, vector<16xf32>, vector<16xi1>) -> (vector<16xi1>, vector<16xf32>, vector<16xf32>)
    %masked_sort3A_303 = arith.constant dense<true> : vector<16xi1>
    %masked_sort3A_304, %masked_sort3A_305, %masked_sort3A_306 = tpu.sort %max3A_270, %max3A_270 masked %masked_sort3A_303 {descending = true} : (vector<16xf32>, vector<16xf32>, vector<16xi1>) -> (vector<16xi1>, vector<16xf32>, vector<16xf32>)
    %masked_sort3A_307 = arith.constant dense<true> : vector<16xi1>
    %masked_sort3A_308, %masked_sort3A_309, %masked_sort3A_310 = tpu.sort %min3A_269, %min3A_269 masked %masked_sort3A_307 {descending = true} : (vector<16xf32>, vector<16xf32>, vector<16xi1>) -> (vector<16xi1>, vector<16xf32>, vector<16xf32>)
    %masked_sort3A_311 = arith.constant dense<true> : vector<16xi1>
    %masked_sort3A_312, %masked_sort3A_313, %masked_sort3A_314 = tpu.sort %min3A_271, %min3A_271 masked %masked_sort3A_311 : (vector<16xf32>, vector<16xf32>, vector<16xi1>) -> (vector<16xi1>, vector<16xf32>, vector<16xf32>)
    %masked_sort3A_315 = arith.constant dense<true> : vector<16xi1>
    %masked_sort3A_316, %masked_sort3A_317, %masked_sort3A_318 = tpu.sort %max3A_272, %max3A_272 masked %masked_sort3A_315 : (vector<16xf32>, vector<16xf32>, vector<16xi1>) -> (vector<16xi1>, vector<16xf32>, vector<16xf32>)
    %masked_sort3A_319 = arith.constant dense<true> : vector<16xi1>
    %masked_sort3A_320, %masked_sort3A_321, %masked_sort3A_322 = tpu.sort %max3A_274, %max3A_274 masked %masked_sort3A_319 {descending = true} : (vector<16xf32>, vector<16xf32>, vector<16xi1>) -> (vector<16xi1>, vector<16xf32>, vector<16xf32>)
    %masked_sort3A_323 = arith.constant dense<true> : vector<16xi1>
    %masked_sort3A_324, %masked_sort3A_325, %masked_sort3A_326 = tpu.sort %min3A_273, %min3A_273 masked %masked_sort3A_323 {descending = true} : (vector<16xf32>, vector<16xf32>, vector<16xi1>) -> (vector<16xi1>, vector<16xf32>, vector<16xf32>)
    %masked_sort3A_327 = arith.constant dense<true> : vector<16xi1>
    %masked_sort3A_328, %masked_sort3A_329, %masked_sort3A_330 = tpu.sort %min3A_275, %min3A_275 masked %masked_sort3A_327 : (vector<16xf32>, vector<16xf32>, vector<16xi1>) -> (vector<16xi1>, vector<16xf32>, vector<16xf32>)
    %masked_sort3A_331 = arith.constant dense<true> : vector<16xi1>
    %masked_sort3A_332, %masked_sort3A_333, %masked_sort3A_334 = tpu.sort %max3A_276, %max3A_276 masked %masked_sort3A_331 : (vector<16xf32>, vector<16xf32>, vector<16xi1>) -> (vector<16xi1>, vector<16xf32>, vector<16xf32>)
    %masked_sort3A_335 = arith.constant dense<true> : vector<16xi1>
    %masked_sort3A_336, %masked_sort3A_337, %masked_sort3A_338 = tpu.sort %max3A_278, %max3A_278 masked %masked_sort3A_335 {descending = true} : (vector<16xf32>, vector<16xf32>, vector<16xi1>) -> (vector<16xi1>, vector<16xf32>, vector<16xf32>)
    %masked_sort3A_339 = arith.constant dense<true> : vector<16xi1>
    %masked_sort3A_340, %masked_sort3A_341, %masked_sort3A_342 = tpu.sort %min3A_277, %min3A_277 masked %masked_sort3A_339 {descending = true} : (vector<16xf32>, vector<16xf32>, vector<16xi1>) -> (vector<16xi1>, vector<16xf32>, vector<16xf32>)
    %min3A_343 = arith.minimumf %masked_sort3A_281, %masked_sort3A_289 : vector<16xf32>
    %max3A_344 = arith.maximumf %masked_sort3A_281, %masked_sort3A_289 : vector<16xf32>
    %min3A_345 = arith.minimumf %masked_sort3A_285, %masked_sort3A_293 : vector<16xf32>
    %max3A_346 = arith.maximumf %masked_sort3A_285, %masked_sort3A_293 : vector<16xf32>
    %min3A_347 = arith.minimumf %masked_sort3A_297, %masked_sort3A_305 : vector<16xf32>
    %max3A_348 = arith.maximumf %masked_sort3A_297, %masked_sort3A_305 : vector<16xf32>
    %min3A_349 = arith.minimumf %masked_sort3A_301, %masked_sort3A_309 : vector<16xf32>
    %max3A_350 = arith.maximumf %masked_sort3A_301, %masked_sort3A_309 : vector<16xf32>
    %min3A_351 = arith.minimumf %masked_sort3A_313, %masked_sort3A_321 : vector<16xf32>
    %max3A_352 = arith.maximumf %masked_sort3A_313, %masked_sort3A_321 : vector<16xf32>
    %min3A_353 = arith.minimumf %masked_sort3A_317, %masked_sort3A_325 : vector<16xf32>
    %max3A_354 = arith.maximumf %masked_sort3A_317, %masked_sort3A_325 : vector<16xf32>
    %min3A_355 = arith.minimumf %masked_sort3A_329, %masked_sort3A_337 : vector<16xf32>
    %max3A_356 = arith.maximumf %masked_sort3A_329, %masked_sort3A_337 : vector<16xf32>
    %min3A_357 = arith.minimumf %masked_sort3A_333, %masked_sort3A_341 : vector<16xf32>
    %max3A_358 = arith.maximumf %masked_sort3A_333, %masked_sort3A_341 : vector<16xf32>
    %min3A_359 = arith.minimumf %min3A_343, %min3A_345 : vector<16xf32>
    %max3A_360 = arith.maximumf %min3A_343, %min3A_345 : vector<16xf32>
    %min3A_361 = arith.minimumf %max3A_344, %max3A_346 : vector<16xf32>
    %max3A_362 = arith.maximumf %max3A_344, %max3A_346 : vector<16xf32>
    %min3A_363 = arith.minimumf %max3A_348, %max3A_350 : vector<16xf32>
    %max3A_364 = arith.maximumf %max3A_348, %max3A_350 : vector<16xf32>
    %min3A_365 = arith.minimumf %min3A_347, %min3A_349 : vector<16xf32>
    %max3A_366 = arith.maximumf %min3A_347, %min3A_349 : vector<16xf32>
    %min3A_367 = arith.minimumf %min3A_351, %min3A_353 : vector<16xf32>
    %max3A_368 = arith.maximumf %min3A_351, %min3A_353 : vector<16xf32>
    %min3A_369 = arith.minimumf %max3A_352, %max3A_354 : vector<16xf32>
    %max3A_370 = arith.maximumf %max3A_352, %max3A_354 : vector<16xf32>
    %min3A_371 = arith.minimumf %max3A_356, %max3A_358 : vector<16xf32>
    %max3A_372 = arith.maximumf %max3A_356, %max3A_358 : vector<16xf32>
    %min3A_373 = arith.minimumf %min3A_355, %min3A_357 : vector<16xf32>
    %max3A_374 = arith.maximumf %min3A_355, %min3A_357 : vector<16xf32>
    %masked_sort3A_375 = arith.constant dense<true> : vector<16xi1>
    %masked_sort3A_376, %masked_sort3A_377, %masked_sort3A_378 = tpu.sort %min3A_359, %min3A_359 masked %masked_sort3A_375 : (vector<16xf32>, vector<16xf32>, vector<16xi1>) -> (vector<16xi1>, vector<16xf32>, vector<16xf32>)
    %masked_sort3A_379 = arith.constant dense<true> : vector<16xi1>
    %masked_sort3A_380, %masked_sort3A_381, %masked_sort3A_382 = tpu.sort %max3A_360, %max3A_360 masked %masked_sort3A_379 : (vector<16xf32>, vector<16xf32>, vector<16xi1>) -> (vector<16xi1>, vector<16xf32>, vector<16xf32>)
    %masked_sort3A_383 = arith.constant dense<true> : vector<16xi1>
    %masked_sort3A_384, %masked_sort3A_385, %masked_sort3A_386 = tpu.sort %min3A_361, %min3A_361 masked %masked_sort3A_383 : (vector<16xf32>, vector<16xf32>, vector<16xi1>) -> (vector<16xi1>, vector<16xf32>, vector<16xf32>)
    %masked_sort3A_387 = arith.constant dense<true> : vector<16xi1>
    %masked_sort3A_388, %masked_sort3A_389, %masked_sort3A_390 = tpu.sort %max3A_362, %max3A_362 masked %masked_sort3A_387 : (vector<16xf32>, vector<16xf32>, vector<16xi1>) -> (vector<16xi1>, vector<16xf32>, vector<16xf32>)
    %masked_sort3A_391 = arith.constant dense<true> : vector<16xi1>
    %masked_sort3A_392, %masked_sort3A_393, %masked_sort3A_394 = tpu.sort %max3A_364, %max3A_364 masked %masked_sort3A_391 {descending = true} : (vector<16xf32>, vector<16xf32>, vector<16xi1>) -> (vector<16xi1>, vector<16xf32>, vector<16xf32>)
    %masked_sort3A_395 = arith.constant dense<true> : vector<16xi1>
    %masked_sort3A_396, %masked_sort3A_397, %masked_sort3A_398 = tpu.sort %min3A_363, %min3A_363 masked %masked_sort3A_395 {descending = true} : (vector<16xf32>, vector<16xf32>, vector<16xi1>) -> (vector<16xi1>, vector<16xf32>, vector<16xf32>)
    %masked_sort3A_399 = arith.constant dense<true> : vector<16xi1>
    %masked_sort3A_400, %masked_sort3A_401, %masked_sort3A_402 = tpu.sort %max3A_366, %max3A_366 masked %masked_sort3A_399 {descending = true} : (vector<16xf32>, vector<16xf32>, vector<16xi1>) -> (vector<16xi1>, vector<16xf32>, vector<16xf32>)
    %masked_sort3A_403 = arith.constant dense<true> : vector<16xi1>
    %masked_sort3A_404, %masked_sort3A_405, %masked_sort3A_406 = tpu.sort %min3A_365, %min3A_365 masked %masked_sort3A_403 {descending = true} : (vector<16xf32>, vector<16xf32>, vector<16xi1>) -> (vector<16xi1>, vector<16xf32>, vector<16xf32>)
    %masked_sort3A_407 = arith.constant dense<true> : vector<16xi1>
    %masked_sort3A_408, %masked_sort3A_409, %masked_sort3A_410 = tpu.sort %min3A_367, %min3A_367 masked %masked_sort3A_407 : (vector<16xf32>, vector<16xf32>, vector<16xi1>) -> (vector<16xi1>, vector<16xf32>, vector<16xf32>)
    %masked_sort3A_411 = arith.constant dense<true> : vector<16xi1>
    %masked_sort3A_412, %masked_sort3A_413, %masked_sort3A_414 = tpu.sort %max3A_368, %max3A_368 masked %masked_sort3A_411 : (vector<16xf32>, vector<16xf32>, vector<16xi1>) -> (vector<16xi1>, vector<16xf32>, vector<16xf32>)
    %masked_sort3A_415 = arith.constant dense<true> : vector<16xi1>
    %masked_sort3A_416, %masked_sort3A_417, %masked_sort3A_418 = tpu.sort %min3A_369, %min3A_369 masked %masked_sort3A_415 : (vector<16xf32>, vector<16xf32>, vector<16xi1>) -> (vector<16xi1>, vector<16xf32>, vector<16xf32>)
    %masked_sort3A_419 = arith.constant dense<true> : vector<16xi1>
    %masked_sort3A_420, %masked_sort3A_421, %masked_sort3A_422 = tpu.sort %max3A_370, %max3A_370 masked %masked_sort3A_419 : (vector<16xf32>, vector<16xf32>, vector<16xi1>) -> (vector<16xi1>, vector<16xf32>, vector<16xf32>)
    %masked_sort3A_423 = arith.constant dense<true> : vector<16xi1>
    %masked_sort3A_424, %masked_sort3A_425, %masked_sort3A_426 = tpu.sort %max3A_372, %max3A_372 masked %masked_sort3A_423 {descending = true} : (vector<16xf32>, vector<16xf32>, vector<16xi1>) -> (vector<16xi1>, vector<16xf32>, vector<16xf32>)
    %masked_sort3A_427 = arith.constant dense<true> : vector<16xi1>
    %masked_sort3A_428, %masked_sort3A_429, %masked_sort3A_430 = tpu.sort %min3A_371, %min3A_371 masked %masked_sort3A_427 {descending = true} : (vector<16xf32>, vector<16xf32>, vector<16xi1>) -> (vector<16xi1>, vector<16xf32>, vector<16xf32>)
    %masked_sort3A_431 = arith.constant dense<true> : vector<16xi1>
    %masked_sort3A_432, %masked_sort3A_433, %masked_sort3A_434 = tpu.sort %max3A_374, %max3A_374 masked %masked_sort3A_431 {descending = true} : (vector<16xf32>, vector<16xf32>, vector<16xi1>) -> (vector<16xi1>, vector<16xf32>, vector<16xf32>)
    %masked_sort3A_435 = arith.constant dense<true> : vector<16xi1>
    %masked_sort3A_436, %masked_sort3A_437, %masked_sort3A_438 = tpu.sort %min3A_373, %min3A_373 masked %masked_sort3A_435 {descending = true} : (vector<16xf32>, vector<16xf32>, vector<16xi1>) -> (vector<16xi1>, vector<16xf32>, vector<16xf32>)
    %min3A_439 = arith.minimumf %masked_sort3A_377, %masked_sort3A_393 : vector<16xf32>
    %max3A_440 = arith.maximumf %masked_sort3A_377, %masked_sort3A_393 : vector<16xf32>
    %min3A_441 = arith.minimumf %masked_sort3A_381, %masked_sort3A_397 : vector<16xf32>
    %max3A_442 = arith.maximumf %masked_sort3A_381, %masked_sort3A_397 : vector<16xf32>
    %min3A_443 = arith.minimumf %masked_sort3A_385, %masked_sort3A_401 : vector<16xf32>
    %max3A_444 = arith.maximumf %masked_sort3A_385, %masked_sort3A_401 : vector<16xf32>
    %min3A_445 = arith.minimumf %masked_sort3A_389, %masked_sort3A_405 : vector<16xf32>
    %max3A_446 = arith.maximumf %masked_sort3A_389, %masked_sort3A_405 : vector<16xf32>
    %min3A_447 = arith.minimumf %masked_sort3A_409, %masked_sort3A_425 : vector<16xf32>
    %max3A_448 = arith.maximumf %masked_sort3A_409, %masked_sort3A_425 : vector<16xf32>
    %min3A_449 = arith.minimumf %masked_sort3A_413, %masked_sort3A_429 : vector<16xf32>
    %max3A_450 = arith.maximumf %masked_sort3A_413, %masked_sort3A_429 : vector<16xf32>
    %min3A_451 = arith.minimumf %masked_sort3A_417, %masked_sort3A_433 : vector<16xf32>
    %max3A_452 = arith.maximumf %masked_sort3A_417, %masked_sort3A_433 : vector<16xf32>
    %min3A_453 = arith.minimumf %masked_sort3A_421, %masked_sort3A_437 : vector<16xf32>
    %max3A_454 = arith.maximumf %masked_sort3A_421, %masked_sort3A_437 : vector<16xf32>
    %min3A_455 = arith.minimumf %min3A_439, %min3A_443 : vector<16xf32>
    %max3A_456 = arith.maximumf %min3A_439, %min3A_443 : vector<16xf32>
    %min3A_457 = arith.minimumf %min3A_441, %min3A_445 : vector<16xf32>
    %max3A_458 = arith.maximumf %min3A_441, %min3A_445 : vector<16xf32>
    %min3A_459 = arith.minimumf %max3A_440, %max3A_444 : vector<16xf32>
    %max3A_460 = arith.maximumf %max3A_440, %max3A_444 : vector<16xf32>
    %min3A_461 = arith.minimumf %max3A_442, %max3A_446 : vector<16xf32>
    %max3A_462 = arith.maximumf %max3A_442, %max3A_446 : vector<16xf32>
    %min3A_463 = arith.minimumf %max3A_448, %max3A_452 : vector<16xf32>
    %max3A_464 = arith.maximumf %max3A_448, %max3A_452 : vector<16xf32>
    %min3A_465 = arith.minimumf %max3A_450, %max3A_454 : vector<16xf32>
    %max3A_466 = arith.maximumf %max3A_450, %max3A_454 : vector<16xf32>
    %min3A_467 = arith.minimumf %min3A_447, %min3A_451 : vector<16xf32>
    %max3A_468 = arith.maximumf %min3A_447, %min3A_451 : vector<16xf32>
    %min3A_469 = arith.minimumf %min3A_449, %min3A_453 : vector<16xf32>
    %max3A_470 = arith.maximumf %min3A_449, %min3A_453 : vector<16xf32>
    %min3A_471 = arith.minimumf %min3A_455, %min3A_457 : vector<16xf32>
    %max3A_472 = arith.maximumf %min3A_455, %min3A_457 : vector<16xf32>
    %min3A_473 = arith.minimumf %max3A_456, %max3A_458 : vector<16xf32>
    %max3A_474 = arith.maximumf %max3A_456, %max3A_458 : vector<16xf32>
    %min3A_475 = arith.minimumf %min3A_459, %min3A_461 : vector<16xf32>
    %max3A_476 = arith.maximumf %min3A_459, %min3A_461 : vector<16xf32>
    %min3A_477 = arith.minimumf %max3A_460, %max3A_462 : vector<16xf32>
    %max3A_478 = arith.maximumf %max3A_460, %max3A_462 : vector<16xf32>
    %min3A_479 = arith.minimumf %max3A_464, %max3A_466 : vector<16xf32>
    %max3A_480 = arith.maximumf %max3A_464, %max3A_466 : vector<16xf32>
    %min3A_481 = arith.minimumf %min3A_463, %min3A_465 : vector<16xf32>
    %max3A_482 = arith.maximumf %min3A_463, %min3A_465 : vector<16xf32>
    %min3A_483 = arith.minimumf %max3A_468, %max3A_470 : vector<16xf32>
    %max3A_484 = arith.maximumf %max3A_468, %max3A_470 : vector<16xf32>
    %min3A_485 = arith.minimumf %min3A_467, %min3A_469 : vector<16xf32>
    %max3A_486 = arith.maximumf %min3A_467, %min3A_469 : vector<16xf32>
    %masked_sort3A_487 = arith.constant dense<true> : vector<16xi1>
    %masked_sort3A_488, %masked_sort3A_489, %masked_sort3A_490 = tpu.sort %min3A_471, %min3A_471 masked %masked_sort3A_487 : (vector<16xf32>, vector<16xf32>, vector<16xi1>) -> (vector<16xi1>, vector<16xf32>, vector<16xf32>)
    %masked_sort3A_491 = arith.constant dense<true> : vector<16xi1>
    %masked_sort3A_492, %masked_sort3A_493, %masked_sort3A_494 = tpu.sort %max3A_472, %max3A_472 masked %masked_sort3A_491 : (vector<16xf32>, vector<16xf32>, vector<16xi1>) -> (vector<16xi1>, vector<16xf32>, vector<16xf32>)
    %masked_sort3A_495 = arith.constant dense<true> : vector<16xi1>
    %masked_sort3A_496, %masked_sort3A_497, %masked_sort3A_498 = tpu.sort %min3A_473, %min3A_473 masked %masked_sort3A_495 : (vector<16xf32>, vector<16xf32>, vector<16xi1>) -> (vector<16xi1>, vector<16xf32>, vector<16xf32>)
    %masked_sort3A_499 = arith.constant dense<true> : vector<16xi1>
    %masked_sort3A_500, %masked_sort3A_501, %masked_sort3A_502 = tpu.sort %max3A_474, %max3A_474 masked %masked_sort3A_499 : (vector<16xf32>, vector<16xf32>, vector<16xi1>) -> (vector<16xi1>, vector<16xf32>, vector<16xf32>)
    %masked_sort3A_503 = arith.constant dense<true> : vector<16xi1>
    %masked_sort3A_504, %masked_sort3A_505, %masked_sort3A_506 = tpu.sort %min3A_475, %min3A_475 masked %masked_sort3A_503 : (vector<16xf32>, vector<16xf32>, vector<16xi1>) -> (vector<16xi1>, vector<16xf32>, vector<16xf32>)
    %masked_sort3A_507 = arith.constant dense<true> : vector<16xi1>
    %masked_sort3A_508, %masked_sort3A_509, %masked_sort3A_510 = tpu.sort %max3A_476, %max3A_476 masked %masked_sort3A_507 : (vector<16xf32>, vector<16xf32>, vector<16xi1>) -> (vector<16xi1>, vector<16xf32>, vector<16xf32>)
    %masked_sort3A_511 = arith.constant dense<true> : vector<16xi1>
    %masked_sort3A_512, %masked_sort3A_513, %masked_sort3A_514 = tpu.sort %min3A_477, %min3A_477 masked %masked_sort3A_511 : (vector<16xf32>, vector<16xf32>, vector<16xi1>) -> (vector<16xi1>, vector<16xf32>, vector<16xf32>)
    %masked_sort3A_515 = arith.constant dense<true> : vector<16xi1>
    %masked_sort3A_516, %masked_sort3A_517, %masked_sort3A_518 = tpu.sort %max3A_478, %max3A_478 masked %masked_sort3A_515 : (vector<16xf32>, vector<16xf32>, vector<16xi1>) -> (vector<16xi1>, vector<16xf32>, vector<16xf32>)
    %masked_sort3A_519 = arith.constant dense<true> : vector<16xi1>
    %masked_sort3A_520, %masked_sort3A_521, %masked_sort3A_522 = tpu.sort %max3A_480, %max3A_480 masked %masked_sort3A_519 {descending = true} : (vector<16xf32>, vector<16xf32>, vector<16xi1>) -> (vector<16xi1>, vector<16xf32>, vector<16xf32>)
    %masked_sort3A_523 = arith.constant dense<true> : vector<16xi1>
    %masked_sort3A_524, %masked_sort3A_525, %masked_sort3A_526 = tpu.sort %min3A_479, %min3A_479 masked %masked_sort3A_523 {descending = true} : (vector<16xf32>, vector<16xf32>, vector<16xi1>) -> (vector<16xi1>, vector<16xf32>, vector<16xf32>)
    %masked_sort3A_527 = arith.constant dense<true> : vector<16xi1>
    %masked_sort3A_528, %masked_sort3A_529, %masked_sort3A_530 = tpu.sort %max3A_482, %max3A_482 masked %masked_sort3A_527 {descending = true} : (vector<16xf32>, vector<16xf32>, vector<16xi1>) -> (vector<16xi1>, vector<16xf32>, vector<16xf32>)
    %masked_sort3A_531 = arith.constant dense<true> : vector<16xi1>
    %masked_sort3A_532, %masked_sort3A_533, %masked_sort3A_534 = tpu.sort %min3A_481, %min3A_481 masked %masked_sort3A_531 {descending = true} : (vector<16xf32>, vector<16xf32>, vector<16xi1>) -> (vector<16xi1>, vector<16xf32>, vector<16xf32>)
    %masked_sort3A_535 = arith.constant dense<true> : vector<16xi1>
    %masked_sort3A_536, %masked_sort3A_537, %masked_sort3A_538 = tpu.sort %max3A_484, %max3A_484 masked %masked_sort3A_535 {descending = true} : (vector<16xf32>, vector<16xf32>, vector<16xi1>) -> (vector<16xi1>, vector<16xf32>, vector<16xf32>)
    %masked_sort3A_539 = arith.constant dense<true> : vector<16xi1>
    %masked_sort3A_540, %masked_sort3A_541, %masked_sort3A_542 = tpu.sort %min3A_483, %min3A_483 masked %masked_sort3A_539 {descending = true} : (vector<16xf32>, vector<16xf32>, vector<16xi1>) -> (vector<16xi1>, vector<16xf32>, vector<16xf32>)
    %masked_sort3A_543 = arith.constant dense<true> : vector<16xi1>
    %masked_sort3A_544, %masked_sort3A_545, %masked_sort3A_546 = tpu.sort %max3A_486, %max3A_486 masked %masked_sort3A_543 {descending = true} : (vector<16xf32>, vector<16xf32>, vector<16xi1>) -> (vector<16xi1>, vector<16xf32>, vector<16xf32>)
    %masked_sort3A_547 = arith.constant dense<true> : vector<16xi1>
    %masked_sort3A_548, %masked_sort3A_549, %masked_sort3A_550 = tpu.sort %min3A_485, %min3A_485 masked %masked_sort3A_547 {descending = true} : (vector<16xf32>, vector<16xf32>, vector<16xi1>) -> (vector<16xi1>, vector<16xf32>, vector<16xf32>)
    %min3A_551 = arith.minimumf %masked_sort3A_489, %masked_sort3A_521 : vector<16xf32>
    %max3A_552 = arith.maximumf %masked_sort3A_489, %masked_sort3A_521 : vector<16xf32>
    %min3A_553 = arith.minimumf %masked_sort3A_493, %masked_sort3A_525 : vector<16xf32>
    %max3A_554 = arith.maximumf %masked_sort3A_493, %masked_sort3A_525 : vector<16xf32>
    %min3A_555 = arith.minimumf %masked_sort3A_497, %masked_sort3A_529 : vector<16xf32>
    %max3A_556 = arith.maximumf %masked_sort3A_497, %masked_sort3A_529 : vector<16xf32>
    %min3A_557 = arith.minimumf %masked_sort3A_501, %masked_sort3A_533 : vector<16xf32>
    %max3A_558 = arith.maximumf %masked_sort3A_501, %masked_sort3A_533 : vector<16xf32>
    %min3A_559 = arith.minimumf %masked_sort3A_505, %masked_sort3A_537 : vector<16xf32>
    %max3A_560 = arith.maximumf %masked_sort3A_505, %masked_sort3A_537 : vector<16xf32>
    %min3A_561 = arith.minimumf %masked_sort3A_509, %masked_sort3A_541 : vector<16xf32>
    %max3A_562 = arith.maximumf %masked_sort3A_509, %masked_sort3A_541 : vector<16xf32>
    %min3A_563 = arith.minimumf %masked_sort3A_513, %masked_sort3A_545 : vector<16xf32>
    %max3A_564 = arith.maximumf %masked_sort3A_513, %masked_sort3A_545 : vector<16xf32>
    %min3A_565 = arith.minimumf %masked_sort3A_517, %masked_sort3A_549 : vector<16xf32>
    %max3A_566 = arith.maximumf %masked_sort3A_517, %masked_sort3A_549 : vector<16xf32>
    %min3A_567 = arith.minimumf %min3A_551, %min3A_559 : vector<16xf32>
    %max3A_568 = arith.maximumf %min3A_551, %min3A_559 : vector<16xf32>
    %min3A_569 = arith.minimumf %min3A_553, %min3A_561 : vector<16xf32>
    %max3A_570 = arith.maximumf %min3A_553, %min3A_561 : vector<16xf32>
    %min3A_571 = arith.minimumf %min3A_555, %min3A_563 : vector<16xf32>
    %max3A_572 = arith.maximumf %min3A_555, %min3A_563 : vector<16xf32>
    %min3A_573 = arith.minimumf %min3A_557, %min3A_565 : vector<16xf32>
    %max3A_574 = arith.maximumf %min3A_557, %min3A_565 : vector<16xf32>
    %min3A_575 = arith.minimumf %max3A_552, %max3A_560 : vector<16xf32>
    %max3A_576 = arith.maximumf %max3A_552, %max3A_560 : vector<16xf32>
    %min3A_577 = arith.minimumf %max3A_554, %max3A_562 : vector<16xf32>
    %max3A_578 = arith.maximumf %max3A_554, %max3A_562 : vector<16xf32>
    %min3A_579 = arith.minimumf %max3A_556, %max3A_564 : vector<16xf32>
    %max3A_580 = arith.maximumf %max3A_556, %max3A_564 : vector<16xf32>
    %min3A_581 = arith.minimumf %max3A_558, %max3A_566 : vector<16xf32>
    %max3A_582 = arith.maximumf %max3A_558, %max3A_566 : vector<16xf32>
    %min3A_583 = arith.minimumf %min3A_567, %min3A_571 : vector<16xf32>
    %max3A_584 = arith.maximumf %min3A_567, %min3A_571 : vector<16xf32>
    %min3A_585 = arith.minimumf %min3A_569, %min3A_573 : vector<16xf32>
    %max3A_586 = arith.maximumf %min3A_569, %min3A_573 : vector<16xf32>
    %min3A_587 = arith.minimumf %max3A_568, %max3A_572 : vector<16xf32>
    %max3A_588 = arith.maximumf %max3A_568, %max3A_572 : vector<16xf32>
    %min3A_589 = arith.minimumf %max3A_570, %max3A_574 : vector<16xf32>
    %max3A_590 = arith.maximumf %max3A_570, %max3A_574 : vector<16xf32>
    %min3A_591 = arith.minimumf %min3A_575, %min3A_579 : vector<16xf32>
    %max3A_592 = arith.maximumf %min3A_575, %min3A_579 : vector<16xf32>
    %min3A_593 = arith.minimumf %min3A_577, %min3A_581 : vector<16xf32>
    %max3A_594 = arith.maximumf %min3A_577, %min3A_581 : vector<16xf32>
    %min3A_595 = arith.minimumf %max3A_576, %max3A_580 : vector<16xf32>
    %max3A_596 = arith.maximumf %max3A_576, %max3A_580 : vector<16xf32>
    %min3A_597 = arith.minimumf %max3A_578, %max3A_582 : vector<16xf32>
    %max3A_598 = arith.maximumf %max3A_578, %max3A_582 : vector<16xf32>
    %min3A_599 = arith.minimumf %min3A_583, %min3A_585 : vector<16xf32>
    %max3A_600 = arith.maximumf %min3A_583, %min3A_585 : vector<16xf32>
    %min3A_601 = arith.minimumf %max3A_584, %max3A_586 : vector<16xf32>
    %max3A_602 = arith.maximumf %max3A_584, %max3A_586 : vector<16xf32>
    %min3A_603 = arith.minimumf %min3A_587, %min3A_589 : vector<16xf32>
    %max3A_604 = arith.maximumf %min3A_587, %min3A_589 : vector<16xf32>
    %min3A_605 = arith.minimumf %max3A_588, %max3A_590 : vector<16xf32>
    %max3A_606 = arith.maximumf %max3A_588, %max3A_590 : vector<16xf32>
    %min3A_607 = arith.minimumf %min3A_591, %min3A_593 : vector<16xf32>
    %max3A_608 = arith.maximumf %min3A_591, %min3A_593 : vector<16xf32>
    %min3A_609 = arith.minimumf %max3A_592, %max3A_594 : vector<16xf32>
    %max3A_610 = arith.maximumf %max3A_592, %max3A_594 : vector<16xf32>
    %min3A_611 = arith.minimumf %min3A_595, %min3A_597 : vector<16xf32>
    %max3A_612 = arith.maximumf %min3A_595, %min3A_597 : vector<16xf32>
    %min3A_613 = arith.minimumf %max3A_596, %max3A_598 : vector<16xf32>
    %max3A_614 = arith.maximumf %max3A_596, %max3A_598 : vector<16xf32>
    %masked_sort3A_615 = arith.constant dense<true> : vector<16xi1>
    %masked_sort3A_616, %masked_sort3A_617, %masked_sort3A_618 = tpu.sort %min3A_599, %min3A_599 masked %masked_sort3A_615 : (vector<16xf32>, vector<16xf32>, vector<16xi1>) -> (vector<16xi1>, vector<16xf32>, vector<16xf32>)
    %masked_sort3A_619 = arith.constant dense<true> : vector<16xi1>
    %masked_sort3A_620, %masked_sort3A_621, %masked_sort3A_622 = tpu.sort %max3A_600, %max3A_600 masked %masked_sort3A_619 : (vector<16xf32>, vector<16xf32>, vector<16xi1>) -> (vector<16xi1>, vector<16xf32>, vector<16xf32>)
    %masked_sort3A_623 = arith.constant dense<true> : vector<16xi1>
    %masked_sort3A_624, %masked_sort3A_625, %masked_sort3A_626 = tpu.sort %min3A_601, %min3A_601 masked %masked_sort3A_623 : (vector<16xf32>, vector<16xf32>, vector<16xi1>) -> (vector<16xi1>, vector<16xf32>, vector<16xf32>)
    %masked_sort3A_627 = arith.constant dense<true> : vector<16xi1>
    %masked_sort3A_628, %masked_sort3A_629, %masked_sort3A_630 = tpu.sort %max3A_602, %max3A_602 masked %masked_sort3A_627 : (vector<16xf32>, vector<16xf32>, vector<16xi1>) -> (vector<16xi1>, vector<16xf32>, vector<16xf32>)
    %masked_sort3A_631 = arith.constant dense<true> : vector<16xi1>
    %masked_sort3A_632, %masked_sort3A_633, %masked_sort3A_634 = tpu.sort %min3A_603, %min3A_603 masked %masked_sort3A_631 : (vector<16xf32>, vector<16xf32>, vector<16xi1>) -> (vector<16xi1>, vector<16xf32>, vector<16xf32>)
    %masked_sort3A_635 = arith.constant dense<true> : vector<16xi1>
    %masked_sort3A_636, %masked_sort3A_637, %masked_sort3A_638 = tpu.sort %max3A_604, %max3A_604 masked %masked_sort3A_635 : (vector<16xf32>, vector<16xf32>, vector<16xi1>) -> (vector<16xi1>, vector<16xf32>, vector<16xf32>)
    %masked_sort3A_639 = arith.constant dense<true> : vector<16xi1>
    %masked_sort3A_640, %masked_sort3A_641, %masked_sort3A_642 = tpu.sort %min3A_605, %min3A_605 masked %masked_sort3A_639 : (vector<16xf32>, vector<16xf32>, vector<16xi1>) -> (vector<16xi1>, vector<16xf32>, vector<16xf32>)
    %masked_sort3A_643 = arith.constant dense<true> : vector<16xi1>
    %masked_sort3A_644, %masked_sort3A_645, %masked_sort3A_646 = tpu.sort %max3A_606, %max3A_606 masked %masked_sort3A_643 : (vector<16xf32>, vector<16xf32>, vector<16xi1>) -> (vector<16xi1>, vector<16xf32>, vector<16xf32>)
    %masked_sort3A_647 = arith.constant dense<true> : vector<16xi1>
    %masked_sort3A_648, %masked_sort3A_649, %masked_sort3A_650 = tpu.sort %min3A_607, %min3A_607 masked %masked_sort3A_647 : (vector<16xf32>, vector<16xf32>, vector<16xi1>) -> (vector<16xi1>, vector<16xf32>, vector<16xf32>)
    %masked_sort3A_651 = arith.constant dense<true> : vector<16xi1>
    %masked_sort3A_652, %masked_sort3A_653, %masked_sort3A_654 = tpu.sort %max3A_608, %max3A_608 masked %masked_sort3A_651 : (vector<16xf32>, vector<16xf32>, vector<16xi1>) -> (vector<16xi1>, vector<16xf32>, vector<16xf32>)
    %masked_sort3A_655 = arith.constant dense<true> : vector<16xi1>
    %masked_sort3A_656, %masked_sort3A_657, %masked_sort3A_658 = tpu.sort %min3A_609, %min3A_609 masked %masked_sort3A_655 : (vector<16xf32>, vector<16xf32>, vector<16xi1>) -> (vector<16xi1>, vector<16xf32>, vector<16xf32>)
    %masked_sort3A_659 = arith.constant dense<true> : vector<16xi1>
    %masked_sort3A_660, %masked_sort3A_661, %masked_sort3A_662 = tpu.sort %max3A_610, %max3A_610 masked %masked_sort3A_659 : (vector<16xf32>, vector<16xf32>, vector<16xi1>) -> (vector<16xi1>, vector<16xf32>, vector<16xf32>)
    %masked_sort3A_663 = arith.constant dense<true> : vector<16xi1>
    %masked_sort3A_664, %masked_sort3A_665, %masked_sort3A_666 = tpu.sort %min3A_611, %min3A_611 masked %masked_sort3A_663 : (vector<16xf32>, vector<16xf32>, vector<16xi1>) -> (vector<16xi1>, vector<16xf32>, vector<16xf32>)
    %masked_sort3A_667 = arith.constant dense<true> : vector<16xi1>
    %masked_sort3A_668, %masked_sort3A_669, %masked_sort3A_670 = tpu.sort %max3A_612, %max3A_612 masked %masked_sort3A_667 : (vector<16xf32>, vector<16xf32>, vector<16xi1>) -> (vector<16xi1>, vector<16xf32>, vector<16xf32>)
    %masked_sort3A_671 = arith.constant dense<true> : vector<16xi1>
    %masked_sort3A_672, %masked_sort3A_673, %masked_sort3A_674 = tpu.sort %min3A_613, %min3A_613 masked %masked_sort3A_671 : (vector<16xf32>, vector<16xf32>, vector<16xi1>) -> (vector<16xi1>, vector<16xf32>, vector<16xf32>)
    %masked_sort3A_675 = arith.constant dense<true> : vector<16xi1>
    %masked_sort3A_676, %masked_sort3A_677, %masked_sort3A_678 = tpu.sort %max3A_614, %max3A_614 masked %masked_sort3A_675 : (vector<16xf32>, vector<16xf32>, vector<16xi1>) -> (vector<16xi1>, vector<16xf32>, vector<16xf32>)
    %broadcast_in_dim3A = arith.constant 3.000000e+38 : f32
    %broadcast_in_dim3A_679 = vector.broadcast %broadcast_in_dim3A : f32 to vector<16xf32>
    %swap3A = arith.constant 0 : index
    %swap3A_680 = tpu.vector_load %arg7[%swap3A] {strides = array<i32>} : memref<400xf32, #tpu.memory_space<vmem>>, vector<16xf32>,
    tpu.vector_store %arg7[%swap3A], %masked_sort3A_617 {strides = array<i32>} : memref<400xf32, #tpu.memory_space<vmem>>, vector<16xf32>,
    %swap3A_681 = arith.constant 16 : index
    %swap3A_682 = tpu.vector_load %arg7[%swap3A_681] {strides = array<i32>} : memref<400xf32, #tpu.memory_space<vmem>>, vector<16xf32>,
    tpu.vector_store %arg7[%swap3A_681], %masked_sort3A_621 {strides = array<i32>} : memref<400xf32, #tpu.memory_space<vmem>>, vector<16xf32>,
    %swap3A_683 = arith.constant 32 : index
    %swap3A_684 = tpu.vector_load %arg7[%swap3A_683] {strides = array<i32>} : memref<400xf32, #tpu.memory_space<vmem>>, vector<16xf32>,
    tpu.vector_store %arg7[%swap3A_683], %masked_sort3A_625 {strides = array<i32>} : memref<400xf32, #tpu.memory_space<vmem>>, vector<16xf32>,
    %swap3A_685 = arith.constant 48 : index
    %swap3A_686 = tpu.vector_load %arg7[%swap3A_685] {strides = array<i32>} : memref<400xf32, #tpu.memory_space<vmem>>, vector<16xf32>,
    tpu.vector_store %arg7[%swap3A_685], %masked_sort3A_629 {strides = array<i32>} : memref<400xf32, #tpu.memory_space<vmem>>, vector<16xf32>,
    %swap3A_687 = arith.constant 64 : index
    %swap3A_688 = tpu.vector_load %arg7[%swap3A_687] {strides = array<i32>} : memref<400xf32, #tpu.memory_space<vmem>>, vector<16xf32>,
    tpu.vector_store %arg7[%swap3A_687], %masked_sort3A_633 {strides = array<i32>} : memref<400xf32, #tpu.memory_space<vmem>>, vector<16xf32>,
    %swap3A_689 = arith.constant 80 : index
    %swap3A_690 = tpu.vector_load %arg7[%swap3A_689] {strides = array<i32>} : memref<400xf32, #tpu.memory_space<vmem>>, vector<16xf32>,
    tpu.vector_store %arg7[%swap3A_689], %masked_sort3A_637 {strides = array<i32>} : memref<400xf32, #tpu.memory_space<vmem>>, vector<16xf32>,
    %swap3A_691 = arith.constant 96 : index
    %swap3A_692 = tpu.vector_load %arg7[%swap3A_691] {strides = array<i32>} : memref<400xf32, #tpu.memory_space<vmem>>, vector<16xf32>,
    tpu.vector_store %arg7[%swap3A_691], %masked_sort3A_641 {strides = array<i32>} : memref<400xf32, #tpu.memory_space<vmem>>, vector<16xf32>,
    %swap3A_693 = arith.constant 112 : index
    %swap3A_694 = tpu.vector_load %arg7[%swap3A_693] {strides = array<i32>} : memref<400xf32, #tpu.memory_space<vmem>>, vector<16xf32>,
    tpu.vector_store %arg7[%swap3A_693], %masked_sort3A_645 {strides = array<i32>} : memref<400xf32, #tpu.memory_space<vmem>>, vector<16xf32>,
    %swap3A_695 = arith.constant 128 : index
    %swap3A_696 = tpu.vector_load %arg7[%swap3A_695] {strides = array<i32>} : memref<400xf32, #tpu.memory_space<vmem>>, vector<16xf32>,
    tpu.vector_store %arg7[%swap3A_695], %masked_sort3A_649 {strides = array<i32>} : memref<400xf32, #tpu.memory_space<vmem>>, vector<16xf32>,
    %swap3A_697 = arith.constant 144 : index
    %swap3A_698 = tpu.vector_load %arg7[%swap3A_697] {strides = array<i32>} : memref<400xf32, #tpu.memory_space<vmem>>, vector<16xf32>,
    tpu.vector_store %arg7[%swap3A_697], %masked_sort3A_653 {strides = array<i32>} : memref<400xf32, #tpu.memory_space<vmem>>, vector<16xf32>,
    %swap3A_699 = arith.constant 160 : index
    %swap3A_700 = tpu.vector_load %arg7[%swap3A_699] {strides = array<i32>} : memref<400xf32, #tpu.memory_space<vmem>>, vector<16xf32>,
    tpu.vector_store %arg7[%swap3A_699], %masked_sort3A_657 {strides = array<i32>} : memref<400xf32, #tpu.memory_space<vmem>>, vector<16xf32>,
    %swap3A_701 = arith.constant 176 : index
    %swap3A_702 = tpu.vector_load %arg7[%swap3A_701] {strides = array<i32>} : memref<400xf32, #tpu.memory_space<vmem>>, vector<16xf32>,
    tpu.vector_store %arg7[%swap3A_701], %masked_sort3A_661 {strides = array<i32>} : memref<400xf32, #tpu.memory_space<vmem>>, vector<16xf32>,
    %swap3A_703 = arith.constant 192 : index
    %swap3A_704 = tpu.vector_load %arg7[%swap3A_703] {strides = array<i32>} : memref<400xf32, #tpu.memory_space<vmem>>, vector<16xf32>,
    tpu.vector_store %arg7[%swap3A_703], %masked_sort3A_665 {strides = array<i32>} : memref<400xf32, #tpu.memory_space<vmem>>, vector<16xf32>,
    %swap3A_705 = arith.constant 208 : index
    %swap3A_706 = tpu.vector_load %arg7[%swap3A_705] {strides = array<i32>} : memref<400xf32, #tpu.memory_space<vmem>>, vector<16xf32>,
    tpu.vector_store %arg7[%swap3A_705], %masked_sort3A_669 {strides = array<i32>} : memref<400xf32, #tpu.memory_space<vmem>>, vector<16xf32>,
    %swap3A_707 = arith.constant 224 : index
    %swap3A_708 = tpu.vector_load %arg7[%swap3A_707] {strides = array<i32>} : memref<400xf32, #tpu.memory_space<vmem>>, vector<16xf32>,
    tpu.vector_store %arg7[%swap3A_707], %masked_sort3A_673 {strides = array<i32>} : memref<400xf32, #tpu.memory_space<vmem>>, vector<16xf32>,
    %swap3A_709 = arith.constant 240 : index
    %swap3A_710 = tpu.vector_load %arg7[%swap3A_709] {strides = array<i32>} : memref<400xf32, #tpu.memory_space<vmem>>, vector<16xf32>,
    tpu.vector_store %arg7[%swap3A_709], %masked_sort3A_677 {strides = array<i32>} : memref<400xf32, #tpu.memory_space<vmem>>, vector<16xf32>,
    %swap3A_711 = arith.constant 256 : index
    %swap3A_712 = tpu.vector_load %arg7[%swap3A_711] {strides = array<i32>} : memref<400xf32, #tpu.memory_space<vmem>>, vector<16xf32>,
    tpu.vector_store %arg7[%swap3A_711], %broadcast_in_dim3A_679 {strides = array<i32>} : memref<400xf32, #tpu.memory_space<vmem>>, vector<16xf32>,
    %swap3A_713 = arith.constant 272 : index
    %swap3A_714 = tpu.vector_load %arg7[%swap3A_713] {strides = array<i32>} : memref<400xf32, #tpu.memory_space<vmem>>, vector<16xf32>,
    tpu.vector_store %arg7[%swap3A_713], %broadcast_in_dim3A_679 {strides = array<i32>} : memref<400xf32, #tpu.memory_space<vmem>>, vector<16xf32>,
    %swap3A_715 = arith.constant 288 : index
    %swap3A_716 = tpu.vector_load %arg7[%swap3A_715] {strides = array<i32>} : memref<400xf32, #tpu.memory_space<vmem>>, vector<16xf32>,
    tpu.vector_store %arg7[%swap3A_715], %broadcast_in_dim3A_679 {strides = array<i32>} : memref<400xf32, #tpu.memory_space<vmem>>, vector<16xf32>,
    %swap3A_717 = arith.constant 304 : index
    %swap3A_718 = tpu.vector_load %arg7[%swap3A_717] {strides = array<i32>} : memref<400xf32, #tpu.memory_space<vmem>>, vector<16xf32>,
    tpu.vector_store %arg7[%swap3A_717], %broadcast_in_dim3A_679 {strides = array<i32>} : memref<400xf32, #tpu.memory_space<vmem>>, vector<16xf32>,
    %swap3A_719 = arith.constant 320 : index
    %swap3A_720 = tpu.vector_load %arg7[%swap3A_719] {strides = array<i32>} : memref<400xf32, #tpu.memory_space<vmem>>, vector<16xf32>,
    tpu.vector_store %arg7[%swap3A_719], %broadcast_in_dim3A_679 {strides = array<i32>} : memref<400xf32, #tpu.memory_space<vmem>>, vector<16xf32>,
    %swap3A_721 = arith.constant 336 : index
    %swap3A_722 = tpu.vector_load %arg7[%swap3A_721] {strides = array<i32>} : memref<400xf32, #tpu.memory_space<vmem>>, vector<16xf32>,
    tpu.vector_store %arg7[%swap3A_721], %broadcast_in_dim3A_679 {strides = array<i32>} : memref<400xf32, #tpu.memory_space<vmem>>, vector<16xf32>,
    %swap3A_723 = arith.constant 352 : index
    %swap3A_724 = tpu.vector_load %arg7[%swap3A_723] {strides = array<i32>} : memref<400xf32, #tpu.memory_space<vmem>>, vector<16xf32>,
    tpu.vector_store %arg7[%swap3A_723], %broadcast_in_dim3A_679 {strides = array<i32>} : memref<400xf32, #tpu.memory_space<vmem>>, vector<16xf32>,
    %swap3A_725 = arith.constant 368 : index
    %swap3A_726 = tpu.vector_load %arg7[%swap3A_725] {strides = array<i32>} : memref<400xf32, #tpu.memory_space<vmem>>, vector<16xf32>,
    tpu.vector_store %arg7[%swap3A_725], %broadcast_in_dim3A_679 {strides = array<i32>} : memref<400xf32, #tpu.memory_space<vmem>>, vector<16xf32>,
    %swap3A_727 = arith.constant 384 : index
    %swap3A_728 = tpu.vector_load %arg7[%swap3A_727] {strides = array<i32>} : memref<400xf32, #tpu.memory_space<vmem>>, vector<16xf32>,
    tpu.vector_store %arg7[%swap3A_727], %broadcast_in_dim3A_679 {strides = array<i32>} : memref<400xf32, #tpu.memory_space<vmem>>, vector<16xf32>,
    %neg3A = arith.constant 0.000000e+00 : f32
    %neg3A_729 = vector.broadcast %neg3A : f32 to vector<16xf32>
    %neg3A_730 = arith.subf %neg3A_729, %broadcast_in_dim3A_679 : vector<16xf32>
    %swap3A_731 = arith.constant 0 : index
    %swap3A_732 = tpu.vector_load %arg11[%swap3A_731] {strides = array<i32>} : memref<272xf32, #tpu.memory_space<vmem>>, vector<16xf32>,
    tpu.vector_store %arg11[%swap3A_731], %neg3A_730 {strides = array<i32>} : memref<272xf32, #tpu.memory_space<vmem>>, vector<16xf32>,
    %swap3A_733 = arith.constant 0 : index
    %swap3A_734 = tpu.vector_load %arg12[%swap3A_733] {strides = array<i32>} : memref<272xf32, #tpu.memory_space<vmem>>, vector<16xf32>,
    tpu.vector_store %arg12[%swap3A_733], %broadcast_in_dim3A_679 {strides = array<i32>} : memref<272xf32, #tpu.memory_space<vmem>>, vector<16xf32>,
    %neg3A_735 = arith.constant 0.000000e+00 : f32
    %neg3A_736 = vector.broadcast %neg3A_735 : f32 to vector<16xf32>
    %neg3A_737 = arith.subf %neg3A_736, %broadcast_in_dim3A_679 : vector<16xf32>
    %swap3A_738 = arith.constant 16 : index
    %swap3A_739 = tpu.vector_load %arg11[%swap3A_738] {strides = array<i32>} : memref<272xf32, #tpu.memory_space<vmem>>, vector<16xf32>,
    tpu.vector_store %arg11[%swap3A_738], %neg3A_737 {strides = array<i32>} : memref<272xf32, #tpu.memory_space<vmem>>, vector<16xf32>,
    %swap3A_740 = arith.constant 16 : index
    %swap3A_741 = tpu.vector_load %arg12[%swap3A_740] {strides = array<i32>} : memref<272xf32, #tpu.memory_space<vmem>>, vector<16xf32>,
    tpu.vector_store %arg12[%swap3A_740], %broadcast_in_dim3A_679 {strides = array<i32>} : memref<272xf32, #tpu.memory_space<vmem>>, vector<16xf32>,
    %neg3A_742 = arith.constant 0.000000e+00 : f32
    %neg3A_743 = vector.broadcast %neg3A_742 : f32 to vector<16xf32>
    %neg3A_744 = arith.subf %neg3A_743, %broadcast_in_dim3A_679 : vector<16xf32>
    %swap3A_745 = arith.constant 32 : index
    %swap3A_746 = tpu.vector_load %arg11[%swap3A_745] {strides = array<i32>} : memref<272xf32, #tpu.memory_space<vmem>>, vector<16xf32>,
    tpu.vector_store %arg11[%swap3A_745], %neg3A_744 {strides = array<i32>} : memref<272xf32, #tpu.memory_space<vmem>>, vector<16xf32>,
    %swap3A_747 = arith.constant 32 : index
    %swap3A_748 = tpu.vector_load %arg12[%swap3A_747] {strides = array<i32>} : memref<272xf32, #tpu.memory_space<vmem>>, vector<16xf32>,
    tpu.vector_store %arg12[%swap3A_747], %broadcast_in_dim3A_679 {strides = array<i32>} : memref<272xf32, #tpu.memory_space<vmem>>, vector<16xf32>,
    %neg3A_749 = arith.constant 0.000000e+00 : f32
    %neg3A_750 = vector.broadcast %neg3A_749 : f32 to vector<16xf32>
    %neg3A_751 = arith.subf %neg3A_750, %broadcast_in_dim3A_679 : vector<16xf32>
    %swap3A_752 = arith.constant 48 : index
    %swap3A_753 = tpu.vector_load %arg11[%swap3A_752] {strides = array<i32>} : memref<272xf32, #tpu.memory_space<vmem>>, vector<16xf32>,
    tpu.vector_store %arg11[%swap3A_752], %neg3A_751 {strides = array<i32>} : memref<272xf32, #tpu.memory_space<vmem>>, vector<16xf32>,
    %swap3A_754 = arith.constant 48 : index
    %swap3A_755 = tpu.vector_load %arg12[%swap3A_754] {strides = array<i32>} : memref<272xf32, #tpu.memory_space<vmem>>, vector<16xf32>,
    tpu.vector_store %arg12[%swap3A_754], %broadcast_in_dim3A_679 {strides = array<i32>} : memref<272xf32, #tpu.memory_space<vmem>>, vector<16xf32>,
    %neg3A_756 = arith.constant 0.000000e+00 : f32
    %neg3A_757 = vector.broadcast %neg3A_756 : f32 to vector<16xf32>
    %neg3A_758 = arith.subf %neg3A_757, %broadcast_in_dim3A_679 : vector<16xf32>
    %swap3A_759 = arith.constant 64 : index
    %swap3A_760 = tpu.vector_load %arg11[%swap3A_759] {strides = array<i32>} : memref<272xf32, #tpu.memory_space<vmem>>, vector<16xf32>,
    tpu.vector_store %arg11[%swap3A_759], %neg3A_758 {strides = array<i32>} : memref<272xf32, #tpu.memory_space<vmem>>, vector<16xf32>,
    %swap3A_761 = arith.constant 64 : index
    %swap3A_762 = tpu.vector_load %arg12[%swap3A_761] {strides = array<i32>} : memref<272xf32, #tpu.memory_space<vmem>>, vector<16xf32>,
    tpu.vector_store %arg12[%swap3A_761], %broadcast_in_dim3A_679 {strides = array<i32>} : memref<272xf32, #tpu.memory_space<vmem>>, vector<16xf32>,
    %neg3A_763 = arith.constant 0.000000e+00 : f32
    %neg3A_764 = vector.broadcast %neg3A_763 : f32 to vector<16xf32>
    %neg3A_765 = arith.subf %neg3A_764, %broadcast_in_dim3A_679 : vector<16xf32>
    %swap3A_766 = arith.constant 80 : index
    %swap3A_767 = tpu.vector_load %arg11[%swap3A_766] {strides = array<i32>} : memref<272xf32, #tpu.memory_space<vmem>>, vector<16xf32>,
    tpu.vector_store %arg11[%swap3A_766], %neg3A_765 {strides = array<i32>} : memref<272xf32, #tpu.memory_space<vmem>>, vector<16xf32>,
    %swap3A_768 = arith.constant 80 : index
    %swap3A_769 = tpu.vector_load %arg12[%swap3A_768] {strides = array<i32>} : memref<272xf32, #tpu.memory_space<vmem>>, vector<16xf32>,
    tpu.vector_store %arg12[%swap3A_768], %broadcast_in_dim3A_679 {strides = array<i32>} : memref<272xf32, #tpu.memory_space<vmem>>, vector<16xf32>,
    %neg3A_770 = arith.constant 0.000000e+00 : f32
    %neg3A_771 = vector.broadcast %neg3A_770 : f32 to vector<16xf32>
    %neg3A_772 = arith.subf %neg3A_771, %broadcast_in_dim3A_679 : vector<16xf32>
    %swap3A_773 = arith.constant 96 : index
    %swap3A_774 = tpu.vector_load %arg11[%swap3A_773] {strides = array<i32>} : memref<272xf32, #tpu.memory_space<vmem>>, vector<16xf32>,
    tpu.vector_store %arg11[%swap3A_773], %neg3A_772 {strides = array<i32>} : memref<272xf32, #tpu.memory_space<vmem>>, vector<16xf32>,
    %swap3A_775 = arith.constant 96 : index
    %swap3A_776 = tpu.vector_load %arg12[%swap3A_775] {strides = array<i32>} : memref<272xf32, #tpu.memory_space<vmem>>, vector<16xf32>,
    tpu.vector_store %arg12[%swap3A_775], %broadcast_in_dim3A_679 {strides = array<i32>} : memref<272xf32, #tpu.memory_space<vmem>>, vector<16xf32>,
    %neg3A_777 = arith.constant 0.000000e+00 : f32
    %neg3A_778 = vector.broadcast %neg3A_777 : f32 to vector<16xf32>
    %neg3A_779 = arith.subf %neg3A_778, %broadcast_in_dim3A_679 : vector<16xf32>
    %swap3A_780 = arith.constant 112 : index
    %swap3A_781 = tpu.vector_load %arg11[%swap3A_780] {strides = array<i32>} : memref<272xf32, #tpu.memory_space<vmem>>, vector<16xf32>,
    tpu.vector_store %arg11[%swap3A_780], %neg3A_779 {strides = array<i32>} : memref<272xf32, #tpu.memory_space<vmem>>, vector<16xf32>,
    %swap3A_782 = arith.constant 112 : index
    %swap3A_783 = tpu.vector_load %arg12[%swap3A_782] {strides = array<i32>} : memref<272xf32, #tpu.memory_space<vmem>>, vector<16xf32>,
    tpu.vector_store %arg12[%swap3A_782], %broadcast_in_dim3A_679 {strides = array<i32>} : memref<272xf32, #tpu.memory_space<vmem>>, vector<16xf32>,
    %neg3A_784 = arith.constant 0.000000e+00 : f32
    %neg3A_785 = vector.broadcast %neg3A_784 : f32 to vector<16xf32>
    %neg3A_786 = arith.subf %neg3A_785, %broadcast_in_dim3A_679 : vector<16xf32>
    %swap3A_787 = arith.constant 128 : index
    %swap3A_788 = tpu.vector_load %arg11[%swap3A_787] {strides = array<i32>} : memref<272xf32, #tpu.memory_space<vmem>>, vector<16xf32>,
    tpu.vector_store %arg11[%swap3A_787], %neg3A_786 {strides = array<i32>} : memref<272xf32, #tpu.memory_space<vmem>>, vector<16xf32>,
    %swap3A_789 = arith.constant 128 : index
    %swap3A_790 = tpu.vector_load %arg12[%swap3A_789] {strides = array<i32>} : memref<272xf32, #tpu.memory_space<vmem>>, vector<16xf32>,
    tpu.vector_store %arg12[%swap3A_789], %broadcast_in_dim3A_679 {strides = array<i32>} : memref<272xf32, #tpu.memory_space<vmem>>, vector<16xf32>,
    %neg3A_791 = arith.constant 0.000000e+00 : f32
    %neg3A_792 = vector.broadcast %neg3A_791 : f32 to vector<16xf32>
    %neg3A_793 = arith.subf %neg3A_792, %broadcast_in_dim3A_679 : vector<16xf32>
    %swap3A_794 = arith.constant 144 : index
    %swap3A_795 = tpu.vector_load %arg11[%swap3A_794] {strides = array<i32>} : memref<272xf32, #tpu.memory_space<vmem>>, vector<16xf32>,
    tpu.vector_store %arg11[%swap3A_794], %neg3A_793 {strides = array<i32>} : memref<272xf32, #tpu.memory_space<vmem>>, vector<16xf32>,
    %swap3A_796 = arith.constant 144 : index
    %swap3A_797 = tpu.vector_load %arg12[%swap3A_796] {strides = array<i32>} : memref<272xf32, #tpu.memory_space<vmem>>, vector<16xf32>,
    tpu.vector_store %arg12[%swap3A_796], %broadcast_in_dim3A_679 {strides = array<i32>} : memref<272xf32, #tpu.memory_space<vmem>>, vector<16xf32>,
    %neg3A_798 = arith.constant 0.000000e+00 : f32
    %neg3A_799 = vector.broadcast %neg3A_798 : f32 to vector<16xf32>
    %neg3A_800 = arith.subf %neg3A_799, %broadcast_in_dim3A_679 : vector<16xf32>
    %swap3A_801 = arith.constant 160 : index
    %swap3A_802 = tpu.vector_load %arg11[%swap3A_801] {strides = array<i32>} : memref<272xf32, #tpu.memory_space<vmem>>, vector<16xf32>,
    tpu.vector_store %arg11[%swap3A_801], %neg3A_800 {strides = array<i32>} : memref<272xf32, #tpu.memory_space<vmem>>, vector<16xf32>,
    %swap3A_803 = arith.constant 160 : index
    %swap3A_804 = tpu.vector_load %arg12[%swap3A_803] {strides = array<i32>} : memref<272xf32, #tpu.memory_space<vmem>>, vector<16xf32>,
    tpu.vector_store %arg12[%swap3A_803], %broadcast_in_dim3A_679 {strides = array<i32>} : memref<272xf32, #tpu.memory_space<vmem>>, vector<16xf32>,
    %neg3A_805 = arith.constant 0.000000e+00 : f32
    %neg3A_806 = vector.broadcast %neg3A_805 : f32 to vector<16xf32>
    %neg3A_807 = arith.subf %neg3A_806, %broadcast_in_dim3A_679 : vector<16xf32>
    %swap3A_808 = arith.constant 176 : index
    %swap3A_809 = tpu.vector_load %arg11[%swap3A_808] {strides = array<i32>} : memref<272xf32, #tpu.memory_space<vmem>>, vector<16xf32>,
    tpu.vector_store %arg11[%swap3A_808], %neg3A_807 {strides = array<i32>} : memref<272xf32, #tpu.memory_space<vmem>>, vector<16xf32>,
    %swap3A_810 = arith.constant 176 : index
    %swap3A_811 = tpu.vector_load %arg12[%swap3A_810] {strides = array<i32>} : memref<272xf32, #tpu.memory_space<vmem>>, vector<16xf32>,
    tpu.vector_store %arg12[%swap3A_810], %broadcast_in_dim3A_679 {strides = array<i32>} : memref<272xf32, #tpu.memory_space<vmem>>, vector<16xf32>,
    %neg3A_812 = arith.constant 0.000000e+00 : f32
    %neg3A_813 = vector.broadcast %neg3A_812 : f32 to vector<16xf32>
    %neg3A_814 = arith.subf %neg3A_813, %broadcast_in_dim3A_679 : vector<16xf32>
    %swap3A_815 = arith.constant 192 : index
    %swap3A_816 = tpu.vector_load %arg11[%swap3A_815] {strides = array<i32>} : memref<272xf32, #tpu.memory_space<vmem>>, vector<16xf32>,
    tpu.vector_store %arg11[%swap3A_815], %neg3A_814 {strides = array<i32>} : memref<272xf32, #tpu.memory_space<vmem>>, vector<16xf32>,
    %swap3A_817 = arith.constant 192 : index
    %swap3A_818 = tpu.vector_load %arg12[%swap3A_817] {strides = array<i32>} : memref<272xf32, #tpu.memory_space<vmem>>, vector<16xf32>,
    tpu.vector_store %arg12[%swap3A_817], %broadcast_in_dim3A_679 {strides = array<i32>} : memref<272xf32, #tpu.memory_space<vmem>>, vector<16xf32>,
    %neg3A_819 = arith.constant 0.000000e+00 : f32
    %neg3A_820 = vector.broadcast %neg3A_819 : f32 to vector<16xf32>
    %neg3A_821 = arith.subf %neg3A_820, %broadcast_in_dim3A_679 : vector<16xf32>
    %swap3A_822 = arith.constant 208 : index
    %swap3A_823 = tpu.vector_load %arg11[%swap3A_822] {strides = array<i32>} : memref<272xf32, #tpu.memory_space<vmem>>, vector<16xf32>,
    tpu.vector_store %arg11[%swap3A_822], %neg3A_821 {strides = array<i32>} : memref<272xf32, #tpu.memory_space<vmem>>, vector<16xf32>,
    %swap3A_824 = arith.constant 208 : index
    %swap3A_825 = tpu.vector_load %arg12[%swap3A_824] {strides = array<i32>} : memref<272xf32, #tpu.memory_space<vmem>>, vector<16xf32>,
    tpu.vector_store %arg12[%swap3A_824], %broadcast_in_dim3A_679 {strides = array<i32>} : memref<272xf32, #tpu.memory_space<vmem>>, vector<16xf32>,
    %neg3A_826 = arith.constant 0.000000e+00 : f32
    %neg3A_827 = vector.broadcast %neg3A_826 : f32 to vector<16xf32>
    %neg3A_828 = arith.subf %neg3A_827, %broadcast_in_dim3A_679 : vector<16xf32>
    %swap3A_829 = arith.constant 224 : index
    %swap3A_830 = tpu.vector_load %arg11[%swap3A_829] {strides = array<i32>} : memref<272xf32, #tpu.memory_space<vmem>>, vector<16xf32>,
    tpu.vector_store %arg11[%swap3A_829], %neg3A_828 {strides = array<i32>} : memref<272xf32, #tpu.memory_space<vmem>>, vector<16xf32>,
    %swap3A_831 = arith.constant 224 : index
    %swap3A_832 = tpu.vector_load %arg12[%swap3A_831] {strides = array<i32>} : memref<272xf32, #tpu.memory_space<vmem>>, vector<16xf32>,
    tpu.vector_store %arg12[%swap3A_831], %broadcast_in_dim3A_679 {strides = array<i32>} : memref<272xf32, #tpu.memory_space<vmem>>, vector<16xf32>,
    %neg3A_833 = arith.constant 0.000000e+00 : f32
    %neg3A_834 = vector.broadcast %neg3A_833 : f32 to vector<16xf32>
    %neg3A_835 = arith.subf %neg3A_834, %broadcast_in_dim3A_679 : vector<16xf32>
    %swap3A_836 = arith.constant 240 : index
    %swap3A_837 = tpu.vector_load %arg11[%swap3A_836] {strides = array<i32>} : memref<272xf32, #tpu.memory_space<vmem>>, vector<16xf32>,
    tpu.vector_store %arg11[%swap3A_836], %neg3A_835 {strides = array<i32>} : memref<272xf32, #tpu.memory_space<vmem>>, vector<16xf32>,
    %swap3A_838 = arith.constant 240 : index
    %swap3A_839 = tpu.vector_load %arg12[%swap3A_838] {strides = array<i32>} : memref<272xf32, #tpu.memory_space<vmem>>, vector<16xf32>,
    tpu.vector_store %arg12[%swap3A_838], %broadcast_in_dim3A_679 {strides = array<i32>} : memref<272xf32, #tpu.memory_space<vmem>>, vector<16xf32>,
    %neg3A_840 = arith.constant 0.000000e+00 : f32
    %neg3A_841 = vector.broadcast %neg3A_840 : f32 to vector<16xf32>
    %neg3A_842 = arith.subf %neg3A_841, %broadcast_in_dim3A_679 : vector<16xf32>
    %swap3A_843 = arith.constant 256 : index
    %swap3A_844 = tpu.vector_load %arg11[%swap3A_843] {strides = array<i32>} : memref<272xf32, #tpu.memory_space<vmem>>, vector<16xf32>,
    tpu.vector_store %arg11[%swap3A_843], %neg3A_842 {strides = array<i32>} : memref<272xf32, #tpu.memory_space<vmem>>, vector<16xf32>,
    %swap3A_845 = arith.constant 256 : index
    %swap3A_846 = tpu.vector_load %arg12[%swap3A_845] {strides = array<i32>} : memref<272xf32, #tpu.memory_space<vmem>>, vector<16xf32>,
    tpu.vector_store %arg12[%swap3A_845], %broadcast_in_dim3A_679 {strides = array<i32>} : memref<272xf32, #tpu.memory_space<vmem>>, vector<16xf32>,
    %mul3A_847 = arith.constant 16 : i32
    %mul3A_848 = vector.broadcast %mul3A_847 : i32 to vector<16xi32>
    %mul3A_849 = arith.muli %iota3A, %mul3A_848 : vector<16xi32>
    %add3A_850 = arith.constant 15 : i32
    %add3A_851 = vector.broadcast %add3A_850 : i32 to vector<16xi32>
    %add3A_852 = arith.addi %mul3A_849, %add3A_851 : vector<16xi32>
    %gather3A_853 = tpu.vector_load_idx %arg7[%add3A_852] : memref<400xf32, #tpu.memory_space<vmem>>[vector<16xi32>], vector<16xf32>,
    %broadcast_in_dim3A_854 = arith.constant 0 : i32
    %broadcast_in_dim3A_855 = vector.broadcast %broadcast_in_dim3A_854 : i32 to vector<16xi32>
    %lt3A_856 = arith.constant 0 : i32
    %lt3A_857 = vector.broadcast %lt3A_856 : i32 to vector<16xi32>
    %lt3A_858 = arith.cmpi slt, %broadcast_in_dim3A_855, %lt3A_857 : vector<16xi32>
    %add3A_859 = arith.constant 16 : i32
    %add3A_860 = vector.broadcast %add3A_859 : i32 to vector<16xi32>
    %add3A_861 = arith.addi %broadcast_in_dim3A_855, %add3A_860 : vector<16xi32>
    %select_n3A_862 = arith.select %lt3A_858, %add3A_861, %broadcast_in_dim3A_855 : vector<16xi1>, vector<16xi32>
    %reshape3A = vector.shape_cast %select_n3A_862 : vector<16xi32> to vector<16x1xi32>
    %gather3A_863 = vector.shape_cast %reshape3A : vector<16x1xi32> to vector<16xi32>
    %gather3A_864 = tpu.dynamic_gather %gather3A_853[%gather3A_863] in [0] : vector<16xf32>, vector<16xi32> -> vector<16xf32>
    %broadcast_in_dim3A_865 = arith.constant 1 : i32
    %broadcast_in_dim3A_866 = vector.broadcast %broadcast_in_dim3A_865 : i32 to vector<16xi32>
    %lt3A_867 = arith.constant 0 : i32
    %lt3A_868 = vector.broadcast %lt3A_867 : i32 to vector<16xi32>
    %lt3A_869 = arith.cmpi slt, %broadcast_in_dim3A_866, %lt3A_868 : vector<16xi32>
    %add3A_870 = arith.constant 16 : i32
    %add3A_871 = vector.broadcast %add3A_870 : i32 to vector<16xi32>
    %add3A_872 = arith.addi %broadcast_in_dim3A_866, %add3A_871 : vector<16xi32>
    %select_n3A_873 = arith.select %lt3A_869, %add3A_872, %broadcast_in_dim3A_866 : vector<16xi1>, vector<16xi32>
    %reshape3A_874 = vector.shape_cast %select_n3A_873 : vector<16xi32> to vector<16x1xi32>
    %gather3A_875 = vector.shape_cast %reshape3A_874 : vector<16x1xi32> to vector<16xi32>
    %gather3A_876 = tpu.dynamic_gather %gather3A_853[%gather3A_875] in [0] : vector<16xf32>, vector<16xi32> -> vector<16xf32>
    %broadcast_in_dim3A_877 = arith.constant 2 : i32
    %broadcast_in_dim3A_878 = vector.broadcast %broadcast_in_dim3A_877 : i32 to vector<16xi32>
    %lt3A_879 = arith.constant 0 : i32
    %lt3A_880 = vector.broadcast %lt3A_879 : i32 to vector<16xi32>
    %lt3A_881 = arith.cmpi slt, %broadcast_in_dim3A_878, %lt3A_880 : vector<16xi32>
    %add3A_882 = arith.constant 16 : i32
    %add3A_883 = vector.broadcast %add3A_882 : i32 to vector<16xi32>
    %add3A_884 = arith.addi %broadcast_in_dim3A_878, %add3A_883 : vector<16xi32>
    %select_n3A_885 = arith.select %lt3A_881, %add3A_884, %broadcast_in_dim3A_878 : vector<16xi1>, vector<16xi32>
    %reshape3A_886 = vector.shape_cast %select_n3A_885 : vector<16xi32> to vector<16x1xi32>
    %gather3A_887 = vector.shape_cast %reshape3A_886 : vector<16x1xi32> to vector<16xi32>
    %gather3A_888 = tpu.dynamic_gather %gather3A_853[%gather3A_887] in [0] : vector<16xf32>, vector<16xi32> -> vector<16xf32>
    %broadcast_in_dim3A_889 = arith.constant 3 : i32
    %broadcast_in_dim3A_890 = vector.broadcast %broadcast_in_dim3A_889 : i32 to vector<16xi32>
    %lt3A_891 = arith.constant 0 : i32
    %lt3A_892 = vector.broadcast %lt3A_891 : i32 to vector<16xi32>
    %lt3A_893 = arith.cmpi slt, %broadcast_in_dim3A_890, %lt3A_892 : vector<16xi32>
    %add3A_894 = arith.constant 16 : i32
    %add3A_895 = vector.broadcast %add3A_894 : i32 to vector<16xi32>
    %add3A_896 = arith.addi %broadcast_in_dim3A_890, %add3A_895 : vector<16xi32>
    %select_n3A_897 = arith.select %lt3A_893, %add3A_896, %broadcast_in_dim3A_890 : vector<16xi1>, vector<16xi32>
    %reshape3A_898 = vector.shape_cast %select_n3A_897 : vector<16xi32> to vector<16x1xi32>
    %gather3A_899 = vector.shape_cast %reshape3A_898 : vector<16x1xi32> to vector<16xi32>
    %gather3A_900 = tpu.dynamic_gather %gather3A_853[%gather3A_899] in [0] : vector<16xf32>, vector<16xi32> -> vector<16xf32>
    %broadcast_in_dim3A_901 = arith.constant 4 : i32
    %broadcast_in_dim3A_902 = vector.broadcast %broadcast_in_dim3A_901 : i32 to vector<16xi32>
    %lt3A_903 = arith.constant 0 : i32
    %lt3A_904 = vector.broadcast %lt3A_903 : i32 to vector<16xi32>
    %lt3A_905 = arith.cmpi slt, %broadcast_in_dim3A_902, %lt3A_904 : vector<16xi32>
    %add3A_906 = arith.constant 16 : i32
    %add3A_907 = vector.broadcast %add3A_906 : i32 to vector<16xi32>
    %add3A_908 = arith.addi %broadcast_in_dim3A_902, %add3A_907 : vector<16xi32>
    %select_n3A_909 = arith.select %lt3A_905, %add3A_908, %broadcast_in_dim3A_902 : vector<16xi1>, vector<16xi32>
    %reshape3A_910 = vector.shape_cast %select_n3A_909 : vector<16xi32> to vector<16x1xi32>
    %gather3A_911 = vector.shape_cast %reshape3A_910 : vector<16x1xi32> to vector<16xi32>
    %gather3A_912 = tpu.dynamic_gather %gather3A_853[%gather3A_911] in [0] : vector<16xf32>, vector<16xi32> -> vector<16xf32>
    %broadcast_in_dim3A_913 = arith.constant 5 : i32
    %broadcast_in_dim3A_914 = vector.broadcast %broadcast_in_dim3A_913 : i32 to vector<16xi32>
    %lt3A_915 = arith.constant 0 : i32
    %lt3A_916 = vector.broadcast %lt3A_915 : i32 to vector<16xi32>
    %lt3A_917 = arith.cmpi slt, %broadcast_in_dim3A_914, %lt3A_916 : vector<16xi32>
    %add3A_918 = arith.constant 16 : i32
    %add3A_919 = vector.broadcast %add3A_918 : i32 to vector<16xi32>
    %add3A_920 = arith.addi %broadcast_in_dim3A_914, %add3A_919 : vector<16xi32>
    %select_n3A_921 = arith.select %lt3A_917, %add3A_920, %broadcast_in_dim3A_914 : vector<16xi1>, vector<16xi32>
    %reshape3A_922 = vector.shape_cast %select_n3A_921 : vector<16xi32> to vector<16x1xi32>
    %gather3A_923 = vector.shape_cast %reshape3A_922 : vector<16x1xi32> to vector<16xi32>
    %gather3A_924 = tpu.dynamic_gather %gather3A_853[%gather3A_923] in [0] : vector<16xf32>, vector<16xi32> -> vector<16xf32>
    %broadcast_in_dim3A_925 = arith.constant 6 : i32
    %broadcast_in_dim3A_926 = vector.broadcast %broadcast_in_dim3A_925 : i32 to vector<16xi32>
    %lt3A_927 = arith.constant 0 : i32
    %lt3A_928 = vector.broadcast %lt3A_927 : i32 to vector<16xi32>
    %lt3A_929 = arith.cmpi slt, %broadcast_in_dim3A_926, %lt3A_928 : vector<16xi32>
    %add3A_930 = arith.constant 16 : i32
    %add3A_931 = vector.broadcast %add3A_930 : i32 to vector<16xi32>
    %add3A_932 = arith.addi %broadcast_in_dim3A_926, %add3A_931 : vector<16xi32>
    %select_n3A_933 = arith.select %lt3A_929, %add3A_932, %broadcast_in_dim3A_926 : vector<16xi1>, vector<16xi32>
    %reshape3A_934 = vector.shape_cast %select_n3A_933 : vector<16xi32> to vector<16x1xi32>
    %gather3A_935 = vector.shape_cast %reshape3A_934 : vector<16x1xi32> to vector<16xi32>
    %gather3A_936 = tpu.dynamic_gather %gather3A_853[%gather3A_935] in [0] : vector<16xf32>, vector<16xi32> -> vector<16xf32>
    %broadcast_in_dim3A_937 = arith.constant 7 : i32
    %broadcast_in_dim3A_938 = vector.broadcast %broadcast_in_dim3A_937 : i32 to vector<16xi32>
    %lt3A_939 = arith.constant 0 : i32
    %lt3A_940 = vector.broadcast %lt3A_939 : i32 to vector<16xi32>
    %lt3A_941 = arith.cmpi slt, %broadcast_in_dim3A_938, %lt3A_940 : vector<16xi32>
    %add3A_942 = arith.constant 16 : i32
    %add3A_943 = vector.broadcast %add3A_942 : i32 to vector<16xi32>
    %add3A_944 = arith.addi %broadcast_in_dim3A_938, %add3A_943 : vector<16xi32>
    %select_n3A_945 = arith.select %lt3A_941, %add3A_944, %broadcast_in_dim3A_938 : vector<16xi1>, vector<16xi32>
    %reshape3A_946 = vector.shape_cast %select_n3A_945 : vector<16xi32> to vector<16x1xi32>
    %gather3A_947 = vector.shape_cast %reshape3A_946 : vector<16x1xi32> to vector<16xi32>
    %gather3A_948 = tpu.dynamic_gather %gather3A_853[%gather3A_947] in [0] : vector<16xf32>, vector<16xi32> -> vector<16xf32>
    %broadcast_in_dim3A_949 = arith.constant 8 : i32
    %broadcast_in_dim3A_950 = vector.broadcast %broadcast_in_dim3A_949 : i32 to vector<16xi32>
    %lt3A_951 = arith.constant 0 : i32
    %lt3A_952 = vector.broadcast %lt3A_951 : i32 to vector<16xi32>
    %lt3A_953 = arith.cmpi slt, %broadcast_in_dim3A_950, %lt3A_952 : vector<16xi32>
    %add3A_954 = arith.constant 16 : i32
    %add3A_955 = vector.broadcast %add3A_954 : i32 to vector<16xi32>
    %add3A_956 = arith.addi %broadcast_in_dim3A_950, %add3A_955 : vector<16xi32>
    %select_n3A_957 = arith.select %lt3A_953, %add3A_956, %broadcast_in_dim3A_950 : vector<16xi1>, vector<16xi32>
    %reshape3A_958 = vector.shape_cast %select_n3A_957 : vector<16xi32> to vector<16x1xi32>
    %gather3A_959 = vector.shape_cast %reshape3A_958 : vector<16x1xi32> to vector<16xi32>
    %gather3A_960 = tpu.dynamic_gather %gather3A_853[%gather3A_959] in [0] : vector<16xf32>, vector<16xi32> -> vector<16xf32>
    %broadcast_in_dim3A_961 = arith.constant 9 : i32
    %broadcast_in_dim3A_962 = vector.broadcast %broadcast_in_dim3A_961 : i32 to vector<16xi32>
    %lt3A_963 = arith.constant 0 : i32
    %lt3A_964 = vector.broadcast %lt3A_963 : i32 to vector<16xi32>
    %lt3A_965 = arith.cmpi slt, %broadcast_in_dim3A_962, %lt3A_964 : vector<16xi32>
    %add3A_966 = arith.constant 16 : i32
    %add3A_967 = vector.broadcast %add3A_966 : i32 to vector<16xi32>
    %add3A_968 = arith.addi %broadcast_in_dim3A_962, %add3A_967 : vector<16xi32>
    %select_n3A_969 = arith.select %lt3A_965, %add3A_968, %broadcast_in_dim3A_962 : vector<16xi1>, vector<16xi32>
    %reshape3A_970 = vector.shape_cast %select_n3A_969 : vector<16xi32> to vector<16x1xi32>
    %gather3A_971 = vector.shape_cast %reshape3A_970 : vector<16x1xi32> to vector<16xi32>
    %gather3A_972 = tpu.dynamic_gather %gather3A_853[%gather3A_971] in [0] : vector<16xf32>, vector<16xi32> -> vector<16xf32>
    %broadcast_in_dim3A_973 = arith.constant 10 : i32
    %broadcast_in_dim3A_974 = vector.broadcast %broadcast_in_dim3A_973 : i32 to vector<16xi32>
    %lt3A_975 = arith.constant 0 : i32
    %lt3A_976 = vector.broadcast %lt3A_975 : i32 to vector<16xi32>
    %lt3A_977 = arith.cmpi slt, %broadcast_in_dim3A_974, %lt3A_976 : vector<16xi32>
    %add3A_978 = arith.constant 16 : i32
    %add3A_979 = vector.broadcast %add3A_978 : i32 to vector<16xi32>
    %add3A_980 = arith.addi %broadcast_in_dim3A_974, %add3A_979 : vector<16xi32>
    %select_n3A_981 = arith.select %lt3A_977, %add3A_980, %broadcast_in_dim3A_974 : vector<16xi1>, vector<16xi32>
    %reshape3A_982 = vector.shape_cast %select_n3A_981 : vector<16xi32> to vector<16x1xi32>
    %gather3A_983 = vector.shape_cast %reshape3A_982 : vector<16x1xi32> to vector<16xi32>
    %gather3A_984 = tpu.dynamic_gather %gather3A_853[%gather3A_983] in [0] : vector<16xf32>, vector<16xi32> -> vector<16xf32>
    %broadcast_in_dim3A_985 = arith.constant 11 : i32
    %broadcast_in_dim3A_986 = vector.broadcast %broadcast_in_dim3A_985 : i32 to vector<16xi32>
    %lt3A_987 = arith.constant 0 : i32
    %lt3A_988 = vector.broadcast %lt3A_987 : i32 to vector<16xi32>
    %lt3A_989 = arith.cmpi slt, %broadcast_in_dim3A_986, %lt3A_988 : vector<16xi32>
    %add3A_990 = arith.constant 16 : i32
    %add3A_991 = vector.broadcast %add3A_990 : i32 to vector<16xi32>
    %add3A_992 = arith.addi %broadcast_in_dim3A_986, %add3A_991 : vector<16xi32>
    %select_n3A_993 = arith.select %lt3A_989, %add3A_992, %broadcast_in_dim3A_986 : vector<16xi1>, vector<16xi32>
    %reshape3A_994 = vector.shape_cast %select_n3A_993 : vector<16xi32> to vector<16x1xi32>
    %gather3A_995 = vector.shape_cast %reshape3A_994 : vector<16x1xi32> to vector<16xi32>
    %gather3A_996 = tpu.dynamic_gather %gather3A_853[%gather3A_995] in [0] : vector<16xf32>, vector<16xi32> -> vector<16xf32>
    %broadcast_in_dim3A_997 = arith.constant 12 : i32
    %broadcast_in_dim3A_998 = vector.broadcast %broadcast_in_dim3A_997 : i32 to vector<16xi32>
    %lt3A_999 = arith.constant 0 : i32
    %lt3A_1000 = vector.broadcast %lt3A_999 : i32 to vector<16xi32>
    %lt3A_1001 = arith.cmpi slt, %broadcast_in_dim3A_998, %lt3A_1000 : vector<16xi32>
    %add3A_1002 = arith.constant 16 : i32
    %add3A_1003 = vector.broadcast %add3A_1002 : i32 to vector<16xi32>
    %add3A_1004 = arith.addi %broadcast_in_dim3A_998, %add3A_1003 : vector<16xi32>
    %select_n3A_1005 = arith.select %lt3A_1001, %add3A_1004, %broadcast_in_dim3A_998 : vector<16xi1>, vector<16xi32>
    %reshape3A_1006 = vector.shape_cast %select_n3A_1005 : vector<16xi32> to vector<16x1xi32>
    %gather3A_1007 = vector.shape_cast %reshape3A_1006 : vector<16x1xi32> to vector<16xi32>
    %gather3A_1008 = tpu.dynamic_gather %gather3A_853[%gather3A_1007] in [0] : vector<16xf32>, vector<16xi32> -> vector<16xf32>
    %broadcast_in_dim3A_1009 = arith.constant 13 : i32
    %broadcast_in_dim3A_1010 = vector.broadcast %broadcast_in_dim3A_1009 : i32 to vector<16xi32>
    %lt3A_1011 = arith.constant 0 : i32
    %lt3A_1012 = vector.broadcast %lt3A_1011 : i32 to vector<16xi32>
    %lt3A_1013 = arith.cmpi slt, %broadcast_in_dim3A_1010, %lt3A_1012 : vector<16xi32>
    %add3A_1014 = arith.constant 16 : i32
    %add3A_1015 = vector.broadcast %add3A_1014 : i32 to vector<16xi32>
    %add3A_1016 = arith.addi %broadcast_in_dim3A_1010, %add3A_1015 : vector<16xi32>
    %select_n3A_1017 = arith.select %lt3A_1013, %add3A_1016, %broadcast_in_dim3A_1010 : vector<16xi1>, vector<16xi32>
    %reshape3A_1018 = vector.shape_cast %select_n3A_1017 : vector<16xi32> to vector<16x1xi32>
    %gather3A_1019 = vector.shape_cast %reshape3A_1018 : vector<16x1xi32> to vector<16xi32>
    %gather3A_1020 = tpu.dynamic_gather %gather3A_853[%gather3A_1019] in [0] : vector<16xf32>, vector<16xi32> -> vector<16xf32>
    %broadcast_in_dim3A_1021 = arith.constant 14 : i32
    %broadcast_in_dim3A_1022 = vector.broadcast %broadcast_in_dim3A_1021 : i32 to vector<16xi32>
    %lt3A_1023 = arith.constant 0 : i32
    %lt3A_1024 = vector.broadcast %lt3A_1023 : i32 to vector<16xi32>
    %lt3A_1025 = arith.cmpi slt, %broadcast_in_dim3A_1022, %lt3A_1024 : vector<16xi32>
    %add3A_1026 = arith.constant 16 : i32
    %add3A_1027 = vector.broadcast %add3A_1026 : i32 to vector<16xi32>
    %add3A_1028 = arith.addi %broadcast_in_dim3A_1022, %add3A_1027 : vector<16xi32>
    %select_n3A_1029 = arith.select %lt3A_1025, %add3A_1028, %broadcast_in_dim3A_1022 : vector<16xi1>, vector<16xi32>
    %reshape3A_1030 = vector.shape_cast %select_n3A_1029 : vector<16xi32> to vector<16x1xi32>
    %gather3A_1031 = vector.shape_cast %reshape3A_1030 : vector<16x1xi32> to vector<16xi32>
    %gather3A_1032 = tpu.dynamic_gather %gather3A_853[%gather3A_1031] in [0] : vector<16xf32>, vector<16xi32> -> vector<16xf32>
    %broadcast_in_dim3A_1033 = arith.constant 15 : i32
    %broadcast_in_dim3A_1034 = vector.broadcast %broadcast_in_dim3A_1033 : i32 to vector<16xi32>
    %lt3A_1035 = arith.constant 0 : i32
    %lt3A_1036 = vector.broadcast %lt3A_1035 : i32 to vector<16xi32>
    %lt3A_1037 = arith.cmpi slt, %broadcast_in_dim3A_1034, %lt3A_1036 : vector<16xi32>
    %add3A_1038 = arith.constant 16 : i32
    %add3A_1039 = vector.broadcast %add3A_1038 : i32 to vector<16xi32>
    %add3A_1040 = arith.addi %broadcast_in_dim3A_1034, %add3A_1039 : vector<16xi32>
    %select_n3A_1041 = arith.select %lt3A_1037, %add3A_1040, %broadcast_in_dim3A_1034 : vector<16xi1>, vector<16xi32>
    %reshape3A_1042 = vector.shape_cast %select_n3A_1041 : vector<16xi32> to vector<16x1xi32>
    %gather3A_1043 = vector.shape_cast %reshape3A_1042 : vector<16x1xi32> to vector<16xi32>
    %gather3A_1044 = tpu.dynamic_gather %gather3A_853[%gather3A_1043] in [0] : vector<16xf32>, vector<16xi32> -> vector<16xf32>
    %add3A_1045 = arith.constant 1 : i32
    %add3A_1046 = vector.broadcast %add3A_1045 : i32 to vector<16xi32>
    %add3A_1047 = arith.addi %iota3A, %add3A_1046 : vector<16xi32>
    %min3A_1048 = arith.constant 15 : i32
    %min3A_1049 = vector.broadcast %min3A_1048 : i32 to vector<16xi32>
    %min3A_1050 = arith.minsi %add3A_1047, %min3A_1049 : vector<16xi32>
    %broadcast_in_dim3A_1051 = arith.constant 0.000000e+00 : f32
    %broadcast_in_dim3A_1052 = vector.broadcast %broadcast_in_dim3A_1051 : f32 to vector<16xf32>
    %parallel_loop3A = arith.constant 0 : i32
    %parallel_loop3A_1053 = arith.constant 196 : i32
    %parallel_loop3A_1054 = arith.constant 1 : i32
    %parallel_loop3A_1055 = scf.for %parallel_loop3A_1073 = %parallel_loop3A to %parallel_loop3A_1053 step %parallel_loop3A_1054 iter_args(%parallel_loop3A_1074 = %broadcast_in_dim3A_1052) -> (vector<16xf32>)  : i32 {
      %parallel_loop3A_1075 = arith.constant 16 : i32
      %parallel_loop3A_1076 = arith.muli %parallel_loop3A_1073, %parallel_loop3A_1075 : i32
      %parallel_loop3A_1077 = vector.broadcast %parallel_loop3A_1076 : i32 to vector<16xi32>
      %parallel_loop3A_1078 = arith.addi %iota3A, %parallel_loop3A_1077 : vector<16xi32>
      %parallel_loop3A_1079 = tpu.vector_load_idx %arg6[%parallel_loop3A_1078] : memref<3136xf32, #tpu.memory_space<vmem>>[vector<16xi32>], vector<16xf32>,
      %parallel_loop3A_1080 = arith.cmpf olt, %gather3A_864, %parallel_loop3A_1079 : vector<16xf32>
      %parallel_loop3A_1081 = arith.extui %parallel_loop3A_1080 : vector<16xi1> to vector<16xi32>
      %parallel_loop3A_1082 = arith.cmpf olt, %gather3A_876, %parallel_loop3A_1079 : vector<16xf32>
      %parallel_loop3A_1083 = arith.extui %parallel_loop3A_1082 : vector<16xi1> to vector<16xi32>
      %parallel_loop3A_1084 = arith.cmpf olt, %gather3A_888, %parallel_loop3A_1079 : vector<16xf32>
      %parallel_loop3A_1085 = arith.extui %parallel_loop3A_1084 : vector<16xi1> to vector<16xi32>
      %parallel_loop3A_1086 = arith.cmpf olt, %gather3A_900, %parallel_loop3A_1079 : vector<16xf32>
      %parallel_loop3A_1087 = arith.extui %parallel_loop3A_1086 : vector<16xi1> to vector<16xi32>
      %parallel_loop3A_1088 = arith.cmpf olt, %gather3A_912, %parallel_loop3A_1079 : vector<16xf32>
      %parallel_loop3A_1089 = arith.extui %parallel_loop3A_1088 : vector<16xi1> to vector<16xi32>
      %parallel_loop3A_1090 = arith.cmpf olt, %gather3A_924, %parallel_loop3A_1079 : vector<16xf32>
      %parallel_loop3A_1091 = arith.extui %parallel_loop3A_1090 : vector<16xi1> to vector<16xi32>
      %parallel_loop3A_1092 = arith.cmpf olt, %gather3A_936, %parallel_loop3A_1079 : vector<16xf32>
      %parallel_loop3A_1093 = arith.extui %parallel_loop3A_1092 : vector<16xi1> to vector<16xi32>
      %parallel_loop3A_1094 = arith.cmpf olt, %gather3A_948, %parallel_loop3A_1079 : vector<16xf32>
      %parallel_loop3A_1095 = arith.extui %parallel_loop3A_1094 : vector<16xi1> to vector<16xi32>
      %parallel_loop3A_1096 = arith.cmpf olt, %gather3A_960, %parallel_loop3A_1079 : vector<16xf32>
      %parallel_loop3A_1097 = arith.extui %parallel_loop3A_1096 : vector<16xi1> to vector<16xi32>
      %parallel_loop3A_1098 = arith.cmpf olt, %gather3A_972, %parallel_loop3A_1079 : vector<16xf32>
      %parallel_loop3A_1099 = arith.extui %parallel_loop3A_1098 : vector<16xi1> to vector<16xi32>
      %parallel_loop3A_1100 = arith.cmpf olt, %gather3A_984, %parallel_loop3A_1079 : vector<16xf32>
      %parallel_loop3A_1101 = arith.extui %parallel_loop3A_1100 : vector<16xi1> to vector<16xi32>
      %parallel_loop3A_1102 = arith.cmpf olt, %gather3A_996, %parallel_loop3A_1079 : vector<16xf32>
      %parallel_loop3A_1103 = arith.extui %parallel_loop3A_1102 : vector<16xi1> to vector<16xi32>
      %parallel_loop3A_1104 = arith.cmpf olt, %gather3A_1008, %parallel_loop3A_1079 : vector<16xf32>
      %parallel_loop3A_1105 = arith.extui %parallel_loop3A_1104 : vector<16xi1> to vector<16xi32>
      %parallel_loop3A_1106 = arith.cmpf olt, %gather3A_1020, %parallel_loop3A_1079 : vector<16xf32>
      %parallel_loop3A_1107 = arith.extui %parallel_loop3A_1106 : vector<16xi1> to vector<16xi32>
      %parallel_loop3A_1108 = arith.cmpf olt, %gather3A_1032, %parallel_loop3A_1079 : vector<16xf32>
      %parallel_loop3A_1109 = arith.extui %parallel_loop3A_1108 : vector<16xi1> to vector<16xi32>
      %parallel_loop3A_1110 = arith.cmpf olt, %gather3A_1044, %parallel_loop3A_1079 : vector<16xf32>
      %parallel_loop3A_1111 = arith.extui %parallel_loop3A_1110 : vector<16xi1> to vector<16xi32>
      %parallel_loop3A_1112 = arith.addi %parallel_loop3A_1081, %parallel_loop3A_1083 : vector<16xi32>
      %parallel_loop3A_1113 = arith.addi %parallel_loop3A_1085, %parallel_loop3A_1087 : vector<16xi32>
      %parallel_loop3A_1114 = arith.addi %parallel_loop3A_1089, %parallel_loop3A_1091 : vector<16xi32>
      %parallel_loop3A_1115 = arith.addi %parallel_loop3A_1093, %parallel_loop3A_1095 : vector<16xi32>
      %parallel_loop3A_1116 = arith.addi %parallel_loop3A_1097, %parallel_loop3A_1099 : vector<16xi32>
      %parallel_loop3A_1117 = arith.addi %parallel_loop3A_1101, %parallel_loop3A_1103 : vector<16xi32>
      %parallel_loop3A_1118 = arith.addi %parallel_loop3A_1105, %parallel_loop3A_1107 : vector<16xi32>
      %parallel_loop3A_1119 = arith.addi %parallel_loop3A_1109, %parallel_loop3A_1111 : vector<16xi32>
      %parallel_loop3A_1120 = arith.addi %parallel_loop3A_1112, %parallel_loop3A_1113 : vector<16xi32>
      %parallel_loop3A_1121 = arith.addi %parallel_loop3A_1114, %parallel_loop3A_1115 : vector<16xi32>
      %parallel_loop3A_1122 = arith.addi %parallel_loop3A_1116, %parallel_loop3A_1117 : vector<16xi32>
      %parallel_loop3A_1123 = arith.addi %parallel_loop3A_1118, %parallel_loop3A_1119 : vector<16xi32>
      %parallel_loop3A_1124 = arith.addi %parallel_loop3A_1120, %parallel_loop3A_1121 : vector<16xi32>
      %parallel_loop3A_1125 = arith.addi %parallel_loop3A_1122, %parallel_loop3A_1123 : vector<16xi32>
      %parallel_loop3A_1126 = arith.addi %parallel_loop3A_1124, %parallel_loop3A_1125 : vector<16xi32>
      %parallel_loop3A_1127 = arith.constant 16 : i32
      %parallel_loop3A_1128 = vector.broadcast %parallel_loop3A_1127 : i32 to vector<16xi32>
      %parallel_loop3A_1129 = arith.muli %parallel_loop3A_1126, %parallel_loop3A_1128 : vector<16xi32>
      %parallel_loop3A_1130 = arith.constant 7 : i32
      %parallel_loop3A_1131 = vector.broadcast %parallel_loop3A_1130 : i32 to vector<16xi32>
      %parallel_loop3A_1132 = arith.addi %parallel_loop3A_1129, %parallel_loop3A_1131 : vector<16xi32>
      %parallel_loop3A_1133 = tpu.vector_load_idx %arg7[%parallel_loop3A_1132] : memref<400xf32, #tpu.memory_space<vmem>>[vector<16xi32>], vector<16xf32>,
      %parallel_loop3A_1134 = arith.cmpf olt, %parallel_loop3A_1133, %parallel_loop3A_1079 : vector<16xf32>
      %parallel_loop3A_1135 = arith.constant 8 : i32
      %parallel_loop3A_1136 = vector.broadcast %parallel_loop3A_1135 : i32 to vector<16xi32>
      %parallel_loop3A_1137 = arith.addi %parallel_loop3A_1129, %parallel_loop3A_1136 : vector<16xi32>
      %parallel_loop3A_1138 = arith.select %parallel_loop3A_1134, %parallel_loop3A_1137, %parallel_loop3A_1129 : vector<16xi1>, vector<16xi32>
      %parallel_loop3A_1139 = arith.constant 3 : i32
      %parallel_loop3A_1140 = vector.broadcast %parallel_loop3A_1139 : i32 to vector<16xi32>
      %parallel_loop3A_1141 = arith.addi %parallel_loop3A_1138, %parallel_loop3A_1140 : vector<16xi32>
      %parallel_loop3A_1142 = tpu.vector_load_idx %arg7[%parallel_loop3A_1141] : memref<400xf32, #tpu.memory_space<vmem>>[vector<16xi32>], vector<16xf32>,
      %parallel_loop3A_1143 = arith.cmpf olt, %parallel_loop3A_1142, %parallel_loop3A_1079 : vector<16xf32>
      %parallel_loop3A_1144 = arith.constant 4 : i32
      %parallel_loop3A_1145 = vector.broadcast %parallel_loop3A_1144 : i32 to vector<16xi32>
      %parallel_loop3A_1146 = arith.addi %parallel_loop3A_1138, %parallel_loop3A_1145 : vector<16xi32>
      %parallel_loop3A_1147 = arith.select %parallel_loop3A_1143, %parallel_loop3A_1146, %parallel_loop3A_1138 : vector<16xi1>, vector<16xi32>
      %parallel_loop3A_1148 = arith.constant 1 : i32
      %parallel_loop3A_1149 = vector.broadcast %parallel_loop3A_1148 : i32 to vector<16xi32>
      %parallel_loop3A_1150 = arith.addi %parallel_loop3A_1147, %parallel_loop3A_1149 : vector<16xi32>
      %parallel_loop3A_1151 = tpu.vector_load_idx %arg7[%parallel_loop3A_1150] : memref<400xf32, #tpu.memory_space<vmem>>[vector<16xi32>], vector<16xf32>,
      %parallel_loop3A_1152 = arith.cmpf olt, %parallel_loop3A_1151, %parallel_loop3A_1079 : vector<16xf32>
      %parallel_loop3A_1153 = arith.constant 2 : i32
      %parallel_loop3A_1154 = vector.broadcast %parallel_loop3A_1153 : i32 to vector<16xi32>
      %parallel_loop3A_1155 = arith.addi %parallel_loop3A_1147, %parallel_loop3A_1154 : vector<16xi32>
      %parallel_loop3A_1156 = arith.select %parallel_loop3A_1152, %parallel_loop3A_1155, %parallel_loop3A_1147 : vector<16xi1>, vector<16xi32>
      %parallel_loop3A_1157 = arith.constant 0 : i32
      %parallel_loop3A_1158 = vector.broadcast %parallel_loop3A_1157 : i32 to vector<16xi32>
      %parallel_loop3A_1159 = arith.addi %parallel_loop3A_1156, %parallel_loop3A_1158 : vector<16xi32>
      %parallel_loop3A_1160 = tpu.vector_load_idx %arg7[%parallel_loop3A_1159] : memref<400xf32, #tpu.memory_space<vmem>>[vector<16xi32>], vector<16xf32>,
      %parallel_loop3A_1161 = arith.cmpf olt, %parallel_loop3A_1160, %parallel_loop3A_1079 : vector<16xf32>
      %parallel_loop3A_1162 = arith.constant 1 : i32
      %parallel_loop3A_1163 = vector.broadcast %parallel_loop3A_1162 : i32 to vector<16xi32>
      %parallel_loop3A_1164 = arith.addi %parallel_loop3A_1156, %parallel_loop3A_1163 : vector<16xi32>
      %parallel_loop3A_1165 = arith.select %parallel_loop3A_1161, %parallel_loop3A_1164, %parallel_loop3A_1156 : vector<16xi1>, vector<16xi32>
      %parallel_loop3A_1166 = arith.constant 1 : i32
      %parallel_loop3A_1167 = vector.broadcast %parallel_loop3A_1166 : i32 to vector<16xi32>
      %parallel_loop3A_1168 = arith.subi %parallel_loop3A_1165, %parallel_loop3A_1167 : vector<16xi32>
      %parallel_loop3A_1169 = arith.constant 0 : i32
      %parallel_loop3A_1170 = vector.broadcast %parallel_loop3A_1169 : i32 to vector<16xi32>
      %parallel_loop3A_1171 = arith.maxsi %parallel_loop3A_1168, %parallel_loop3A_1170 : vector<16xi32>
      %parallel_loop3A_1172 = tpu.vector_load_idx %arg7[%parallel_loop3A_1171] : memref<400xf32, #tpu.memory_space<vmem>>[vector<16xi32>], vector<16xf32>,
      %parallel_loop3A_1173 = arith.constant 0 : i32
      %parallel_loop3A_1174 = vector.broadcast %parallel_loop3A_1173 : i32 to vector<16xi32>
      %parallel_loop3A_1175 = arith.cmpi sgt, %parallel_loop3A_1165, %parallel_loop3A_1174 : vector<16xi32>
      %parallel_loop3A_1176 = arith.constant -3.000000e+38 : f32
      %parallel_loop3A_1177 = vector.broadcast %parallel_loop3A_1176 : f32 to vector<16xf32>
      %parallel_loop3A_1178 = arith.select %parallel_loop3A_1175, %parallel_loop3A_1172, %parallel_loop3A_1177 : vector<16xi1>, vector<16xf32>
      %parallel_loop3A_1179 = tpu.vector_load_idx %arg7[%parallel_loop3A_1165] : memref<400xf32, #tpu.memory_space<vmem>>[vector<16xi32>], vector<16xf32>,
      %parallel_loop3A_1180 = arith.subf %parallel_loop3A_1079, %parallel_loop3A_1178 : vector<16xf32>
      %parallel_loop3A_1181 = arith.subf %parallel_loop3A_1179, %parallel_loop3A_1079 : vector<16xf32>
      %parallel_loop3A_1182 = arith.constant dense<true> : vector<16xi1>
      %parallel_loop3A_1183 = arith.constant -2147483648 : i32
      %parallel_loop3A_1184 = vector.broadcast %parallel_loop3A_1183 : i32 to vector<16xi32>
      %parallel_loop3A_1185 = arith.xori %parallel_loop3A_1165, %parallel_loop3A_1184 : vector<16xi32>
      %parallel_loop3A_1186, %parallel_loop3A_1187, %parallel_loop3A_1188 = tpu.sort %parallel_loop3A_1185, %parallel_loop3A_1079 masked %parallel_loop3A_1182 : (vector<16xi32>, vector<16xf32>, vector<16xi1>) -> (vector<16xi1>, vector<16xi32>, vector<16xf32>)
      %parallel_loop3A_1189 = arith.xori %parallel_loop3A_1187, %parallel_loop3A_1184 : vector<16xi32>
      %parallel_loop3A_1190 = arith.constant 1 : i32
      %parallel_loop3A_1191 = vector.broadcast %parallel_loop3A_1190 : i32 to vector<16xi32>
      %parallel_loop3A_1192 = arith.subi %iota3A, %parallel_loop3A_1191 : vector<16xi32>
      %parallel_loop3A_1193 = arith.constant 0 : i32
      %parallel_loop3A_1194 = vector.broadcast %parallel_loop3A_1193 : i32 to vector<16xi32>
      %parallel_loop3A_1195 = arith.maxsi %parallel_loop3A_1192, %parallel_loop3A_1194 : vector<16xi32>
      %parallel_loop3A_1196 = arith.constant 0 : i32
      %parallel_loop3A_1197 = vector.broadcast %parallel_loop3A_1196 : i32 to vector<16xi32>
      %parallel_loop3A_1198 = arith.cmpi slt, %parallel_loop3A_1195, %parallel_loop3A_1197 : vector<16xi32>
      %parallel_loop3A_1199 = arith.constant 16 : i32
      %parallel_loop3A_1200 = vector.broadcast %parallel_loop3A_1199 : i32 to vector<16xi32>
      %parallel_loop3A_1201 = arith.addi %parallel_loop3A_1195, %parallel_loop3A_1200 : vector<16xi32>
      %parallel_loop3A_1202 = arith.select %parallel_loop3A_1198, %parallel_loop3A_1201, %parallel_loop3A_1195 : vector<16xi1>, vector<16xi32>
      %parallel_loop3A_1203 = vector.shape_cast %parallel_loop3A_1202 : vector<16xi32> to vector<16x1xi32>
      %parallel_loop3A_1204 = vector.shape_cast %parallel_loop3A_1203 : vector<16x1xi32> to vector<16xi32>
      %parallel_loop3A_1205 = tpu.dynamic_gather %parallel_loop3A_1189[%parallel_loop3A_1204] in [0] : vector<16xi32>, vector<16xi32> -> vector<16xi32>
      %parallel_loop3A_1206 = arith.constant 0 : i32
      %parallel_loop3A_1207 = vector.broadcast %parallel_loop3A_1206 : i32 to vector<16xi32>
      %parallel_loop3A_1208 = arith.cmpi slt, %parallel_loop3A_1195, %parallel_loop3A_1207 : vector<16xi32>
      %parallel_loop3A_1209 = arith.constant 16 : i32
      %parallel_loop3A_1210 = vector.broadcast %parallel_loop3A_1209 : i32 to vector<16xi32>
      %parallel_loop3A_1211 = arith.addi %parallel_loop3A_1195, %parallel_loop3A_1210 : vector<16xi32>
      %parallel_loop3A_1212 = arith.select %parallel_loop3A_1208, %parallel_loop3A_1211, %parallel_loop3A_1195 : vector<16xi1>, vector<16xi32>
      %parallel_loop3A_1213 = vector.shape_cast %parallel_loop3A_1212 : vector<16xi32> to vector<16x1xi32>
      %parallel_loop3A_1214 = vector.shape_cast %parallel_loop3A_1213 : vector<16x1xi32> to vector<16xi32>
      %parallel_loop3A_1215 = tpu.dynamic_gather %parallel_loop3A_1188[%parallel_loop3A_1214] in [0] : vector<16xf32>, vector<16xi32> -> vector<16xf32>
      %parallel_loop3A_1216 = arith.constant 0 : i32
      %parallel_loop3A_1217 = vector.broadcast %parallel_loop3A_1216 : i32 to vector<16xi32>
      %parallel_loop3A_1218 = arith.cmpi slt, %parallel_loop3A_1195, %parallel_loop3A_1217 : vector<16xi32>
      %parallel_loop3A_1219 = arith.constant 16 : i32
      %parallel_loop3A_1220 = vector.broadcast %parallel_loop3A_1219 : i32 to vector<16xi32>
      %parallel_loop3A_1221 = arith.addi %parallel_loop3A_1195, %parallel_loop3A_1220 : vector<16xi32>
      %parallel_loop3A_1222 = arith.select %parallel_loop3A_1218, %parallel_loop3A_1221, %parallel_loop3A_1195 : vector<16xi1>, vector<16xi32>
      %parallel_loop3A_1223 = vector.shape_cast %parallel_loop3A_1222 : vector<16xi32> to vector<16x1xi32>
      %parallel_loop3A_1224 = vector.shape_cast %parallel_loop3A_1223 : vector<16x1xi32> to vector<16xi32>
      %parallel_loop3A_1225 = tpu.dynamic_gather %parallel_loop3A_1188[%parallel_loop3A_1224] in [0] : vector<16xf32>, vector<16xi32> -> vector<16xf32>
      %parallel_loop3A_1226 = arith.cmpi eq, %parallel_loop3A_1205, %parallel_loop3A_1189 : vector<16xi32>
      %parallel_loop3A_1227 = arith.constant 1 : i32
      %parallel_loop3A_1228 = vector.broadcast %parallel_loop3A_1227 : i32 to vector<16xi32>
      %parallel_loop3A_1229 = arith.cmpi sge, %iota3A, %parallel_loop3A_1228 : vector<16xi32>
      %parallel_loop3A_1230 = arith.andi %parallel_loop3A_1226, %parallel_loop3A_1229 : vector<16xi1>
      %parallel_loop3A_1231 = arith.maximumf %parallel_loop3A_1188, %parallel_loop3A_1215 : vector<16xf32>
      %parallel_loop3A_1232 = arith.select %parallel_loop3A_1230, %parallel_loop3A_1231, %parallel_loop3A_1188 : vector<16xi1>, vector<16xf32>
      %parallel_loop3A_1233 = arith.minimumf %parallel_loop3A_1188, %parallel_loop3A_1225 : vector<16xf32>
      %parallel_loop3A_1234 = arith.select %parallel_loop3A_1230, %parallel_loop3A_1233, %parallel_loop3A_1188 : vector<16xi1>, vector<16xf32>
      %parallel_loop3A_1235 = arith.constant 2 : i32
      %parallel_loop3A_1236 = vector.broadcast %parallel_loop3A_1235 : i32 to vector<16xi32>
      %parallel_loop3A_1237 = arith.subi %iota3A, %parallel_loop3A_1236 : vector<16xi32>
      %parallel_loop3A_1238 = arith.constant 0 : i32
      %parallel_loop3A_1239 = vector.broadcast %parallel_loop3A_1238 : i32 to vector<16xi32>
      %parallel_loop3A_1240 = arith.maxsi %parallel_loop3A_1237, %parallel_loop3A_1239 : vector<16xi32>
      %parallel_loop3A_1241 = arith.constant 0 : i32
      %parallel_loop3A_1242 = vector.broadcast %parallel_loop3A_1241 : i32 to vector<16xi32>
      %parallel_loop3A_1243 = arith.cmpi slt, %parallel_loop3A_1240, %parallel_loop3A_1242 : vector<16xi32>
      %parallel_loop3A_1244 = arith.constant 16 : i32
      %parallel_loop3A_1245 = vector.broadcast %parallel_loop3A_1244 : i32 to vector<16xi32>
      %parallel_loop3A_1246 = arith.addi %parallel_loop3A_1240, %parallel_loop3A_1245 : vector<16xi32>
      %parallel_loop3A_1247 = arith.select %parallel_loop3A_1243, %parallel_loop3A_1246, %parallel_loop3A_1240 : vector<16xi1>, vector<16xi32>
      %parallel_loop3A_1248 = vector.shape_cast %parallel_loop3A_1247 : vector<16xi32> to vector<16x1xi32>
      %parallel_loop3A_1249 = vector.shape_cast %parallel_loop3A_1248 : vector<16x1xi32> to vector<16xi32>
      %parallel_loop3A_1250 = tpu.dynamic_gather %parallel_loop3A_1189[%parallel_loop3A_1249] in [0] : vector<16xi32>, vector<16xi32> -> vector<16xi32>
      %parallel_loop3A_1251 = arith.constant 0 : i32
      %parallel_loop3A_1252 = vector.broadcast %parallel_loop3A_1251 : i32 to vector<16xi32>
      %parallel_loop3A_1253 = arith.cmpi slt, %parallel_loop3A_1240, %parallel_loop3A_1252 : vector<16xi32>
      %parallel_loop3A_1254 = arith.constant 16 : i32
      %parallel_loop3A_1255 = vector.broadcast %parallel_loop3A_1254 : i32 to vector<16xi32>
      %parallel_loop3A_1256 = arith.addi %parallel_loop3A_1240, %parallel_loop3A_1255 : vector<16xi32>
      %parallel_loop3A_1257 = arith.select %parallel_loop3A_1253, %parallel_loop3A_1256, %parallel_loop3A_1240 : vector<16xi1>, vector<16xi32>
      %parallel_loop3A_1258 = vector.shape_cast %parallel_loop3A_1257 : vector<16xi32> to vector<16x1xi32>
      %parallel_loop3A_1259 = vector.shape_cast %parallel_loop3A_1258 : vector<16x1xi32> to vector<16xi32>
      %parallel_loop3A_1260 = tpu.dynamic_gather %parallel_loop3A_1232[%parallel_loop3A_1259] in [0] : vector<16xf32>, vector<16xi32> -> vector<16xf32>
      %parallel_loop3A_1261 = arith.constant 0 : i32
      %parallel_loop3A_1262 = vector.broadcast %parallel_loop3A_1261 : i32 to vector<16xi32>
      %parallel_loop3A_1263 = arith.cmpi slt, %parallel_loop3A_1240, %parallel_loop3A_1262 : vector<16xi32>
      %parallel_loop3A_1264 = arith.constant 16 : i32
      %parallel_loop3A_1265 = vector.broadcast %parallel_loop3A_1264 : i32 to vector<16xi32>
      %parallel_loop3A_1266 = arith.addi %parallel_loop3A_1240, %parallel_loop3A_1265 : vector<16xi32>
      %parallel_loop3A_1267 = arith.select %parallel_loop3A_1263, %parallel_loop3A_1266, %parallel_loop3A_1240 : vector<16xi1>, vector<16xi32>
      %parallel_loop3A_1268 = vector.shape_cast %parallel_loop3A_1267 : vector<16xi32> to vector<16x1xi32>
      %parallel_loop3A_1269 = vector.shape_cast %parallel_loop3A_1268 : vector<16x1xi32> to vector<16xi32>
      %parallel_loop3A_1270 = tpu.dynamic_gather %parallel_loop3A_1234[%parallel_loop3A_1269] in [0] : vector<16xf32>, vector<16xi32> -> vector<16xf32>
      %parallel_loop3A_1271 = arith.cmpi eq, %parallel_loop3A_1250, %parallel_loop3A_1189 : vector<16xi32>
      %parallel_loop3A_1272 = arith.constant 2 : i32
      %parallel_loop3A_1273 = vector.broadcast %parallel_loop3A_1272 : i32 to vector<16xi32>
      %parallel_loop3A_1274 = arith.cmpi sge, %iota3A, %parallel_loop3A_1273 : vector<16xi32>
      %parallel_loop3A_1275 = arith.andi %parallel_loop3A_1271, %parallel_loop3A_1274 : vector<16xi1>
      %parallel_loop3A_1276 = arith.maximumf %parallel_loop3A_1232, %parallel_loop3A_1260 : vector<16xf32>
      %parallel_loop3A_1277 = arith.select %parallel_loop3A_1275, %parallel_loop3A_1276, %parallel_loop3A_1232 : vector<16xi1>, vector<16xf32>
      %parallel_loop3A_1278 = arith.minimumf %parallel_loop3A_1234, %parallel_loop3A_1270 : vector<16xf32>
      %parallel_loop3A_1279 = arith.select %parallel_loop3A_1275, %parallel_loop3A_1278, %parallel_loop3A_1234 : vector<16xi1>, vector<16xf32>
      %parallel_loop3A_1280 = arith.constant 4 : i32
      %parallel_loop3A_1281 = vector.broadcast %parallel_loop3A_1280 : i32 to vector<16xi32>
      %parallel_loop3A_1282 = arith.subi %iota3A, %parallel_loop3A_1281 : vector<16xi32>
      %parallel_loop3A_1283 = arith.constant 0 : i32
      %parallel_loop3A_1284 = vector.broadcast %parallel_loop3A_1283 : i32 to vector<16xi32>
      %parallel_loop3A_1285 = arith.maxsi %parallel_loop3A_1282, %parallel_loop3A_1284 : vector<16xi32>
      %parallel_loop3A_1286 = arith.constant 0 : i32
      %parallel_loop3A_1287 = vector.broadcast %parallel_loop3A_1286 : i32 to vector<16xi32>
      %parallel_loop3A_1288 = arith.cmpi slt, %parallel_loop3A_1285, %parallel_loop3A_1287 : vector<16xi32>
      %parallel_loop3A_1289 = arith.constant 16 : i32
      %parallel_loop3A_1290 = vector.broadcast %parallel_loop3A_1289 : i32 to vector<16xi32>
      %parallel_loop3A_1291 = arith.addi %parallel_loop3A_1285, %parallel_loop3A_1290 : vector<16xi32>
      %parallel_loop3A_1292 = arith.select %parallel_loop3A_1288, %parallel_loop3A_1291, %parallel_loop3A_1285 : vector<16xi1>, vector<16xi32>
      %parallel_loop3A_1293 = vector.shape_cast %parallel_loop3A_1292 : vector<16xi32> to vector<16x1xi32>
      %parallel_loop3A_1294 = vector.shape_cast %parallel_loop3A_1293 : vector<16x1xi32> to vector<16xi32>
      %parallel_loop3A_1295 = tpu.dynamic_gather %parallel_loop3A_1189[%parallel_loop3A_1294] in [0] : vector<16xi32>, vector<16xi32> -> vector<16xi32>
      %parallel_loop3A_1296 = arith.constant 0 : i32
      %parallel_loop3A_1297 = vector.broadcast %parallel_loop3A_1296 : i32 to vector<16xi32>
      %parallel_loop3A_1298 = arith.cmpi slt, %parallel_loop3A_1285, %parallel_loop3A_1297 : vector<16xi32>
      %parallel_loop3A_1299 = arith.constant 16 : i32
      %parallel_loop3A_1300 = vector.broadcast %parallel_loop3A_1299 : i32 to vector<16xi32>
      %parallel_loop3A_1301 = arith.addi %parallel_loop3A_1285, %parallel_loop3A_1300 : vector<16xi32>
      %parallel_loop3A_1302 = arith.select %parallel_loop3A_1298, %parallel_loop3A_1301, %parallel_loop3A_1285 : vector<16xi1>, vector<16xi32>
      %parallel_loop3A_1303 = vector.shape_cast %parallel_loop3A_1302 : vector<16xi32> to vector<16x1xi32>
      %parallel_loop3A_1304 = vector.shape_cast %parallel_loop3A_1303 : vector<16x1xi32> to vector<16xi32>
      %parallel_loop3A_1305 = tpu.dynamic_gather %parallel_loop3A_1277[%parallel_loop3A_1304] in [0] : vector<16xf32>, vector<16xi32> -> vector<16xf32>
      %parallel_loop3A_1306 = arith.constant 0 : i32
      %parallel_loop3A_1307 = vector.broadcast %parallel_loop3A_1306 : i32 to vector<16xi32>
      %parallel_loop3A_1308 = arith.cmpi slt, %parallel_loop3A_1285, %parallel_loop3A_1307 : vector<16xi32>
      %parallel_loop3A_1309 = arith.constant 16 : i32
      %parallel_loop3A_1310 = vector.broadcast %parallel_loop3A_1309 : i32 to vector<16xi32>
      %parallel_loop3A_1311 = arith.addi %parallel_loop3A_1285, %parallel_loop3A_1310 : vector<16xi32>
      %parallel_loop3A_1312 = arith.select %parallel_loop3A_1308, %parallel_loop3A_1311, %parallel_loop3A_1285 : vector<16xi1>, vector<16xi32>
      %parallel_loop3A_1313 = vector.shape_cast %parallel_loop3A_1312 : vector<16xi32> to vector<16x1xi32>
      %parallel_loop3A_1314 = vector.shape_cast %parallel_loop3A_1313 : vector<16x1xi32> to vector<16xi32>
      %parallel_loop3A_1315 = tpu.dynamic_gather %parallel_loop3A_1279[%parallel_loop3A_1314] in [0] : vector<16xf32>, vector<16xi32> -> vector<16xf32>
      %parallel_loop3A_1316 = arith.cmpi eq, %parallel_loop3A_1295, %parallel_loop3A_1189 : vector<16xi32>
      %parallel_loop3A_1317 = arith.constant 4 : i32
      %parallel_loop3A_1318 = vector.broadcast %parallel_loop3A_1317 : i32 to vector<16xi32>
      %parallel_loop3A_1319 = arith.cmpi sge, %iota3A, %parallel_loop3A_1318 : vector<16xi32>
      %parallel_loop3A_1320 = arith.andi %parallel_loop3A_1316, %parallel_loop3A_1319 : vector<16xi1>
      %parallel_loop3A_1321 = arith.maximumf %parallel_loop3A_1277, %parallel_loop3A_1305 : vector<16xf32>
      %parallel_loop3A_1322 = arith.select %parallel_loop3A_1320, %parallel_loop3A_1321, %parallel_loop3A_1277 : vector<16xi1>, vector<16xf32>
      %parallel_loop3A_1323 = arith.minimumf %parallel_loop3A_1279, %parallel_loop3A_1315 : vector<16xf32>
      %parallel_loop3A_1324 = arith.select %parallel_loop3A_1320, %parallel_loop3A_1323, %parallel_loop3A_1279 : vector<16xi1>, vector<16xf32>
      %parallel_loop3A_1325 = arith.constant 8 : i32
      %parallel_loop3A_1326 = vector.broadcast %parallel_loop3A_1325 : i32 to vector<16xi32>
      %parallel_loop3A_1327 = arith.subi %iota3A, %parallel_loop3A_1326 : vector<16xi32>
      %parallel_loop3A_1328 = arith.constant 0 : i32
      %parallel_loop3A_1329 = vector.broadcast %parallel_loop3A_1328 : i32 to vector<16xi32>
      %parallel_loop3A_1330 = arith.maxsi %parallel_loop3A_1327, %parallel_loop3A_1329 : vector<16xi32>
      %parallel_loop3A_1331 = arith.constant 0 : i32
      %parallel_loop3A_1332 = vector.broadcast %parallel_loop3A_1331 : i32 to vector<16xi32>
      %parallel_loop3A_1333 = arith.cmpi slt, %parallel_loop3A_1330, %parallel_loop3A_1332 : vector<16xi32>
      %parallel_loop3A_1334 = arith.constant 16 : i32
      %parallel_loop3A_1335 = vector.broadcast %parallel_loop3A_1334 : i32 to vector<16xi32>
      %parallel_loop3A_1336 = arith.addi %parallel_loop3A_1330, %parallel_loop3A_1335 : vector<16xi32>
      %parallel_loop3A_1337 = arith.select %parallel_loop3A_1333, %parallel_loop3A_1336, %parallel_loop3A_1330 : vector<16xi1>, vector<16xi32>
      %parallel_loop3A_1338 = vector.shape_cast %parallel_loop3A_1337 : vector<16xi32> to vector<16x1xi32>
      %parallel_loop3A_1339 = vector.shape_cast %parallel_loop3A_1338 : vector<16x1xi32> to vector<16xi32>
      %parallel_loop3A_1340 = tpu.dynamic_gather %parallel_loop3A_1189[%parallel_loop3A_1339] in [0] : vector<16xi32>, vector<16xi32> -> vector<16xi32>
      %parallel_loop3A_1341 = arith.constant 0 : i32
      %parallel_loop3A_1342 = vector.broadcast %parallel_loop3A_1341 : i32 to vector<16xi32>
      %parallel_loop3A_1343 = arith.cmpi slt, %parallel_loop3A_1330, %parallel_loop3A_1342 : vector<16xi32>
      %parallel_loop3A_1344 = arith.constant 16 : i32
      %parallel_loop3A_1345 = vector.broadcast %parallel_loop3A_1344 : i32 to vector<16xi32>
      %parallel_loop3A_1346 = arith.addi %parallel_loop3A_1330, %parallel_loop3A_1345 : vector<16xi32>
      %parallel_loop3A_1347 = arith.select %parallel_loop3A_1343, %parallel_loop3A_1346, %parallel_loop3A_1330 : vector<16xi1>, vector<16xi32>
      %parallel_loop3A_1348 = vector.shape_cast %parallel_loop3A_1347 : vector<16xi32> to vector<16x1xi32>
      %parallel_loop3A_1349 = vector.shape_cast %parallel_loop3A_1348 : vector<16x1xi32> to vector<16xi32>
      %parallel_loop3A_1350 = tpu.dynamic_gather %parallel_loop3A_1322[%parallel_loop3A_1349] in [0] : vector<16xf32>, vector<16xi32> -> vector<16xf32>
      %parallel_loop3A_1351 = arith.constant 0 : i32
      %parallel_loop3A_1352 = vector.broadcast %parallel_loop3A_1351 : i32 to vector<16xi32>
      %parallel_loop3A_1353 = arith.cmpi slt, %parallel_loop3A_1330, %parallel_loop3A_1352 : vector<16xi32>
      %parallel_loop3A_1354 = arith.constant 16 : i32
      %parallel_loop3A_1355 = vector.broadcast %parallel_loop3A_1354 : i32 to vector<16xi32>
      %parallel_loop3A_1356 = arith.addi %parallel_loop3A_1330, %parallel_loop3A_1355 : vector<16xi32>
      %parallel_loop3A_1357 = arith.select %parallel_loop3A_1353, %parallel_loop3A_1356, %parallel_loop3A_1330 : vector<16xi1>, vector<16xi32>
      %parallel_loop3A_1358 = vector.shape_cast %parallel_loop3A_1357 : vector<16xi32> to vector<16x1xi32>
      %parallel_loop3A_1359 = vector.shape_cast %parallel_loop3A_1358 : vector<16x1xi32> to vector<16xi32>
      %parallel_loop3A_1360 = tpu.dynamic_gather %parallel_loop3A_1324[%parallel_loop3A_1359] in [0] : vector<16xf32>, vector<16xi32> -> vector<16xf32>
      %parallel_loop3A_1361 = arith.cmpi eq, %parallel_loop3A_1340, %parallel_loop3A_1189 : vector<16xi32>
      %parallel_loop3A_1362 = arith.constant 8 : i32
      %parallel_loop3A_1363 = vector.broadcast %parallel_loop3A_1362 : i32 to vector<16xi32>
      %parallel_loop3A_1364 = arith.cmpi sge, %iota3A, %parallel_loop3A_1363 : vector<16xi32>
      %parallel_loop3A_1365 = arith.andi %parallel_loop3A_1361, %parallel_loop3A_1364 : vector<16xi1>
      %parallel_loop3A_1366 = arith.maximumf %parallel_loop3A_1322, %parallel_loop3A_1350 : vector<16xf32>
      %parallel_loop3A_1367 = arith.select %parallel_loop3A_1365, %parallel_loop3A_1366, %parallel_loop3A_1322 : vector<16xi1>, vector<16xf32>
      %parallel_loop3A_1368 = arith.minimumf %parallel_loop3A_1324, %parallel_loop3A_1360 : vector<16xf32>
      %parallel_loop3A_1369 = arith.select %parallel_loop3A_1365, %parallel_loop3A_1368, %parallel_loop3A_1324 : vector<16xi1>, vector<16xf32>
      %parallel_loop3A_1370 = arith.constant 16 : i32
      %parallel_loop3A_1371 = arith.muli %parallel_loop3A_1073, %parallel_loop3A_1370 : i32
      %parallel_loop3A_1372 = arith.index_cast %parallel_loop3A_1371 : i32 to index
      %parallel_loop3A_1373 = tpu.vector_load %arg8[%parallel_loop3A_1372] {strides = array<i32>} : memref<3136xi32, #tpu.memory_space<vmem>>, vector<16xi32>,
      tpu.vector_store %arg8[%parallel_loop3A_1372], %parallel_loop3A_1189 {strides = array<i32>} : memref<3136xi32, #tpu.memory_space<vmem>>, vector<16xi32>,
      %parallel_loop3A_1374 = arith.constant 16 : i32
      %parallel_loop3A_1375 = arith.muli %parallel_loop3A_1073, %parallel_loop3A_1374 : i32
      %parallel_loop3A_1376 = arith.index_cast %parallel_loop3A_1375 : i32 to index
      %parallel_loop3A_1377 = tpu.vector_load %arg9[%parallel_loop3A_1376] {strides = array<i32>} : memref<3136xf32, #tpu.memory_space<vmem>>, vector<16xf32>,
      tpu.vector_store %arg9[%parallel_loop3A_1376], %parallel_loop3A_1367 {strides = array<i32>} : memref<3136xf32, #tpu.memory_space<vmem>>, vector<16xf32>,
      %parallel_loop3A_1378 = arith.constant 16 : i32
      %parallel_loop3A_1379 = arith.muli %parallel_loop3A_1073, %parallel_loop3A_1378 : i32
      %parallel_loop3A_1380 = arith.index_cast %parallel_loop3A_1379 : i32 to index
      %parallel_loop3A_1381 = tpu.vector_load %arg10[%parallel_loop3A_1380] {strides = array<i32>} : memref<3136xf32, #tpu.memory_space<vmem>>, vector<16xf32>,
      tpu.vector_store %arg10[%parallel_loop3A_1380], %parallel_loop3A_1369 {strides = array<i32>} : memref<3136xf32, #tpu.memory_space<vmem>>, vector<16xf32>,
      %parallel_loop3A_1382 = arith.mulf %parallel_loop3A_1180, %parallel_loop3A_1180 : vector<16xf32>
      %parallel_loop3A_1383 = arith.mulf %parallel_loop3A_1181, %parallel_loop3A_1181 : vector<16xf32>
      %parallel_loop3A_1384 = arith.minimumf %parallel_loop3A_1382, %parallel_loop3A_1383 : vector<16xf32>
      %parallel_loop3A_1385 = arith.addf %parallel_loop3A_1074, %parallel_loop3A_1384 : vector<16xf32>
      scf.yield %parallel_loop3A_1385 : vector<16xf32>
    } {sc.loop_unroll_factor = 4 : i64, sc.parallel_access}
    %scan3A = arith.constant 0 : i32
    %scan3A_1056 = arith.constant 0 : i32
    %scan3A_1057 = arith.constant 196 : i32
    %scan3A_1058 = arith.addi %scan3A_1056, %scan3A_1057 : i32
    %scan3A_1059 = arith.constant 1 : i32
    %scan3A_1060 = scf.for %scan3A_1073 = %scan3A_1056 to %scan3A_1058 step %scan3A_1059 iter_args(%scan3A_1074 = %scan3A) -> (i32)  : i32 {
      %mul3A_1075 = arith.constant 16 : i32
      %mul3A_1076 = arith.muli %scan3A_1073, %mul3A_1075 : i32
      %add3A_1077 = vector.broadcast %mul3A_1076 : i32 to vector<16xi32>
      %add3A_1078 = arith.addi %iota3A, %add3A_1077 : vector<16xi32>
      %gather3A_1079 = tpu.vector_load_idx %arg8[%add3A_1078] : memref<3136xi32, #tpu.memory_space<vmem>>[vector<16xi32>], vector<16xi32>,
      %mul3A_1080 = arith.constant 16 : i32
      %mul3A_1081 = arith.muli %scan3A_1073, %mul3A_1080 : i32
      %add3A_1082 = vector.broadcast %mul3A_1081 : i32 to vector<16xi32>
      %add3A_1083 = arith.addi %iota3A, %add3A_1082 : vector<16xi32>
      %gather3A_1084 = tpu.vector_load_idx %arg9[%add3A_1083] : memref<3136xf32, #tpu.memory_space<vmem>>[vector<16xi32>], vector<16xf32>,
      %mul3A_1085 = arith.constant 16 : i32
      %mul3A_1086 = arith.muli %scan3A_1073, %mul3A_1085 : i32
      %add3A_1087 = vector.broadcast %mul3A_1086 : i32 to vector<16xi32>
      %add3A_1088 = arith.addi %iota3A, %add3A_1087 : vector<16xi32>
      %gather3A_1089 = tpu.vector_load_idx %arg10[%add3A_1088] : memref<3136xf32, #tpu.memory_space<vmem>>[vector<16xi32>], vector<16xf32>,
      %lt3A_1090 = arith.constant 0 : i32
      %lt3A_1091 = vector.broadcast %lt3A_1090 : i32 to vector<16xi32>
      %lt3A_1092 = arith.cmpi slt, %min3A_1050, %lt3A_1091 : vector<16xi32>
      %add3A_1093 = arith.constant 16 : i32
      %add3A_1094 = vector.broadcast %add3A_1093 : i32 to vector<16xi32>
      %add3A_1095 = arith.addi %min3A_1050, %add3A_1094 : vector<16xi32>
      %select_n3A_1096 = arith.select %lt3A_1092, %add3A_1095, %min3A_1050 : vector<16xi1>, vector<16xi32>
      %reshape3A_1097 = vector.shape_cast %select_n3A_1096 : vector<16xi32> to vector<16x1xi32>
      %gather3A_1098 = vector.shape_cast %reshape3A_1097 : vector<16x1xi32> to vector<16xi32>
      %gather3A_1099 = tpu.dynamic_gather %gather3A_1079[%gather3A_1098] in [0] : vector<16xi32>, vector<16xi32> -> vector<16xi32>
      %ne3A_1100 = arith.cmpi ne, %gather3A_1079, %gather3A_1099 : vector<16xi32>
      %eq3A_1101 = arith.constant 15 : i32
      %eq3A_1102 = vector.broadcast %eq3A_1101 : i32 to vector<16xi32>
      %eq3A_1103 = arith.cmpi eq, %iota3A, %eq3A_1102 : vector<16xi32>
      %or3A = arith.ori %ne3A_1100, %eq3A_1103 : vector<16xi1>
      %gather3A_1104 = tpu.vector_load_idx %arg11[%gather3A_1079] : memref<272xf32, #tpu.memory_space<vmem>>[vector<16xi32>], vector<16xf32>,
      %max3A_1105 = arith.maximumf %gather3A_1104, %gather3A_1084 : vector<16xf32>
      tpu.vector_store_idx %arg11[%gather3A_1079], %max3A_1105 masked %or3A : memref<272xf32, #tpu.memory_space<vmem>>[vector<16xi32>], vector<16xf32>, vector<16xi1>
      %gather3A_1106 = tpu.vector_load_idx %arg12[%gather3A_1079] : memref<272xf32, #tpu.memory_space<vmem>>[vector<16xi32>], vector<16xf32>,
      %min3A_1107 = arith.minimumf %gather3A_1106, %gather3A_1089 : vector<16xf32>
      tpu.vector_store_idx %arg12[%gather3A_1079], %min3A_1107 masked %or3A : memref<272xf32, #tpu.memory_space<vmem>>[vector<16xi32>], vector<16xf32>, vector<16xi1>
      %scan3A_1108 = arith.constant 0 : i32
      scf.yield %scan3A_1108 : i32
    }
    %scan3A_1061 = arith.constant 196 : i32
    %swap3A_1062 = arith.constant 0 : index
    %swap3A_1063 = tpu.vector_load %arg17[%swap3A_1062] {strides = array<i32>} : memref<16xf32, #tpu.memory_space<vmem>>, vector<16xf32>,
    tpu.vector_store %arg17[%swap3A_1062], %parallel_loop3A_1055 {strides = array<i32>} : memref<16xf32, #tpu.memory_space<vmem>>, vector<16xf32>,
    %mul3A_1064 = arith.constant 272 : i32
    %mul3A_1065 = arith.muli %arg1, %mul3A_1064 : i32
    "tpu.region"() ({
      %run_scoped3A = tpu.sem_alloc : memref<!tpu.dma_semaphore, #tpu.memory_space<semaphore_mem>>
      %dma_start3A_1073 = tpu.memref_slice %arg19[%mul3A_1065] : memref<4352xf32, #tpu.memory_space<vmem_shared>> -> memref<272xf32, #tpu.memory_space<vmem_shared>>
      %dma_start3A_1074 = tpu.memref_slice %arg19[%mul3A_1065] : memref<4352xf32, #tpu.memory_space<vmem_shared>> -> memref<272xf32, #tpu.memory_space<vmem_shared>>
      tpu.enqueue_dma source(%arg11 : memref<272xf32, #tpu.memory_space<vmem>>) target(%dma_start3A_1074 : memref<272xf32, #tpu.memory_space<vmem_shared>>) target_semaphore(%run_scoped3A : memref<!tpu.dma_semaphore, #tpu.memory_space<semaphore_mem>>)
      %dma_wait3A_1075 = tpu.memref_slice %arg19[%mul3A_1065] : memref<4352xf32, #tpu.memory_space<vmem_shared>> -> memref<272xf32, #tpu.memory_space<vmem_shared>>
      %dma_wait3A_1076 = tpu.memref_slice %arg19[%mul3A_1065] : memref<4352xf32, #tpu.memory_space<vmem_shared>> -> memref<272xf32, #tpu.memory_space<vmem_shared>>
      tpu.wait_dma2 semaphore(%run_scoped3A : memref<!tpu.dma_semaphore, #tpu.memory_space<semaphore_mem>>) src(%arg11 : memref<272xf32, #tpu.memory_space<vmem>>) dst(%dma_wait3A_1076 : memref<272xf32, #tpu.memory_space<vmem_shared>>)
      tpu.yield
    }) : () -> ()
    %mul3A_1066 = arith.constant 272 : i32
    %mul3A_1067 = arith.muli %arg1, %mul3A_1066 : i32
    "tpu.region"() ({
      %run_scoped3A = tpu.sem_alloc : memref<!tpu.dma_semaphore, #tpu.memory_space<semaphore_mem>>
      %dma_start3A_1073 = tpu.memref_slice %arg20[%mul3A_1067] : memref<4352xf32, #tpu.memory_space<vmem_shared>> -> memref<272xf32, #tpu.memory_space<vmem_shared>>
      %dma_start3A_1074 = tpu.memref_slice %arg20[%mul3A_1067] : memref<4352xf32, #tpu.memory_space<vmem_shared>> -> memref<272xf32, #tpu.memory_space<vmem_shared>>
      tpu.enqueue_dma source(%arg12 : memref<272xf32, #tpu.memory_space<vmem>>) target(%dma_start3A_1074 : memref<272xf32, #tpu.memory_space<vmem_shared>>) target_semaphore(%run_scoped3A : memref<!tpu.dma_semaphore, #tpu.memory_space<semaphore_mem>>)
      %dma_wait3A_1075 = tpu.memref_slice %arg20[%mul3A_1067] : memref<4352xf32, #tpu.memory_space<vmem_shared>> -> memref<272xf32, #tpu.memory_space<vmem_shared>>
      %dma_wait3A_1076 = tpu.memref_slice %arg20[%mul3A_1067] : memref<4352xf32, #tpu.memory_space<vmem_shared>> -> memref<272xf32, #tpu.memory_space<vmem_shared>>
      tpu.wait_dma2 semaphore(%run_scoped3A : memref<!tpu.dma_semaphore, #tpu.memory_space<semaphore_mem>>) src(%arg12 : memref<272xf32, #tpu.memory_space<vmem>>) dst(%dma_wait3A_1076 : memref<272xf32, #tpu.memory_space<vmem_shared>>)
      tpu.yield
    }) : () -> ()
    %mul3A_1068 = arith.constant 16 : i32
    %mul3A_1069 = arith.muli %arg1, %mul3A_1068 : i32
    "tpu.region"() ({
      %run_scoped3A = tpu.sem_alloc : memref<!tpu.dma_semaphore, #tpu.memory_space<semaphore_mem>>
      %dma_start3A_1073 = tpu.memref_slice %arg21[%mul3A_1069] : memref<256xf32, #tpu.memory_space<vmem_shared>> -> memref<16xf32, #tpu.memory_space<vmem_shared>>
      %dma_start3A_1074 = tpu.memref_slice %arg21[%mul3A_1069] : memref<256xf32, #tpu.memory_space<vmem_shared>> -> memref<16xf32, #tpu.memory_space<vmem_shared>>
      tpu.enqueue_dma source(%arg17 : memref<16xf32, #tpu.memory_space<vmem>>) target(%dma_start3A_1074 : memref<16xf32, #tpu.memory_space<vmem_shared>>) target_semaphore(%run_scoped3A : memref<!tpu.dma_semaphore, #tpu.memory_space<semaphore_mem>>)
      %dma_wait3A_1075 = tpu.memref_slice %arg21[%mul3A_1069] : memref<256xf32, #tpu.memory_space<vmem_shared>> -> memref<16xf32, #tpu.memory_space<vmem_shared>>
      %dma_wait3A_1076 = tpu.memref_slice %arg21[%mul3A_1069] : memref<256xf32, #tpu.memory_space<vmem_shared>> -> memref<16xf32, #tpu.memory_space<vmem_shared>>
      tpu.wait_dma2 semaphore(%run_scoped3A : memref<!tpu.dma_semaphore, #tpu.memory_space<semaphore_mem>>) src(%arg17 : memref<16xf32, #tpu.memory_space<vmem>>) dst(%dma_wait3A_1076 : memref<16xf32, #tpu.memory_space<vmem_shared>>)
      tpu.yield
    }) : () -> ()
    %barrier3A = arith.constant 0 : index
    tpu.barrier barrier_id(%barrier3A)
    %eq3A_1070 = arith.constant 0 : i32
    %eq3A_1071 = arith.cmpi eq, %select_n3A_30, %eq3A_1070 : i32
    %convert_element_type3A = arith.extui %eq3A_1071 : i1 to i32
    %cond3A = arith.constant 0 : i32
    %cond3A_1072 = arith.cmpi ne, %convert_element_type3A, %cond3A : i32
    scf.if %cond3A_1072 {
      %add3A_1073 = arith.constant 1 : i32
      %add3A_1074 = arith.addi %arg1, %add3A_1073 : i32
      %mul3A_1075 = arith.constant 272 : i32
      %mul3A_1076 = arith.muli %add3A_1074, %mul3A_1075 : i32
      "tpu.region"() ({
        %run_scoped3A = tpu.sem_alloc : memref<!tpu.dma_semaphore, #tpu.memory_space<semaphore_mem>>
        %dma_start3A_2759 = arith.constant 0 : i32
        %dma_start3A_2760 = tpu.memref_slice %arg15[%dma_start3A_2759] : memref<1632xf32, #tpu.memory_space<vmem>> -> memref<272xf32, #tpu.memory_space<vmem>>
        %dma_start3A_2761 = tpu.memref_slice %arg19[%mul3A_1076] : memref<4352xf32, #tpu.memory_space<vmem_shared>> -> memref<272xf32, #tpu.memory_space<vmem_shared>>
        %dma_start3A_2762 = arith.constant 0 : i32
        %dma_start3A_2763 = tpu.memref_slice %arg15[%dma_start3A_2762] : memref<1632xf32, #tpu.memory_space<vmem>> -> memref<272xf32, #tpu.memory_space<vmem>>
        %dma_start3A_2764 = tpu.memref_slice %arg19[%mul3A_1076] : memref<4352xf32, #tpu.memory_space<vmem_shared>> -> memref<272xf32, #tpu.memory_space<vmem_shared>>
        tpu.enqueue_dma source(%dma_start3A_2764 : memref<272xf32, #tpu.memory_space<vmem_shared>>) target(%dma_start3A_2763 : memref<272xf32, #tpu.memory_space<vmem>>) target_semaphore(%run_scoped3A : memref<!tpu.dma_semaphore, #tpu.memory_space<semaphore_mem>>)
        %dma_wait3A_2765 = arith.constant 0 : i32
        %dma_wait3A_2766 = tpu.memref_slice %arg15[%dma_wait3A_2765] : memref<1632xf32, #tpu.memory_space<vmem>> -> memref<272xf32, #tpu.memory_space<vmem>>
        %dma_wait3A_2767 = tpu.memref_slice %arg19[%mul3A_1076] : memref<4352xf32, #tpu.memory_space<vmem_shared>> -> memref<272xf32, #tpu.memory_space<vmem_shared>>
        %dma_wait3A_2768 = arith.constant 0 : i32
        %dma_wait3A_2769 = tpu.memref_slice %arg15[%dma_wait3A_2768] : memref<1632xf32, #tpu.memory_space<vmem>> -> memref<272xf32, #tpu.memory_space<vmem>>
        %dma_wait3A_2770 = tpu.memref_slice %arg19[%mul3A_1076] : memref<4352xf32, #tpu.memory_space<vmem_shared>> -> memref<272xf32, #tpu.memory_space<vmem_shared>>
        tpu.wait_dma2 semaphore(%run_scoped3A : memref<!tpu.dma_semaphore, #tpu.memory_space<semaphore_mem>>) src(%dma_wait3A_2770 : memref<272xf32, #tpu.memory_space<vmem_shared>>) dst(%dma_wait3A_2769 : memref<272xf32, #tpu.memory_space<vmem>>)
        tpu.yield
      }) : () -> ()
      %add3A_1077 = arith.constant 1 : i32
      %add3A_1078 = arith.addi %arg1, %add3A_1077 : i32
      %mul3A_1079 = arith.constant 272 : i32
      %mul3A_1080 = arith.muli %add3A_1078, %mul3A_1079 : i32
      "tpu.region"() ({
        %run_scoped3A = tpu.sem_alloc : memref<!tpu.dma_semaphore, #tpu.memory_space<semaphore_mem>>
        %dma_start3A_2759 = arith.constant 816 : i32
        %dma_start3A_2760 = tpu.memref_slice %arg15[%dma_start3A_2759] : memref<1632xf32, #tpu.memory_space<vmem>> -> memref<272xf32, #tpu.memory_space<vmem>>
        %dma_start3A_2761 = tpu.memref_slice %arg20[%mul3A_1080] : memref<4352xf32, #tpu.memory_space<vmem_shared>> -> memref<272xf32, #tpu.memory_space<vmem_shared>>
        %dma_start3A_2762 = arith.constant 816 : i32
        %dma_start3A_2763 = tpu.memref_slice %arg15[%dma_start3A_2762] : memref<1632xf32, #tpu.memory_space<vmem>> -> memref<272xf32, #tpu.memory_space<vmem>>
        %dma_start3A_2764 = tpu.memref_slice %arg20[%mul3A_1080] : memref<4352xf32, #tpu.memory_space<vmem_shared>> -> memref<272xf32, #tpu.memory_space<vmem_shared>>
        tpu.enqueue_dma source(%dma_start3A_2764 : memref<272xf32, #tpu.memory_space<vmem_shared>>) target(%dma_start3A_2763 : memref<272xf32, #tpu.memory_space<vmem>>) target_semaphore(%run_scoped3A : memref<!tpu.dma_semaphore, #tpu.memory_space<semaphore_mem>>)
        %dma_wait3A_2765 = arith.constant 816 : i32
        %dma_wait3A_2766 = tpu.memref_slice %arg15[%dma_wait3A_2765] : memref<1632xf32, #tpu.memory_space<vmem>> -> memref<272xf32, #tpu.memory_space<vmem>>
        %dma_wait3A_2767 = tpu.memref_slice %arg20[%mul3A_1080] : memref<4352xf32, #tpu.memory_space<vmem_shared>> -> memref<272xf32, #tpu.memory_space<vmem_shared>>
        %dma_wait3A_2768 = arith.constant 816 : i32
        %dma_wait3A_2769 = tpu.memref_slice %arg15[%dma_wait3A_2768] : memref<1632xf32, #tpu.memory_space<vmem>> -> memref<272xf32, #tpu.memory_space<vmem>>
        %dma_wait3A_2770 = tpu.memref_slice %arg20[%mul3A_1080] : memref<4352xf32, #tpu.memory_space<vmem_shared>> -> memref<272xf32, #tpu.memory_space<vmem_shared>>
        tpu.wait_dma2 semaphore(%run_scoped3A : memref<!tpu.dma_semaphore, #tpu.memory_space<semaphore_mem>>) src(%dma_wait3A_2770 : memref<272xf32, #tpu.memory_space<vmem_shared>>) dst(%dma_wait3A_2769 : memref<272xf32, #tpu.memory_space<vmem>>)
        tpu.yield
      }) : () -> ()
      %add3A_1081 = arith.constant 1 : i32
      %add3A_1082 = arith.addi %arg1, %add3A_1081 : i32
      %mul3A_1083 = arith.constant 16 : i32
      %mul3A_1084 = arith.muli %add3A_1082, %mul3A_1083 : i32
      "tpu.region"() ({
        %run_scoped3A = tpu.sem_alloc : memref<!tpu.dma_semaphore, #tpu.memory_space<semaphore_mem>>
        %dma_start3A_2759 = arith.constant 0 : i32
        %dma_start3A_2760 = tpu.memref_slice %arg16[%dma_start3A_2759] : memref<48xf32, #tpu.memory_space<vmem>> -> memref<16xf32, #tpu.memory_space<vmem>>
        %dma_start3A_2761 = tpu.memref_slice %arg21[%mul3A_1084] : memref<256xf32, #tpu.memory_space<vmem_shared>> -> memref<16xf32, #tpu.memory_space<vmem_shared>>
        %dma_start3A_2762 = arith.constant 0 : i32
        %dma_start3A_2763 = tpu.memref_slice %arg16[%dma_start3A_2762] : memref<48xf32, #tpu.memory_space<vmem>> -> memref<16xf32, #tpu.memory_space<vmem>>
        %dma_start3A_2764 = tpu.memref_slice %arg21[%mul3A_1084] : memref<256xf32, #tpu.memory_space<vmem_shared>> -> memref<16xf32, #tpu.memory_space<vmem_shared>>
        tpu.enqueue_dma source(%dma_start3A_2764 : memref<16xf32, #tpu.memory_space<vmem_shared>>) target(%dma_start3A_2763 : memref<16xf32, #tpu.memory_space<vmem>>) target_semaphore(%run_scoped3A : memref<!tpu.dma_semaphore, #tpu.memory_space<semaphore_mem>>)
        %dma_wait3A_2765 = arith.constant 0 : i32
        %dma_wait3A_2766 = tpu.memref_slice %arg16[%dma_wait3A_2765] : memref<48xf32, #tpu.memory_space<vmem>> -> memref<16xf32, #tpu.memory_space<vmem>>
        %dma_wait3A_2767 = tpu.memref_slice %arg21[%mul3A_1084] : memref<256xf32, #tpu.memory_space<vmem_shared>> -> memref<16xf32, #tpu.memory_space<vmem_shared>>
        %dma_wait3A_2768 = arith.constant 0 : i32
        %dma_wait3A_2769 = tpu.memref_slice %arg16[%dma_wait3A_2768] : memref<48xf32, #tpu.memory_space<vmem>> -> memref<16xf32, #tpu.memory_space<vmem>>
        %dma_wait3A_2770 = tpu.memref_slice %arg21[%mul3A_1084] : memref<256xf32, #tpu.memory_space<vmem_shared>> -> memref<16xf32, #tpu.memory_space<vmem_shared>>
        tpu.wait_dma2 semaphore(%run_scoped3A : memref<!tpu.dma_semaphore, #tpu.memory_space<semaphore_mem>>) src(%dma_wait3A_2770 : memref<16xf32, #tpu.memory_space<vmem_shared>>) dst(%dma_wait3A_2769 : memref<16xf32, #tpu.memory_space<vmem>>)
        tpu.yield
      }) : () -> ()
      %add3A_1085 = arith.constant 2 : i32
      %add3A_1086 = arith.addi %arg1, %add3A_1085 : i32
      %mul3A_1087 = arith.constant 272 : i32
      %mul3A_1088 = arith.muli %add3A_1086, %mul3A_1087 : i32
      "tpu.region"() ({
        %run_scoped3A = tpu.sem_alloc : memref<!tpu.dma_semaphore, #tpu.memory_space<semaphore_mem>>
        %dma_start3A_2759 = arith.constant 272 : i32
        %dma_start3A_2760 = tpu.memref_slice %arg15[%dma_start3A_2759] : memref<1632xf32, #tpu.memory_space<vmem>> -> memref<272xf32, #tpu.memory_space<vmem>>
        %dma_start3A_2761 = tpu.memref_slice %arg19[%mul3A_1088] : memref<4352xf32, #tpu.memory_space<vmem_shared>> -> memref<272xf32, #tpu.memory_space<vmem_shared>>
        %dma_start3A_2762 = arith.constant 272 : i32
        %dma_start3A_2763 = tpu.memref_slice %arg15[%dma_start3A_2762] : memref<1632xf32, #tpu.memory_space<vmem>> -> memref<272xf32, #tpu.memory_space<vmem>>
        %dma_start3A_2764 = tpu.memref_slice %arg19[%mul3A_1088] : memref<4352xf32, #tpu.memory_space<vmem_shared>> -> memref<272xf32, #tpu.memory_space<vmem_shared>>
        tpu.enqueue_dma source(%dma_start3A_2764 : memref<272xf32, #tpu.memory_space<vmem_shared>>) target(%dma_start3A_2763 : memref<272xf32, #tpu.memory_space<vmem>>) target_semaphore(%run_scoped3A : memref<!tpu.dma_semaphore, #tpu.memory_space<semaphore_mem>>)
        %dma_wait3A_2765 = arith.constant 272 : i32
        %dma_wait3A_2766 = tpu.memref_slice %arg15[%dma_wait3A_2765] : memref<1632xf32, #tpu.memory_space<vmem>> -> memref<272xf32, #tpu.memory_space<vmem>>
        %dma_wait3A_2767 = tpu.memref_slice %arg19[%mul3A_1088] : memref<4352xf32, #tpu.memory_space<vmem_shared>> -> memref<272xf32, #tpu.memory_space<vmem_shared>>
        %dma_wait3A_2768 = arith.constant 272 : i32
        %dma_wait3A_2769 = tpu.memref_slice %arg15[%dma_wait3A_2768] : memref<1632xf32, #tpu.memory_space<vmem>> -> memref<272xf32, #tpu.memory_space<vmem>>
        %dma_wait3A_2770 = tpu.memref_slice %arg19[%mul3A_1088] : memref<4352xf32, #tpu.memory_space<vmem_shared>> -> memref<272xf32, #tpu.memory_space<vmem_shared>>
        tpu.wait_dma2 semaphore(%run_scoped3A : memref<!tpu.dma_semaphore, #tpu.memory_space<semaphore_mem>>) src(%dma_wait3A_2770 : memref<272xf32, #tpu.memory_space<vmem_shared>>) dst(%dma_wait3A_2769 : memref<272xf32, #tpu.memory_space<vmem>>)
        tpu.yield
      }) : () -> ()
      %add3A_1089 = arith.constant 2 : i32
      %add3A_1090 = arith.addi %arg1, %add3A_1089 : i32
      %mul3A_1091 = arith.constant 272 : i32
      %mul3A_1092 = arith.muli %add3A_1090, %mul3A_1091 : i32
      "tpu.region"() ({
        %run_scoped3A = tpu.sem_alloc : memref<!tpu.dma_semaphore, #tpu.memory_space<semaphore_mem>>
        %dma_start3A_2759 = arith.constant 1088 : i32
        %dma_start3A_2760 = tpu.memref_slice %arg15[%dma_start3A_2759] : memref<1632xf32, #tpu.memory_space<vmem>> -> memref<272xf32, #tpu.memory_space<vmem>>
        %dma_start3A_2761 = tpu.memref_slice %arg20[%mul3A_1092] : memref<4352xf32, #tpu.memory_space<vmem_shared>> -> memref<272xf32, #tpu.memory_space<vmem_shared>>
        %dma_start3A_2762 = arith.constant 1088 : i32
        %dma_start3A_2763 = tpu.memref_slice %arg15[%dma_start3A_2762] : memref<1632xf32, #tpu.memory_space<vmem>> -> memref<272xf32, #tpu.memory_space<vmem>>
        %dma_start3A_2764 = tpu.memref_slice %arg20[%mul3A_1092] : memref<4352xf32, #tpu.memory_space<vmem_shared>> -> memref<272xf32, #tpu.memory_space<vmem_shared>>
        tpu.enqueue_dma source(%dma_start3A_2764 : memref<272xf32, #tpu.memory_space<vmem_shared>>) target(%dma_start3A_2763 : memref<272xf32, #tpu.memory_space<vmem>>) target_semaphore(%run_scoped3A : memref<!tpu.dma_semaphore, #tpu.memory_space<semaphore_mem>>)
        %dma_wait3A_2765 = arith.constant 1088 : i32
        %dma_wait3A_2766 = tpu.memref_slice %arg15[%dma_wait3A_2765] : memref<1632xf32, #tpu.memory_space<vmem>> -> memref<272xf32, #tpu.memory_space<vmem>>
        %dma_wait3A_2767 = tpu.memref_slice %arg20[%mul3A_1092] : memref<4352xf32, #tpu.memory_space<vmem_shared>> -> memref<272xf32, #tpu.memory_space<vmem_shared>>
        %dma_wait3A_2768 = arith.constant 1088 : i32
        %dma_wait3A_2769 = tpu.memref_slice %arg15[%dma_wait3A_2768] : memref<1632xf32, #tpu.memory_space<vmem>> -> memref<272xf32, #tpu.memory_space<vmem>>
        %dma_wait3A_2770 = tpu.memref_slice %arg20[%mul3A_1092] : memref<4352xf32, #tpu.memory_space<vmem_shared>> -> memref<272xf32, #tpu.memory_space<vmem_shared>>
        tpu.wait_dma2 semaphore(%run_scoped3A : memref<!tpu.dma_semaphore, #tpu.memory_space<semaphore_mem>>) src(%dma_wait3A_2770 : memref<272xf32, #tpu.memory_space<vmem_shared>>) dst(%dma_wait3A_2769 : memref<272xf32, #tpu.memory_space<vmem>>)
        tpu.yield
      }) : () -> ()
      %add3A_1093 = arith.constant 2 : i32
      %add3A_1094 = arith.addi %arg1, %add3A_1093 : i32
      %mul3A_1095 = arith.constant 16 : i32
      %mul3A_1096 = arith.muli %add3A_1094, %mul3A_1095 : i32
      "tpu.region"() ({
        %run_scoped3A = tpu.sem_alloc : memref<!tpu.dma_semaphore, #tpu.memory_space<semaphore_mem>>
        %dma_start3A_2759 = arith.constant 16 : i32
        %dma_start3A_2760 = tpu.memref_slice %arg16[%dma_start3A_2759] : memref<48xf32, #tpu.memory_space<vmem>> -> memref<16xf32, #tpu.memory_space<vmem>>
        %dma_start3A_2761 = tpu.memref_slice %arg21[%mul3A_1096] : memref<256xf32, #tpu.memory_space<vmem_shared>> -> memref<16xf32, #tpu.memory_space<vmem_shared>>
        %dma_start3A_2762 = arith.constant 16 : i32
        %dma_start3A_2763 = tpu.memref_slice %arg16[%dma_start3A_2762] : memref<48xf32, #tpu.memory_space<vmem>> -> memref<16xf32, #tpu.memory_space<vmem>>
        %dma_start3A_2764 = tpu.memref_slice %arg21[%mul3A_1096] : memref<256xf32, #tpu.memory_space<vmem_shared>> -> memref<16xf32, #tpu.memory_space<vmem_shared>>
        tpu.enqueue_dma source(%dma_start3A_2764 : memref<16xf32, #tpu.memory_space<vmem_shared>>) target(%dma_start3A_2763 : memref<16xf32, #tpu.memory_space<vmem>>) target_semaphore(%run_scoped3A : memref<!tpu.dma_semaphore, #tpu.memory_space<semaphore_mem>>)
        %dma_wait3A_2765 = arith.constant 16 : i32
        %dma_wait3A_2766 = tpu.memref_slice %arg16[%dma_wait3A_2765] : memref<48xf32, #tpu.memory_space<vmem>> -> memref<16xf32, #tpu.memory_space<vmem>>
        %dma_wait3A_2767 = tpu.memref_slice %arg21[%mul3A_1096] : memref<256xf32, #tpu.memory_space<vmem_shared>> -> memref<16xf32, #tpu.memory_space<vmem_shared>>
        %dma_wait3A_2768 = arith.constant 16 : i32
        %dma_wait3A_2769 = tpu.memref_slice %arg16[%dma_wait3A_2768] : memref<48xf32, #tpu.memory_space<vmem>> -> memref<16xf32, #tpu.memory_space<vmem>>
        %dma_wait3A_2770 = tpu.memref_slice %arg21[%mul3A_1096] : memref<256xf32, #tpu.memory_space<vmem_shared>> -> memref<16xf32, #tpu.memory_space<vmem_shared>>
        tpu.wait_dma2 semaphore(%run_scoped3A : memref<!tpu.dma_semaphore, #tpu.memory_space<semaphore_mem>>) src(%dma_wait3A_2770 : memref<16xf32, #tpu.memory_space<vmem_shared>>) dst(%dma_wait3A_2769 : memref<16xf32, #tpu.memory_space<vmem>>)
        tpu.yield
      }) : () -> ()
      %add3A_1097 = arith.constant 3 : i32
      %add3A_1098 = arith.addi %arg1, %add3A_1097 : i32
      %mul3A_1099 = arith.constant 272 : i32
      %mul3A_1100 = arith.muli %add3A_1098, %mul3A_1099 : i32
      "tpu.region"() ({
        %run_scoped3A = tpu.sem_alloc : memref<!tpu.dma_semaphore, #tpu.memory_space<semaphore_mem>>
        %dma_start3A_2759 = arith.constant 544 : i32
        %dma_start3A_2760 = tpu.memref_slice %arg15[%dma_start3A_2759] : memref<1632xf32, #tpu.memory_space<vmem>> -> memref<272xf32, #tpu.memory_space<vmem>>
        %dma_start3A_2761 = tpu.memref_slice %arg19[%mul3A_1100] : memref<4352xf32, #tpu.memory_space<vmem_shared>> -> memref<272xf32, #tpu.memory_space<vmem_shared>>
        %dma_start3A_2762 = arith.constant 544 : i32
        %dma_start3A_2763 = tpu.memref_slice %arg15[%dma_start3A_2762] : memref<1632xf32, #tpu.memory_space<vmem>> -> memref<272xf32, #tpu.memory_space<vmem>>
        %dma_start3A_2764 = tpu.memref_slice %arg19[%mul3A_1100] : memref<4352xf32, #tpu.memory_space<vmem_shared>> -> memref<272xf32, #tpu.memory_space<vmem_shared>>
        tpu.enqueue_dma source(%dma_start3A_2764 : memref<272xf32, #tpu.memory_space<vmem_shared>>) target(%dma_start3A_2763 : memref<272xf32, #tpu.memory_space<vmem>>) target_semaphore(%run_scoped3A : memref<!tpu.dma_semaphore, #tpu.memory_space<semaphore_mem>>)
        %dma_wait3A_2765 = arith.constant 544 : i32
        %dma_wait3A_2766 = tpu.memref_slice %arg15[%dma_wait3A_2765] : memref<1632xf32, #tpu.memory_space<vmem>> -> memref<272xf32, #tpu.memory_space<vmem>>
        %dma_wait3A_2767 = tpu.memref_slice %arg19[%mul3A_1100] : memref<4352xf32, #tpu.memory_space<vmem_shared>> -> memref<272xf32, #tpu.memory_space<vmem_shared>>
        %dma_wait3A_2768 = arith.constant 544 : i32
        %dma_wait3A_2769 = tpu.memref_slice %arg15[%dma_wait3A_2768] : memref<1632xf32, #tpu.memory_space<vmem>> -> memref<272xf32, #tpu.memory_space<vmem>>
        %dma_wait3A_2770 = tpu.memref_slice %arg19[%mul3A_1100] : memref<4352xf32, #tpu.memory_space<vmem_shared>> -> memref<272xf32, #tpu.memory_space<vmem_shared>>
        tpu.wait_dma2 semaphore(%run_scoped3A : memref<!tpu.dma_semaphore, #tpu.memory_space<semaphore_mem>>) src(%dma_wait3A_2770 : memref<272xf32, #tpu.memory_space<vmem_shared>>) dst(%dma_wait3A_2769 : memref<272xf32, #tpu.memory_space<vmem>>)
        tpu.yield
      }) : () -> ()
      %add3A_1101 = arith.constant 3 : i32
      %add3A_1102 = arith.addi %arg1, %add3A_1101 : i32
      %mul3A_1103 = arith.constant 272 : i32
      %mul3A_1104 = arith.muli %add3A_1102, %mul3A_1103 : i32
      "tpu.region"() ({
        %run_scoped3A = tpu.sem_alloc : memref<!tpu.dma_semaphore, #tpu.memory_space<semaphore_mem>>
        %dma_start3A_2759 = arith.constant 1360 : i32
        %dma_start3A_2760 = tpu.memref_slice %arg15[%dma_start3A_2759] : memref<1632xf32, #tpu.memory_space<vmem>> -> memref<272xf32, #tpu.memory_space<vmem>>
        %dma_start3A_2761 = tpu.memref_slice %arg20[%mul3A_1104] : memref<4352xf32, #tpu.memory_space<vmem_shared>> -> memref<272xf32, #tpu.memory_space<vmem_shared>>
        %dma_start3A_2762 = arith.constant 1360 : i32
        %dma_start3A_2763 = tpu.memref_slice %arg15[%dma_start3A_2762] : memref<1632xf32, #tpu.memory_space<vmem>> -> memref<272xf32, #tpu.memory_space<vmem>>
        %dma_start3A_2764 = tpu.memref_slice %arg20[%mul3A_1104] : memref<4352xf32, #tpu.memory_space<vmem_shared>> -> memref<272xf32, #tpu.memory_space<vmem_shared>>
        tpu.enqueue_dma source(%dma_start3A_2764 : memref<272xf32, #tpu.memory_space<vmem_shared>>) target(%dma_start3A_2763 : memref<272xf32, #tpu.memory_space<vmem>>) target_semaphore(%run_scoped3A : memref<!tpu.dma_semaphore, #tpu.memory_space<semaphore_mem>>)
        %dma_wait3A_2765 = arith.constant 1360 : i32
        %dma_wait3A_2766 = tpu.memref_slice %arg15[%dma_wait3A_2765] : memref<1632xf32, #tpu.memory_space<vmem>> -> memref<272xf32, #tpu.memory_space<vmem>>
        %dma_wait3A_2767 = tpu.memref_slice %arg20[%mul3A_1104] : memref<4352xf32, #tpu.memory_space<vmem_shared>> -> memref<272xf32, #tpu.memory_space<vmem_shared>>
        %dma_wait3A_2768 = arith.constant 1360 : i32
        %dma_wait3A_2769 = tpu.memref_slice %arg15[%dma_wait3A_2768] : memref<1632xf32, #tpu.memory_space<vmem>> -> memref<272xf32, #tpu.memory_space<vmem>>
        %dma_wait3A_2770 = tpu.memref_slice %arg20[%mul3A_1104] : memref<4352xf32, #tpu.memory_space<vmem_shared>> -> memref<272xf32, #tpu.memory_space<vmem_shared>>
        tpu.wait_dma2 semaphore(%run_scoped3A : memref<!tpu.dma_semaphore, #tpu.memory_space<semaphore_mem>>) src(%dma_wait3A_2770 : memref<272xf32, #tpu.memory_space<vmem_shared>>) dst(%dma_wait3A_2769 : memref<272xf32, #tpu.memory_space<vmem>>)
        tpu.yield
      }) : () -> ()
      %add3A_1105 = arith.constant 3 : i32
      %add3A_1106 = arith.addi %arg1, %add3A_1105 : i32
      %mul3A_1107 = arith.constant 16 : i32
      %mul3A_1108 = arith.muli %add3A_1106, %mul3A_1107 : i32
      "tpu.region"() ({
        %run_scoped3A = tpu.sem_alloc : memref<!tpu.dma_semaphore, #tpu.memory_space<semaphore_mem>>
        %dma_start3A_2759 = arith.constant 32 : i32
        %dma_start3A_2760 = tpu.memref_slice %arg16[%dma_start3A_2759] : memref<48xf32, #tpu.memory_space<vmem>> -> memref<16xf32, #tpu.memory_space<vmem>>
        %dma_start3A_2761 = tpu.memref_slice %arg21[%mul3A_1108] : memref<256xf32, #tpu.memory_space<vmem_shared>> -> memref<16xf32, #tpu.memory_space<vmem_shared>>
        %dma_start3A_2762 = arith.constant 32 : i32
        %dma_start3A_2763 = tpu.memref_slice %arg16[%dma_start3A_2762] : memref<48xf32, #tpu.memory_space<vmem>> -> memref<16xf32, #tpu.memory_space<vmem>>
        %dma_start3A_2764 = tpu.memref_slice %arg21[%mul3A_1108] : memref<256xf32, #tpu.memory_space<vmem_shared>> -> memref<16xf32, #tpu.memory_space<vmem_shared>>
        tpu.enqueue_dma source(%dma_start3A_2764 : memref<16xf32, #tpu.memory_space<vmem_shared>>) target(%dma_start3A_2763 : memref<16xf32, #tpu.memory_space<vmem>>) target_semaphore(%run_scoped3A : memref<!tpu.dma_semaphore, #tpu.memory_space<semaphore_mem>>)
        %dma_wait3A_2765 = arith.constant 32 : i32
        %dma_wait3A_2766 = tpu.memref_slice %arg16[%dma_wait3A_2765] : memref<48xf32, #tpu.memory_space<vmem>> -> memref<16xf32, #tpu.memory_space<vmem>>
        %dma_wait3A_2767 = tpu.memref_slice %arg21[%mul3A_1108] : memref<256xf32, #tpu.memory_space<vmem_shared>> -> memref<16xf32, #tpu.memory_space<vmem_shared>>
        %dma_wait3A_2768 = arith.constant 32 : i32
        %dma_wait3A_2769 = tpu.memref_slice %arg16[%dma_wait3A_2768] : memref<48xf32, #tpu.memory_space<vmem>> -> memref<16xf32, #tpu.memory_space<vmem>>
        %dma_wait3A_2770 = tpu.memref_slice %arg21[%mul3A_1108] : memref<256xf32, #tpu.memory_space<vmem_shared>> -> memref<16xf32, #tpu.memory_space<vmem_shared>>
        tpu.wait_dma2 semaphore(%run_scoped3A : memref<!tpu.dma_semaphore, #tpu.memory_space<semaphore_mem>>) src(%dma_wait3A_2770 : memref<16xf32, #tpu.memory_space<vmem_shared>>) dst(%dma_wait3A_2769 : memref<16xf32, #tpu.memory_space<vmem>>)
        tpu.yield
      }) : () -> ()
      %get3A_1109 = arith.constant 0 : index
      %get3A_1110 = tpu.vector_load %arg11[%get3A_1109] {strides = array<i32>} : memref<272xf32, #tpu.memory_space<vmem>>, vector<16xf32>,
      %get3A_1111 = arith.constant 0 : index
      %get3A_1112 = tpu.vector_load %arg12[%get3A_1111] {strides = array<i32>} : memref<272xf32, #tpu.memory_space<vmem>>, vector<16xf32>,
      %get3A_1113 = arith.constant 0 : index
      %get3A_1114 = tpu.vector_load %arg15[%get3A_1113] {strides = array<i32>} : memref<1632xf32, #tpu.memory_space<vmem>>, vector<16xf32>,
      %max3A_1115 = arith.maximumf %get3A_1110, %get3A_1114 : vector<16xf32>
      %get3A_1116 = arith.constant 816 : index
      %get3A_1117 = tpu.vector_load %arg15[%get3A_1116] {strides = array<i32>} : memref<1632xf32, #tpu.memory_space<vmem>>, vector<16xf32>,
      %min3A_1118 = arith.minimumf %get3A_1112, %get3A_1117 : vector<16xf32>
      %get3A_1119 = arith.constant 272 : index
      %get3A_1120 = tpu.vector_load %arg15[%get3A_1119] {strides = array<i32>} : memref<1632xf32, #tpu.memory_space<vmem>>, vector<16xf32>,
      %max3A_1121 = arith.maximumf %max3A_1115, %get3A_1120 : vector<16xf32>
      %get3A_1122 = arith.constant 1088 : index
      %get3A_1123 = tpu.vector_load %arg15[%get3A_1122] {strides = array<i32>} : memref<1632xf32, #tpu.memory_space<vmem>>, vector<16xf32>,
      %min3A_1124 = arith.minimumf %min3A_1118, %get3A_1123 : vector<16xf32>
      %get3A_1125 = arith.constant 544 : index
      %get3A_1126 = tpu.vector_load %arg15[%get3A_1125] {strides = array<i32>} : memref<1632xf32, #tpu.memory_space<vmem>>, vector<16xf32>,
      %max3A_1127 = arith.maximumf %max3A_1121, %get3A_1126 : vector<16xf32>
      %get3A_1128 = arith.constant 1360 : index
      %get3A_1129 = tpu.vector_load %arg15[%get3A_1128] {strides = array<i32>} : memref<1632xf32, #tpu.memory_space<vmem>>, vector<16xf32>,
      %min3A_1130 = arith.minimumf %min3A_1124, %get3A_1129 : vector<16xf32>
      %swap3A_1131 = arith.constant 0 : index
      %swap3A_1132 = tpu.vector_load %arg11[%swap3A_1131] {strides = array<i32>} : memref<272xf32, #tpu.memory_space<vmem>>, vector<16xf32>,
      tpu.vector_store %arg11[%swap3A_1131], %max3A_1127 {strides = array<i32>} : memref<272xf32, #tpu.memory_space<vmem>>, vector<16xf32>,
      %swap3A_1133 = arith.constant 0 : index
      %swap3A_1134 = tpu.vector_load %arg12[%swap3A_1133] {strides = array<i32>} : memref<272xf32, #tpu.memory_space<vmem>>, vector<16xf32>,
      tpu.vector_store %arg12[%swap3A_1133], %min3A_1130 {strides = array<i32>} : memref<272xf32, #tpu.memory_space<vmem>>, vector<16xf32>,
      %get3A_1135 = arith.constant 16 : index
      %get3A_1136 = tpu.vector_load %arg11[%get3A_1135] {strides = array<i32>} : memref<272xf32, #tpu.memory_space<vmem>>, vector<16xf32>,
      %get3A_1137 = arith.constant 16 : index
      %get3A_1138 = tpu.vector_load %arg12[%get3A_1137] {strides = array<i32>} : memref<272xf32, #tpu.memory_space<vmem>>, vector<16xf32>,
      %get3A_1139 = arith.constant 16 : index
      %get3A_1140 = tpu.vector_load %arg15[%get3A_1139] {strides = array<i32>} : memref<1632xf32, #tpu.memory_space<vmem>>, vector<16xf32>,
      %max3A_1141 = arith.maximumf %get3A_1136, %get3A_1140 : vector<16xf32>
      %get3A_1142 = arith.constant 832 : index
      %get3A_1143 = tpu.vector_load %arg15[%get3A_1142] {strides = array<i32>} : memref<1632xf32, #tpu.memory_space<vmem>>, vector<16xf32>,
      %min3A_1144 = arith.minimumf %get3A_1138, %get3A_1143 : vector<16xf32>
      %get3A_1145 = arith.constant 288 : index
      %get3A_1146 = tpu.vector_load %arg15[%get3A_1145] {strides = array<i32>} : memref<1632xf32, #tpu.memory_space<vmem>>, vector<16xf32>,
      %max3A_1147 = arith.maximumf %max3A_1141, %get3A_1146 : vector<16xf32>
      %get3A_1148 = arith.constant 1104 : index
      %get3A_1149 = tpu.vector_load %arg15[%get3A_1148] {strides = array<i32>} : memref<1632xf32, #tpu.memory_space<vmem>>, vector<16xf32>,
      %min3A_1150 = arith.minimumf %min3A_1144, %get3A_1149 : vector<16xf32>
      %get3A_1151 = arith.constant 560 : index
      %get3A_1152 = tpu.vector_load %arg15[%get3A_1151] {strides = array<i32>} : memref<1632xf32, #tpu.memory_space<vmem>>, vector<16xf32>,
      %max3A_1153 = arith.maximumf %max3A_1147, %get3A_1152 : vector<16xf32>
      %get3A_1154 = arith.constant 1376 : index
      %get3A_1155 = tpu.vector_load %arg15[%get3A_1154] {strides = array<i32>} : memref<1632xf32, #tpu.memory_space<vmem>>, vector<16xf32>,
      %min3A_1156 = arith.minimumf %min3A_1150, %get3A_1155 : vector<16xf32>
      %swap3A_1157 = arith.constant 16 : index
      %swap3A_1158 = tpu.vector_load %arg11[%swap3A_1157] {strides = array<i32>} : memref<272xf32, #tpu.memory_space<vmem>>, vector<16xf32>,
      tpu.vector_store %arg11[%swap3A_1157], %max3A_1153 {strides = array<i32>} : memref<272xf32, #tpu.memory_space<vmem>>, vector<16xf32>,
      %swap3A_1159 = arith.constant 16 : index
      %swap3A_1160 = tpu.vector_load %arg12[%swap3A_1159] {strides = array<i32>} : memref<272xf32, #tpu.memory_space<vmem>>, vector<16xf32>,
      tpu.vector_store %arg12[%swap3A_1159], %min3A_1156 {strides = array<i32>} : memref<272xf32, #tpu.memory_space<vmem>>, vector<16xf32>,
      %get3A_1161 = arith.constant 32 : index
      %get3A_1162 = tpu.vector_load %arg11[%get3A_1161] {strides = array<i32>} : memref<272xf32, #tpu.memory_space<vmem>>, vector<16xf32>,
      %get3A_1163 = arith.constant 32 : index
      %get3A_1164 = tpu.vector_load %arg12[%get3A_1163] {strides = array<i32>} : memref<272xf32, #tpu.memory_space<vmem>>, vector<16xf32>,
      %get3A_1165 = arith.constant 32 : index
      %get3A_1166 = tpu.vector_load %arg15[%get3A_1165] {strides = array<i32>} : memref<1632xf32, #tpu.memory_space<vmem>>, vector<16xf32>,
      %max3A_1167 = arith.maximumf %get3A_1162, %get3A_1166 : vector<16xf32>
      %get3A_1168 = arith.constant 848 : index
      %get3A_1169 = tpu.vector_load %arg15[%get3A_1168] {strides = array<i32>} : memref<1632xf32, #tpu.memory_space<vmem>>, vector<16xf32>,
      %min3A_1170 = arith.minimumf %get3A_1164, %get3A_1169 : vector<16xf32>
      %get3A_1171 = arith.constant 304 : index
      %get3A_1172 = tpu.vector_load %arg15[%get3A_1171] {strides = array<i32>} : memref<1632xf32, #tpu.memory_space<vmem>>, vector<16xf32>,
      %max3A_1173 = arith.maximumf %max3A_1167, %get3A_1172 : vector<16xf32>
      %get3A_1174 = arith.constant 1120 : index
      %get3A_1175 = tpu.vector_load %arg15[%get3A_1174] {strides = array<i32>} : memref<1632xf32, #tpu.memory_space<vmem>>, vector<16xf32>,
      %min3A_1176 = arith.minimumf %min3A_1170, %get3A_1175 : vector<16xf32>
      %get3A_1177 = arith.constant 576 : index
      %get3A_1178 = tpu.vector_load %arg15[%get3A_1177] {strides = array<i32>} : memref<1632xf32, #tpu.memory_space<vmem>>, vector<16xf32>,
      %max3A_1179 = arith.maximumf %max3A_1173, %get3A_1178 : vector<16xf32>
      %get3A_1180 = arith.constant 1392 : index
      %get3A_1181 = tpu.vector_load %arg15[%get3A_1180] {strides = array<i32>} : memref<1632xf32, #tpu.memory_space<vmem>>, vector<16xf32>,
      %min3A_1182 = arith.minimumf %min3A_1176, %get3A_1181 : vector<16xf32>
      %swap3A_1183 = arith.constant 32 : index
      %swap3A_1184 = tpu.vector_load %arg11[%swap3A_1183] {strides = array<i32>} : memref<272xf32, #tpu.memory_space<vmem>>, vector<16xf32>,
      tpu.vector_store %arg11[%swap3A_1183], %max3A_1179 {strides = array<i32>} : memref<272xf32, #tpu.memory_space<vmem>>, vector<16xf32>,
      %swap3A_1185 = arith.constant 32 : index
      %swap3A_1186 = tpu.vector_load %arg12[%swap3A_1185] {strides = array<i32>} : memref<272xf32, #tpu.memory_space<vmem>>, vector<16xf32>,
      tpu.vector_store %arg12[%swap3A_1185], %min3A_1182 {strides = array<i32>} : memref<272xf32, #tpu.memory_space<vmem>>, vector<16xf32>,
      %get3A_1187 = arith.constant 48 : index
      %get3A_1188 = tpu.vector_load %arg11[%get3A_1187] {strides = array<i32>} : memref<272xf32, #tpu.memory_space<vmem>>, vector<16xf32>,
      %get3A_1189 = arith.constant 48 : index
      %get3A_1190 = tpu.vector_load %arg12[%get3A_1189] {strides = array<i32>} : memref<272xf32, #tpu.memory_space<vmem>>, vector<16xf32>,
      %get3A_1191 = arith.constant 48 : index
      %get3A_1192 = tpu.vector_load %arg15[%get3A_1191] {strides = array<i32>} : memref<1632xf32, #tpu.memory_space<vmem>>, vector<16xf32>,
      %max3A_1193 = arith.maximumf %get3A_1188, %get3A_1192 : vector<16xf32>
      %get3A_1194 = arith.constant 864 : index
      %get3A_1195 = tpu.vector_load %arg15[%get3A_1194] {strides = array<i32>} : memref<1632xf32, #tpu.memory_space<vmem>>, vector<16xf32>,
      %min3A_1196 = arith.minimumf %get3A_1190, %get3A_1195 : vector<16xf32>
      %get3A_1197 = arith.constant 320 : index
      %get3A_1198 = tpu.vector_load %arg15[%get3A_1197] {strides = array<i32>} : memref<1632xf32, #tpu.memory_space<vmem>>, vector<16xf32>,
      %max3A_1199 = arith.maximumf %max3A_1193, %get3A_1198 : vector<16xf32>
      %get3A_1200 = arith.constant 1136 : index
      %get3A_1201 = tpu.vector_load %arg15[%get3A_1200] {strides = array<i32>} : memref<1632xf32, #tpu.memory_space<vmem>>, vector<16xf32>,
      %min3A_1202 = arith.minimumf %min3A_1196, %get3A_1201 : vector<16xf32>
      %get3A_1203 = arith.constant 592 : index
      %get3A_1204 = tpu.vector_load %arg15[%get3A_1203] {strides = array<i32>} : memref<1632xf32, #tpu.memory_space<vmem>>, vector<16xf32>,
      %max3A_1205 = arith.maximumf %max3A_1199, %get3A_1204 : vector<16xf32>
      %get3A_1206 = arith.constant 1408 : index
      %get3A_1207 = tpu.vector_load %arg15[%get3A_1206] {strides = array<i32>} : memref<1632xf32, #tpu.memory_space<vmem>>, vector<16xf32>,
      %min3A_1208 = arith.minimumf %min3A_1202, %get3A_1207 : vector<16xf32>
      %swap3A_1209 = arith.constant 48 : index
      %swap3A_1210 = tpu.vector_load %arg11[%swap3A_1209] {strides = array<i32>} : memref<272xf32, #tpu.memory_space<vmem>>, vector<16xf32>,
      tpu.vector_store %arg11[%swap3A_1209], %max3A_1205 {strides = array<i32>} : memref<272xf32, #tpu.memory_space<vmem>>, vector<16xf32>,
      %swap3A_1211 = arith.constant 48 : index
      %swap3A_1212 = tpu.vector_load %arg12[%swap3A_1211] {strides = array<i32>} : memref<272xf32, #tpu.memory_space<vmem>>, vector<16xf32>,
      tpu.vector_store %arg12[%swap3A_1211], %min3A_1208 {strides = array<i32>} : memref<272xf32, #tpu.memory_space<vmem>>, vector<16xf32>,
      %get3A_1213 = arith.constant 64 : index
      %get3A_1214 = tpu.vector_load %arg11[%get3A_1213] {strides = array<i32>} : memref<272xf32, #tpu.memory_space<vmem>>, vector<16xf32>,
      %get3A_1215 = arith.constant 64 : index
      %get3A_1216 = tpu.vector_load %arg12[%get3A_1215] {strides = array<i32>} : memref<272xf32, #tpu.memory_space<vmem>>, vector<16xf32>,
      %get3A_1217 = arith.constant 64 : index
      %get3A_1218 = tpu.vector_load %arg15[%get3A_1217] {strides = array<i32>} : memref<1632xf32, #tpu.memory_space<vmem>>, vector<16xf32>,
      %max3A_1219 = arith.maximumf %get3A_1214, %get3A_1218 : vector<16xf32>
      %get3A_1220 = arith.constant 880 : index
      %get3A_1221 = tpu.vector_load %arg15[%get3A_1220] {strides = array<i32>} : memref<1632xf32, #tpu.memory_space<vmem>>, vector<16xf32>,
      %min3A_1222 = arith.minimumf %get3A_1216, %get3A_1221 : vector<16xf32>
      %get3A_1223 = arith.constant 336 : index
      %get3A_1224 = tpu.vector_load %arg15[%get3A_1223] {strides = array<i32>} : memref<1632xf32, #tpu.memory_space<vmem>>, vector<16xf32>,
      %max3A_1225 = arith.maximumf %max3A_1219, %get3A_1224 : vector<16xf32>
      %get3A_1226 = arith.constant 1152 : index
      %get3A_1227 = tpu.vector_load %arg15[%get3A_1226] {strides = array<i32>} : memref<1632xf32, #tpu.memory_space<vmem>>, vector<16xf32>,
      %min3A_1228 = arith.minimumf %min3A_1222, %get3A_1227 : vector<16xf32>
      %get3A_1229 = arith.constant 608 : index
      %get3A_1230 = tpu.vector_load %arg15[%get3A_1229] {strides = array<i32>} : memref<1632xf32, #tpu.memory_space<vmem>>, vector<16xf32>,
      %max3A_1231 = arith.maximumf %max3A_1225, %get3A_1230 : vector<16xf32>
      %get3A_1232 = arith.constant 1424 : index
      %get3A_1233 = tpu.vector_load %arg15[%get3A_1232] {strides = array<i32>} : memref<1632xf32, #tpu.memory_space<vmem>>, vector<16xf32>,
      %min3A_1234 = arith.minimumf %min3A_1228, %get3A_1233 : vector<16xf32>
      %swap3A_1235 = arith.constant 64 : index
      %swap3A_1236 = tpu.vector_load %arg11[%swap3A_1235] {strides = array<i32>} : memref<272xf32, #tpu.memory_space<vmem>>, vector<16xf32>,
      tpu.vector_store %arg11[%swap3A_1235], %max3A_1231 {strides = array<i32>} : memref<272xf32, #tpu.memory_space<vmem>>, vector<16xf32>,
      %swap3A_1237 = arith.constant 64 : index
      %swap3A_1238 = tpu.vector_load %arg12[%swap3A_1237] {strides = array<i32>} : memref<272xf32, #tpu.memory_space<vmem>>, vector<16xf32>,
      tpu.vector_store %arg12[%swap3A_1237], %min3A_1234 {strides = array<i32>} : memref<272xf32, #tpu.memory_space<vmem>>, vector<16xf32>,
      %get3A_1239 = arith.constant 80 : index
      %get3A_1240 = tpu.vector_load %arg11[%get3A_1239] {strides = array<i32>} : memref<272xf32, #tpu.memory_space<vmem>>, vector<16xf32>,
      %get3A_1241 = arith.constant 80 : index
      %get3A_1242 = tpu.vector_load %arg12[%get3A_1241] {strides = array<i32>} : memref<272xf32, #tpu.memory_space<vmem>>, vector<16xf32>,
      %get3A_1243 = arith.constant 80 : index
      %get3A_1244 = tpu.vector_load %arg15[%get3A_1243] {strides = array<i32>} : memref<1632xf32, #tpu.memory_space<vmem>>, vector<16xf32>,
      %max3A_1245 = arith.maximumf %get3A_1240, %get3A_1244 : vector<16xf32>
      %get3A_1246 = arith.constant 896 : index
      %get3A_1247 = tpu.vector_load %arg15[%get3A_1246] {strides = array<i32>} : memref<1632xf32, #tpu.memory_space<vmem>>, vector<16xf32>,
      %min3A_1248 = arith.minimumf %get3A_1242, %get3A_1247 : vector<16xf32>
      %get3A_1249 = arith.constant 352 : index
      %get3A_1250 = tpu.vector_load %arg15[%get3A_1249] {strides = array<i32>} : memref<1632xf32, #tpu.memory_space<vmem>>, vector<16xf32>,
      %max3A_1251 = arith.maximumf %max3A_1245, %get3A_1250 : vector<16xf32>
      %get3A_1252 = arith.constant 1168 : index
      %get3A_1253 = tpu.vector_load %arg15[%get3A_1252] {strides = array<i32>} : memref<1632xf32, #tpu.memory_space<vmem>>, vector<16xf32>,
      %min3A_1254 = arith.minimumf %min3A_1248, %get3A_1253 : vector<16xf32>
      %get3A_1255 = arith.constant 624 : index
      %get3A_1256 = tpu.vector_load %arg15[%get3A_1255] {strides = array<i32>} : memref<1632xf32, #tpu.memory_space<vmem>>, vector<16xf32>,
      %max3A_1257 = arith.maximumf %max3A_1251, %get3A_1256 : vector<16xf32>
      %get3A_1258 = arith.constant 1440 : index
      %get3A_1259 = tpu.vector_load %arg15[%get3A_1258] {strides = array<i32>} : memref<1632xf32, #tpu.memory_space<vmem>>, vector<16xf32>,
      %min3A_1260 = arith.minimumf %min3A_1254, %get3A_1259 : vector<16xf32>
      %swap3A_1261 = arith.constant 80 : index
      %swap3A_1262 = tpu.vector_load %arg11[%swap3A_1261] {strides = array<i32>} : memref<272xf32, #tpu.memory_space<vmem>>, vector<16xf32>,
      tpu.vector_store %arg11[%swap3A_1261], %max3A_1257 {strides = array<i32>} : memref<272xf32, #tpu.memory_space<vmem>>, vector<16xf32>,
      %swap3A_1263 = arith.constant 80 : index
      %swap3A_1264 = tpu.vector_load %arg12[%swap3A_1263] {strides = array<i32>} : memref<272xf32, #tpu.memory_space<vmem>>, vector<16xf32>,
      tpu.vector_store %arg12[%swap3A_1263], %min3A_1260 {strides = array<i32>} : memref<272xf32, #tpu.memory_space<vmem>>, vector<16xf32>,
      %get3A_1265 = arith.constant 96 : index
      %get3A_1266 = tpu.vector_load %arg11[%get3A_1265] {strides = array<i32>} : memref<272xf32, #tpu.memory_space<vmem>>, vector<16xf32>,
      %get3A_1267 = arith.constant 96 : index
      %get3A_1268 = tpu.vector_load %arg12[%get3A_1267] {strides = array<i32>} : memref<272xf32, #tpu.memory_space<vmem>>, vector<16xf32>,
      %get3A_1269 = arith.constant 96 : index
      %get3A_1270 = tpu.vector_load %arg15[%get3A_1269] {strides = array<i32>} : memref<1632xf32, #tpu.memory_space<vmem>>, vector<16xf32>,
      %max3A_1271 = arith.maximumf %get3A_1266, %get3A_1270 : vector<16xf32>
      %get3A_1272 = arith.constant 912 : index
      %get3A_1273 = tpu.vector_load %arg15[%get3A_1272] {strides = array<i32>} : memref<1632xf32, #tpu.memory_space<vmem>>, vector<16xf32>,
      %min3A_1274 = arith.minimumf %get3A_1268, %get3A_1273 : vector<16xf32>
      %get3A_1275 = arith.constant 368 : index
      %get3A_1276 = tpu.vector_load %arg15[%get3A_1275] {strides = array<i32>} : memref<1632xf32, #tpu.memory_space<vmem>>, vector<16xf32>,
      %max3A_1277 = arith.maximumf %max3A_1271, %get3A_1276 : vector<16xf32>
      %get3A_1278 = arith.constant 1184 : index
      %get3A_1279 = tpu.vector_load %arg15[%get3A_1278] {strides = array<i32>} : memref<1632xf32, #tpu.memory_space<vmem>>, vector<16xf32>,
      %min3A_1280 = arith.minimumf %min3A_1274, %get3A_1279 : vector<16xf32>
      %get3A_1281 = arith.constant 640 : index
      %get3A_1282 = tpu.vector_load %arg15[%get3A_1281] {strides = array<i32>} : memref<1632xf32, #tpu.memory_space<vmem>>, vector<16xf32>,
      %max3A_1283 = arith.maximumf %max3A_1277, %get3A_1282 : vector<16xf32>
      %get3A_1284 = arith.constant 1456 : index
      %get3A_1285 = tpu.vector_load %arg15[%get3A_1284] {strides = array<i32>} : memref<1632xf32, #tpu.memory_space<vmem>>, vector<16xf32>,
      %min3A_1286 = arith.minimumf %min3A_1280, %get3A_1285 : vector<16xf32>
      %swap3A_1287 = arith.constant 96 : index
      %swap3A_1288 = tpu.vector_load %arg11[%swap3A_1287] {strides = array<i32>} : memref<272xf32, #tpu.memory_space<vmem>>, vector<16xf32>,
      tpu.vector_store %arg11[%swap3A_1287], %max3A_1283 {strides = array<i32>} : memref<272xf32, #tpu.memory_space<vmem>>, vector<16xf32>,
      %swap3A_1289 = arith.constant 96 : index
      %swap3A_1290 = tpu.vector_load %arg12[%swap3A_1289] {strides = array<i32>} : memref<272xf32, #tpu.memory_space<vmem>>, vector<16xf32>,
      tpu.vector_store %arg12[%swap3A_1289], %min3A_1286 {strides = array<i32>} : memref<272xf32, #tpu.memory_space<vmem>>, vector<16xf32>,
      %get3A_1291 = arith.constant 112 : index
      %get3A_1292 = tpu.vector_load %arg11[%get3A_1291] {strides = array<i32>} : memref<272xf32, #tpu.memory_space<vmem>>, vector<16xf32>,
      %get3A_1293 = arith.constant 112 : index
      %get3A_1294 = tpu.vector_load %arg12[%get3A_1293] {strides = array<i32>} : memref<272xf32, #tpu.memory_space<vmem>>, vector<16xf32>,
      %get3A_1295 = arith.constant 112 : index
      %get3A_1296 = tpu.vector_load %arg15[%get3A_1295] {strides = array<i32>} : memref<1632xf32, #tpu.memory_space<vmem>>, vector<16xf32>,
      %max3A_1297 = arith.maximumf %get3A_1292, %get3A_1296 : vector<16xf32>
      %get3A_1298 = arith.constant 928 : index
      %get3A_1299 = tpu.vector_load %arg15[%get3A_1298] {strides = array<i32>} : memref<1632xf32, #tpu.memory_space<vmem>>, vector<16xf32>,
      %min3A_1300 = arith.minimumf %get3A_1294, %get3A_1299 : vector<16xf32>
      %get3A_1301 = arith.constant 384 : index
      %get3A_1302 = tpu.vector_load %arg15[%get3A_1301] {strides = array<i32>} : memref<1632xf32, #tpu.memory_space<vmem>>, vector<16xf32>,
      %max3A_1303 = arith.maximumf %max3A_1297, %get3A_1302 : vector<16xf32>
      %get3A_1304 = arith.constant 1200 : index
      %get3A_1305 = tpu.vector_load %arg15[%get3A_1304] {strides = array<i32>} : memref<1632xf32, #tpu.memory_space<vmem>>, vector<16xf32>,
      %min3A_1306 = arith.minimumf %min3A_1300, %get3A_1305 : vector<16xf32>
      %get3A_1307 = arith.constant 656 : index
      %get3A_1308 = tpu.vector_load %arg15[%get3A_1307] {strides = array<i32>} : memref<1632xf32, #tpu.memory_space<vmem>>, vector<16xf32>,
      %max3A_1309 = arith.maximumf %max3A_1303, %get3A_1308 : vector<16xf32>
      %get3A_1310 = arith.constant 1472 : index
      %get3A_1311 = tpu.vector_load %arg15[%get3A_1310] {strides = array<i32>} : memref<1632xf32, #tpu.memory_space<vmem>>, vector<16xf32>,
      %min3A_1312 = arith.minimumf %min3A_1306, %get3A_1311 : vector<16xf32>
      %swap3A_1313 = arith.constant 112 : index
      %swap3A_1314 = tpu.vector_load %arg11[%swap3A_1313] {strides = array<i32>} : memref<272xf32, #tpu.memory_space<vmem>>, vector<16xf32>,
      tpu.vector_store %arg11[%swap3A_1313], %max3A_1309 {strides = array<i32>} : memref<272xf32, #tpu.memory_space<vmem>>, vector<16xf32>,
      %swap3A_1315 = arith.constant 112 : index
      %swap3A_1316 = tpu.vector_load %arg12[%swap3A_1315] {strides = array<i32>} : memref<272xf32, #tpu.memory_space<vmem>>, vector<16xf32>,
      tpu.vector_store %arg12[%swap3A_1315], %min3A_1312 {strides = array<i32>} : memref<272xf32, #tpu.memory_space<vmem>>, vector<16xf32>,
      %get3A_1317 = arith.constant 128 : index
      %get3A_1318 = tpu.vector_load %arg11[%get3A_1317] {strides = array<i32>} : memref<272xf32, #tpu.memory_space<vmem>>, vector<16xf32>,
      %get3A_1319 = arith.constant 128 : index
      %get3A_1320 = tpu.vector_load %arg12[%get3A_1319] {strides = array<i32>} : memref<272xf32, #tpu.memory_space<vmem>>, vector<16xf32>,
      %get3A_1321 = arith.constant 128 : index
      %get3A_1322 = tpu.vector_load %arg15[%get3A_1321] {strides = array<i32>} : memref<1632xf32, #tpu.memory_space<vmem>>, vector<16xf32>,
      %max3A_1323 = arith.maximumf %get3A_1318, %get3A_1322 : vector<16xf32>
      %get3A_1324 = arith.constant 944 : index
      %get3A_1325 = tpu.vector_load %arg15[%get3A_1324] {strides = array<i32>} : memref<1632xf32, #tpu.memory_space<vmem>>, vector<16xf32>,
      %min3A_1326 = arith.minimumf %get3A_1320, %get3A_1325 : vector<16xf32>
      %get3A_1327 = arith.constant 400 : index
      %get3A_1328 = tpu.vector_load %arg15[%get3A_1327] {strides = array<i32>} : memref<1632xf32, #tpu.memory_space<vmem>>, vector<16xf32>,
      %max3A_1329 = arith.maximumf %max3A_1323, %get3A_1328 : vector<16xf32>
      %get3A_1330 = arith.constant 1216 : index
      %get3A_1331 = tpu.vector_load %arg15[%get3A_1330] {strides = array<i32>} : memref<1632xf32, #tpu.memory_space<vmem>>, vector<16xf32>,
      %min3A_1332 = arith.minimumf %min3A_1326, %get3A_1331 : vector<16xf32>
      %get3A_1333 = arith.constant 672 : index
      %get3A_1334 = tpu.vector_load %arg15[%get3A_1333] {strides = array<i32>} : memref<1632xf32, #tpu.memory_space<vmem>>, vector<16xf32>,
      %max3A_1335 = arith.maximumf %max3A_1329, %get3A_1334 : vector<16xf32>
      %get3A_1336 = arith.constant 1488 : index
      %get3A_1337 = tpu.vector_load %arg15[%get3A_1336] {strides = array<i32>} : memref<1632xf32, #tpu.memory_space<vmem>>, vector<16xf32>,
      %min3A_1338 = arith.minimumf %min3A_1332, %get3A_1337 : vector<16xf32>
      %swap3A_1339 = arith.constant 128 : index
      %swap3A_1340 = tpu.vector_load %arg11[%swap3A_1339] {strides = array<i32>} : memref<272xf32, #tpu.memory_space<vmem>>, vector<16xf32>,
      tpu.vector_store %arg11[%swap3A_1339], %max3A_1335 {strides = array<i32>} : memref<272xf32, #tpu.memory_space<vmem>>, vector<16xf32>,
      %swap3A_1341 = arith.constant 128 : index
      %swap3A_1342 = tpu.vector_load %arg12[%swap3A_1341] {strides = array<i32>} : memref<272xf32, #tpu.memory_space<vmem>>, vector<16xf32>,
      tpu.vector_store %arg12[%swap3A_1341], %min3A_1338 {strides = array<i32>} : memref<272xf32, #tpu.memory_space<vmem>>, vector<16xf32>,
      %get3A_1343 = arith.constant 144 : index
      %get3A_1344 = tpu.vector_load %arg11[%get3A_1343] {strides = array<i32>} : memref<272xf32, #tpu.memory_space<vmem>>, vector<16xf32>,
      %get3A_1345 = arith.constant 144 : index
      %get3A_1346 = tpu.vector_load %arg12[%get3A_1345] {strides = array<i32>} : memref<272xf32, #tpu.memory_space<vmem>>, vector<16xf32>,
      %get3A_1347 = arith.constant 144 : index
      %get3A_1348 = tpu.vector_load %arg15[%get3A_1347] {strides = array<i32>} : memref<1632xf32, #tpu.memory_space<vmem>>, vector<16xf32>,
      %max3A_1349 = arith.maximumf %get3A_1344, %get3A_1348 : vector<16xf32>
      %get3A_1350 = arith.constant 960 : index
      %get3A_1351 = tpu.vector_load %arg15[%get3A_1350] {strides = array<i32>} : memref<1632xf32, #tpu.memory_space<vmem>>, vector<16xf32>,
      %min3A_1352 = arith.minimumf %get3A_1346, %get3A_1351 : vector<16xf32>
      %get3A_1353 = arith.constant 416 : index
      %get3A_1354 = tpu.vector_load %arg15[%get3A_1353] {strides = array<i32>} : memref<1632xf32, #tpu.memory_space<vmem>>, vector<16xf32>,
      %max3A_1355 = arith.maximumf %max3A_1349, %get3A_1354 : vector<16xf32>
      %get3A_1356 = arith.constant 1232 : index
      %get3A_1357 = tpu.vector_load %arg15[%get3A_1356] {strides = array<i32>} : memref<1632xf32, #tpu.memory_space<vmem>>, vector<16xf32>,
      %min3A_1358 = arith.minimumf %min3A_1352, %get3A_1357 : vector<16xf32>
      %get3A_1359 = arith.constant 688 : index
      %get3A_1360 = tpu.vector_load %arg15[%get3A_1359] {strides = array<i32>} : memref<1632xf32, #tpu.memory_space<vmem>>, vector<16xf32>,
      %max3A_1361 = arith.maximumf %max3A_1355, %get3A_1360 : vector<16xf32>
      %get3A_1362 = arith.constant 1504 : index
      %get3A_1363 = tpu.vector_load %arg15[%get3A_1362] {strides = array<i32>} : memref<1632xf32, #tpu.memory_space<vmem>>, vector<16xf32>,
      %min3A_1364 = arith.minimumf %min3A_1358, %get3A_1363 : vector<16xf32>
      %swap3A_1365 = arith.constant 144 : index
      %swap3A_1366 = tpu.vector_load %arg11[%swap3A_1365] {strides = array<i32>} : memref<272xf32, #tpu.memory_space<vmem>>, vector<16xf32>,
      tpu.vector_store %arg11[%swap3A_1365], %max3A_1361 {strides = array<i32>} : memref<272xf32, #tpu.memory_space<vmem>>, vector<16xf32>,
      %swap3A_1367 = arith.constant 144 : index
      %swap3A_1368 = tpu.vector_load %arg12[%swap3A_1367] {strides = array<i32>} : memref<272xf32, #tpu.memory_space<vmem>>, vector<16xf32>,
      tpu.vector_store %arg12[%swap3A_1367], %min3A_1364 {strides = array<i32>} : memref<272xf32, #tpu.memory_space<vmem>>, vector<16xf32>,
      %get3A_1369 = arith.constant 160 : index
      %get3A_1370 = tpu.vector_load %arg11[%get3A_1369] {strides = array<i32>} : memref<272xf32, #tpu.memory_space<vmem>>, vector<16xf32>,
      %get3A_1371 = arith.constant 160 : index
      %get3A_1372 = tpu.vector_load %arg12[%get3A_1371] {strides = array<i32>} : memref<272xf32, #tpu.memory_space<vmem>>, vector<16xf32>,
      %get3A_1373 = arith.constant 160 : index
      %get3A_1374 = tpu.vector_load %arg15[%get3A_1373] {strides = array<i32>} : memref<1632xf32, #tpu.memory_space<vmem>>, vector<16xf32>,
      %max3A_1375 = arith.maximumf %get3A_1370, %get3A_1374 : vector<16xf32>
      %get3A_1376 = arith.constant 976 : index
      %get3A_1377 = tpu.vector_load %arg15[%get3A_1376] {strides = array<i32>} : memref<1632xf32, #tpu.memory_space<vmem>>, vector<16xf32>,
      %min3A_1378 = arith.minimumf %get3A_1372, %get3A_1377 : vector<16xf32>
      %get3A_1379 = arith.constant 432 : index
      %get3A_1380 = tpu.vector_load %arg15[%get3A_1379] {strides = array<i32>} : memref<1632xf32, #tpu.memory_space<vmem>>, vector<16xf32>,
      %max3A_1381 = arith.maximumf %max3A_1375, %get3A_1380 : vector<16xf32>
      %get3A_1382 = arith.constant 1248 : index
      %get3A_1383 = tpu.vector_load %arg15[%get3A_1382] {strides = array<i32>} : memref<1632xf32, #tpu.memory_space<vmem>>, vector<16xf32>,
      %min3A_1384 = arith.minimumf %min3A_1378, %get3A_1383 : vector<16xf32>
      %get3A_1385 = arith.constant 704 : index
      %get3A_1386 = tpu.vector_load %arg15[%get3A_1385] {strides = array<i32>} : memref<1632xf32, #tpu.memory_space<vmem>>, vector<16xf32>,
      %max3A_1387 = arith.maximumf %max3A_1381, %get3A_1386 : vector<16xf32>
      %get3A_1388 = arith.constant 1520 : index
      %get3A_1389 = tpu.vector_load %arg15[%get3A_1388] {strides = array<i32>} : memref<1632xf32, #tpu.memory_space<vmem>>, vector<16xf32>,
      %min3A_1390 = arith.minimumf %min3A_1384, %get3A_1389 : vector<16xf32>
      %swap3A_1391 = arith.constant 160 : index
      %swap3A_1392 = tpu.vector_load %arg11[%swap3A_1391] {strides = array<i32>} : memref<272xf32, #tpu.memory_space<vmem>>, vector<16xf32>,
      tpu.vector_store %arg11[%swap3A_1391], %max3A_1387 {strides = array<i32>} : memref<272xf32, #tpu.memory_space<vmem>>, vector<16xf32>,
      %swap3A_1393 = arith.constant 160 : index
      %swap3A_1394 = tpu.vector_load %arg12[%swap3A_1393] {strides = array<i32>} : memref<272xf32, #tpu.memory_space<vmem>>, vector<16xf32>,
      tpu.vector_store %arg12[%swap3A_1393], %min3A_1390 {strides = array<i32>} : memref<272xf32, #tpu.memory_space<vmem>>, vector<16xf32>,
      %get3A_1395 = arith.constant 176 : index
      %get3A_1396 = tpu.vector_load %arg11[%get3A_1395] {strides = array<i32>} : memref<272xf32, #tpu.memory_space<vmem>>, vector<16xf32>,
      %get3A_1397 = arith.constant 176 : index
      %get3A_1398 = tpu.vector_load %arg12[%get3A_1397] {strides = array<i32>} : memref<272xf32, #tpu.memory_space<vmem>>, vector<16xf32>,
      %get3A_1399 = arith.constant 176 : index
      %get3A_1400 = tpu.vector_load %arg15[%get3A_1399] {strides = array<i32>} : memref<1632xf32, #tpu.memory_space<vmem>>, vector<16xf32>,
      %max3A_1401 = arith.maximumf %get3A_1396, %get3A_1400 : vector<16xf32>
      %get3A_1402 = arith.constant 992 : index
      %get3A_1403 = tpu.vector_load %arg15[%get3A_1402] {strides = array<i32>} : memref<1632xf32, #tpu.memory_space<vmem>>, vector<16xf32>,
      %min3A_1404 = arith.minimumf %get3A_1398, %get3A_1403 : vector<16xf32>
      %get3A_1405 = arith.constant 448 : index
      %get3A_1406 = tpu.vector_load %arg15[%get3A_1405] {strides = array<i32>} : memref<1632xf32, #tpu.memory_space<vmem>>, vector<16xf32>,
      %max3A_1407 = arith.maximumf %max3A_1401, %get3A_1406 : vector<16xf32>
      %get3A_1408 = arith.constant 1264 : index
      %get3A_1409 = tpu.vector_load %arg15[%get3A_1408] {strides = array<i32>} : memref<1632xf32, #tpu.memory_space<vmem>>, vector<16xf32>,
      %min3A_1410 = arith.minimumf %min3A_1404, %get3A_1409 : vector<16xf32>
      %get3A_1411 = arith.constant 720 : index
      %get3A_1412 = tpu.vector_load %arg15[%get3A_1411] {strides = array<i32>} : memref<1632xf32, #tpu.memory_space<vmem>>, vector<16xf32>,
      %max3A_1413 = arith.maximumf %max3A_1407, %get3A_1412 : vector<16xf32>
      %get3A_1414 = arith.constant 1536 : index
      %get3A_1415 = tpu.vector_load %arg15[%get3A_1414] {strides = array<i32>} : memref<1632xf32, #tpu.memory_space<vmem>>, vector<16xf32>,
      %min3A_1416 = arith.minimumf %min3A_1410, %get3A_1415 : vector<16xf32>
      %swap3A_1417 = arith.constant 176 : index
      %swap3A_1418 = tpu.vector_load %arg11[%swap3A_1417] {strides = array<i32>} : memref<272xf32, #tpu.memory_space<vmem>>, vector<16xf32>,
      tpu.vector_store %arg11[%swap3A_1417], %max3A_1413 {strides = array<i32>} : memref<272xf32, #tpu.memory_space<vmem>>, vector<16xf32>,
      %swap3A_1419 = arith.constant 176 : index
      %swap3A_1420 = tpu.vector_load %arg12[%swap3A_1419] {strides = array<i32>} : memref<272xf32, #tpu.memory_space<vmem>>, vector<16xf32>,
      tpu.vector_store %arg12[%swap3A_1419], %min3A_1416 {strides = array<i32>} : memref<272xf32, #tpu.memory_space<vmem>>, vector<16xf32>,
      %get3A_1421 = arith.constant 192 : index
      %get3A_1422 = tpu.vector_load %arg11[%get3A_1421] {strides = array<i32>} : memref<272xf32, #tpu.memory_space<vmem>>, vector<16xf32>,
      %get3A_1423 = arith.constant 192 : index
      %get3A_1424 = tpu.vector_load %arg12[%get3A_1423] {strides = array<i32>} : memref<272xf32, #tpu.memory_space<vmem>>, vector<16xf32>,
      %get3A_1425 = arith.constant 192 : index
      %get3A_1426 = tpu.vector_load %arg15[%get3A_1425] {strides = array<i32>} : memref<1632xf32, #tpu.memory_space<vmem>>, vector<16xf32>,
      %max3A_1427 = arith.maximumf %get3A_1422, %get3A_1426 : vector<16xf32>
      %get3A_1428 = arith.constant 1008 : index
      %get3A_1429 = tpu.vector_load %arg15[%get3A_1428] {strides = array<i32>} : memref<1632xf32, #tpu.memory_space<vmem>>, vector<16xf32>,
      %min3A_1430 = arith.minimumf %get3A_1424, %get3A_1429 : vector<16xf32>
      %get3A_1431 = arith.constant 464 : index
      %get3A_1432 = tpu.vector_load %arg15[%get3A_1431] {strides = array<i32>} : memref<1632xf32, #tpu.memory_space<vmem>>, vector<16xf32>,
      %max3A_1433 = arith.maximumf %max3A_1427, %get3A_1432 : vector<16xf32>
      %get3A_1434 = arith.constant 1280 : index
      %get3A_1435 = tpu.vector_load %arg15[%get3A_1434] {strides = array<i32>} : memref<1632xf32, #tpu.memory_space<vmem>>, vector<16xf32>,
      %min3A_1436 = arith.minimumf %min3A_1430, %get3A_1435 : vector<16xf32>
      %get3A_1437 = arith.constant 736 : index
      %get3A_1438 = tpu.vector_load %arg15[%get3A_1437] {strides = array<i32>} : memref<1632xf32, #tpu.memory_space<vmem>>, vector<16xf32>,
      %max3A_1439 = arith.maximumf %max3A_1433, %get3A_1438 : vector<16xf32>
      %get3A_1440 = arith.constant 1552 : index
      %get3A_1441 = tpu.vector_load %arg15[%get3A_1440] {strides = array<i32>} : memref<1632xf32, #tpu.memory_space<vmem>>, vector<16xf32>,
      %min3A_1442 = arith.minimumf %min3A_1436, %get3A_1441 : vector<16xf32>
      %swap3A_1443 = arith.constant 192 : index
      %swap3A_1444 = tpu.vector_load %arg11[%swap3A_1443] {strides = array<i32>} : memref<272xf32, #tpu.memory_space<vmem>>, vector<16xf32>,
      tpu.vector_store %arg11[%swap3A_1443], %max3A_1439 {strides = array<i32>} : memref<272xf32, #tpu.memory_space<vmem>>, vector<16xf32>,
      %swap3A_1445 = arith.constant 192 : index
      %swap3A_1446 = tpu.vector_load %arg12[%swap3A_1445] {strides = array<i32>} : memref<272xf32, #tpu.memory_space<vmem>>, vector<16xf32>,
      tpu.vector_store %arg12[%swap3A_1445], %min3A_1442 {strides = array<i32>} : memref<272xf32, #tpu.memory_space<vmem>>, vector<16xf32>,
      %get3A_1447 = arith.constant 208 : index
      %get3A_1448 = tpu.vector_load %arg11[%get3A_1447] {strides = array<i32>} : memref<272xf32, #tpu.memory_space<vmem>>, vector<16xf32>,
      %get3A_1449 = arith.constant 208 : index
      %get3A_1450 = tpu.vector_load %arg12[%get3A_1449] {strides = array<i32>} : memref<272xf32, #tpu.memory_space<vmem>>, vector<16xf32>,
      %get3A_1451 = arith.constant 208 : index
      %get3A_1452 = tpu.vector_load %arg15[%get3A_1451] {strides = array<i32>} : memref<1632xf32, #tpu.memory_space<vmem>>, vector<16xf32>,
      %max3A_1453 = arith.maximumf %get3A_1448, %get3A_1452 : vector<16xf32>
      %get3A_1454 = arith.constant 1024 : index
      %get3A_1455 = tpu.vector_load %arg15[%get3A_1454] {strides = array<i32>} : memref<1632xf32, #tpu.memory_space<vmem>>, vector<16xf32>,
      %min3A_1456 = arith.minimumf %get3A_1450, %get3A_1455 : vector<16xf32>
      %get3A_1457 = arith.constant 480 : index
      %get3A_1458 = tpu.vector_load %arg15[%get3A_1457] {strides = array<i32>} : memref<1632xf32, #tpu.memory_space<vmem>>, vector<16xf32>,
      %max3A_1459 = arith.maximumf %max3A_1453, %get3A_1458 : vector<16xf32>
      %get3A_1460 = arith.constant 1296 : index
      %get3A_1461 = tpu.vector_load %arg15[%get3A_1460] {strides = array<i32>} : memref<1632xf32, #tpu.memory_space<vmem>>, vector<16xf32>,
      %min3A_1462 = arith.minimumf %min3A_1456, %get3A_1461 : vector<16xf32>
      %get3A_1463 = arith.constant 752 : index
      %get3A_1464 = tpu.vector_load %arg15[%get3A_1463] {strides = array<i32>} : memref<1632xf32, #tpu.memory_space<vmem>>, vector<16xf32>,
      %max3A_1465 = arith.maximumf %max3A_1459, %get3A_1464 : vector<16xf32>
      %get3A_1466 = arith.constant 1568 : index
      %get3A_1467 = tpu.vector_load %arg15[%get3A_1466] {strides = array<i32>} : memref<1632xf32, #tpu.memory_space<vmem>>, vector<16xf32>,
      %min3A_1468 = arith.minimumf %min3A_1462, %get3A_1467 : vector<16xf32>
      %swap3A_1469 = arith.constant 208 : index
      %swap3A_1470 = tpu.vector_load %arg11[%swap3A_1469] {strides = array<i32>} : memref<272xf32, #tpu.memory_space<vmem>>, vector<16xf32>,
      tpu.vector_store %arg11[%swap3A_1469], %max3A_1465 {strides = array<i32>} : memref<272xf32, #tpu.memory_space<vmem>>, vector<16xf32>,
      %swap3A_1471 = arith.constant 208 : index
      %swap3A_1472 = tpu.vector_load %arg12[%swap3A_1471] {strides = array<i32>} : memref<272xf32, #tpu.memory_space<vmem>>, vector<16xf32>,
      tpu.vector_store %arg12[%swap3A_1471], %min3A_1468 {strides = array<i32>} : memref<272xf32, #tpu.memory_space<vmem>>, vector<16xf32>,
      %get3A_1473 = arith.constant 224 : index
      %get3A_1474 = tpu.vector_load %arg11[%get3A_1473] {strides = array<i32>} : memref<272xf32, #tpu.memory_space<vmem>>, vector<16xf32>,
      %get3A_1475 = arith.constant 224 : index
      %get3A_1476 = tpu.vector_load %arg12[%get3A_1475] {strides = array<i32>} : memref<272xf32, #tpu.memory_space<vmem>>, vector<16xf32>,
      %get3A_1477 = arith.constant 224 : index
      %get3A_1478 = tpu.vector_load %arg15[%get3A_1477] {strides = array<i32>} : memref<1632xf32, #tpu.memory_space<vmem>>, vector<16xf32>,
      %max3A_1479 = arith.maximumf %get3A_1474, %get3A_1478 : vector<16xf32>
      %get3A_1480 = arith.constant 1040 : index
      %get3A_1481 = tpu.vector_load %arg15[%get3A_1480] {strides = array<i32>} : memref<1632xf32, #tpu.memory_space<vmem>>, vector<16xf32>,
      %min3A_1482 = arith.minimumf %get3A_1476, %get3A_1481 : vector<16xf32>
      %get3A_1483 = arith.constant 496 : index
      %get3A_1484 = tpu.vector_load %arg15[%get3A_1483] {strides = array<i32>} : memref<1632xf32, #tpu.memory_space<vmem>>, vector<16xf32>,
      %max3A_1485 = arith.maximumf %max3A_1479, %get3A_1484 : vector<16xf32>
      %get3A_1486 = arith.constant 1312 : index
      %get3A_1487 = tpu.vector_load %arg15[%get3A_1486] {strides = array<i32>} : memref<1632xf32, #tpu.memory_space<vmem>>, vector<16xf32>,
      %min3A_1488 = arith.minimumf %min3A_1482, %get3A_1487 : vector<16xf32>
      %get3A_1489 = arith.constant 768 : index
      %get3A_1490 = tpu.vector_load %arg15[%get3A_1489] {strides = array<i32>} : memref<1632xf32, #tpu.memory_space<vmem>>, vector<16xf32>,
      %max3A_1491 = arith.maximumf %max3A_1485, %get3A_1490 : vector<16xf32>
      %get3A_1492 = arith.constant 1584 : index
      %get3A_1493 = tpu.vector_load %arg15[%get3A_1492] {strides = array<i32>} : memref<1632xf32, #tpu.memory_space<vmem>>, vector<16xf32>,
      %min3A_1494 = arith.minimumf %min3A_1488, %get3A_1493 : vector<16xf32>
      %swap3A_1495 = arith.constant 224 : index
      %swap3A_1496 = tpu.vector_load %arg11[%swap3A_1495] {strides = array<i32>} : memref<272xf32, #tpu.memory_space<vmem>>, vector<16xf32>,
      tpu.vector_store %arg11[%swap3A_1495], %max3A_1491 {strides = array<i32>} : memref<272xf32, #tpu.memory_space<vmem>>, vector<16xf32>,
      %swap3A_1497 = arith.constant 224 : index
      %swap3A_1498 = tpu.vector_load %arg12[%swap3A_1497] {strides = array<i32>} : memref<272xf32, #tpu.memory_space<vmem>>, vector<16xf32>,
      tpu.vector_store %arg12[%swap3A_1497], %min3A_1494 {strides = array<i32>} : memref<272xf32, #tpu.memory_space<vmem>>, vector<16xf32>,
      %get3A_1499 = arith.constant 240 : index
      %get3A_1500 = tpu.vector_load %arg11[%get3A_1499] {strides = array<i32>} : memref<272xf32, #tpu.memory_space<vmem>>, vector<16xf32>,
      %get3A_1501 = arith.constant 240 : index
      %get3A_1502 = tpu.vector_load %arg12[%get3A_1501] {strides = array<i32>} : memref<272xf32, #tpu.memory_space<vmem>>, vector<16xf32>,
      %get3A_1503 = arith.constant 240 : index
      %get3A_1504 = tpu.vector_load %arg15[%get3A_1503] {strides = array<i32>} : memref<1632xf32, #tpu.memory_space<vmem>>, vector<16xf32>,
      %max3A_1505 = arith.maximumf %get3A_1500, %get3A_1504 : vector<16xf32>
      %get3A_1506 = arith.constant 1056 : index
      %get3A_1507 = tpu.vector_load %arg15[%get3A_1506] {strides = array<i32>} : memref<1632xf32, #tpu.memory_space<vmem>>, vector<16xf32>,
      %min3A_1508 = arith.minimumf %get3A_1502, %get3A_1507 : vector<16xf32>
      %get3A_1509 = arith.constant 512 : index
      %get3A_1510 = tpu.vector_load %arg15[%get3A_1509] {strides = array<i32>} : memref<1632xf32, #tpu.memory_space<vmem>>, vector<16xf32>,
      %max3A_1511 = arith.maximumf %max3A_1505, %get3A_1510 : vector<16xf32>
      %get3A_1512 = arith.constant 1328 : index
      %get3A_1513 = tpu.vector_load %arg15[%get3A_1512] {strides = array<i32>} : memref<1632xf32, #tpu.memory_space<vmem>>, vector<16xf32>,
      %min3A_1514 = arith.minimumf %min3A_1508, %get3A_1513 : vector<16xf32>
      %get3A_1515 = arith.constant 784 : index
      %get3A_1516 = tpu.vector_load %arg15[%get3A_1515] {strides = array<i32>} : memref<1632xf32, #tpu.memory_space<vmem>>, vector<16xf32>,
      %max3A_1517 = arith.maximumf %max3A_1511, %get3A_1516 : vector<16xf32>
      %get3A_1518 = arith.constant 1600 : index
      %get3A_1519 = tpu.vector_load %arg15[%get3A_1518] {strides = array<i32>} : memref<1632xf32, #tpu.memory_space<vmem>>, vector<16xf32>,
      %min3A_1520 = arith.minimumf %min3A_1514, %get3A_1519 : vector<16xf32>
      %swap3A_1521 = arith.constant 240 : index
      %swap3A_1522 = tpu.vector_load %arg11[%swap3A_1521] {strides = array<i32>} : memref<272xf32, #tpu.memory_space<vmem>>, vector<16xf32>,
      tpu.vector_store %arg11[%swap3A_1521], %max3A_1517 {strides = array<i32>} : memref<272xf32, #tpu.memory_space<vmem>>, vector<16xf32>,
      %swap3A_1523 = arith.constant 240 : index
      %swap3A_1524 = tpu.vector_load %arg12[%swap3A_1523] {strides = array<i32>} : memref<272xf32, #tpu.memory_space<vmem>>, vector<16xf32>,
      tpu.vector_store %arg12[%swap3A_1523], %min3A_1520 {strides = array<i32>} : memref<272xf32, #tpu.memory_space<vmem>>, vector<16xf32>,
      %get3A_1525 = arith.constant 256 : index
      %get3A_1526 = tpu.vector_load %arg11[%get3A_1525] {strides = array<i32>} : memref<272xf32, #tpu.memory_space<vmem>>, vector<16xf32>,
      %get3A_1527 = arith.constant 256 : index
      %get3A_1528 = tpu.vector_load %arg12[%get3A_1527] {strides = array<i32>} : memref<272xf32, #tpu.memory_space<vmem>>, vector<16xf32>,
      %get3A_1529 = arith.constant 256 : index
      %get3A_1530 = tpu.vector_load %arg15[%get3A_1529] {strides = array<i32>} : memref<1632xf32, #tpu.memory_space<vmem>>, vector<16xf32>,
      %max3A_1531 = arith.maximumf %get3A_1526, %get3A_1530 : vector<16xf32>
      %get3A_1532 = arith.constant 1072 : index
      %get3A_1533 = tpu.vector_load %arg15[%get3A_1532] {strides = array<i32>} : memref<1632xf32, #tpu.memory_space<vmem>>, vector<16xf32>,
      %min3A_1534 = arith.minimumf %get3A_1528, %get3A_1533 : vector<16xf32>
      %get3A_1535 = arith.constant 528 : index
      %get3A_1536 = tpu.vector_load %arg15[%get3A_1535] {strides = array<i32>} : memref<1632xf32, #tpu.memory_space<vmem>>, vector<16xf32>,
      %max3A_1537 = arith.maximumf %max3A_1531, %get3A_1536 : vector<16xf32>
      %get3A_1538 = arith.constant 1344 : index
      %get3A_1539 = tpu.vector_load %arg15[%get3A_1538] {strides = array<i32>} : memref<1632xf32, #tpu.memory_space<vmem>>, vector<16xf32>,
      %min3A_1540 = arith.minimumf %min3A_1534, %get3A_1539 : vector<16xf32>
      %get3A_1541 = arith.constant 800 : index
      %get3A_1542 = tpu.vector_load %arg15[%get3A_1541] {strides = array<i32>} : memref<1632xf32, #tpu.memory_space<vmem>>, vector<16xf32>,
      %max3A_1543 = arith.maximumf %max3A_1537, %get3A_1542 : vector<16xf32>
      %get3A_1544 = arith.constant 1616 : index
      %get3A_1545 = tpu.vector_load %arg15[%get3A_1544] {strides = array<i32>} : memref<1632xf32, #tpu.memory_space<vmem>>, vector<16xf32>,
      %min3A_1546 = arith.minimumf %min3A_1540, %get3A_1545 : vector<16xf32>
      %swap3A_1547 = arith.constant 256 : index
      %swap3A_1548 = tpu.vector_load %arg11[%swap3A_1547] {strides = array<i32>} : memref<272xf32, #tpu.memory_space<vmem>>, vector<16xf32>,
      tpu.vector_store %arg11[%swap3A_1547], %max3A_1543 {strides = array<i32>} : memref<272xf32, #tpu.memory_space<vmem>>, vector<16xf32>,
      %swap3A_1549 = arith.constant 256 : index
      %swap3A_1550 = tpu.vector_load %arg12[%swap3A_1549] {strides = array<i32>} : memref<272xf32, #tpu.memory_space<vmem>>, vector<16xf32>,
      tpu.vector_store %arg12[%swap3A_1549], %min3A_1546 {strides = array<i32>} : memref<272xf32, #tpu.memory_space<vmem>>, vector<16xf32>,
      %get3A_1551 = arith.constant 0 : index
      %get3A_1552 = tpu.vector_load %arg16[%get3A_1551] {strides = array<i32>} : memref<48xf32, #tpu.memory_space<vmem>>, vector<16xf32>,
      %add3A_1553 = arith.addf %parallel_loop3A_1055, %get3A_1552 : vector<16xf32>
      %get3A_1554 = arith.constant 16 : index
      %get3A_1555 = tpu.vector_load %arg16[%get3A_1554] {strides = array<i32>} : memref<48xf32, #tpu.memory_space<vmem>>, vector<16xf32>,
      %add3A_1556 = arith.addf %add3A_1553, %get3A_1555 : vector<16xf32>
      %get3A_1557 = arith.constant 32 : index
      %get3A_1558 = tpu.vector_load %arg16[%get3A_1557] {strides = array<i32>} : memref<48xf32, #tpu.memory_space<vmem>>, vector<16xf32>,
      %add3A_1559 = arith.addf %add3A_1556, %get3A_1558 : vector<16xf32>
      %neg3A_1560 = arith.constant 0.000000e+00 : f32
      %neg3A_1561 = vector.broadcast %neg3A_1560 : f32 to vector<16xf32>
      %neg3A_1562 = arith.subf %neg3A_1561, %broadcast_in_dim3A_679 : vector<16xf32>
      %get3A_1563 = arith.constant 0 : index
      %get3A_1564 = tpu.vector_load %arg11[%get3A_1563] {strides = array<i32>} : memref<272xf32, #tpu.memory_space<vmem>>, vector<16xf32>,
      %broadcast_in_dim3A_1565 = arith.constant true
      %broadcast_in_dim3A_1566 = vector.broadcast %broadcast_in_dim3A_1565 : i1 to vector<16xi1>
      %masked_cummax3A = tpu.scan <max>, %get3A_1564 masked %broadcast_in_dim3A_1566 : vector<16xf32>, vector<16xi1> -> vector<16xf32>
      %max3A_1567 = arith.maximumf %masked_cummax3A, %neg3A_1562 : vector<16xf32>
      %swap3A_1568 = arith.constant 0 : index
      %swap3A_1569 = tpu.vector_load %arg13[%swap3A_1568] {strides = array<i32>} : memref<272xf32, #tpu.memory_space<vmem>>, vector<16xf32>,
      tpu.vector_store %arg13[%swap3A_1568], %max3A_1567 {strides = array<i32>} : memref<272xf32, #tpu.memory_space<vmem>>, vector<16xf32>,
      %broadcast_in_dim3A_1570 = arith.constant 15 : i32
      %broadcast_in_dim3A_1571 = vector.broadcast %broadcast_in_dim3A_1570 : i32 to vector<16xi32>
      %lt3A_1572 = arith.constant 0 : i32
      %lt3A_1573 = vector.broadcast %lt3A_1572 : i32 to vector<16xi32>
      %lt3A_1574 = arith.cmpi slt, %broadcast_in_dim3A_1571, %lt3A_1573 : vector<16xi32>
      %add3A_1575 = arith.constant 16 : i32
      %add3A_1576 = vector.broadcast %add3A_1575 : i32 to vector<16xi32>
      %add3A_1577 = arith.addi %broadcast_in_dim3A_1571, %add3A_1576 : vector<16xi32>
      %select_n3A_1578 = arith.select %lt3A_1574, %add3A_1577, %broadcast_in_dim3A_1571 : vector<16xi1>, vector<16xi32>
      %reshape3A_1579 = vector.shape_cast %select_n3A_1578 : vector<16xi32> to vector<16x1xi32>
      %gather3A_1580 = vector.shape_cast %reshape3A_1579 : vector<16x1xi32> to vector<16xi32>
      %gather3A_1581 = tpu.dynamic_gather %max3A_1567[%gather3A_1580] in [0] : vector<16xf32>, vector<16xi32> -> vector<16xf32>
      %get3A_1582 = arith.constant 16 : index
      %get3A_1583 = tpu.vector_load %arg11[%get3A_1582] {strides = array<i32>} : memref<272xf32, #tpu.memory_space<vmem>>, vector<16xf32>,
      %broadcast_in_dim3A_1584 = arith.constant true
      %broadcast_in_dim3A_1585 = vector.broadcast %broadcast_in_dim3A_1584 : i1 to vector<16xi1>
      %masked_cummax3A_1586 = tpu.scan <max>, %get3A_1583 masked %broadcast_in_dim3A_1585 : vector<16xf32>, vector<16xi1> -> vector<16xf32>
      %max3A_1587 = arith.maximumf %masked_cummax3A_1586, %gather3A_1581 : vector<16xf32>
      %swap3A_1588 = arith.constant 16 : index
      %swap3A_1589 = tpu.vector_load %arg13[%swap3A_1588] {strides = array<i32>} : memref<272xf32, #tpu.memory_space<vmem>>, vector<16xf32>,
      tpu.vector_store %arg13[%swap3A_1588], %max3A_1587 {strides = array<i32>} : memref<272xf32, #tpu.memory_space<vmem>>, vector<16xf32>,
      %broadcast_in_dim3A_1590 = arith.constant 15 : i32
      %broadcast_in_dim3A_1591 = vector.broadcast %broadcast_in_dim3A_1590 : i32 to vector<16xi32>
      %lt3A_1592 = arith.constant 0 : i32
      %lt3A_1593 = vector.broadcast %lt3A_1592 : i32 to vector<16xi32>
      %lt3A_1594 = arith.cmpi slt, %broadcast_in_dim3A_1591, %lt3A_1593 : vector<16xi32>
      %add3A_1595 = arith.constant 16 : i32
      %add3A_1596 = vector.broadcast %add3A_1595 : i32 to vector<16xi32>
      %add3A_1597 = arith.addi %broadcast_in_dim3A_1591, %add3A_1596 : vector<16xi32>
      %select_n3A_1598 = arith.select %lt3A_1594, %add3A_1597, %broadcast_in_dim3A_1591 : vector<16xi1>, vector<16xi32>
      %reshape3A_1599 = vector.shape_cast %select_n3A_1598 : vector<16xi32> to vector<16x1xi32>
      %gather3A_1600 = vector.shape_cast %reshape3A_1599 : vector<16x1xi32> to vector<16xi32>
      %gather3A_1601 = tpu.dynamic_gather %max3A_1587[%gather3A_1600] in [0] : vector<16xf32>, vector<16xi32> -> vector<16xf32>
      %get3A_1602 = arith.constant 32 : index
      %get3A_1603 = tpu.vector_load %arg11[%get3A_1602] {strides = array<i32>} : memref<272xf32, #tpu.memory_space<vmem>>, vector<16xf32>,
      %broadcast_in_dim3A_1604 = arith.constant true
      %broadcast_in_dim3A_1605 = vector.broadcast %broadcast_in_dim3A_1604 : i1 to vector<16xi1>
      %masked_cummax3A_1606 = tpu.scan <max>, %get3A_1603 masked %broadcast_in_dim3A_1605 : vector<16xf32>, vector<16xi1> -> vector<16xf32>
      %max3A_1607 = arith.maximumf %masked_cummax3A_1606, %gather3A_1601 : vector<16xf32>
      %swap3A_1608 = arith.constant 32 : index
      %swap3A_1609 = tpu.vector_load %arg13[%swap3A_1608] {strides = array<i32>} : memref<272xf32, #tpu.memory_space<vmem>>, vector<16xf32>,
      tpu.vector_store %arg13[%swap3A_1608], %max3A_1607 {strides = array<i32>} : memref<272xf32, #tpu.memory_space<vmem>>, vector<16xf32>,
      %broadcast_in_dim3A_1610 = arith.constant 15 : i32
      %broadcast_in_dim3A_1611 = vector.broadcast %broadcast_in_dim3A_1610 : i32 to vector<16xi32>
      %lt3A_1612 = arith.constant 0 : i32
      %lt3A_1613 = vector.broadcast %lt3A_1612 : i32 to vector<16xi32>
      %lt3A_1614 = arith.cmpi slt, %broadcast_in_dim3A_1611, %lt3A_1613 : vector<16xi32>
      %add3A_1615 = arith.constant 16 : i32
      %add3A_1616 = vector.broadcast %add3A_1615 : i32 to vector<16xi32>
      %add3A_1617 = arith.addi %broadcast_in_dim3A_1611, %add3A_1616 : vector<16xi32>
      %select_n3A_1618 = arith.select %lt3A_1614, %add3A_1617, %broadcast_in_dim3A_1611 : vector<16xi1>, vector<16xi32>
      %reshape3A_1619 = vector.shape_cast %select_n3A_1618 : vector<16xi32> to vector<16x1xi32>
      %gather3A_1620 = vector.shape_cast %reshape3A_1619 : vector<16x1xi32> to vector<16xi32>
      %gather3A_1621 = tpu.dynamic_gather %max3A_1607[%gather3A_1620] in [0] : vector<16xf32>, vector<16xi32> -> vector<16xf32>
      %get3A_1622 = arith.constant 48 : index
      %get3A_1623 = tpu.vector_load %arg11[%get3A_1622] {strides = array<i32>} : memref<272xf32, #tpu.memory_space<vmem>>, vector<16xf32>,
      %broadcast_in_dim3A_1624 = arith.constant true
      %broadcast_in_dim3A_1625 = vector.broadcast %broadcast_in_dim3A_1624 : i1 to vector<16xi1>
      %masked_cummax3A_1626 = tpu.scan <max>, %get3A_1623 masked %broadcast_in_dim3A_1625 : vector<16xf32>, vector<16xi1> -> vector<16xf32>
      %max3A_1627 = arith.maximumf %masked_cummax3A_1626, %gather3A_1621 : vector<16xf32>
      %swap3A_1628 = arith.constant 48 : index
      %swap3A_1629 = tpu.vector_load %arg13[%swap3A_1628] {strides = array<i32>} : memref<272xf32, #tpu.memory_space<vmem>>, vector<16xf32>,
      tpu.vector_store %arg13[%swap3A_1628], %max3A_1627 {strides = array<i32>} : memref<272xf32, #tpu.memory_space<vmem>>, vector<16xf32>,
      %broadcast_in_dim3A_1630 = arith.constant 15 : i32
      %broadcast_in_dim3A_1631 = vector.broadcast %broadcast_in_dim3A_1630 : i32 to vector<16xi32>
      %lt3A_1632 = arith.constant 0 : i32
      %lt3A_1633 = vector.broadcast %lt3A_1632 : i32 to vector<16xi32>
      %lt3A_1634 = arith.cmpi slt, %broadcast_in_dim3A_1631, %lt3A_1633 : vector<16xi32>
      %add3A_1635 = arith.constant 16 : i32
      %add3A_1636 = vector.broadcast %add3A_1635 : i32 to vector<16xi32>
      %add3A_1637 = arith.addi %broadcast_in_dim3A_1631, %add3A_1636 : vector<16xi32>
      %select_n3A_1638 = arith.select %lt3A_1634, %add3A_1637, %broadcast_in_dim3A_1631 : vector<16xi1>, vector<16xi32>
      %reshape3A_1639 = vector.shape_cast %select_n3A_1638 : vector<16xi32> to vector<16x1xi32>
      %gather3A_1640 = vector.shape_cast %reshape3A_1639 : vector<16x1xi32> to vector<16xi32>
      %gather3A_1641 = tpu.dynamic_gather %max3A_1627[%gather3A_1640] in [0] : vector<16xf32>, vector<16xi32> -> vector<16xf32>
      %get3A_1642 = arith.constant 64 : index
      %get3A_1643 = tpu.vector_load %arg11[%get3A_1642] {strides = array<i32>} : memref<272xf32, #tpu.memory_space<vmem>>, vector<16xf32>,
      %broadcast_in_dim3A_1644 = arith.constant true
      %broadcast_in_dim3A_1645 = vector.broadcast %broadcast_in_dim3A_1644 : i1 to vector<16xi1>
      %masked_cummax3A_1646 = tpu.scan <max>, %get3A_1643 masked %broadcast_in_dim3A_1645 : vector<16xf32>, vector<16xi1> -> vector<16xf32>
      %max3A_1647 = arith.maximumf %masked_cummax3A_1646, %gather3A_1641 : vector<16xf32>
      %swap3A_1648 = arith.constant 64 : index
      %swap3A_1649 = tpu.vector_load %arg13[%swap3A_1648] {strides = array<i32>} : memref<272xf32, #tpu.memory_space<vmem>>, vector<16xf32>,
      tpu.vector_store %arg13[%swap3A_1648], %max3A_1647 {strides = array<i32>} : memref<272xf32, #tpu.memory_space<vmem>>, vector<16xf32>,
      %broadcast_in_dim3A_1650 = arith.constant 15 : i32
      %broadcast_in_dim3A_1651 = vector.broadcast %broadcast_in_dim3A_1650 : i32 to vector<16xi32>
      %lt3A_1652 = arith.constant 0 : i32
      %lt3A_1653 = vector.broadcast %lt3A_1652 : i32 to vector<16xi32>
      %lt3A_1654 = arith.cmpi slt, %broadcast_in_dim3A_1651, %lt3A_1653 : vector<16xi32>
      %add3A_1655 = arith.constant 16 : i32
      %add3A_1656 = vector.broadcast %add3A_1655 : i32 to vector<16xi32>
      %add3A_1657 = arith.addi %broadcast_in_dim3A_1651, %add3A_1656 : vector<16xi32>
      %select_n3A_1658 = arith.select %lt3A_1654, %add3A_1657, %broadcast_in_dim3A_1651 : vector<16xi1>, vector<16xi32>
      %reshape3A_1659 = vector.shape_cast %select_n3A_1658 : vector<16xi32> to vector<16x1xi32>
      %gather3A_1660 = vector.shape_cast %reshape3A_1659 : vector<16x1xi32> to vector<16xi32>
      %gather3A_1661 = tpu.dynamic_gather %max3A_1647[%gather3A_1660] in [0] : vector<16xf32>, vector<16xi32> -> vector<16xf32>
      %get3A_1662 = arith.constant 80 : index
      %get3A_1663 = tpu.vector_load %arg11[%get3A_1662] {strides = array<i32>} : memref<272xf32, #tpu.memory_space<vmem>>, vector<16xf32>,
      %broadcast_in_dim3A_1664 = arith.constant true
      %broadcast_in_dim3A_1665 = vector.broadcast %broadcast_in_dim3A_1664 : i1 to vector<16xi1>
      %masked_cummax3A_1666 = tpu.scan <max>, %get3A_1663 masked %broadcast_in_dim3A_1665 : vector<16xf32>, vector<16xi1> -> vector<16xf32>
      %max3A_1667 = arith.maximumf %masked_cummax3A_1666, %gather3A_1661 : vector<16xf32>
      %swap3A_1668 = arith.constant 80 : index
      %swap3A_1669 = tpu.vector_load %arg13[%swap3A_1668] {strides = array<i32>} : memref<272xf32, #tpu.memory_space<vmem>>, vector<16xf32>,
      tpu.vector_store %arg13[%swap3A_1668], %max3A_1667 {strides = array<i32>} : memref<272xf32, #tpu.memory_space<vmem>>, vector<16xf32>,
      %broadcast_in_dim3A_1670 = arith.constant 15 : i32
      %broadcast_in_dim3A_1671 = vector.broadcast %broadcast_in_dim3A_1670 : i32 to vector<16xi32>
      %lt3A_1672 = arith.constant 0 : i32
      %lt3A_1673 = vector.broadcast %lt3A_1672 : i32 to vector<16xi32>
      %lt3A_1674 = arith.cmpi slt, %broadcast_in_dim3A_1671, %lt3A_1673 : vector<16xi32>
      %add3A_1675 = arith.constant 16 : i32
      %add3A_1676 = vector.broadcast %add3A_1675 : i32 to vector<16xi32>
      %add3A_1677 = arith.addi %broadcast_in_dim3A_1671, %add3A_1676 : vector<16xi32>
      %select_n3A_1678 = arith.select %lt3A_1674, %add3A_1677, %broadcast_in_dim3A_1671 : vector<16xi1>, vector<16xi32>
      %reshape3A_1679 = vector.shape_cast %select_n3A_1678 : vector<16xi32> to vector<16x1xi32>
      %gather3A_1680 = vector.shape_cast %reshape3A_1679 : vector<16x1xi32> to vector<16xi32>
      %gather3A_1681 = tpu.dynamic_gather %max3A_1667[%gather3A_1680] in [0] : vector<16xf32>, vector<16xi32> -> vector<16xf32>
      %get3A_1682 = arith.constant 96 : index
      %get3A_1683 = tpu.vector_load %arg11[%get3A_1682] {strides = array<i32>} : memref<272xf32, #tpu.memory_space<vmem>>, vector<16xf32>,
      %broadcast_in_dim3A_1684 = arith.constant true
      %broadcast_in_dim3A_1685 = vector.broadcast %broadcast_in_dim3A_1684 : i1 to vector<16xi1>
      %masked_cummax3A_1686 = tpu.scan <max>, %get3A_1683 masked %broadcast_in_dim3A_1685 : vector<16xf32>, vector<16xi1> -> vector<16xf32>
      %max3A_1687 = arith.maximumf %masked_cummax3A_1686, %gather3A_1681 : vector<16xf32>
      %swap3A_1688 = arith.constant 96 : index
      %swap3A_1689 = tpu.vector_load %arg13[%swap3A_1688] {strides = array<i32>} : memref<272xf32, #tpu.memory_space<vmem>>, vector<16xf32>,
      tpu.vector_store %arg13[%swap3A_1688], %max3A_1687 {strides = array<i32>} : memref<272xf32, #tpu.memory_space<vmem>>, vector<16xf32>,
      %broadcast_in_dim3A_1690 = arith.constant 15 : i32
      %broadcast_in_dim3A_1691 = vector.broadcast %broadcast_in_dim3A_1690 : i32 to vector<16xi32>
      %lt3A_1692 = arith.constant 0 : i32
      %lt3A_1693 = vector.broadcast %lt3A_1692 : i32 to vector<16xi32>
      %lt3A_1694 = arith.cmpi slt, %broadcast_in_dim3A_1691, %lt3A_1693 : vector<16xi32>
      %add3A_1695 = arith.constant 16 : i32
      %add3A_1696 = vector.broadcast %add3A_1695 : i32 to vector<16xi32>
      %add3A_1697 = arith.addi %broadcast_in_dim3A_1691, %add3A_1696 : vector<16xi32>
      %select_n3A_1698 = arith.select %lt3A_1694, %add3A_1697, %broadcast_in_dim3A_1691 : vector<16xi1>, vector<16xi32>
      %reshape3A_1699 = vector.shape_cast %select_n3A_1698 : vector<16xi32> to vector<16x1xi32>
      %gather3A_1700 = vector.shape_cast %reshape3A_1699 : vector<16x1xi32> to vector<16xi32>
      %gather3A_1701 = tpu.dynamic_gather %max3A_1687[%gather3A_1700] in [0] : vector<16xf32>, vector<16xi32> -> vector<16xf32>
      %get3A_1702 = arith.constant 112 : index
      %get3A_1703 = tpu.vector_load %arg11[%get3A_1702] {strides = array<i32>} : memref<272xf32, #tpu.memory_space<vmem>>, vector<16xf32>,
      %broadcast_in_dim3A_1704 = arith.constant true
      %broadcast_in_dim3A_1705 = vector.broadcast %broadcast_in_dim3A_1704 : i1 to vector<16xi1>
      %masked_cummax3A_1706 = tpu.scan <max>, %get3A_1703 masked %broadcast_in_dim3A_1705 : vector<16xf32>, vector<16xi1> -> vector<16xf32>
      %max3A_1707 = arith.maximumf %masked_cummax3A_1706, %gather3A_1701 : vector<16xf32>
      %swap3A_1708 = arith.constant 112 : index
      %swap3A_1709 = tpu.vector_load %arg13[%swap3A_1708] {strides = array<i32>} : memref<272xf32, #tpu.memory_space<vmem>>, vector<16xf32>,
      tpu.vector_store %arg13[%swap3A_1708], %max3A_1707 {strides = array<i32>} : memref<272xf32, #tpu.memory_space<vmem>>, vector<16xf32>,
      %broadcast_in_dim3A_1710 = arith.constant 15 : i32
      %broadcast_in_dim3A_1711 = vector.broadcast %broadcast_in_dim3A_1710 : i32 to vector<16xi32>
      %lt3A_1712 = arith.constant 0 : i32
      %lt3A_1713 = vector.broadcast %lt3A_1712 : i32 to vector<16xi32>
      %lt3A_1714 = arith.cmpi slt, %broadcast_in_dim3A_1711, %lt3A_1713 : vector<16xi32>
      %add3A_1715 = arith.constant 16 : i32
      %add3A_1716 = vector.broadcast %add3A_1715 : i32 to vector<16xi32>
      %add3A_1717 = arith.addi %broadcast_in_dim3A_1711, %add3A_1716 : vector<16xi32>
      %select_n3A_1718 = arith.select %lt3A_1714, %add3A_1717, %broadcast_in_dim3A_1711 : vector<16xi1>, vector<16xi32>
      %reshape3A_1719 = vector.shape_cast %select_n3A_1718 : vector<16xi32> to vector<16x1xi32>
      %gather3A_1720 = vector.shape_cast %reshape3A_1719 : vector<16x1xi32> to vector<16xi32>
      %gather3A_1721 = tpu.dynamic_gather %max3A_1707[%gather3A_1720] in [0] : vector<16xf32>, vector<16xi32> -> vector<16xf32>
      %get3A_1722 = arith.constant 128 : index
      %get3A_1723 = tpu.vector_load %arg11[%get3A_1722] {strides = array<i32>} : memref<272xf32, #tpu.memory_space<vmem>>, vector<16xf32>,
      %broadcast_in_dim3A_1724 = arith.constant true
      %broadcast_in_dim3A_1725 = vector.broadcast %broadcast_in_dim3A_1724 : i1 to vector<16xi1>
      %masked_cummax3A_1726 = tpu.scan <max>, %get3A_1723 masked %broadcast_in_dim3A_1725 : vector<16xf32>, vector<16xi1> -> vector<16xf32>
      %max3A_1727 = arith.maximumf %masked_cummax3A_1726, %gather3A_1721 : vector<16xf32>
      %swap3A_1728 = arith.constant 128 : index
      %swap3A_1729 = tpu.vector_load %arg13[%swap3A_1728] {strides = array<i32>} : memref<272xf32, #tpu.memory_space<vmem>>, vector<16xf32>,
      tpu.vector_store %arg13[%swap3A_1728], %max3A_1727 {strides = array<i32>} : memref<272xf32, #tpu.memory_space<vmem>>, vector<16xf32>,
      %broadcast_in_dim3A_1730 = arith.constant 15 : i32
      %broadcast_in_dim3A_1731 = vector.broadcast %broadcast_in_dim3A_1730 : i32 to vector<16xi32>
      %lt3A_1732 = arith.constant 0 : i32
      %lt3A_1733 = vector.broadcast %lt3A_1732 : i32 to vector<16xi32>
      %lt3A_1734 = arith.cmpi slt, %broadcast_in_dim3A_1731, %lt3A_1733 : vector<16xi32>
      %add3A_1735 = arith.constant 16 : i32
      %add3A_1736 = vector.broadcast %add3A_1735 : i32 to vector<16xi32>
      %add3A_1737 = arith.addi %broadcast_in_dim3A_1731, %add3A_1736 : vector<16xi32>
      %select_n3A_1738 = arith.select %lt3A_1734, %add3A_1737, %broadcast_in_dim3A_1731 : vector<16xi1>, vector<16xi32>
      %reshape3A_1739 = vector.shape_cast %select_n3A_1738 : vector<16xi32> to vector<16x1xi32>
      %gather3A_1740 = vector.shape_cast %reshape3A_1739 : vector<16x1xi32> to vector<16xi32>
      %gather3A_1741 = tpu.dynamic_gather %max3A_1727[%gather3A_1740] in [0] : vector<16xf32>, vector<16xi32> -> vector<16xf32>
      %get3A_1742 = arith.constant 144 : index
      %get3A_1743 = tpu.vector_load %arg11[%get3A_1742] {strides = array<i32>} : memref<272xf32, #tpu.memory_space<vmem>>, vector<16xf32>,
      %broadcast_in_dim3A_1744 = arith.constant true
      %broadcast_in_dim3A_1745 = vector.broadcast %broadcast_in_dim3A_1744 : i1 to vector<16xi1>
      %masked_cummax3A_1746 = tpu.scan <max>, %get3A_1743 masked %broadcast_in_dim3A_1745 : vector<16xf32>, vector<16xi1> -> vector<16xf32>
      %max3A_1747 = arith.maximumf %masked_cummax3A_1746, %gather3A_1741 : vector<16xf32>
      %swap3A_1748 = arith.constant 144 : index
      %swap3A_1749 = tpu.vector_load %arg13[%swap3A_1748] {strides = array<i32>} : memref<272xf32, #tpu.memory_space<vmem>>, vector<16xf32>,
      tpu.vector_store %arg13[%swap3A_1748], %max3A_1747 {strides = array<i32>} : memref<272xf32, #tpu.memory_space<vmem>>, vector<16xf32>,
      %broadcast_in_dim3A_1750 = arith.constant 15 : i32
      %broadcast_in_dim3A_1751 = vector.broadcast %broadcast_in_dim3A_1750 : i32 to vector<16xi32>
      %lt3A_1752 = arith.constant 0 : i32
      %lt3A_1753 = vector.broadcast %lt3A_1752 : i32 to vector<16xi32>
      %lt3A_1754 = arith.cmpi slt, %broadcast_in_dim3A_1751, %lt3A_1753 : vector<16xi32>
      %add3A_1755 = arith.constant 16 : i32
      %add3A_1756 = vector.broadcast %add3A_1755 : i32 to vector<16xi32>
      %add3A_1757 = arith.addi %broadcast_in_dim3A_1751, %add3A_1756 : vector<16xi32>
      %select_n3A_1758 = arith.select %lt3A_1754, %add3A_1757, %broadcast_in_dim3A_1751 : vector<16xi1>, vector<16xi32>
      %reshape3A_1759 = vector.shape_cast %select_n3A_1758 : vector<16xi32> to vector<16x1xi32>
      %gather3A_1760 = vector.shape_cast %reshape3A_1759 : vector<16x1xi32> to vector<16xi32>
      %gather3A_1761 = tpu.dynamic_gather %max3A_1747[%gather3A_1760] in [0] : vector<16xf32>, vector<16xi32> -> vector<16xf32>
      %get3A_1762 = arith.constant 160 : index
      %get3A_1763 = tpu.vector_load %arg11[%get3A_1762] {strides = array<i32>} : memref<272xf32, #tpu.memory_space<vmem>>, vector<16xf32>,
      %broadcast_in_dim3A_1764 = arith.constant true
      %broadcast_in_dim3A_1765 = vector.broadcast %broadcast_in_dim3A_1764 : i1 to vector<16xi1>
      %masked_cummax3A_1766 = tpu.scan <max>, %get3A_1763 masked %broadcast_in_dim3A_1765 : vector<16xf32>, vector<16xi1> -> vector<16xf32>
      %max3A_1767 = arith.maximumf %masked_cummax3A_1766, %gather3A_1761 : vector<16xf32>
      %swap3A_1768 = arith.constant 160 : index
      %swap3A_1769 = tpu.vector_load %arg13[%swap3A_1768] {strides = array<i32>} : memref<272xf32, #tpu.memory_space<vmem>>, vector<16xf32>,
      tpu.vector_store %arg13[%swap3A_1768], %max3A_1767 {strides = array<i32>} : memref<272xf32, #tpu.memory_space<vmem>>, vector<16xf32>,
      %broadcast_in_dim3A_1770 = arith.constant 15 : i32
      %broadcast_in_dim3A_1771 = vector.broadcast %broadcast_in_dim3A_1770 : i32 to vector<16xi32>
      %lt3A_1772 = arith.constant 0 : i32
      %lt3A_1773 = vector.broadcast %lt3A_1772 : i32 to vector<16xi32>
      %lt3A_1774 = arith.cmpi slt, %broadcast_in_dim3A_1771, %lt3A_1773 : vector<16xi32>
      %add3A_1775 = arith.constant 16 : i32
      %add3A_1776 = vector.broadcast %add3A_1775 : i32 to vector<16xi32>
      %add3A_1777 = arith.addi %broadcast_in_dim3A_1771, %add3A_1776 : vector<16xi32>
      %select_n3A_1778 = arith.select %lt3A_1774, %add3A_1777, %broadcast_in_dim3A_1771 : vector<16xi1>, vector<16xi32>
      %reshape3A_1779 = vector.shape_cast %select_n3A_1778 : vector<16xi32> to vector<16x1xi32>
      %gather3A_1780 = vector.shape_cast %reshape3A_1779 : vector<16x1xi32> to vector<16xi32>
      %gather3A_1781 = tpu.dynamic_gather %max3A_1767[%gather3A_1780] in [0] : vector<16xf32>, vector<16xi32> -> vector<16xf32>
      %get3A_1782 = arith.constant 176 : index
      %get3A_1783 = tpu.vector_load %arg11[%get3A_1782] {strides = array<i32>} : memref<272xf32, #tpu.memory_space<vmem>>, vector<16xf32>,
      %broadcast_in_dim3A_1784 = arith.constant true
      %broadcast_in_dim3A_1785 = vector.broadcast %broadcast_in_dim3A_1784 : i1 to vector<16xi1>
      %masked_cummax3A_1786 = tpu.scan <max>, %get3A_1783 masked %broadcast_in_dim3A_1785 : vector<16xf32>, vector<16xi1> -> vector<16xf32>
      %max3A_1787 = arith.maximumf %masked_cummax3A_1786, %gather3A_1781 : vector<16xf32>
      %swap3A_1788 = arith.constant 176 : index
      %swap3A_1789 = tpu.vector_load %arg13[%swap3A_1788] {strides = array<i32>} : memref<272xf32, #tpu.memory_space<vmem>>, vector<16xf32>,
      tpu.vector_store %arg13[%swap3A_1788], %max3A_1787 {strides = array<i32>} : memref<272xf32, #tpu.memory_space<vmem>>, vector<16xf32>,
      %broadcast_in_dim3A_1790 = arith.constant 15 : i32
      %broadcast_in_dim3A_1791 = vector.broadcast %broadcast_in_dim3A_1790 : i32 to vector<16xi32>
      %lt3A_1792 = arith.constant 0 : i32
      %lt3A_1793 = vector.broadcast %lt3A_1792 : i32 to vector<16xi32>
      %lt3A_1794 = arith.cmpi slt, %broadcast_in_dim3A_1791, %lt3A_1793 : vector<16xi32>
      %add3A_1795 = arith.constant 16 : i32
      %add3A_1796 = vector.broadcast %add3A_1795 : i32 to vector<16xi32>
      %add3A_1797 = arith.addi %broadcast_in_dim3A_1791, %add3A_1796 : vector<16xi32>
      %select_n3A_1798 = arith.select %lt3A_1794, %add3A_1797, %broadcast_in_dim3A_1791 : vector<16xi1>, vector<16xi32>
      %reshape3A_1799 = vector.shape_cast %select_n3A_1798 : vector<16xi32> to vector<16x1xi32>
      %gather3A_1800 = vector.shape_cast %reshape3A_1799 : vector<16x1xi32> to vector<16xi32>
      %gather3A_1801 = tpu.dynamic_gather %max3A_1787[%gather3A_1800] in [0] : vector<16xf32>, vector<16xi32> -> vector<16xf32>
      %get3A_1802 = arith.constant 192 : index
      %get3A_1803 = tpu.vector_load %arg11[%get3A_1802] {strides = array<i32>} : memref<272xf32, #tpu.memory_space<vmem>>, vector<16xf32>,
      %broadcast_in_dim3A_1804 = arith.constant true
      %broadcast_in_dim3A_1805 = vector.broadcast %broadcast_in_dim3A_1804 : i1 to vector<16xi1>
      %masked_cummax3A_1806 = tpu.scan <max>, %get3A_1803 masked %broadcast_in_dim3A_1805 : vector<16xf32>, vector<16xi1> -> vector<16xf32>
      %max3A_1807 = arith.maximumf %masked_cummax3A_1806, %gather3A_1801 : vector<16xf32>
      %swap3A_1808 = arith.constant 192 : index
      %swap3A_1809 = tpu.vector_load %arg13[%swap3A_1808] {strides = array<i32>} : memref<272xf32, #tpu.memory_space<vmem>>, vector<16xf32>,
      tpu.vector_store %arg13[%swap3A_1808], %max3A_1807 {strides = array<i32>} : memref<272xf32, #tpu.memory_space<vmem>>, vector<16xf32>,
      %broadcast_in_dim3A_1810 = arith.constant 15 : i32
      %broadcast_in_dim3A_1811 = vector.broadcast %broadcast_in_dim3A_1810 : i32 to vector<16xi32>
      %lt3A_1812 = arith.constant 0 : i32
      %lt3A_1813 = vector.broadcast %lt3A_1812 : i32 to vector<16xi32>
      %lt3A_1814 = arith.cmpi slt, %broadcast_in_dim3A_1811, %lt3A_1813 : vector<16xi32>
      %add3A_1815 = arith.constant 16 : i32
      %add3A_1816 = vector.broadcast %add3A_1815 : i32 to vector<16xi32>
      %add3A_1817 = arith.addi %broadcast_in_dim3A_1811, %add3A_1816 : vector<16xi32>
      %select_n3A_1818 = arith.select %lt3A_1814, %add3A_1817, %broadcast_in_dim3A_1811 : vector<16xi1>, vector<16xi32>
      %reshape3A_1819 = vector.shape_cast %select_n3A_1818 : vector<16xi32> to vector<16x1xi32>
      %gather3A_1820 = vector.shape_cast %reshape3A_1819 : vector<16x1xi32> to vector<16xi32>
      %gather3A_1821 = tpu.dynamic_gather %max3A_1807[%gather3A_1820] in [0] : vector<16xf32>, vector<16xi32> -> vector<16xf32>
      %get3A_1822 = arith.constant 208 : index
      %get3A_1823 = tpu.vector_load %arg11[%get3A_1822] {strides = array<i32>} : memref<272xf32, #tpu.memory_space<vmem>>, vector<16xf32>,
      %broadcast_in_dim3A_1824 = arith.constant true
      %broadcast_in_dim3A_1825 = vector.broadcast %broadcast_in_dim3A_1824 : i1 to vector<16xi1>
      %masked_cummax3A_1826 = tpu.scan <max>, %get3A_1823 masked %broadcast_in_dim3A_1825 : vector<16xf32>, vector<16xi1> -> vector<16xf32>
      %max3A_1827 = arith.maximumf %masked_cummax3A_1826, %gather3A_1821 : vector<16xf32>
      %swap3A_1828 = arith.constant 208 : index
      %swap3A_1829 = tpu.vector_load %arg13[%swap3A_1828] {strides = array<i32>} : memref<272xf32, #tpu.memory_space<vmem>>, vector<16xf32>,
      tpu.vector_store %arg13[%swap3A_1828], %max3A_1827 {strides = array<i32>} : memref<272xf32, #tpu.memory_space<vmem>>, vector<16xf32>,
      %broadcast_in_dim3A_1830 = arith.constant 15 : i32
      %broadcast_in_dim3A_1831 = vector.broadcast %broadcast_in_dim3A_1830 : i32 to vector<16xi32>
      %lt3A_1832 = arith.constant 0 : i32
      %lt3A_1833 = vector.broadcast %lt3A_1832 : i32 to vector<16xi32>
      %lt3A_1834 = arith.cmpi slt, %broadcast_in_dim3A_1831, %lt3A_1833 : vector<16xi32>
      %add3A_1835 = arith.constant 16 : i32
      %add3A_1836 = vector.broadcast %add3A_1835 : i32 to vector<16xi32>
      %add3A_1837 = arith.addi %broadcast_in_dim3A_1831, %add3A_1836 : vector<16xi32>
      %select_n3A_1838 = arith.select %lt3A_1834, %add3A_1837, %broadcast_in_dim3A_1831 : vector<16xi1>, vector<16xi32>
      %reshape3A_1839 = vector.shape_cast %select_n3A_1838 : vector<16xi32> to vector<16x1xi32>
      %gather3A_1840 = vector.shape_cast %reshape3A_1839 : vector<16x1xi32> to vector<16xi32>
      %gather3A_1841 = tpu.dynamic_gather %max3A_1827[%gather3A_1840] in [0] : vector<16xf32>, vector<16xi32> -> vector<16xf32>
      %get3A_1842 = arith.constant 224 : index
      %get3A_1843 = tpu.vector_load %arg11[%get3A_1842] {strides = array<i32>} : memref<272xf32, #tpu.memory_space<vmem>>, vector<16xf32>,
      %broadcast_in_dim3A_1844 = arith.constant true
      %broadcast_in_dim3A_1845 = vector.broadcast %broadcast_in_dim3A_1844 : i1 to vector<16xi1>
      %masked_cummax3A_1846 = tpu.scan <max>, %get3A_1843 masked %broadcast_in_dim3A_1845 : vector<16xf32>, vector<16xi1> -> vector<16xf32>
      %max3A_1847 = arith.maximumf %masked_cummax3A_1846, %gather3A_1841 : vector<16xf32>
      %swap3A_1848 = arith.constant 224 : index
      %swap3A_1849 = tpu.vector_load %arg13[%swap3A_1848] {strides = array<i32>} : memref<272xf32, #tpu.memory_space<vmem>>, vector<16xf32>,
      tpu.vector_store %arg13[%swap3A_1848], %max3A_1847 {strides = array<i32>} : memref<272xf32, #tpu.memory_space<vmem>>, vector<16xf32>,
      %broadcast_in_dim3A_1850 = arith.constant 15 : i32
      %broadcast_in_dim3A_1851 = vector.broadcast %broadcast_in_dim3A_1850 : i32 to vector<16xi32>
      %lt3A_1852 = arith.constant 0 : i32
      %lt3A_1853 = vector.broadcast %lt3A_1852 : i32 to vector<16xi32>
      %lt3A_1854 = arith.cmpi slt, %broadcast_in_dim3A_1851, %lt3A_1853 : vector<16xi32>
      %add3A_1855 = arith.constant 16 : i32
      %add3A_1856 = vector.broadcast %add3A_1855 : i32 to vector<16xi32>
      %add3A_1857 = arith.addi %broadcast_in_dim3A_1851, %add3A_1856 : vector<16xi32>
      %select_n3A_1858 = arith.select %lt3A_1854, %add3A_1857, %broadcast_in_dim3A_1851 : vector<16xi1>, vector<16xi32>
      %reshape3A_1859 = vector.shape_cast %select_n3A_1858 : vector<16xi32> to vector<16x1xi32>
      %gather3A_1860 = vector.shape_cast %reshape3A_1859 : vector<16x1xi32> to vector<16xi32>
      %gather3A_1861 = tpu.dynamic_gather %max3A_1847[%gather3A_1860] in [0] : vector<16xf32>, vector<16xi32> -> vector<16xf32>
      %get3A_1862 = arith.constant 240 : index
      %get3A_1863 = tpu.vector_load %arg11[%get3A_1862] {strides = array<i32>} : memref<272xf32, #tpu.memory_space<vmem>>, vector<16xf32>,
      %broadcast_in_dim3A_1864 = arith.constant true
      %broadcast_in_dim3A_1865 = vector.broadcast %broadcast_in_dim3A_1864 : i1 to vector<16xi1>
      %masked_cummax3A_1866 = tpu.scan <max>, %get3A_1863 masked %broadcast_in_dim3A_1865 : vector<16xf32>, vector<16xi1> -> vector<16xf32>
      %max3A_1867 = arith.maximumf %masked_cummax3A_1866, %gather3A_1861 : vector<16xf32>
      %swap3A_1868 = arith.constant 240 : index
      %swap3A_1869 = tpu.vector_load %arg13[%swap3A_1868] {strides = array<i32>} : memref<272xf32, #tpu.memory_space<vmem>>, vector<16xf32>,
      tpu.vector_store %arg13[%swap3A_1868], %max3A_1867 {strides = array<i32>} : memref<272xf32, #tpu.memory_space<vmem>>, vector<16xf32>,
      %broadcast_in_dim3A_1870 = arith.constant 15 : i32
      %broadcast_in_dim3A_1871 = vector.broadcast %broadcast_in_dim3A_1870 : i32 to vector<16xi32>
      %lt3A_1872 = arith.constant 0 : i32
      %lt3A_1873 = vector.broadcast %lt3A_1872 : i32 to vector<16xi32>
      %lt3A_1874 = arith.cmpi slt, %broadcast_in_dim3A_1871, %lt3A_1873 : vector<16xi32>
      %add3A_1875 = arith.constant 16 : i32
      %add3A_1876 = vector.broadcast %add3A_1875 : i32 to vector<16xi32>
      %add3A_1877 = arith.addi %broadcast_in_dim3A_1871, %add3A_1876 : vector<16xi32>
      %select_n3A_1878 = arith.select %lt3A_1874, %add3A_1877, %broadcast_in_dim3A_1871 : vector<16xi1>, vector<16xi32>
      %reshape3A_1879 = vector.shape_cast %select_n3A_1878 : vector<16xi32> to vector<16x1xi32>
      %gather3A_1880 = vector.shape_cast %reshape3A_1879 : vector<16x1xi32> to vector<16xi32>
      %gather3A_1881 = tpu.dynamic_gather %max3A_1867[%gather3A_1880] in [0] : vector<16xf32>, vector<16xi32> -> vector<16xf32>
      %get3A_1882 = arith.constant 256 : index
      %get3A_1883 = tpu.vector_load %arg11[%get3A_1882] {strides = array<i32>} : memref<272xf32, #tpu.memory_space<vmem>>, vector<16xf32>,
      %broadcast_in_dim3A_1884 = arith.constant true
      %broadcast_in_dim3A_1885 = vector.broadcast %broadcast_in_dim3A_1884 : i1 to vector<16xi1>
      %masked_cummax3A_1886 = tpu.scan <max>, %get3A_1883 masked %broadcast_in_dim3A_1885 : vector<16xf32>, vector<16xi1> -> vector<16xf32>
      %max3A_1887 = arith.maximumf %masked_cummax3A_1886, %gather3A_1881 : vector<16xf32>
      %swap3A_1888 = arith.constant 256 : index
      %swap3A_1889 = tpu.vector_load %arg13[%swap3A_1888] {strides = array<i32>} : memref<272xf32, #tpu.memory_space<vmem>>, vector<16xf32>,
      tpu.vector_store %arg13[%swap3A_1888], %max3A_1887 {strides = array<i32>} : memref<272xf32, #tpu.memory_space<vmem>>, vector<16xf32>,
      %broadcast_in_dim3A_1890 = arith.constant 15 : i32
      %broadcast_in_dim3A_1891 = vector.broadcast %broadcast_in_dim3A_1890 : i32 to vector<16xi32>
      %lt3A_1892 = arith.constant 0 : i32
      %lt3A_1893 = vector.broadcast %lt3A_1892 : i32 to vector<16xi32>
      %lt3A_1894 = arith.cmpi slt, %broadcast_in_dim3A_1891, %lt3A_1893 : vector<16xi32>
      %add3A_1895 = arith.constant 16 : i32
      %add3A_1896 = vector.broadcast %add3A_1895 : i32 to vector<16xi32>
      %add3A_1897 = arith.addi %broadcast_in_dim3A_1891, %add3A_1896 : vector<16xi32>
      %select_n3A_1898 = arith.select %lt3A_1894, %add3A_1897, %broadcast_in_dim3A_1891 : vector<16xi1>, vector<16xi32>
      %reshape3A_1899 = vector.shape_cast %select_n3A_1898 : vector<16xi32> to vector<16x1xi32>
      %gather3A_1900 = vector.shape_cast %reshape3A_1899 : vector<16x1xi32> to vector<16xi32>
      %gather3A_1901 = tpu.dynamic_gather %max3A_1887[%gather3A_1900] in [0] : vector<16xf32>, vector<16xi32> -> vector<16xf32>
      %get3A_1902 = arith.constant 256 : index
      %get3A_1903 = tpu.vector_load %arg12[%get3A_1902] {strides = array<i32>} : memref<272xf32, #tpu.memory_space<vmem>>, vector<16xf32>,
      %rev3A = arith.constant 15 : i32
      %rev3A_1904 = vector.broadcast %rev3A : i32 to vector<16xi32>
      %rev3A_1905 = tpu.iota {dimensions = array<i32: 0>} : vector<16xi32>
      %rev3A_1906 = arith.subi %rev3A_1904, %rev3A_1905 : vector<16xi32>
      %rev3A_1907 = tpu.dynamic_gather %get3A_1903[%rev3A_1906] in [0] : vector<16xf32>, vector<16xi32> -> vector<16xf32>
      %neg3A_1908 = arith.constant 0.000000e+00 : f32
      %neg3A_1909 = vector.broadcast %neg3A_1908 : f32 to vector<16xf32>
      %neg3A_1910 = arith.subf %neg3A_1909, %rev3A_1907 : vector<16xf32>
      %broadcast_in_dim3A_1911 = arith.constant true
      %broadcast_in_dim3A_1912 = vector.broadcast %broadcast_in_dim3A_1911 : i1 to vector<16xi1>
      %masked_cummax3A_1913 = tpu.scan <max>, %neg3A_1910 masked %broadcast_in_dim3A_1912 : vector<16xf32>, vector<16xi1> -> vector<16xf32>
      %neg3A_1914 = arith.constant 0.000000e+00 : f32
      %neg3A_1915 = vector.broadcast %neg3A_1914 : f32 to vector<16xf32>
      %neg3A_1916 = arith.subf %neg3A_1915, %masked_cummax3A_1913 : vector<16xf32>
      %rev3A_1917 = arith.constant 15 : i32
      %rev3A_1918 = vector.broadcast %rev3A_1917 : i32 to vector<16xi32>
      %rev3A_1919 = tpu.iota {dimensions = array<i32: 0>} : vector<16xi32>
      %rev3A_1920 = arith.subi %rev3A_1918, %rev3A_1919 : vector<16xi32>
      %rev3A_1921 = tpu.dynamic_gather %neg3A_1916[%rev3A_1920] in [0] : vector<16xf32>, vector<16xi32> -> vector<16xf32>
      %min3A_1922 = arith.minimumf %rev3A_1921, %broadcast_in_dim3A_679 : vector<16xf32>
      %swap3A_1923 = arith.constant 256 : index
      %swap3A_1924 = tpu.vector_load %arg14[%swap3A_1923] {strides = array<i32>} : memref<272xf32, #tpu.memory_space<vmem>>, vector<16xf32>,
      tpu.vector_store %arg14[%swap3A_1923], %min3A_1922 {strides = array<i32>} : memref<272xf32, #tpu.memory_space<vmem>>, vector<16xf32>,
      %broadcast_in_dim3A_1925 = arith.constant 0 : i32
      %broadcast_in_dim3A_1926 = vector.broadcast %broadcast_in_dim3A_1925 : i32 to vector<16xi32>
      %lt3A_1927 = arith.constant 0 : i32
      %lt3A_1928 = vector.broadcast %lt3A_1927 : i32 to vector<16xi32>
      %lt3A_1929 = arith.cmpi slt, %broadcast_in_dim3A_1926, %lt3A_1928 : vector<16xi32>
      %add3A_1930 = arith.constant 16 : i32
      %add3A_1931 = vector.broadcast %add3A_1930 : i32 to vector<16xi32>
      %add3A_1932 = arith.addi %broadcast_in_dim3A_1926, %add3A_1931 : vector<16xi32>
      %select_n3A_1933 = arith.select %lt3A_1929, %add3A_1932, %broadcast_in_dim3A_1926 : vector<16xi1>, vector<16xi32>
      %reshape3A_1934 = vector.shape_cast %select_n3A_1933 : vector<16xi32> to vector<16x1xi32>
      %gather3A_1935 = vector.shape_cast %reshape3A_1934 : vector<16x1xi32> to vector<16xi32>
      %gather3A_1936 = tpu.dynamic_gather %min3A_1922[%gather3A_1935] in [0] : vector<16xf32>, vector<16xi32> -> vector<16xf32>
      %get3A_1937 = arith.constant 240 : index
      %get3A_1938 = tpu.vector_load %arg12[%get3A_1937] {strides = array<i32>} : memref<272xf32, #tpu.memory_space<vmem>>, vector<16xf32>,
      %rev3A_1939 = arith.constant 15 : i32
      %rev3A_1940 = vector.broadcast %rev3A_1939 : i32 to vector<16xi32>
      %rev3A_1941 = tpu.iota {dimensions = array<i32: 0>} : vector<16xi32>
      %rev3A_1942 = arith.subi %rev3A_1940, %rev3A_1941 : vector<16xi32>
      %rev3A_1943 = tpu.dynamic_gather %get3A_1938[%rev3A_1942] in [0] : vector<16xf32>, vector<16xi32> -> vector<16xf32>
      %neg3A_1944 = arith.constant 0.000000e+00 : f32
      %neg3A_1945 = vector.broadcast %neg3A_1944 : f32 to vector<16xf32>
      %neg3A_1946 = arith.subf %neg3A_1945, %rev3A_1943 : vector<16xf32>
      %broadcast_in_dim3A_1947 = arith.constant true
      %broadcast_in_dim3A_1948 = vector.broadcast %broadcast_in_dim3A_1947 : i1 to vector<16xi1>
      %masked_cummax3A_1949 = tpu.scan <max>, %neg3A_1946 masked %broadcast_in_dim3A_1948 : vector<16xf32>, vector<16xi1> -> vector<16xf32>
      %neg3A_1950 = arith.constant 0.000000e+00 : f32
      %neg3A_1951 = vector.broadcast %neg3A_1950 : f32 to vector<16xf32>
      %neg3A_1952 = arith.subf %neg3A_1951, %masked_cummax3A_1949 : vector<16xf32>
      %rev3A_1953 = arith.constant 15 : i32
      %rev3A_1954 = vector.broadcast %rev3A_1953 : i32 to vector<16xi32>
      %rev3A_1955 = tpu.iota {dimensions = array<i32: 0>} : vector<16xi32>
      %rev3A_1956 = arith.subi %rev3A_1954, %rev3A_1955 : vector<16xi32>
      %rev3A_1957 = tpu.dynamic_gather %neg3A_1952[%rev3A_1956] in [0] : vector<16xf32>, vector<16xi32> -> vector<16xf32>
      %min3A_1958 = arith.minimumf %rev3A_1957, %gather3A_1936 : vector<16xf32>
      %swap3A_1959 = arith.constant 240 : index
      %swap3A_1960 = tpu.vector_load %arg14[%swap3A_1959] {strides = array<i32>} : memref<272xf32, #tpu.memory_space<vmem>>, vector<16xf32>,
      tpu.vector_store %arg14[%swap3A_1959], %min3A_1958 {strides = array<i32>} : memref<272xf32, #tpu.memory_space<vmem>>, vector<16xf32>,
      %broadcast_in_dim3A_1961 = arith.constant 0 : i32
      %broadcast_in_dim3A_1962 = vector.broadcast %broadcast_in_dim3A_1961 : i32 to vector<16xi32>
      %lt3A_1963 = arith.constant 0 : i32
      %lt3A_1964 = vector.broadcast %lt3A_1963 : i32 to vector<16xi32>
      %lt3A_1965 = arith.cmpi slt, %broadcast_in_dim3A_1962, %lt3A_1964 : vector<16xi32>
      %add3A_1966 = arith.constant 16 : i32
      %add3A_1967 = vector.broadcast %add3A_1966 : i32 to vector<16xi32>
      %add3A_1968 = arith.addi %broadcast_in_dim3A_1962, %add3A_1967 : vector<16xi32>
      %select_n3A_1969 = arith.select %lt3A_1965, %add3A_1968, %broadcast_in_dim3A_1962 : vector<16xi1>, vector<16xi32>
      %reshape3A_1970 = vector.shape_cast %select_n3A_1969 : vector<16xi32> to vector<16x1xi32>
      %gather3A_1971 = vector.shape_cast %reshape3A_1970 : vector<16x1xi32> to vector<16xi32>
      %gather3A_1972 = tpu.dynamic_gather %min3A_1958[%gather3A_1971] in [0] : vector<16xf32>, vector<16xi32> -> vector<16xf32>
      %get3A_1973 = arith.constant 224 : index
      %get3A_1974 = tpu.vector_load %arg12[%get3A_1973] {strides = array<i32>} : memref<272xf32, #tpu.memory_space<vmem>>, vector<16xf32>,
      %rev3A_1975 = arith.constant 15 : i32
      %rev3A_1976 = vector.broadcast %rev3A_1975 : i32 to vector<16xi32>
      %rev3A_1977 = tpu.iota {dimensions = array<i32: 0>} : vector<16xi32>
      %rev3A_1978 = arith.subi %rev3A_1976, %rev3A_1977 : vector<16xi32>
      %rev3A_1979 = tpu.dynamic_gather %get3A_1974[%rev3A_1978] in [0] : vector<16xf32>, vector<16xi32> -> vector<16xf32>
      %neg3A_1980 = arith.constant 0.000000e+00 : f32
      %neg3A_1981 = vector.broadcast %neg3A_1980 : f32 to vector<16xf32>
      %neg3A_1982 = arith.subf %neg3A_1981, %rev3A_1979 : vector<16xf32>
      %broadcast_in_dim3A_1983 = arith.constant true
      %broadcast_in_dim3A_1984 = vector.broadcast %broadcast_in_dim3A_1983 : i1 to vector<16xi1>
      %masked_cummax3A_1985 = tpu.scan <max>, %neg3A_1982 masked %broadcast_in_dim3A_1984 : vector<16xf32>, vector<16xi1> -> vector<16xf32>
      %neg3A_1986 = arith.constant 0.000000e+00 : f32
      %neg3A_1987 = vector.broadcast %neg3A_1986 : f32 to vector<16xf32>
      %neg3A_1988 = arith.subf %neg3A_1987, %masked_cummax3A_1985 : vector<16xf32>
      %rev3A_1989 = arith.constant 15 : i32
      %rev3A_1990 = vector.broadcast %rev3A_1989 : i32 to vector<16xi32>
      %rev3A_1991 = tpu.iota {dimensions = array<i32: 0>} : vector<16xi32>
      %rev3A_1992 = arith.subi %rev3A_1990, %rev3A_1991 : vector<16xi32>
      %rev3A_1993 = tpu.dynamic_gather %neg3A_1988[%rev3A_1992] in [0] : vector<16xf32>, vector<16xi32> -> vector<16xf32>
      %min3A_1994 = arith.minimumf %rev3A_1993, %gather3A_1972 : vector<16xf32>
      %swap3A_1995 = arith.constant 224 : index
      %swap3A_1996 = tpu.vector_load %arg14[%swap3A_1995] {strides = array<i32>} : memref<272xf32, #tpu.memory_space<vmem>>, vector<16xf32>,
      tpu.vector_store %arg14[%swap3A_1995], %min3A_1994 {strides = array<i32>} : memref<272xf32, #tpu.memory_space<vmem>>, vector<16xf32>,
      %broadcast_in_dim3A_1997 = arith.constant 0 : i32
      %broadcast_in_dim3A_1998 = vector.broadcast %broadcast_in_dim3A_1997 : i32 to vector<16xi32>
      %lt3A_1999 = arith.constant 0 : i32
      %lt3A_2000 = vector.broadcast %lt3A_1999 : i32 to vector<16xi32>
      %lt3A_2001 = arith.cmpi slt, %broadcast_in_dim3A_1998, %lt3A_2000 : vector<16xi32>
      %add3A_2002 = arith.constant 16 : i32
      %add3A_2003 = vector.broadcast %add3A_2002 : i32 to vector<16xi32>
      %add3A_2004 = arith.addi %broadcast_in_dim3A_1998, %add3A_2003 : vector<16xi32>
      %select_n3A_2005 = arith.select %lt3A_2001, %add3A_2004, %broadcast_in_dim3A_1998 : vector<16xi1>, vector<16xi32>
      %reshape3A_2006 = vector.shape_cast %select_n3A_2005 : vector<16xi32> to vector<16x1xi32>
      %gather3A_2007 = vector.shape_cast %reshape3A_2006 : vector<16x1xi32> to vector<16xi32>
      %gather3A_2008 = tpu.dynamic_gather %min3A_1994[%gather3A_2007] in [0] : vector<16xf32>, vector<16xi32> -> vector<16xf32>
      %get3A_2009 = arith.constant 208 : index
      %get3A_2010 = tpu.vector_load %arg12[%get3A_2009] {strides = array<i32>} : memref<272xf32, #tpu.memory_space<vmem>>, vector<16xf32>,
      %rev3A_2011 = arith.constant 15 : i32
      %rev3A_2012 = vector.broadcast %rev3A_2011 : i32 to vector<16xi32>
      %rev3A_2013 = tpu.iota {dimensions = array<i32: 0>} : vector<16xi32>
      %rev3A_2014 = arith.subi %rev3A_2012, %rev3A_2013 : vector<16xi32>
      %rev3A_2015 = tpu.dynamic_gather %get3A_2010[%rev3A_2014] in [0] : vector<16xf32>, vector<16xi32> -> vector<16xf32>
      %neg3A_2016 = arith.constant 0.000000e+00 : f32
      %neg3A_2017 = vector.broadcast %neg3A_2016 : f32 to vector<16xf32>
      %neg3A_2018 = arith.subf %neg3A_2017, %rev3A_2015 : vector<16xf32>
      %broadcast_in_dim3A_2019 = arith.constant true
      %broadcast_in_dim3A_2020 = vector.broadcast %broadcast_in_dim3A_2019 : i1 to vector<16xi1>
      %masked_cummax3A_2021 = tpu.scan <max>, %neg3A_2018 masked %broadcast_in_dim3A_2020 : vector<16xf32>, vector<16xi1> -> vector<16xf32>
      %neg3A_2022 = arith.constant 0.000000e+00 : f32
      %neg3A_2023 = vector.broadcast %neg3A_2022 : f32 to vector<16xf32>
      %neg3A_2024 = arith.subf %neg3A_2023, %masked_cummax3A_2021 : vector<16xf32>
      %rev3A_2025 = arith.constant 15 : i32
      %rev3A_2026 = vector.broadcast %rev3A_2025 : i32 to vector<16xi32>
      %rev3A_2027 = tpu.iota {dimensions = array<i32: 0>} : vector<16xi32>
      %rev3A_2028 = arith.subi %rev3A_2026, %rev3A_2027 : vector<16xi32>
      %rev3A_2029 = tpu.dynamic_gather %neg3A_2024[%rev3A_2028] in [0] : vector<16xf32>, vector<16xi32> -> vector<16xf32>
      %min3A_2030 = arith.minimumf %rev3A_2029, %gather3A_2008 : vector<16xf32>
      %swap3A_2031 = arith.constant 208 : index
      %swap3A_2032 = tpu.vector_load %arg14[%swap3A_2031] {strides = array<i32>} : memref<272xf32, #tpu.memory_space<vmem>>, vector<16xf32>,
      tpu.vector_store %arg14[%swap3A_2031], %min3A_2030 {strides = array<i32>} : memref<272xf32, #tpu.memory_space<vmem>>, vector<16xf32>,
      %broadcast_in_dim3A_2033 = arith.constant 0 : i32
      %broadcast_in_dim3A_2034 = vector.broadcast %broadcast_in_dim3A_2033 : i32 to vector<16xi32>
      %lt3A_2035 = arith.constant 0 : i32
      %lt3A_2036 = vector.broadcast %lt3A_2035 : i32 to vector<16xi32>
      %lt3A_2037 = arith.cmpi slt, %broadcast_in_dim3A_2034, %lt3A_2036 : vector<16xi32>
      %add3A_2038 = arith.constant 16 : i32
      %add3A_2039 = vector.broadcast %add3A_2038 : i32 to vector<16xi32>
      %add3A_2040 = arith.addi %broadcast_in_dim3A_2034, %add3A_2039 : vector<16xi32>
      %select_n3A_2041 = arith.select %lt3A_2037, %add3A_2040, %broadcast_in_dim3A_2034 : vector<16xi1>, vector<16xi32>
      %reshape3A_2042 = vector.shape_cast %select_n3A_2041 : vector<16xi32> to vector<16x1xi32>
      %gather3A_2043 = vector.shape_cast %reshape3A_2042 : vector<16x1xi32> to vector<16xi32>
      %gather3A_2044 = tpu.dynamic_gather %min3A_2030[%gather3A_2043] in [0] : vector<16xf32>, vector<16xi32> -> vector<16xf32>
      %get3A_2045 = arith.constant 192 : index
      %get3A_2046 = tpu.vector_load %arg12[%get3A_2045] {strides = array<i32>} : memref<272xf32, #tpu.memory_space<vmem>>, vector<16xf32>,
      %rev3A_2047 = arith.constant 15 : i32
      %rev3A_2048 = vector.broadcast %rev3A_2047 : i32 to vector<16xi32>
      %rev3A_2049 = tpu.iota {dimensions = array<i32: 0>} : vector<16xi32>
      %rev3A_2050 = arith.subi %rev3A_2048, %rev3A_2049 : vector<16xi32>
      %rev3A_2051 = tpu.dynamic_gather %get3A_2046[%rev3A_2050] in [0] : vector<16xf32>, vector<16xi32> -> vector<16xf32>
      %neg3A_2052 = arith.constant 0.000000e+00 : f32
      %neg3A_2053 = vector.broadcast %neg3A_2052 : f32 to vector<16xf32>
      %neg3A_2054 = arith.subf %neg3A_2053, %rev3A_2051 : vector<16xf32>
      %broadcast_in_dim3A_2055 = arith.constant true
      %broadcast_in_dim3A_2056 = vector.broadcast %broadcast_in_dim3A_2055 : i1 to vector<16xi1>
      %masked_cummax3A_2057 = tpu.scan <max>, %neg3A_2054 masked %broadcast_in_dim3A_2056 : vector<16xf32>, vector<16xi1> -> vector<16xf32>
      %neg3A_2058 = arith.constant 0.000000e+00 : f32
      %neg3A_2059 = vector.broadcast %neg3A_2058 : f32 to vector<16xf32>
      %neg3A_2060 = arith.subf %neg3A_2059, %masked_cummax3A_2057 : vector<16xf32>
      %rev3A_2061 = arith.constant 15 : i32
      %rev3A_2062 = vector.broadcast %rev3A_2061 : i32 to vector<16xi32>
      %rev3A_2063 = tpu.iota {dimensions = array<i32: 0>} : vector<16xi32>
      %rev3A_2064 = arith.subi %rev3A_2062, %rev3A_2063 : vector<16xi32>
      %rev3A_2065 = tpu.dynamic_gather %neg3A_2060[%rev3A_2064] in [0] : vector<16xf32>, vector<16xi32> -> vector<16xf32>
      %min3A_2066 = arith.minimumf %rev3A_2065, %gather3A_2044 : vector<16xf32>
      %swap3A_2067 = arith.constant 192 : index
      %swap3A_2068 = tpu.vector_load %arg14[%swap3A_2067] {strides = array<i32>} : memref<272xf32, #tpu.memory_space<vmem>>, vector<16xf32>,
      tpu.vector_store %arg14[%swap3A_2067], %min3A_2066 {strides = array<i32>} : memref<272xf32, #tpu.memory_space<vmem>>, vector<16xf32>,
      %broadcast_in_dim3A_2069 = arith.constant 0 : i32
      %broadcast_in_dim3A_2070 = vector.broadcast %broadcast_in_dim3A_2069 : i32 to vector<16xi32>
      %lt3A_2071 = arith.constant 0 : i32
      %lt3A_2072 = vector.broadcast %lt3A_2071 : i32 to vector<16xi32>
      %lt3A_2073 = arith.cmpi slt, %broadcast_in_dim3A_2070, %lt3A_2072 : vector<16xi32>
      %add3A_2074 = arith.constant 16 : i32
      %add3A_2075 = vector.broadcast %add3A_2074 : i32 to vector<16xi32>
      %add3A_2076 = arith.addi %broadcast_in_dim3A_2070, %add3A_2075 : vector<16xi32>
      %select_n3A_2077 = arith.select %lt3A_2073, %add3A_2076, %broadcast_in_dim3A_2070 : vector<16xi1>, vector<16xi32>
      %reshape3A_2078 = vector.shape_cast %select_n3A_2077 : vector<16xi32> to vector<16x1xi32>
      %gather3A_2079 = vector.shape_cast %reshape3A_2078 : vector<16x1xi32> to vector<16xi32>
      %gather3A_2080 = tpu.dynamic_gather %min3A_2066[%gather3A_2079] in [0] : vector<16xf32>, vector<16xi32> -> vector<16xf32>
      %get3A_2081 = arith.constant 176 : index
      %get3A_2082 = tpu.vector_load %arg12[%get3A_2081] {strides = array<i32>} : memref<272xf32, #tpu.memory_space<vmem>>, vector<16xf32>,
      %rev3A_2083 = arith.constant 15 : i32
      %rev3A_2084 = vector.broadcast %rev3A_2083 : i32 to vector<16xi32>
      %rev3A_2085 = tpu.iota {dimensions = array<i32: 0>} : vector<16xi32>
      %rev3A_2086 = arith.subi %rev3A_2084, %rev3A_2085 : vector<16xi32>
      %rev3A_2087 = tpu.dynamic_gather %get3A_2082[%rev3A_2086] in [0] : vector<16xf32>, vector<16xi32> -> vector<16xf32>
      %neg3A_2088 = arith.constant 0.000000e+00 : f32
      %neg3A_2089 = vector.broadcast %neg3A_2088 : f32 to vector<16xf32>
      %neg3A_2090 = arith.subf %neg3A_2089, %rev3A_2087 : vector<16xf32>
      %broadcast_in_dim3A_2091 = arith.constant true
      %broadcast_in_dim3A_2092 = vector.broadcast %broadcast_in_dim3A_2091 : i1 to vector<16xi1>
      %masked_cummax3A_2093 = tpu.scan <max>, %neg3A_2090 masked %broadcast_in_dim3A_2092 : vector<16xf32>, vector<16xi1> -> vector<16xf32>
      %neg3A_2094 = arith.constant 0.000000e+00 : f32
      %neg3A_2095 = vector.broadcast %neg3A_2094 : f32 to vector<16xf32>
      %neg3A_2096 = arith.subf %neg3A_2095, %masked_cummax3A_2093 : vector<16xf32>
      %rev3A_2097 = arith.constant 15 : i32
      %rev3A_2098 = vector.broadcast %rev3A_2097 : i32 to vector<16xi32>
      %rev3A_2099 = tpu.iota {dimensions = array<i32: 0>} : vector<16xi32>
      %rev3A_2100 = arith.subi %rev3A_2098, %rev3A_2099 : vector<16xi32>
      %rev3A_2101 = tpu.dynamic_gather %neg3A_2096[%rev3A_2100] in [0] : vector<16xf32>, vector<16xi32> -> vector<16xf32>
      %min3A_2102 = arith.minimumf %rev3A_2101, %gather3A_2080 : vector<16xf32>
      %swap3A_2103 = arith.constant 176 : index
      %swap3A_2104 = tpu.vector_load %arg14[%swap3A_2103] {strides = array<i32>} : memref<272xf32, #tpu.memory_space<vmem>>, vector<16xf32>,
      tpu.vector_store %arg14[%swap3A_2103], %min3A_2102 {strides = array<i32>} : memref<272xf32, #tpu.memory_space<vmem>>, vector<16xf32>,
      %broadcast_in_dim3A_2105 = arith.constant 0 : i32
      %broadcast_in_dim3A_2106 = vector.broadcast %broadcast_in_dim3A_2105 : i32 to vector<16xi32>
      %lt3A_2107 = arith.constant 0 : i32
      %lt3A_2108 = vector.broadcast %lt3A_2107 : i32 to vector<16xi32>
      %lt3A_2109 = arith.cmpi slt, %broadcast_in_dim3A_2106, %lt3A_2108 : vector<16xi32>
      %add3A_2110 = arith.constant 16 : i32
      %add3A_2111 = vector.broadcast %add3A_2110 : i32 to vector<16xi32>
      %add3A_2112 = arith.addi %broadcast_in_dim3A_2106, %add3A_2111 : vector<16xi32>
      %select_n3A_2113 = arith.select %lt3A_2109, %add3A_2112, %broadcast_in_dim3A_2106 : vector<16xi1>, vector<16xi32>
      %reshape3A_2114 = vector.shape_cast %select_n3A_2113 : vector<16xi32> to vector<16x1xi32>
      %gather3A_2115 = vector.shape_cast %reshape3A_2114 : vector<16x1xi32> to vector<16xi32>
      %gather3A_2116 = tpu.dynamic_gather %min3A_2102[%gather3A_2115] in [0] : vector<16xf32>, vector<16xi32> -> vector<16xf32>
      %get3A_2117 = arith.constant 160 : index
      %get3A_2118 = tpu.vector_load %arg12[%get3A_2117] {strides = array<i32>} : memref<272xf32, #tpu.memory_space<vmem>>, vector<16xf32>,
      %rev3A_2119 = arith.constant 15 : i32
      %rev3A_2120 = vector.broadcast %rev3A_2119 : i32 to vector<16xi32>
      %rev3A_2121 = tpu.iota {dimensions = array<i32: 0>} : vector<16xi32>
      %rev3A_2122 = arith.subi %rev3A_2120, %rev3A_2121 : vector<16xi32>
      %rev3A_2123 = tpu.dynamic_gather %get3A_2118[%rev3A_2122] in [0] : vector<16xf32>, vector<16xi32> -> vector<16xf32>
      %neg3A_2124 = arith.constant 0.000000e+00 : f32
      %neg3A_2125 = vector.broadcast %neg3A_2124 : f32 to vector<16xf32>
      %neg3A_2126 = arith.subf %neg3A_2125, %rev3A_2123 : vector<16xf32>
      %broadcast_in_dim3A_2127 = arith.constant true
      %broadcast_in_dim3A_2128 = vector.broadcast %broadcast_in_dim3A_2127 : i1 to vector<16xi1>
      %masked_cummax3A_2129 = tpu.scan <max>, %neg3A_2126 masked %broadcast_in_dim3A_2128 : vector<16xf32>, vector<16xi1> -> vector<16xf32>
      %neg3A_2130 = arith.constant 0.000000e+00 : f32
      %neg3A_2131 = vector.broadcast %neg3A_2130 : f32 to vector<16xf32>
      %neg3A_2132 = arith.subf %neg3A_2131, %masked_cummax3A_2129 : vector<16xf32>
      %rev3A_2133 = arith.constant 15 : i32
      %rev3A_2134 = vector.broadcast %rev3A_2133 : i32 to vector<16xi32>
      %rev3A_2135 = tpu.iota {dimensions = array<i32: 0>} : vector<16xi32>
      %rev3A_2136 = arith.subi %rev3A_2134, %rev3A_2135 : vector<16xi32>
      %rev3A_2137 = tpu.dynamic_gather %neg3A_2132[%rev3A_2136] in [0] : vector<16xf32>, vector<16xi32> -> vector<16xf32>
      %min3A_2138 = arith.minimumf %rev3A_2137, %gather3A_2116 : vector<16xf32>
      %swap3A_2139 = arith.constant 160 : index
      %swap3A_2140 = tpu.vector_load %arg14[%swap3A_2139] {strides = array<i32>} : memref<272xf32, #tpu.memory_space<vmem>>, vector<16xf32>,
      tpu.vector_store %arg14[%swap3A_2139], %min3A_2138 {strides = array<i32>} : memref<272xf32, #tpu.memory_space<vmem>>, vector<16xf32>,
      %broadcast_in_dim3A_2141 = arith.constant 0 : i32
      %broadcast_in_dim3A_2142 = vector.broadcast %broadcast_in_dim3A_2141 : i32 to vector<16xi32>
      %lt3A_2143 = arith.constant 0 : i32
      %lt3A_2144 = vector.broadcast %lt3A_2143 : i32 to vector<16xi32>
      %lt3A_2145 = arith.cmpi slt, %broadcast_in_dim3A_2142, %lt3A_2144 : vector<16xi32>
      %add3A_2146 = arith.constant 16 : i32
      %add3A_2147 = vector.broadcast %add3A_2146 : i32 to vector<16xi32>
      %add3A_2148 = arith.addi %broadcast_in_dim3A_2142, %add3A_2147 : vector<16xi32>
      %select_n3A_2149 = arith.select %lt3A_2145, %add3A_2148, %broadcast_in_dim3A_2142 : vector<16xi1>, vector<16xi32>
      %reshape3A_2150 = vector.shape_cast %select_n3A_2149 : vector<16xi32> to vector<16x1xi32>
      %gather3A_2151 = vector.shape_cast %reshape3A_2150 : vector<16x1xi32> to vector<16xi32>
      %gather3A_2152 = tpu.dynamic_gather %min3A_2138[%gather3A_2151] in [0] : vector<16xf32>, vector<16xi32> -> vector<16xf32>
      %get3A_2153 = arith.constant 144 : index
      %get3A_2154 = tpu.vector_load %arg12[%get3A_2153] {strides = array<i32>} : memref<272xf32, #tpu.memory_space<vmem>>, vector<16xf32>,
      %rev3A_2155 = arith.constant 15 : i32
      %rev3A_2156 = vector.broadcast %rev3A_2155 : i32 to vector<16xi32>
      %rev3A_2157 = tpu.iota {dimensions = array<i32: 0>} : vector<16xi32>
      %rev3A_2158 = arith.subi %rev3A_2156, %rev3A_2157 : vector<16xi32>
      %rev3A_2159 = tpu.dynamic_gather %get3A_2154[%rev3A_2158] in [0] : vector<16xf32>, vector<16xi32> -> vector<16xf32>
      %neg3A_2160 = arith.constant 0.000000e+00 : f32
      %neg3A_2161 = vector.broadcast %neg3A_2160 : f32 to vector<16xf32>
      %neg3A_2162 = arith.subf %neg3A_2161, %rev3A_2159 : vector<16xf32>
      %broadcast_in_dim3A_2163 = arith.constant true
      %broadcast_in_dim3A_2164 = vector.broadcast %broadcast_in_dim3A_2163 : i1 to vector<16xi1>
      %masked_cummax3A_2165 = tpu.scan <max>, %neg3A_2162 masked %broadcast_in_dim3A_2164 : vector<16xf32>, vector<16xi1> -> vector<16xf32>
      %neg3A_2166 = arith.constant 0.000000e+00 : f32
      %neg3A_2167 = vector.broadcast %neg3A_2166 : f32 to vector<16xf32>
      %neg3A_2168 = arith.subf %neg3A_2167, %masked_cummax3A_2165 : vector<16xf32>
      %rev3A_2169 = arith.constant 15 : i32
      %rev3A_2170 = vector.broadcast %rev3A_2169 : i32 to vector<16xi32>
      %rev3A_2171 = tpu.iota {dimensions = array<i32: 0>} : vector<16xi32>
      %rev3A_2172 = arith.subi %rev3A_2170, %rev3A_2171 : vector<16xi32>
      %rev3A_2173 = tpu.dynamic_gather %neg3A_2168[%rev3A_2172] in [0] : vector<16xf32>, vector<16xi32> -> vector<16xf32>
      %min3A_2174 = arith.minimumf %rev3A_2173, %gather3A_2152 : vector<16xf32>
      %swap3A_2175 = arith.constant 144 : index
      %swap3A_2176 = tpu.vector_load %arg14[%swap3A_2175] {strides = array<i32>} : memref<272xf32, #tpu.memory_space<vmem>>, vector<16xf32>,
      tpu.vector_store %arg14[%swap3A_2175], %min3A_2174 {strides = array<i32>} : memref<272xf32, #tpu.memory_space<vmem>>, vector<16xf32>,
      %broadcast_in_dim3A_2177 = arith.constant 0 : i32
      %broadcast_in_dim3A_2178 = vector.broadcast %broadcast_in_dim3A_2177 : i32 to vector<16xi32>
      %lt3A_2179 = arith.constant 0 : i32
      %lt3A_2180 = vector.broadcast %lt3A_2179 : i32 to vector<16xi32>
      %lt3A_2181 = arith.cmpi slt, %broadcast_in_dim3A_2178, %lt3A_2180 : vector<16xi32>
      %add3A_2182 = arith.constant 16 : i32
      %add3A_2183 = vector.broadcast %add3A_2182 : i32 to vector<16xi32>
      %add3A_2184 = arith.addi %broadcast_in_dim3A_2178, %add3A_2183 : vector<16xi32>
      %select_n3A_2185 = arith.select %lt3A_2181, %add3A_2184, %broadcast_in_dim3A_2178 : vector<16xi1>, vector<16xi32>
      %reshape3A_2186 = vector.shape_cast %select_n3A_2185 : vector<16xi32> to vector<16x1xi32>
      %gather3A_2187 = vector.shape_cast %reshape3A_2186 : vector<16x1xi32> to vector<16xi32>
      %gather3A_2188 = tpu.dynamic_gather %min3A_2174[%gather3A_2187] in [0] : vector<16xf32>, vector<16xi32> -> vector<16xf32>
      %get3A_2189 = arith.constant 128 : index
      %get3A_2190 = tpu.vector_load %arg12[%get3A_2189] {strides = array<i32>} : memref<272xf32, #tpu.memory_space<vmem>>, vector<16xf32>,
      %rev3A_2191 = arith.constant 15 : i32
      %rev3A_2192 = vector.broadcast %rev3A_2191 : i32 to vector<16xi32>
      %rev3A_2193 = tpu.iota {dimensions = array<i32: 0>} : vector<16xi32>
      %rev3A_2194 = arith.subi %rev3A_2192, %rev3A_2193 : vector<16xi32>
      %rev3A_2195 = tpu.dynamic_gather %get3A_2190[%rev3A_2194] in [0] : vector<16xf32>, vector<16xi32> -> vector<16xf32>
      %neg3A_2196 = arith.constant 0.000000e+00 : f32
      %neg3A_2197 = vector.broadcast %neg3A_2196 : f32 to vector<16xf32>
      %neg3A_2198 = arith.subf %neg3A_2197, %rev3A_2195 : vector<16xf32>
      %broadcast_in_dim3A_2199 = arith.constant true
      %broadcast_in_dim3A_2200 = vector.broadcast %broadcast_in_dim3A_2199 : i1 to vector<16xi1>
      %masked_cummax3A_2201 = tpu.scan <max>, %neg3A_2198 masked %broadcast_in_dim3A_2200 : vector<16xf32>, vector<16xi1> -> vector<16xf32>
      %neg3A_2202 = arith.constant 0.000000e+00 : f32
      %neg3A_2203 = vector.broadcast %neg3A_2202 : f32 to vector<16xf32>
      %neg3A_2204 = arith.subf %neg3A_2203, %masked_cummax3A_2201 : vector<16xf32>
      %rev3A_2205 = arith.constant 15 : i32
      %rev3A_2206 = vector.broadcast %rev3A_2205 : i32 to vector<16xi32>
      %rev3A_2207 = tpu.iota {dimensions = array<i32: 0>} : vector<16xi32>
      %rev3A_2208 = arith.subi %rev3A_2206, %rev3A_2207 : vector<16xi32>
      %rev3A_2209 = tpu.dynamic_gather %neg3A_2204[%rev3A_2208] in [0] : vector<16xf32>, vector<16xi32> -> vector<16xf32>
      %min3A_2210 = arith.minimumf %rev3A_2209, %gather3A_2188 : vector<16xf32>
      %swap3A_2211 = arith.constant 128 : index
      %swap3A_2212 = tpu.vector_load %arg14[%swap3A_2211] {strides = array<i32>} : memref<272xf32, #tpu.memory_space<vmem>>, vector<16xf32>,
      tpu.vector_store %arg14[%swap3A_2211], %min3A_2210 {strides = array<i32>} : memref<272xf32, #tpu.memory_space<vmem>>, vector<16xf32>,
      %broadcast_in_dim3A_2213 = arith.constant 0 : i32
      %broadcast_in_dim3A_2214 = vector.broadcast %broadcast_in_dim3A_2213 : i32 to vector<16xi32>
      %lt3A_2215 = arith.constant 0 : i32
      %lt3A_2216 = vector.broadcast %lt3A_2215 : i32 to vector<16xi32>
      %lt3A_2217 = arith.cmpi slt, %broadcast_in_dim3A_2214, %lt3A_2216 : vector<16xi32>
      %add3A_2218 = arith.constant 16 : i32
      %add3A_2219 = vector.broadcast %add3A_2218 : i32 to vector<16xi32>
      %add3A_2220 = arith.addi %broadcast_in_dim3A_2214, %add3A_2219 : vector<16xi32>
      %select_n3A_2221 = arith.select %lt3A_2217, %add3A_2220, %broadcast_in_dim3A_2214 : vector<16xi1>, vector<16xi32>
      %reshape3A_2222 = vector.shape_cast %select_n3A_2221 : vector<16xi32> to vector<16x1xi32>
      %gather3A_2223 = vector.shape_cast %reshape3A_2222 : vector<16x1xi32> to vector<16xi32>
      %gather3A_2224 = tpu.dynamic_gather %min3A_2210[%gather3A_2223] in [0] : vector<16xf32>, vector<16xi32> -> vector<16xf32>
      %get3A_2225 = arith.constant 112 : index
      %get3A_2226 = tpu.vector_load %arg12[%get3A_2225] {strides = array<i32>} : memref<272xf32, #tpu.memory_space<vmem>>, vector<16xf32>,
      %rev3A_2227 = arith.constant 15 : i32
      %rev3A_2228 = vector.broadcast %rev3A_2227 : i32 to vector<16xi32>
      %rev3A_2229 = tpu.iota {dimensions = array<i32: 0>} : vector<16xi32>
      %rev3A_2230 = arith.subi %rev3A_2228, %rev3A_2229 : vector<16xi32>
      %rev3A_2231 = tpu.dynamic_gather %get3A_2226[%rev3A_2230] in [0] : vector<16xf32>, vector<16xi32> -> vector<16xf32>
      %neg3A_2232 = arith.constant 0.000000e+00 : f32
      %neg3A_2233 = vector.broadcast %neg3A_2232 : f32 to vector<16xf32>
      %neg3A_2234 = arith.subf %neg3A_2233, %rev3A_2231 : vector<16xf32>
      %broadcast_in_dim3A_2235 = arith.constant true
      %broadcast_in_dim3A_2236 = vector.broadcast %broadcast_in_dim3A_2235 : i1 to vector<16xi1>
      %masked_cummax3A_2237 = tpu.scan <max>, %neg3A_2234 masked %broadcast_in_dim3A_2236 : vector<16xf32>, vector<16xi1> -> vector<16xf32>
      %neg3A_2238 = arith.constant 0.000000e+00 : f32
      %neg3A_2239 = vector.broadcast %neg3A_2238 : f32 to vector<16xf32>
      %neg3A_2240 = arith.subf %neg3A_2239, %masked_cummax3A_2237 : vector<16xf32>
      %rev3A_2241 = arith.constant 15 : i32
      %rev3A_2242 = vector.broadcast %rev3A_2241 : i32 to vector<16xi32>
      %rev3A_2243 = tpu.iota {dimensions = array<i32: 0>} : vector<16xi32>
      %rev3A_2244 = arith.subi %rev3A_2242, %rev3A_2243 : vector<16xi32>
      %rev3A_2245 = tpu.dynamic_gather %neg3A_2240[%rev3A_2244] in [0] : vector<16xf32>, vector<16xi32> -> vector<16xf32>
      %min3A_2246 = arith.minimumf %rev3A_2245, %gather3A_2224 : vector<16xf32>
      %swap3A_2247 = arith.constant 112 : index
      %swap3A_2248 = tpu.vector_load %arg14[%swap3A_2247] {strides = array<i32>} : memref<272xf32, #tpu.memory_space<vmem>>, vector<16xf32>,
      tpu.vector_store %arg14[%swap3A_2247], %min3A_2246 {strides = array<i32>} : memref<272xf32, #tpu.memory_space<vmem>>, vector<16xf32>,
      %broadcast_in_dim3A_2249 = arith.constant 0 : i32
      %broadcast_in_dim3A_2250 = vector.broadcast %broadcast_in_dim3A_2249 : i32 to vector<16xi32>
      %lt3A_2251 = arith.constant 0 : i32
      %lt3A_2252 = vector.broadcast %lt3A_2251 : i32 to vector<16xi32>
      %lt3A_2253 = arith.cmpi slt, %broadcast_in_dim3A_2250, %lt3A_2252 : vector<16xi32>
      %add3A_2254 = arith.constant 16 : i32
      %add3A_2255 = vector.broadcast %add3A_2254 : i32 to vector<16xi32>
      %add3A_2256 = arith.addi %broadcast_in_dim3A_2250, %add3A_2255 : vector<16xi32>
      %select_n3A_2257 = arith.select %lt3A_2253, %add3A_2256, %broadcast_in_dim3A_2250 : vector<16xi1>, vector<16xi32>
      %reshape3A_2258 = vector.shape_cast %select_n3A_2257 : vector<16xi32> to vector<16x1xi32>
      %gather3A_2259 = vector.shape_cast %reshape3A_2258 : vector<16x1xi32> to vector<16xi32>
      %gather3A_2260 = tpu.dynamic_gather %min3A_2246[%gather3A_2259] in [0] : vector<16xf32>, vector<16xi32> -> vector<16xf32>
      %get3A_2261 = arith.constant 96 : index
      %get3A_2262 = tpu.vector_load %arg12[%get3A_2261] {strides = array<i32>} : memref<272xf32, #tpu.memory_space<vmem>>, vector<16xf32>,
      %rev3A_2263 = arith.constant 15 : i32
      %rev3A_2264 = vector.broadcast %rev3A_2263 : i32 to vector<16xi32>
      %rev3A_2265 = tpu.iota {dimensions = array<i32: 0>} : vector<16xi32>
      %rev3A_2266 = arith.subi %rev3A_2264, %rev3A_2265 : vector<16xi32>
      %rev3A_2267 = tpu.dynamic_gather %get3A_2262[%rev3A_2266] in [0] : vector<16xf32>, vector<16xi32> -> vector<16xf32>
      %neg3A_2268 = arith.constant 0.000000e+00 : f32
      %neg3A_2269 = vector.broadcast %neg3A_2268 : f32 to vector<16xf32>
      %neg3A_2270 = arith.subf %neg3A_2269, %rev3A_2267 : vector<16xf32>
      %broadcast_in_dim3A_2271 = arith.constant true
      %broadcast_in_dim3A_2272 = vector.broadcast %broadcast_in_dim3A_2271 : i1 to vector<16xi1>
      %masked_cummax3A_2273 = tpu.scan <max>, %neg3A_2270 masked %broadcast_in_dim3A_2272 : vector<16xf32>, vector<16xi1> -> vector<16xf32>
      %neg3A_2274 = arith.constant 0.000000e+00 : f32
      %neg3A_2275 = vector.broadcast %neg3A_2274 : f32 to vector<16xf32>
      %neg3A_2276 = arith.subf %neg3A_2275, %masked_cummax3A_2273 : vector<16xf32>
      %rev3A_2277 = arith.constant 15 : i32
      %rev3A_2278 = vector.broadcast %rev3A_2277 : i32 to vector<16xi32>
      %rev3A_2279 = tpu.iota {dimensions = array<i32: 0>} : vector<16xi32>
      %rev3A_2280 = arith.subi %rev3A_2278, %rev3A_2279 : vector<16xi32>
      %rev3A_2281 = tpu.dynamic_gather %neg3A_2276[%rev3A_2280] in [0] : vector<16xf32>, vector<16xi32> -> vector<16xf32>
      %min3A_2282 = arith.minimumf %rev3A_2281, %gather3A_2260 : vector<16xf32>
      %swap3A_2283 = arith.constant 96 : index
      %swap3A_2284 = tpu.vector_load %arg14[%swap3A_2283] {strides = array<i32>} : memref<272xf32, #tpu.memory_space<vmem>>, vector<16xf32>,
      tpu.vector_store %arg14[%swap3A_2283], %min3A_2282 {strides = array<i32>} : memref<272xf32, #tpu.memory_space<vmem>>, vector<16xf32>,
      %broadcast_in_dim3A_2285 = arith.constant 0 : i32
      %broadcast_in_dim3A_2286 = vector.broadcast %broadcast_in_dim3A_2285 : i32 to vector<16xi32>
      %lt3A_2287 = arith.constant 0 : i32
      %lt3A_2288 = vector.broadcast %lt3A_2287 : i32 to vector<16xi32>
      %lt3A_2289 = arith.cmpi slt, %broadcast_in_dim3A_2286, %lt3A_2288 : vector<16xi32>
      %add3A_2290 = arith.constant 16 : i32
      %add3A_2291 = vector.broadcast %add3A_2290 : i32 to vector<16xi32>
      %add3A_2292 = arith.addi %broadcast_in_dim3A_2286, %add3A_2291 : vector<16xi32>
      %select_n3A_2293 = arith.select %lt3A_2289, %add3A_2292, %broadcast_in_dim3A_2286 : vector<16xi1>, vector<16xi32>
      %reshape3A_2294 = vector.shape_cast %select_n3A_2293 : vector<16xi32> to vector<16x1xi32>
      %gather3A_2295 = vector.shape_cast %reshape3A_2294 : vector<16x1xi32> to vector<16xi32>
      %gather3A_2296 = tpu.dynamic_gather %min3A_2282[%gather3A_2295] in [0] : vector<16xf32>, vector<16xi32> -> vector<16xf32>
      %get3A_2297 = arith.constant 80 : index
      %get3A_2298 = tpu.vector_load %arg12[%get3A_2297] {strides = array<i32>} : memref<272xf32, #tpu.memory_space<vmem>>, vector<16xf32>,
      %rev3A_2299 = arith.constant 15 : i32
      %rev3A_2300 = vector.broadcast %rev3A_2299 : i32 to vector<16xi32>
      %rev3A_2301 = tpu.iota {dimensions = array<i32: 0>} : vector<16xi32>
      %rev3A_2302 = arith.subi %rev3A_2300, %rev3A_2301 : vector<16xi32>
      %rev3A_2303 = tpu.dynamic_gather %get3A_2298[%rev3A_2302] in [0] : vector<16xf32>, vector<16xi32> -> vector<16xf32>
      %neg3A_2304 = arith.constant 0.000000e+00 : f32
      %neg3A_2305 = vector.broadcast %neg3A_2304 : f32 to vector<16xf32>
      %neg3A_2306 = arith.subf %neg3A_2305, %rev3A_2303 : vector<16xf32>
      %broadcast_in_dim3A_2307 = arith.constant true
      %broadcast_in_dim3A_2308 = vector.broadcast %broadcast_in_dim3A_2307 : i1 to vector<16xi1>
      %masked_cummax3A_2309 = tpu.scan <max>, %neg3A_2306 masked %broadcast_in_dim3A_2308 : vector<16xf32>, vector<16xi1> -> vector<16xf32>
      %neg3A_2310 = arith.constant 0.000000e+00 : f32
      %neg3A_2311 = vector.broadcast %neg3A_2310 : f32 to vector<16xf32>
      %neg3A_2312 = arith.subf %neg3A_2311, %masked_cummax3A_2309 : vector<16xf32>
      %rev3A_2313 = arith.constant 15 : i32
      %rev3A_2314 = vector.broadcast %rev3A_2313 : i32 to vector<16xi32>
      %rev3A_2315 = tpu.iota {dimensions = array<i32: 0>} : vector<16xi32>
      %rev3A_2316 = arith.subi %rev3A_2314, %rev3A_2315 : vector<16xi32>
      %rev3A_2317 = tpu.dynamic_gather %neg3A_2312[%rev3A_2316] in [0] : vector<16xf32>, vector<16xi32> -> vector<16xf32>
      %min3A_2318 = arith.minimumf %rev3A_2317, %gather3A_2296 : vector<16xf32>
      %swap3A_2319 = arith.constant 80 : index
      %swap3A_2320 = tpu.vector_load %arg14[%swap3A_2319] {strides = array<i32>} : memref<272xf32, #tpu.memory_space<vmem>>, vector<16xf32>,
      tpu.vector_store %arg14[%swap3A_2319], %min3A_2318 {strides = array<i32>} : memref<272xf32, #tpu.memory_space<vmem>>, vector<16xf32>,
      %broadcast_in_dim3A_2321 = arith.constant 0 : i32
      %broadcast_in_dim3A_2322 = vector.broadcast %broadcast_in_dim3A_2321 : i32 to vector<16xi32>
      %lt3A_2323 = arith.constant 0 : i32
      %lt3A_2324 = vector.broadcast %lt3A_2323 : i32 to vector<16xi32>
      %lt3A_2325 = arith.cmpi slt, %broadcast_in_dim3A_2322, %lt3A_2324 : vector<16xi32>
      %add3A_2326 = arith.constant 16 : i32
      %add3A_2327 = vector.broadcast %add3A_2326 : i32 to vector<16xi32>
      %add3A_2328 = arith.addi %broadcast_in_dim3A_2322, %add3A_2327 : vector<16xi32>
      %select_n3A_2329 = arith.select %lt3A_2325, %add3A_2328, %broadcast_in_dim3A_2322 : vector<16xi1>, vector<16xi32>
      %reshape3A_2330 = vector.shape_cast %select_n3A_2329 : vector<16xi32> to vector<16x1xi32>
      %gather3A_2331 = vector.shape_cast %reshape3A_2330 : vector<16x1xi32> to vector<16xi32>
      %gather3A_2332 = tpu.dynamic_gather %min3A_2318[%gather3A_2331] in [0] : vector<16xf32>, vector<16xi32> -> vector<16xf32>
      %get3A_2333 = arith.constant 64 : index
      %get3A_2334 = tpu.vector_load %arg12[%get3A_2333] {strides = array<i32>} : memref<272xf32, #tpu.memory_space<vmem>>, vector<16xf32>,
      %rev3A_2335 = arith.constant 15 : i32
      %rev3A_2336 = vector.broadcast %rev3A_2335 : i32 to vector<16xi32>
      %rev3A_2337 = tpu.iota {dimensions = array<i32: 0>} : vector<16xi32>
      %rev3A_2338 = arith.subi %rev3A_2336, %rev3A_2337 : vector<16xi32>
      %rev3A_2339 = tpu.dynamic_gather %get3A_2334[%rev3A_2338] in [0] : vector<16xf32>, vector<16xi32> -> vector<16xf32>
      %neg3A_2340 = arith.constant 0.000000e+00 : f32
      %neg3A_2341 = vector.broadcast %neg3A_2340 : f32 to vector<16xf32>
      %neg3A_2342 = arith.subf %neg3A_2341, %rev3A_2339 : vector<16xf32>
      %broadcast_in_dim3A_2343 = arith.constant true
      %broadcast_in_dim3A_2344 = vector.broadcast %broadcast_in_dim3A_2343 : i1 to vector<16xi1>
      %masked_cummax3A_2345 = tpu.scan <max>, %neg3A_2342 masked %broadcast_in_dim3A_2344 : vector<16xf32>, vector<16xi1> -> vector<16xf32>
      %neg3A_2346 = arith.constant 0.000000e+00 : f32
      %neg3A_2347 = vector.broadcast %neg3A_2346 : f32 to vector<16xf32>
      %neg3A_2348 = arith.subf %neg3A_2347, %masked_cummax3A_2345 : vector<16xf32>
      %rev3A_2349 = arith.constant 15 : i32
      %rev3A_2350 = vector.broadcast %rev3A_2349 : i32 to vector<16xi32>
      %rev3A_2351 = tpu.iota {dimensions = array<i32: 0>} : vector<16xi32>
      %rev3A_2352 = arith.subi %rev3A_2350, %rev3A_2351 : vector<16xi32>
      %rev3A_2353 = tpu.dynamic_gather %neg3A_2348[%rev3A_2352] in [0] : vector<16xf32>, vector<16xi32> -> vector<16xf32>
      %min3A_2354 = arith.minimumf %rev3A_2353, %gather3A_2332 : vector<16xf32>
      %swap3A_2355 = arith.constant 64 : index
      %swap3A_2356 = tpu.vector_load %arg14[%swap3A_2355] {strides = array<i32>} : memref<272xf32, #tpu.memory_space<vmem>>, vector<16xf32>,
      tpu.vector_store %arg14[%swap3A_2355], %min3A_2354 {strides = array<i32>} : memref<272xf32, #tpu.memory_space<vmem>>, vector<16xf32>,
      %broadcast_in_dim3A_2357 = arith.constant 0 : i32
      %broadcast_in_dim3A_2358 = vector.broadcast %broadcast_in_dim3A_2357 : i32 to vector<16xi32>
      %lt3A_2359 = arith.constant 0 : i32
      %lt3A_2360 = vector.broadcast %lt3A_2359 : i32 to vector<16xi32>
      %lt3A_2361 = arith.cmpi slt, %broadcast_in_dim3A_2358, %lt3A_2360 : vector<16xi32>
      %add3A_2362 = arith.constant 16 : i32
      %add3A_2363 = vector.broadcast %add3A_2362 : i32 to vector<16xi32>
      %add3A_2364 = arith.addi %broadcast_in_dim3A_2358, %add3A_2363 : vector<16xi32>
      %select_n3A_2365 = arith.select %lt3A_2361, %add3A_2364, %broadcast_in_dim3A_2358 : vector<16xi1>, vector<16xi32>
      %reshape3A_2366 = vector.shape_cast %select_n3A_2365 : vector<16xi32> to vector<16x1xi32>
      %gather3A_2367 = vector.shape_cast %reshape3A_2366 : vector<16x1xi32> to vector<16xi32>
      %gather3A_2368 = tpu.dynamic_gather %min3A_2354[%gather3A_2367] in [0] : vector<16xf32>, vector<16xi32> -> vector<16xf32>
      %get3A_2369 = arith.constant 48 : index
      %get3A_2370 = tpu.vector_load %arg12[%get3A_2369] {strides = array<i32>} : memref<272xf32, #tpu.memory_space<vmem>>, vector<16xf32>,
      %rev3A_2371 = arith.constant 15 : i32
      %rev3A_2372 = vector.broadcast %rev3A_2371 : i32 to vector<16xi32>
      %rev3A_2373 = tpu.iota {dimensions = array<i32: 0>} : vector<16xi32>
      %rev3A_2374 = arith.subi %rev3A_2372, %rev3A_2373 : vector<16xi32>
      %rev3A_2375 = tpu.dynamic_gather %get3A_2370[%rev3A_2374] in [0] : vector<16xf32>, vector<16xi32> -> vector<16xf32>
      %neg3A_2376 = arith.constant 0.000000e+00 : f32
      %neg3A_2377 = vector.broadcast %neg3A_2376 : f32 to vector<16xf32>
      %neg3A_2378 = arith.subf %neg3A_2377, %rev3A_2375 : vector<16xf32>
      %broadcast_in_dim3A_2379 = arith.constant true
      %broadcast_in_dim3A_2380 = vector.broadcast %broadcast_in_dim3A_2379 : i1 to vector<16xi1>
      %masked_cummax3A_2381 = tpu.scan <max>, %neg3A_2378 masked %broadcast_in_dim3A_2380 : vector<16xf32>, vector<16xi1> -> vector<16xf32>
      %neg3A_2382 = arith.constant 0.000000e+00 : f32
      %neg3A_2383 = vector.broadcast %neg3A_2382 : f32 to vector<16xf32>
      %neg3A_2384 = arith.subf %neg3A_2383, %masked_cummax3A_2381 : vector<16xf32>
      %rev3A_2385 = arith.constant 15 : i32
      %rev3A_2386 = vector.broadcast %rev3A_2385 : i32 to vector<16xi32>
      %rev3A_2387 = tpu.iota {dimensions = array<i32: 0>} : vector<16xi32>
      %rev3A_2388 = arith.subi %rev3A_2386, %rev3A_2387 : vector<16xi32>
      %rev3A_2389 = tpu.dynamic_gather %neg3A_2384[%rev3A_2388] in [0] : vector<16xf32>, vector<16xi32> -> vector<16xf32>
      %min3A_2390 = arith.minimumf %rev3A_2389, %gather3A_2368 : vector<16xf32>
      %swap3A_2391 = arith.constant 48 : index
      %swap3A_2392 = tpu.vector_load %arg14[%swap3A_2391] {strides = array<i32>} : memref<272xf32, #tpu.memory_space<vmem>>, vector<16xf32>,
      tpu.vector_store %arg14[%swap3A_2391], %min3A_2390 {strides = array<i32>} : memref<272xf32, #tpu.memory_space<vmem>>, vector<16xf32>,
      %broadcast_in_dim3A_2393 = arith.constant 0 : i32
      %broadcast_in_dim3A_2394 = vector.broadcast %broadcast_in_dim3A_2393 : i32 to vector<16xi32>
      %lt3A_2395 = arith.constant 0 : i32
      %lt3A_2396 = vector.broadcast %lt3A_2395 : i32 to vector<16xi32>
      %lt3A_2397 = arith.cmpi slt, %broadcast_in_dim3A_2394, %lt3A_2396 : vector<16xi32>
      %add3A_2398 = arith.constant 16 : i32
      %add3A_2399 = vector.broadcast %add3A_2398 : i32 to vector<16xi32>
      %add3A_2400 = arith.addi %broadcast_in_dim3A_2394, %add3A_2399 : vector<16xi32>
      %select_n3A_2401 = arith.select %lt3A_2397, %add3A_2400, %broadcast_in_dim3A_2394 : vector<16xi1>, vector<16xi32>
      %reshape3A_2402 = vector.shape_cast %select_n3A_2401 : vector<16xi32> to vector<16x1xi32>
      %gather3A_2403 = vector.shape_cast %reshape3A_2402 : vector<16x1xi32> to vector<16xi32>
      %gather3A_2404 = tpu.dynamic_gather %min3A_2390[%gather3A_2403] in [0] : vector<16xf32>, vector<16xi32> -> vector<16xf32>
      %get3A_2405 = arith.constant 32 : index
      %get3A_2406 = tpu.vector_load %arg12[%get3A_2405] {strides = array<i32>} : memref<272xf32, #tpu.memory_space<vmem>>, vector<16xf32>,
      %rev3A_2407 = arith.constant 15 : i32
      %rev3A_2408 = vector.broadcast %rev3A_2407 : i32 to vector<16xi32>
      %rev3A_2409 = tpu.iota {dimensions = array<i32: 0>} : vector<16xi32>
      %rev3A_2410 = arith.subi %rev3A_2408, %rev3A_2409 : vector<16xi32>
      %rev3A_2411 = tpu.dynamic_gather %get3A_2406[%rev3A_2410] in [0] : vector<16xf32>, vector<16xi32> -> vector<16xf32>
      %neg3A_2412 = arith.constant 0.000000e+00 : f32
      %neg3A_2413 = vector.broadcast %neg3A_2412 : f32 to vector<16xf32>
      %neg3A_2414 = arith.subf %neg3A_2413, %rev3A_2411 : vector<16xf32>
      %broadcast_in_dim3A_2415 = arith.constant true
      %broadcast_in_dim3A_2416 = vector.broadcast %broadcast_in_dim3A_2415 : i1 to vector<16xi1>
      %masked_cummax3A_2417 = tpu.scan <max>, %neg3A_2414 masked %broadcast_in_dim3A_2416 : vector<16xf32>, vector<16xi1> -> vector<16xf32>
      %neg3A_2418 = arith.constant 0.000000e+00 : f32
      %neg3A_2419 = vector.broadcast %neg3A_2418 : f32 to vector<16xf32>
      %neg3A_2420 = arith.subf %neg3A_2419, %masked_cummax3A_2417 : vector<16xf32>
      %rev3A_2421 = arith.constant 15 : i32
      %rev3A_2422 = vector.broadcast %rev3A_2421 : i32 to vector<16xi32>
      %rev3A_2423 = tpu.iota {dimensions = array<i32: 0>} : vector<16xi32>
      %rev3A_2424 = arith.subi %rev3A_2422, %rev3A_2423 : vector<16xi32>
      %rev3A_2425 = tpu.dynamic_gather %neg3A_2420[%rev3A_2424] in [0] : vector<16xf32>, vector<16xi32> -> vector<16xf32>
      %min3A_2426 = arith.minimumf %rev3A_2425, %gather3A_2404 : vector<16xf32>
      %swap3A_2427 = arith.constant 32 : index
      %swap3A_2428 = tpu.vector_load %arg14[%swap3A_2427] {strides = array<i32>} : memref<272xf32, #tpu.memory_space<vmem>>, vector<16xf32>,
      tpu.vector_store %arg14[%swap3A_2427], %min3A_2426 {strides = array<i32>} : memref<272xf32, #tpu.memory_space<vmem>>, vector<16xf32>,
      %broadcast_in_dim3A_2429 = arith.constant 0 : i32
      %broadcast_in_dim3A_2430 = vector.broadcast %broadcast_in_dim3A_2429 : i32 to vector<16xi32>
      %lt3A_2431 = arith.constant 0 : i32
      %lt3A_2432 = vector.broadcast %lt3A_2431 : i32 to vector<16xi32>
      %lt3A_2433 = arith.cmpi slt, %broadcast_in_dim3A_2430, %lt3A_2432 : vector<16xi32>
      %add3A_2434 = arith.constant 16 : i32
      %add3A_2435 = vector.broadcast %add3A_2434 : i32 to vector<16xi32>
      %add3A_2436 = arith.addi %broadcast_in_dim3A_2430, %add3A_2435 : vector<16xi32>
      %select_n3A_2437 = arith.select %lt3A_2433, %add3A_2436, %broadcast_in_dim3A_2430 : vector<16xi1>, vector<16xi32>
      %reshape3A_2438 = vector.shape_cast %select_n3A_2437 : vector<16xi32> to vector<16x1xi32>
      %gather3A_2439 = vector.shape_cast %reshape3A_2438 : vector<16x1xi32> to vector<16xi32>
      %gather3A_2440 = tpu.dynamic_gather %min3A_2426[%gather3A_2439] in [0] : vector<16xf32>, vector<16xi32> -> vector<16xf32>
      %get3A_2441 = arith.constant 16 : index
      %get3A_2442 = tpu.vector_load %arg12[%get3A_2441] {strides = array<i32>} : memref<272xf32, #tpu.memory_space<vmem>>, vector<16xf32>,
      %rev3A_2443 = arith.constant 15 : i32
      %rev3A_2444 = vector.broadcast %rev3A_2443 : i32 to vector<16xi32>
      %rev3A_2445 = tpu.iota {dimensions = array<i32: 0>} : vector<16xi32>
      %rev3A_2446 = arith.subi %rev3A_2444, %rev3A_2445 : vector<16xi32>
      %rev3A_2447 = tpu.dynamic_gather %get3A_2442[%rev3A_2446] in [0] : vector<16xf32>, vector<16xi32> -> vector<16xf32>
      %neg3A_2448 = arith.constant 0.000000e+00 : f32
      %neg3A_2449 = vector.broadcast %neg3A_2448 : f32 to vector<16xf32>
      %neg3A_2450 = arith.subf %neg3A_2449, %rev3A_2447 : vector<16xf32>
      %broadcast_in_dim3A_2451 = arith.constant true
      %broadcast_in_dim3A_2452 = vector.broadcast %broadcast_in_dim3A_2451 : i1 to vector<16xi1>
      %masked_cummax3A_2453 = tpu.scan <max>, %neg3A_2450 masked %broadcast_in_dim3A_2452 : vector<16xf32>, vector<16xi1> -> vector<16xf32>
      %neg3A_2454 = arith.constant 0.000000e+00 : f32
      %neg3A_2455 = vector.broadcast %neg3A_2454 : f32 to vector<16xf32>
      %neg3A_2456 = arith.subf %neg3A_2455, %masked_cummax3A_2453 : vector<16xf32>
      %rev3A_2457 = arith.constant 15 : i32
      %rev3A_2458 = vector.broadcast %rev3A_2457 : i32 to vector<16xi32>
      %rev3A_2459 = tpu.iota {dimensions = array<i32: 0>} : vector<16xi32>
      %rev3A_2460 = arith.subi %rev3A_2458, %rev3A_2459 : vector<16xi32>
      %rev3A_2461 = tpu.dynamic_gather %neg3A_2456[%rev3A_2460] in [0] : vector<16xf32>, vector<16xi32> -> vector<16xf32>
      %min3A_2462 = arith.minimumf %rev3A_2461, %gather3A_2440 : vector<16xf32>
      %swap3A_2463 = arith.constant 16 : index
      %swap3A_2464 = tpu.vector_load %arg14[%swap3A_2463] {strides = array<i32>} : memref<272xf32, #tpu.memory_space<vmem>>, vector<16xf32>,
      tpu.vector_store %arg14[%swap3A_2463], %min3A_2462 {strides = array<i32>} : memref<272xf32, #tpu.memory_space<vmem>>, vector<16xf32>,
      %broadcast_in_dim3A_2465 = arith.constant 0 : i32
      %broadcast_in_dim3A_2466 = vector.broadcast %broadcast_in_dim3A_2465 : i32 to vector<16xi32>
      %lt3A_2467 = arith.constant 0 : i32
      %lt3A_2468 = vector.broadcast %lt3A_2467 : i32 to vector<16xi32>
      %lt3A_2469 = arith.cmpi slt, %broadcast_in_dim3A_2466, %lt3A_2468 : vector<16xi32>
      %add3A_2470 = arith.constant 16 : i32
      %add3A_2471 = vector.broadcast %add3A_2470 : i32 to vector<16xi32>
      %add3A_2472 = arith.addi %broadcast_in_dim3A_2466, %add3A_2471 : vector<16xi32>
      %select_n3A_2473 = arith.select %lt3A_2469, %add3A_2472, %broadcast_in_dim3A_2466 : vector<16xi1>, vector<16xi32>
      %reshape3A_2474 = vector.shape_cast %select_n3A_2473 : vector<16xi32> to vector<16x1xi32>
      %gather3A_2475 = vector.shape_cast %reshape3A_2474 : vector<16x1xi32> to vector<16xi32>
      %gather3A_2476 = tpu.dynamic_gather %min3A_2462[%gather3A_2475] in [0] : vector<16xf32>, vector<16xi32> -> vector<16xf32>
      %get3A_2477 = arith.constant 0 : index
      %get3A_2478 = tpu.vector_load %arg12[%get3A_2477] {strides = array<i32>} : memref<272xf32, #tpu.memory_space<vmem>>, vector<16xf32>,
      %rev3A_2479 = arith.constant 15 : i32
      %rev3A_2480 = vector.broadcast %rev3A_2479 : i32 to vector<16xi32>
      %rev3A_2481 = tpu.iota {dimensions = array<i32: 0>} : vector<16xi32>
      %rev3A_2482 = arith.subi %rev3A_2480, %rev3A_2481 : vector<16xi32>
      %rev3A_2483 = tpu.dynamic_gather %get3A_2478[%rev3A_2482] in [0] : vector<16xf32>, vector<16xi32> -> vector<16xf32>
      %neg3A_2484 = arith.constant 0.000000e+00 : f32
      %neg3A_2485 = vector.broadcast %neg3A_2484 : f32 to vector<16xf32>
      %neg3A_2486 = arith.subf %neg3A_2485, %rev3A_2483 : vector<16xf32>
      %broadcast_in_dim3A_2487 = arith.constant true
      %broadcast_in_dim3A_2488 = vector.broadcast %broadcast_in_dim3A_2487 : i1 to vector<16xi1>
      %masked_cummax3A_2489 = tpu.scan <max>, %neg3A_2486 masked %broadcast_in_dim3A_2488 : vector<16xf32>, vector<16xi1> -> vector<16xf32>
      %neg3A_2490 = arith.constant 0.000000e+00 : f32
      %neg3A_2491 = vector.broadcast %neg3A_2490 : f32 to vector<16xf32>
      %neg3A_2492 = arith.subf %neg3A_2491, %masked_cummax3A_2489 : vector<16xf32>
      %rev3A_2493 = arith.constant 15 : i32
      %rev3A_2494 = vector.broadcast %rev3A_2493 : i32 to vector<16xi32>
      %rev3A_2495 = tpu.iota {dimensions = array<i32: 0>} : vector<16xi32>
      %rev3A_2496 = arith.subi %rev3A_2494, %rev3A_2495 : vector<16xi32>
      %rev3A_2497 = tpu.dynamic_gather %neg3A_2492[%rev3A_2496] in [0] : vector<16xf32>, vector<16xi32> -> vector<16xf32>
      %min3A_2498 = arith.minimumf %rev3A_2497, %gather3A_2476 : vector<16xf32>
      %swap3A_2499 = arith.constant 0 : index
      %swap3A_2500 = tpu.vector_load %arg14[%swap3A_2499] {strides = array<i32>} : memref<272xf32, #tpu.memory_space<vmem>>, vector<16xf32>,
      tpu.vector_store %arg14[%swap3A_2499], %min3A_2498 {strides = array<i32>} : memref<272xf32, #tpu.memory_space<vmem>>, vector<16xf32>,
      %broadcast_in_dim3A_2501 = arith.constant 0 : i32
      %broadcast_in_dim3A_2502 = vector.broadcast %broadcast_in_dim3A_2501 : i32 to vector<16xi32>
      %lt3A_2503 = arith.constant 0 : i32
      %lt3A_2504 = vector.broadcast %lt3A_2503 : i32 to vector<16xi32>
      %lt3A_2505 = arith.cmpi slt, %broadcast_in_dim3A_2502, %lt3A_2504 : vector<16xi32>
      %add3A_2506 = arith.constant 16 : i32
      %add3A_2507 = vector.broadcast %add3A_2506 : i32 to vector<16xi32>
      %add3A_2508 = arith.addi %broadcast_in_dim3A_2502, %add3A_2507 : vector<16xi32>
      %select_n3A_2509 = arith.select %lt3A_2505, %add3A_2508, %broadcast_in_dim3A_2502 : vector<16xi1>, vector<16xi32>
      %reshape3A_2510 = vector.shape_cast %select_n3A_2509 : vector<16xi32> to vector<16x1xi32>
      %gather3A_2511 = vector.shape_cast %reshape3A_2510 : vector<16x1xi32> to vector<16xi32>
      %gather3A_2512 = tpu.dynamic_gather %min3A_2498[%gather3A_2511] in [0] : vector<16xf32>, vector<16xi32> -> vector<16xf32>
      %broadcast_in_dim3A_2513 = arith.constant 0.000000e+00 : f32
      %broadcast_in_dim3A_2514 = vector.broadcast %broadcast_in_dim3A_2513 : f32 to vector<16xf32>
      %get3A_2515 = arith.constant 0 : index
      %get3A_2516 = tpu.vector_load %arg7[%get3A_2515] {strides = array<i32>} : memref<400xf32, #tpu.memory_space<vmem>>, vector<16xf32>,
      %get3A_2517 = arith.constant 0 : index
      %get3A_2518 = tpu.vector_load %arg13[%get3A_2517] {strides = array<i32>} : memref<272xf32, #tpu.memory_space<vmem>>, vector<16xf32>,
      %add3A_2519 = arith.constant 1 : i32
      %add3A_2520 = vector.broadcast %add3A_2519 : i32 to vector<16xi32>
      %add3A_2521 = arith.addi %iota3A, %add3A_2520 : vector<16xi32>
      %gather3A_2522 = tpu.vector_load_idx %arg14[%add3A_2521] : memref<272xf32, #tpu.memory_space<vmem>>[vector<16xi32>], vector<16xf32>,
      %sub3A_2523 = arith.subf %get3A_2516, %get3A_2518 : vector<16xf32>
      %sub3A_2524 = arith.subf %gather3A_2522, %get3A_2516 : vector<16xf32>
      %mul3A_2525 = arith.mulf %sub3A_2523, %sub3A_2523 : vector<16xf32>
      %mul3A_2526 = arith.mulf %sub3A_2524, %sub3A_2524 : vector<16xf32>
      %min3A_2527 = arith.minimumf %mul3A_2525, %mul3A_2526 : vector<16xf32>
      %add3A_2528 = arith.addf %broadcast_in_dim3A_2514, %min3A_2527 : vector<16xf32>
      %get3A_2529 = arith.constant 16 : index
      %get3A_2530 = tpu.vector_load %arg7[%get3A_2529] {strides = array<i32>} : memref<400xf32, #tpu.memory_space<vmem>>, vector<16xf32>,
      %get3A_2531 = arith.constant 16 : index
      %get3A_2532 = tpu.vector_load %arg13[%get3A_2531] {strides = array<i32>} : memref<272xf32, #tpu.memory_space<vmem>>, vector<16xf32>,
      %add3A_2533 = arith.constant 17 : i32
      %add3A_2534 = vector.broadcast %add3A_2533 : i32 to vector<16xi32>
      %add3A_2535 = arith.addi %iota3A, %add3A_2534 : vector<16xi32>
      %gather3A_2536 = tpu.vector_load_idx %arg14[%add3A_2535] : memref<272xf32, #tpu.memory_space<vmem>>[vector<16xi32>], vector<16xf32>,
      %sub3A_2537 = arith.subf %get3A_2530, %get3A_2532 : vector<16xf32>
      %sub3A_2538 = arith.subf %gather3A_2536, %get3A_2530 : vector<16xf32>
      %mul3A_2539 = arith.mulf %sub3A_2537, %sub3A_2537 : vector<16xf32>
      %mul3A_2540 = arith.mulf %sub3A_2538, %sub3A_2538 : vector<16xf32>
      %min3A_2541 = arith.minimumf %mul3A_2539, %mul3A_2540 : vector<16xf32>
      %add3A_2542 = arith.addf %add3A_2528, %min3A_2541 : vector<16xf32>
      %get3A_2543 = arith.constant 32 : index
      %get3A_2544 = tpu.vector_load %arg7[%get3A_2543] {strides = array<i32>} : memref<400xf32, #tpu.memory_space<vmem>>, vector<16xf32>,
      %get3A_2545 = arith.constant 32 : index
      %get3A_2546 = tpu.vector_load %arg13[%get3A_2545] {strides = array<i32>} : memref<272xf32, #tpu.memory_space<vmem>>, vector<16xf32>,
      %add3A_2547 = arith.constant 33 : i32
      %add3A_2548 = vector.broadcast %add3A_2547 : i32 to vector<16xi32>
      %add3A_2549 = arith.addi %iota3A, %add3A_2548 : vector<16xi32>
      %gather3A_2550 = tpu.vector_load_idx %arg14[%add3A_2549] : memref<272xf32, #tpu.memory_space<vmem>>[vector<16xi32>], vector<16xf32>,
      %sub3A_2551 = arith.subf %get3A_2544, %get3A_2546 : vector<16xf32>
      %sub3A_2552 = arith.subf %gather3A_2550, %get3A_2544 : vector<16xf32>
      %mul3A_2553 = arith.mulf %sub3A_2551, %sub3A_2551 : vector<16xf32>
      %mul3A_2554 = arith.mulf %sub3A_2552, %sub3A_2552 : vector<16xf32>
      %min3A_2555 = arith.minimumf %mul3A_2553, %mul3A_2554 : vector<16xf32>
      %add3A_2556 = arith.addf %add3A_2542, %min3A_2555 : vector<16xf32>
      %get3A_2557 = arith.constant 48 : index
      %get3A_2558 = tpu.vector_load %arg7[%get3A_2557] {strides = array<i32>} : memref<400xf32, #tpu.memory_space<vmem>>, vector<16xf32>,
      %get3A_2559 = arith.constant 48 : index
      %get3A_2560 = tpu.vector_load %arg13[%get3A_2559] {strides = array<i32>} : memref<272xf32, #tpu.memory_space<vmem>>, vector<16xf32>,
      %add3A_2561 = arith.constant 49 : i32
      %add3A_2562 = vector.broadcast %add3A_2561 : i32 to vector<16xi32>
      %add3A_2563 = arith.addi %iota3A, %add3A_2562 : vector<16xi32>
      %gather3A_2564 = tpu.vector_load_idx %arg14[%add3A_2563] : memref<272xf32, #tpu.memory_space<vmem>>[vector<16xi32>], vector<16xf32>,
      %sub3A_2565 = arith.subf %get3A_2558, %get3A_2560 : vector<16xf32>
      %sub3A_2566 = arith.subf %gather3A_2564, %get3A_2558 : vector<16xf32>
      %mul3A_2567 = arith.mulf %sub3A_2565, %sub3A_2565 : vector<16xf32>
      %mul3A_2568 = arith.mulf %sub3A_2566, %sub3A_2566 : vector<16xf32>
      %min3A_2569 = arith.minimumf %mul3A_2567, %mul3A_2568 : vector<16xf32>
      %add3A_2570 = arith.addf %add3A_2556, %min3A_2569 : vector<16xf32>
      %get3A_2571 = arith.constant 64 : index
      %get3A_2572 = tpu.vector_load %arg7[%get3A_2571] {strides = array<i32>} : memref<400xf32, #tpu.memory_space<vmem>>, vector<16xf32>,
      %get3A_2573 = arith.constant 64 : index
      %get3A_2574 = tpu.vector_load %arg13[%get3A_2573] {strides = array<i32>} : memref<272xf32, #tpu.memory_space<vmem>>, vector<16xf32>,
      %add3A_2575 = arith.constant 65 : i32
      %add3A_2576 = vector.broadcast %add3A_2575 : i32 to vector<16xi32>
      %add3A_2577 = arith.addi %iota3A, %add3A_2576 : vector<16xi32>
      %gather3A_2578 = tpu.vector_load_idx %arg14[%add3A_2577] : memref<272xf32, #tpu.memory_space<vmem>>[vector<16xi32>], vector<16xf32>,
      %sub3A_2579 = arith.subf %get3A_2572, %get3A_2574 : vector<16xf32>
      %sub3A_2580 = arith.subf %gather3A_2578, %get3A_2572 : vector<16xf32>
      %mul3A_2581 = arith.mulf %sub3A_2579, %sub3A_2579 : vector<16xf32>
      %mul3A_2582 = arith.mulf %sub3A_2580, %sub3A_2580 : vector<16xf32>
      %min3A_2583 = arith.minimumf %mul3A_2581, %mul3A_2582 : vector<16xf32>
      %add3A_2584 = arith.addf %add3A_2570, %min3A_2583 : vector<16xf32>
      %get3A_2585 = arith.constant 80 : index
      %get3A_2586 = tpu.vector_load %arg7[%get3A_2585] {strides = array<i32>} : memref<400xf32, #tpu.memory_space<vmem>>, vector<16xf32>,
      %get3A_2587 = arith.constant 80 : index
      %get3A_2588 = tpu.vector_load %arg13[%get3A_2587] {strides = array<i32>} : memref<272xf32, #tpu.memory_space<vmem>>, vector<16xf32>,
      %add3A_2589 = arith.constant 81 : i32
      %add3A_2590 = vector.broadcast %add3A_2589 : i32 to vector<16xi32>
      %add3A_2591 = arith.addi %iota3A, %add3A_2590 : vector<16xi32>
      %gather3A_2592 = tpu.vector_load_idx %arg14[%add3A_2591] : memref<272xf32, #tpu.memory_space<vmem>>[vector<16xi32>], vector<16xf32>,
      %sub3A_2593 = arith.subf %get3A_2586, %get3A_2588 : vector<16xf32>
      %sub3A_2594 = arith.subf %gather3A_2592, %get3A_2586 : vector<16xf32>
      %mul3A_2595 = arith.mulf %sub3A_2593, %sub3A_2593 : vector<16xf32>
      %mul3A_2596 = arith.mulf %sub3A_2594, %sub3A_2594 : vector<16xf32>
      %min3A_2597 = arith.minimumf %mul3A_2595, %mul3A_2596 : vector<16xf32>
      %add3A_2598 = arith.addf %add3A_2584, %min3A_2597 : vector<16xf32>
      %get3A_2599 = arith.constant 96 : index
      %get3A_2600 = tpu.vector_load %arg7[%get3A_2599] {strides = array<i32>} : memref<400xf32, #tpu.memory_space<vmem>>, vector<16xf32>,
      %get3A_2601 = arith.constant 96 : index
      %get3A_2602 = tpu.vector_load %arg13[%get3A_2601] {strides = array<i32>} : memref<272xf32, #tpu.memory_space<vmem>>, vector<16xf32>,
      %add3A_2603 = arith.constant 97 : i32
      %add3A_2604 = vector.broadcast %add3A_2603 : i32 to vector<16xi32>
      %add3A_2605 = arith.addi %iota3A, %add3A_2604 : vector<16xi32>
      %gather3A_2606 = tpu.vector_load_idx %arg14[%add3A_2605] : memref<272xf32, #tpu.memory_space<vmem>>[vector<16xi32>], vector<16xf32>,
      %sub3A_2607 = arith.subf %get3A_2600, %get3A_2602 : vector<16xf32>
      %sub3A_2608 = arith.subf %gather3A_2606, %get3A_2600 : vector<16xf32>
      %mul3A_2609 = arith.mulf %sub3A_2607, %sub3A_2607 : vector<16xf32>
      %mul3A_2610 = arith.mulf %sub3A_2608, %sub3A_2608 : vector<16xf32>
      %min3A_2611 = arith.minimumf %mul3A_2609, %mul3A_2610 : vector<16xf32>
      %add3A_2612 = arith.addf %add3A_2598, %min3A_2611 : vector<16xf32>
      %get3A_2613 = arith.constant 112 : index
      %get3A_2614 = tpu.vector_load %arg7[%get3A_2613] {strides = array<i32>} : memref<400xf32, #tpu.memory_space<vmem>>, vector<16xf32>,
      %get3A_2615 = arith.constant 112 : index
      %get3A_2616 = tpu.vector_load %arg13[%get3A_2615] {strides = array<i32>} : memref<272xf32, #tpu.memory_space<vmem>>, vector<16xf32>,
      %add3A_2617 = arith.constant 113 : i32
      %add3A_2618 = vector.broadcast %add3A_2617 : i32 to vector<16xi32>
      %add3A_2619 = arith.addi %iota3A, %add3A_2618 : vector<16xi32>
      %gather3A_2620 = tpu.vector_load_idx %arg14[%add3A_2619] : memref<272xf32, #tpu.memory_space<vmem>>[vector<16xi32>], vector<16xf32>,
      %sub3A_2621 = arith.subf %get3A_2614, %get3A_2616 : vector<16xf32>
      %sub3A_2622 = arith.subf %gather3A_2620, %get3A_2614 : vector<16xf32>
      %mul3A_2623 = arith.mulf %sub3A_2621, %sub3A_2621 : vector<16xf32>
      %mul3A_2624 = arith.mulf %sub3A_2622, %sub3A_2622 : vector<16xf32>
      %min3A_2625 = arith.minimumf %mul3A_2623, %mul3A_2624 : vector<16xf32>
      %add3A_2626 = arith.addf %add3A_2612, %min3A_2625 : vector<16xf32>
      %get3A_2627 = arith.constant 128 : index
      %get3A_2628 = tpu.vector_load %arg7[%get3A_2627] {strides = array<i32>} : memref<400xf32, #tpu.memory_space<vmem>>, vector<16xf32>,
      %get3A_2629 = arith.constant 128 : index
      %get3A_2630 = tpu.vector_load %arg13[%get3A_2629] {strides = array<i32>} : memref<272xf32, #tpu.memory_space<vmem>>, vector<16xf32>,
      %add3A_2631 = arith.constant 129 : i32
      %add3A_2632 = vector.broadcast %add3A_2631 : i32 to vector<16xi32>
      %add3A_2633 = arith.addi %iota3A, %add3A_2632 : vector<16xi32>
      %gather3A_2634 = tpu.vector_load_idx %arg14[%add3A_2633] : memref<272xf32, #tpu.memory_space<vmem>>[vector<16xi32>], vector<16xf32>,
      %sub3A_2635 = arith.subf %get3A_2628, %get3A_2630 : vector<16xf32>
      %sub3A_2636 = arith.subf %gather3A_2634, %get3A_2628 : vector<16xf32>
      %mul3A_2637 = arith.mulf %sub3A_2635, %sub3A_2635 : vector<16xf32>
      %mul3A_2638 = arith.mulf %sub3A_2636, %sub3A_2636 : vector<16xf32>
      %min3A_2639 = arith.minimumf %mul3A_2637, %mul3A_2638 : vector<16xf32>
      %add3A_2640 = arith.addf %add3A_2626, %min3A_2639 : vector<16xf32>
      %get3A_2641 = arith.constant 144 : index
      %get3A_2642 = tpu.vector_load %arg7[%get3A_2641] {strides = array<i32>} : memref<400xf32, #tpu.memory_space<vmem>>, vector<16xf32>,
      %get3A_2643 = arith.constant 144 : index
      %get3A_2644 = tpu.vector_load %arg13[%get3A_2643] {strides = array<i32>} : memref<272xf32, #tpu.memory_space<vmem>>, vector<16xf32>,
      %add3A_2645 = arith.constant 145 : i32
      %add3A_2646 = vector.broadcast %add3A_2645 : i32 to vector<16xi32>
      %add3A_2647 = arith.addi %iota3A, %add3A_2646 : vector<16xi32>
      %gather3A_2648 = tpu.vector_load_idx %arg14[%add3A_2647] : memref<272xf32, #tpu.memory_space<vmem>>[vector<16xi32>], vector<16xf32>,
      %sub3A_2649 = arith.subf %get3A_2642, %get3A_2644 : vector<16xf32>
      %sub3A_2650 = arith.subf %gather3A_2648, %get3A_2642 : vector<16xf32>
      %mul3A_2651 = arith.mulf %sub3A_2649, %sub3A_2649 : vector<16xf32>
      %mul3A_2652 = arith.mulf %sub3A_2650, %sub3A_2650 : vector<16xf32>
      %min3A_2653 = arith.minimumf %mul3A_2651, %mul3A_2652 : vector<16xf32>
      %add3A_2654 = arith.addf %add3A_2640, %min3A_2653 : vector<16xf32>
      %get3A_2655 = arith.constant 160 : index
      %get3A_2656 = tpu.vector_load %arg7[%get3A_2655] {strides = array<i32>} : memref<400xf32, #tpu.memory_space<vmem>>, vector<16xf32>,
      %get3A_2657 = arith.constant 160 : index
      %get3A_2658 = tpu.vector_load %arg13[%get3A_2657] {strides = array<i32>} : memref<272xf32, #tpu.memory_space<vmem>>, vector<16xf32>,
      %add3A_2659 = arith.constant 161 : i32
      %add3A_2660 = vector.broadcast %add3A_2659 : i32 to vector<16xi32>
      %add3A_2661 = arith.addi %iota3A, %add3A_2660 : vector<16xi32>
      %gather3A_2662 = tpu.vector_load_idx %arg14[%add3A_2661] : memref<272xf32, #tpu.memory_space<vmem>>[vector<16xi32>], vector<16xf32>,
      %sub3A_2663 = arith.subf %get3A_2656, %get3A_2658 : vector<16xf32>
      %sub3A_2664 = arith.subf %gather3A_2662, %get3A_2656 : vector<16xf32>
      %mul3A_2665 = arith.mulf %sub3A_2663, %sub3A_2663 : vector<16xf32>
      %mul3A_2666 = arith.mulf %sub3A_2664, %sub3A_2664 : vector<16xf32>
      %min3A_2667 = arith.minimumf %mul3A_2665, %mul3A_2666 : vector<16xf32>
      %add3A_2668 = arith.addf %add3A_2654, %min3A_2667 : vector<16xf32>
      %get3A_2669 = arith.constant 176 : index
      %get3A_2670 = tpu.vector_load %arg7[%get3A_2669] {strides = array<i32>} : memref<400xf32, #tpu.memory_space<vmem>>, vector<16xf32>,
      %get3A_2671 = arith.constant 176 : index
      %get3A_2672 = tpu.vector_load %arg13[%get3A_2671] {strides = array<i32>} : memref<272xf32, #tpu.memory_space<vmem>>, vector<16xf32>,
      %add3A_2673 = arith.constant 177 : i32
      %add3A_2674 = vector.broadcast %add3A_2673 : i32 to vector<16xi32>
      %add3A_2675 = arith.addi %iota3A, %add3A_2674 : vector<16xi32>
      %gather3A_2676 = tpu.vector_load_idx %arg14[%add3A_2675] : memref<272xf32, #tpu.memory_space<vmem>>[vector<16xi32>], vector<16xf32>,
      %sub3A_2677 = arith.subf %get3A_2670, %get3A_2672 : vector<16xf32>
      %sub3A_2678 = arith.subf %gather3A_2676, %get3A_2670 : vector<16xf32>
      %mul3A_2679 = arith.mulf %sub3A_2677, %sub3A_2677 : vector<16xf32>
      %mul3A_2680 = arith.mulf %sub3A_2678, %sub3A_2678 : vector<16xf32>
      %min3A_2681 = arith.minimumf %mul3A_2679, %mul3A_2680 : vector<16xf32>
      %add3A_2682 = arith.addf %add3A_2668, %min3A_2681 : vector<16xf32>
      %get3A_2683 = arith.constant 192 : index
      %get3A_2684 = tpu.vector_load %arg7[%get3A_2683] {strides = array<i32>} : memref<400xf32, #tpu.memory_space<vmem>>, vector<16xf32>,
      %get3A_2685 = arith.constant 192 : index
      %get3A_2686 = tpu.vector_load %arg13[%get3A_2685] {strides = array<i32>} : memref<272xf32, #tpu.memory_space<vmem>>, vector<16xf32>,
      %add3A_2687 = arith.constant 193 : i32
      %add3A_2688 = vector.broadcast %add3A_2687 : i32 to vector<16xi32>
      %add3A_2689 = arith.addi %iota3A, %add3A_2688 : vector<16xi32>
      %gather3A_2690 = tpu.vector_load_idx %arg14[%add3A_2689] : memref<272xf32, #tpu.memory_space<vmem>>[vector<16xi32>], vector<16xf32>,
      %sub3A_2691 = arith.subf %get3A_2684, %get3A_2686 : vector<16xf32>
      %sub3A_2692 = arith.subf %gather3A_2690, %get3A_2684 : vector<16xf32>
      %mul3A_2693 = arith.mulf %sub3A_2691, %sub3A_2691 : vector<16xf32>
      %mul3A_2694 = arith.mulf %sub3A_2692, %sub3A_2692 : vector<16xf32>
      %min3A_2695 = arith.minimumf %mul3A_2693, %mul3A_2694 : vector<16xf32>
      %add3A_2696 = arith.addf %add3A_2682, %min3A_2695 : vector<16xf32>
      %get3A_2697 = arith.constant 208 : index
      %get3A_2698 = tpu.vector_load %arg7[%get3A_2697] {strides = array<i32>} : memref<400xf32, #tpu.memory_space<vmem>>, vector<16xf32>,
      %get3A_2699 = arith.constant 208 : index
      %get3A_2700 = tpu.vector_load %arg13[%get3A_2699] {strides = array<i32>} : memref<272xf32, #tpu.memory_space<vmem>>, vector<16xf32>,
      %add3A_2701 = arith.constant 209 : i32
      %add3A_2702 = vector.broadcast %add3A_2701 : i32 to vector<16xi32>
      %add3A_2703 = arith.addi %iota3A, %add3A_2702 : vector<16xi32>
      %gather3A_2704 = tpu.vector_load_idx %arg14[%add3A_2703] : memref<272xf32, #tpu.memory_space<vmem>>[vector<16xi32>], vector<16xf32>,
      %sub3A_2705 = arith.subf %get3A_2698, %get3A_2700 : vector<16xf32>
      %sub3A_2706 = arith.subf %gather3A_2704, %get3A_2698 : vector<16xf32>
      %mul3A_2707 = arith.mulf %sub3A_2705, %sub3A_2705 : vector<16xf32>
      %mul3A_2708 = arith.mulf %sub3A_2706, %sub3A_2706 : vector<16xf32>
      %min3A_2709 = arith.minimumf %mul3A_2707, %mul3A_2708 : vector<16xf32>
      %add3A_2710 = arith.addf %add3A_2696, %min3A_2709 : vector<16xf32>
      %get3A_2711 = arith.constant 224 : index
      %get3A_2712 = tpu.vector_load %arg7[%get3A_2711] {strides = array<i32>} : memref<400xf32, #tpu.memory_space<vmem>>, vector<16xf32>,
      %get3A_2713 = arith.constant 224 : index
      %get3A_2714 = tpu.vector_load %arg13[%get3A_2713] {strides = array<i32>} : memref<272xf32, #tpu.memory_space<vmem>>, vector<16xf32>,
      %add3A_2715 = arith.constant 225 : i32
      %add3A_2716 = vector.broadcast %add3A_2715 : i32 to vector<16xi32>
      %add3A_2717 = arith.addi %iota3A, %add3A_2716 : vector<16xi32>
      %gather3A_2718 = tpu.vector_load_idx %arg14[%add3A_2717] : memref<272xf32, #tpu.memory_space<vmem>>[vector<16xi32>], vector<16xf32>,
      %sub3A_2719 = arith.subf %get3A_2712, %get3A_2714 : vector<16xf32>
      %sub3A_2720 = arith.subf %gather3A_2718, %get3A_2712 : vector<16xf32>
      %mul3A_2721 = arith.mulf %sub3A_2719, %sub3A_2719 : vector<16xf32>
      %mul3A_2722 = arith.mulf %sub3A_2720, %sub3A_2720 : vector<16xf32>
      %min3A_2723 = arith.minimumf %mul3A_2721, %mul3A_2722 : vector<16xf32>
      %add3A_2724 = arith.addf %add3A_2710, %min3A_2723 : vector<16xf32>
      %get3A_2725 = arith.constant 240 : index
      %get3A_2726 = tpu.vector_load %arg7[%get3A_2725] {strides = array<i32>} : memref<400xf32, #tpu.memory_space<vmem>>, vector<16xf32>,
      %get3A_2727 = arith.constant 240 : index
      %get3A_2728 = tpu.vector_load %arg13[%get3A_2727] {strides = array<i32>} : memref<272xf32, #tpu.memory_space<vmem>>, vector<16xf32>,
      %add3A_2729 = arith.constant 241 : i32
      %add3A_2730 = vector.broadcast %add3A_2729 : i32 to vector<16xi32>
      %add3A_2731 = arith.addi %iota3A, %add3A_2730 : vector<16xi32>
      %gather3A_2732 = tpu.vector_load_idx %arg14[%add3A_2731] : memref<272xf32, #tpu.memory_space<vmem>>[vector<16xi32>], vector<16xf32>,
      %sub3A_2733 = arith.subf %get3A_2726, %get3A_2728 : vector<16xf32>
      %sub3A_2734 = arith.subf %gather3A_2732, %get3A_2726 : vector<16xf32>
      %mul3A_2735 = arith.mulf %sub3A_2733, %sub3A_2733 : vector<16xf32>
      %mul3A_2736 = arith.mulf %sub3A_2734, %sub3A_2734 : vector<16xf32>
      %min3A_2737 = arith.minimumf %mul3A_2735, %mul3A_2736 : vector<16xf32>
      %add3A_2738 = arith.addf %add3A_2724, %min3A_2737 : vector<16xf32>
      %reduce_sum3A = arith.constant true
      %reduce_sum3A_2739 = vector.broadcast %reduce_sum3A : i1 to vector<16xi1>
      %reduce_sum3A_2740 = tpu.scan <sum>, %add3A_2738 masked %reduce_sum3A_2739 : vector<16xf32>, vector<16xi1> -> vector<16xf32>
      %reduce_sum3A_2741 = vector.extract %reduce_sum3A_2740[15] : f32 from vector<16xf32>
      %mul3A_2742 = arith.constant 3.906250e-03 : f32
      %mul3A_2743 = arith.mulf %reduce_sum3A_2741, %mul3A_2742 : f32
      %reduce_sum3A_2744 = arith.constant true
      %reduce_sum3A_2745 = vector.broadcast %reduce_sum3A_2744 : i1 to vector<16xi1>
      %reduce_sum3A_2746 = tpu.scan <sum>, %add3A_1559 masked %reduce_sum3A_2745 : vector<16xf32>, vector<16xi1> -> vector<16xf32>
      %reduce_sum3A_2747 = vector.extract %reduce_sum3A_2746[15] : f32 from vector<16xf32>
      %mul3A_2748 = arith.constant 7.97193861E-5 : f32
      %mul3A_2749 = arith.mulf %reduce_sum3A_2747, %mul3A_2748 : f32
      %add3A_2750 = arith.addf %mul3A_2743, %mul3A_2749 : f32
      %broadcast_in_dim3A_2751 = arith.constant 1.000000e+00 : f32
      %broadcast_in_dim3A_2752 = vector.broadcast %broadcast_in_dim3A_2751 : f32 to vector<16xf32>
      %mul3A_2753 = vector.broadcast %add3A_2750 : f32 to vector<16xf32>
      %mul3A_2754 = arith.mulf %broadcast_in_dim3A_2752, %mul3A_2753 : vector<16xf32>
      %swap3A_2755 = arith.constant 0 : index
      %swap3A_2756 = tpu.vector_load %arg18[%swap3A_2755] {strides = array<i32>} : memref<16xf32, #tpu.memory_space<vmem>>, vector<16xf32>,
      tpu.vector_store %arg18[%swap3A_2755], %mul3A_2754 {strides = array<i32>} : memref<16xf32, #tpu.memory_space<vmem>>, vector<16xf32>,
      %mul3A_2757 = arith.constant 16 : i32
      %mul3A_2758 = arith.muli %add3A, %mul3A_2757 : i32
      "tpu.region"() ({
        %run_scoped3A = tpu.sem_alloc : memref<!tpu.dma_semaphore, #tpu.memory_space<semaphore_mem>>
        %dma_start3A_2759 = tpu.memref_slice %arg4[%mul3A_2758] : memref<128xf32, #tpu.memory_space<hbm>> -> memref<16xf32, #tpu.memory_space<hbm>>
        %dma_start3A_2760 = tpu.memref_slice %arg4[%mul3A_2758] : memref<128xf32, #tpu.memory_space<hbm>> -> memref<16xf32, #tpu.memory_space<hbm>>
        tpu.enqueue_dma source(%arg18 : memref<16xf32, #tpu.memory_space<vmem>>) target(%dma_start3A_2760 : memref<16xf32, #tpu.memory_space<hbm>>) target_semaphore(%run_scoped3A : memref<!tpu.dma_semaphore, #tpu.memory_space<semaphore_mem>>)
        %dma_wait3A_2761 = tpu.memref_slice %arg4[%mul3A_2758] : memref<128xf32, #tpu.memory_space<hbm>> -> memref<16xf32, #tpu.memory_space<hbm>>
        %dma_wait3A_2762 = tpu.memref_slice %arg4[%mul3A_2758] : memref<128xf32, #tpu.memory_space<hbm>> -> memref<16xf32, #tpu.memory_space<hbm>>
        tpu.wait_dma2 semaphore(%run_scoped3A : memref<!tpu.dma_semaphore, #tpu.memory_space<semaphore_mem>>) src(%arg18 : memref<16xf32, #tpu.memory_space<vmem>>) dst(%dma_wait3A_2762 : memref<16xf32, #tpu.memory_space<hbm>>)
        tpu.yield
      }) : () -> ()
    } else {
    }
    return
  }
}

</mosaic_0001>

<sc_bundles>
// kernel: kernel.3.cloned.1.call-start
scs
__scs_entry_jumppad:
0x0: {  	(pc) =	sbr.rel $0x88, $3  }
0x1: {  	(tag) =	ssettag $0x0;
	lr =	simm.s32 $0x1  }
0x2: {  	[smem:$0x3F9F] =	sst lr;
	_ =	strace $0xD0000000  }
0x3: {  	_ = 	snop  }
0x4: {  	_ = 	snop  }
0x5: {  	_ = 	snop  }
0x6: {  	_ = 	snop  }
0x7: {  	_ = 	snop  }
__scs_overlays_trampoline_lowered:
0x8: {  	[smem:$0x3FAE] =	sst s0  }
0x9: {  	[smem:$0x3FAF] =	sst s1  }
0xa: {  	[smem:$0x3FB0] =	sst s2  }
0xb: {  	[smem:$0x3FB1] =	sst s3  }
0xc: {  	[smem:$0x3FB2] =	sst s4  }
0xd: {  	[smem:$0x3FB3] =	sst s5  }
0xe: {  	[smem:$0x3FB4] =	sst s6  }
0xf: {  	[smem:$0x3FB5] =	sst s7  }
0x10: {  	[smem:$0x3FB6] =	sst s8  }
0x11: {  	[smem:$0x3FB7] =	sst s9;
	s0 =	simm.s32 @!p0 $0x0  }
0x12: {  	s1 =	sld [smem:$0x3F9D];
	s0 =	simm.s32 @p0 $0x1  }
0x13: {  	[smem:$0x3FB8] =	sst s0;
	s0 =	simm.s32 @!p1 $0x0  }
0x14: {  	s2 =	sld [smem:$0x3F9C];
	s0 =	simm.s32 @p1 $0x1  }
0x15: {  	[smem:$0x3FB9] =	sst s0;
	s0 =	simm.s32 @!p2 $0x0  }
0x16: {  	s3 =	sld [smem:$0x3FDB];
	s0 =	simm.s32 @p2 $0x1  }
0x17: {  	s4 =	simm.s32 $0x1BF5;
	[smem:$0x3FBB] =	sst s0  }
0x18: {  	s0 =	sld [smem:$0x3F9E];
	_ =	swait.ge [sflag:s4], $0x0  }
0x19: {  	s7 =	sld [smem:$0x3F9F]  }
0x1a: {  	s8 =	sadd.s32 $0xFFFFE003, lr  }
0x1b: {  	s9 =	sadd.s32 $0xFFFFFEF7, lr;
	s5 =	simm.s32 $0xFFFFFFFF;
	p2 =	slt.u32 s8, $0xFFFFF086  }
0x1c: {  	p1 =	slt.u32 s9, $0xF7A;
	s5 =	simm.s32 @!p2 $0x0  }
0x1d: {  	s5 =	simm.s32 @p1 $0x1;
	p0 =	seq.s32 s7, s2  }
0x1e: {  	s7 =	smul.u32 @!p0 $0xF7A, s2;
	p2 =	seq.s32 @!p0 s5, $0x0  }
0x1f: {  	s9 =	smul.u32 $0xF7A, s1;
	s8 =	simm.s32 @!p0 $0x1BF5;
	p2 =	por !p2, p0  }
0x20: {  	[sflag:s8] =	ssyncset.s32 @!p0 $0xFFFFF086;
	s6 =	sadd.s32 @!p0 s3, s7;
	s7 =	simm.s32 @!p0 $0x108  }
0x21: {  	s3 =	sadd.s32 s3, s9;
	s6 =	sadd.s32 @!p0 $0x88, s6;
	s7 =	simm.s32 @p2 $0x1082  }
0x22: {  	[simem:s7], [sflag:s8] =	dma.local @!p0 [hbm:s6], $0xF7A  }
0x23: {  	s9 =	sor.u32 $0xD0000000, s2;
	s6 =	simm.s32 $0x108;
	_ =	swait.ge @!p0 [sflag:s8], $0x0  }
0x24: {  	s3 =	sadd.s32 $0x88, s3;
	s6 =	simm.s32 @!p1 $0x1082;
	[sflag:s4] =	ssyncset.s32 $0xFFFFF086  }
0x25: {  	[simem:s6], [sflag:s4] =	dma.local [hbm:s3], $0xF7A  }
0x26: {  	[smem:$0x3F9F] =	sst s1;
	(tag) =	ssettag s2;
	_ =	strace s9  }
0x27: {  	s1 =	sld [smem:$0x3FAF]  }
0x28: {  	s2 =	sld [smem:$0x3FB0]  }
0x29: {  	s4 =	sld [smem:$0x3FB2]  }
0x2a: {  	p0 =	seq.s32 s5, $0x0;
	s5 =	sld [smem:$0x3FB3]  }
0x2b: {  	s6 =	sld [smem:$0x3FB4]  }
0x2c: {  	s7 =	sld [smem:$0x3FB5]  }
0x2d: {  	s3 =	simm.s32 $0x108;
	s8 =	sld [smem:$0x3FB6]  }
0x2e: {  	s3 =	simm.s32 @!p0 $0x1082;
	s9 =	sld [smem:$0x3FB7]  }
0x2f: {  	lr =	sadd.s32 s0, s3;
	s0 =	sld [smem:$0x3FAE]  }
0x30: {  	s3 =	sld [smem:$0x3FB1]  }
0x31: {  	[smem:$0x3FBA] =	sst s10  }
0x32: {  	s10 =	sld [smem:$0x3FB8];
	_ =	sdelay $0x3  }
0x33: {  	p0 =	seq.s32 s10, $0x1;
	s10 =	sld [smem:$0x3FBA];
	_ =	sdelay $0x3  }
0x34: {  	[smem:$0x3FBA] =	sst s10  }
0x35: {  	s10 =	sld [smem:$0x3FB9];
	_ =	sdelay $0x3  }
0x36: {  	p1 =	seq.s32 s10, $0x1;
	s10 =	sld [smem:$0x3FBA];
	_ =	sdelay $0x3  }
0x37: {  	[smem:$0x3FBA] =	sst s10  }
0x38: {  	s10 =	sld [smem:$0x3FBB]  }
0x39: {  	_ = 	snop;
	(pc) =	sbr.ind lr, $3  }
0x3a: {  	_ = 	snop  }
0x3b: {  	_ = 	snop  }
0x3c: {  	p2 =	seq.s32 s10, $0x1;
	s10 =	sld [smem:$0x3FBA]  }
0x3d: {  	_ =	shalt  }
0x3e: {  	_ =	shalt  }
0x3f: {  	_ =	shalt  }
0x40: {  	_ =	shalt  }
0x41: {  	_ =	shalt  }
0x42: {  	_ =	shalt  }
0x43: {  	_ =	shalt  }
0x44: {  	_ =	shalt  }
0x45: {  	_ =	shalt  }
0x46: {  	_ =	shalt  }
0x47: {  	_ =	shalt  }
0x48: {  	_ =	shalt  }
0x49: {  	_ =	shalt  }
0x4a: {  	_ =	shalt  }
0x4b: {  	_ =	shalt  }
0x4c: {  	_ =	shalt  }
0x4d: {  	_ =	shalt  }
0x4e: {  	_ =	shalt  }
0x4f: {  	_ =	shalt  }
0x50: {  	_ =	shalt  }
0x51: {  	_ =	shalt  }
0x52: {  	_ =	shalt  }
0x53: {  	_ =	shalt  }
0x54: {  	_ =	shalt  }
0x55: {  	_ =	shalt  }
0x56: {  	_ =	shalt  }
0x57: {  	_ =	shalt  }
0x58: {  	_ =	shalt  }
0x59: {  	_ =	shalt  }
0x5a: {  	_ =	shalt  }
0x5b: {  	_ =	shalt  }
0x5c: {  	_ =	shalt  }
0x5d: {  	_ =	shalt  }
0x5e: {  	_ =	shalt  }
0x5f: {  	_ =	shalt  }
0x60: {  	_ =	shalt  }
0x61: {  	_ =	shalt  }
0x62: {  	_ =	shalt  }
0x63: {  	_ =	shalt  }
0x64: {  	_ =	shalt  }
0x65: {  	_ =	shalt  }
0x66: {  	_ =	shalt  }
0x67: {  	_ =	shalt  }
0x68: {  	_ =	shalt  }
0x69: {  	_ =	shalt  }
0x6a: {  	_ =	shalt  }
0x6b: {  	_ =	shalt  }
0x6c: {  	_ =	shalt  }
0x6d: {  	_ =	shalt  }
0x6e: {  	_ =	shalt  }
0x6f: {  	_ =	shalt  }
0x70: {  	_ =	shalt  }
0x71: {  	_ =	shalt  }
0x72: {  	_ =	shalt  }
0x73: {  	_ =	shalt  }
0x74: {  	_ =	shalt  }
0x75: {  	_ =	shalt  }
0x76: {  	_ =	shalt  }
0x77: {  	_ =	shalt  }
0x78: {  	_ =	shalt  }
0x79: {  	_ =	shalt  }
0x7a: {  	_ =	shalt  }
0x7b: {  	_ =	shalt  }
0x7c: {  	_ =	shalt  }
0x7d: {  	_ =	shalt  }
0x7e: {  	_ =	shalt  }
0x7f: {  	_ =	shalt  }
0x80: {  	_ =	shalt  }
0x81: {  	_ =	shalt  }
0x82: {  	_ =	shalt  }
0x83: {  	_ =	shalt  }
0x84: {  	_ =	shalt  }
0x85: {  	_ =	shalt  }
0x86: {  	_ =	shalt  }
0x87: {  	_ =	shalt  }
.Lfunc_end0:
.L_simem_size_0:
called_computation_lowered:
.L_overlay_start_0:
0x88: {  	s2 =	sld [smem:$0x3FD9]  }
0x89: {  	s3 =	sld [smem:$0x3FFE];
	_ =	sdelay $0x1  }
0x8a: {  	s1 =	srdreg.scid  }
0x8b: {  	s0 =	sand.u32 $0x1, s1  }
0x8c: {  	s17 =	sshll.u32 s0, $0xA;
	s2 =	sadd.s32 s3, s2  }
0x8d: {  	s2 =	sadd.s32 s2, s17  }
0x8e: {  	[smem:$0x3FC6] =	sst s2  }
0x8f: {  	_ = 	snop  }
0x90: {  	s2 =	sld [smem:$0x3FD0];
	(tm) =	ssettm $0x1  }
0x91: {  	s18 =	sld [smem:$0x3FFB];
	_ =	sdelay $0x3  }
0x92: {  	_ =	strace s18  }
0x93: {  	s3 =	sld [smem:$0x3FFC];
	_ =	sdelay $0x3  }
0x94: {  	_ =	strace s3  }
0x95: {  	s3 =	sld [smem:$0x3FFD];
	_ =	sdelay $0x3  }
0x96: {  	_ =	strace s3  }
0x97: {  	_ =	strace $0x8FFFFFFF  }
0x98: {  	s19 =	sld [smem:$0x3FDB];
	_ =	sdelay $0x1  }
0x99: {  	s4 =	simm.s32 $_scs_section_size  }
0x9a: {  	s5 =	simm.s32 $_size__tile_overlayer_lowered;
	s6 =	simm.s32 $_tile_overlayer_lowered  }
0x9b: {  	s22 =	simm.s32 $0x1BFF;
	s21 =	sshll.u32 s6, $0x1;
	s3 =	sadd.s32 s4, s19  }
0x9c: {  	s7 =	simm.s32 $0x0;
	s20 =	sshll.u32 s5, $0x1;
	s5 =	sadd.s32 s21, s3  }
0x9d: {  	[timem:s7], [sflag:s22] =	dma.local [hbm:s5], s20  }
0x9e: {  	_ =	swait.ge [sflag:s22], s20  }
0x9f: {  	s4 =	ssub.s32 $0x0, s20;
	[sflag:s22] =	ssyncset.done $0x0  }
0xa0: {  	[sflag:s22] =	ssyncadd.s32 s4;
	_ =	sdelay $0x1  }
0xa1: {  	s23 =	simm.s32 $0x1B8B  }
0xa2: {  	_ =	swait.ge [sflag:s23], $0x1  }
0xa3: {  	[sflag:s23] =	ssyncset.done $0x0  }
0xa4: {  	s25 =	simm.s32 $0x1B8E;
	s24 =	sld [smem:$0x3FFE];
	[sflag:s23] =	ssyncadd.s32 $0xFFFFFFFF  }
0xa5: {  	s26 =	simm.s32 $execute0_lowered;
	[smem:$0x3FD2] =	sst s25  }
0xa6: {  	s5 =	sshll.u32 s26, $0x1;
	_ =	strace $0x80000046;
	[dreg:$0x1] =	wrdreg $0xFFFFFFFF  }
0xa7: {  	s28 =	simm.s32 $_size_execute0_lowered;
	s3 =	sadd.s32 s3, s5;
	[dreg:$0x0] =	wrdreg $0x0  }
0xa8: {  	s5 =	sshll.u32 s28, $0x1;
	[dreg:$0x2] =	wrdreg s3  }
0xa9: {  	[dreg:$0x3] =	wrdreg s5  }
0xaa: {  	[dreg:$0x4] =	wrdreg $0xC0  }
0xab: {  	_ =	task [dreg:s7], $0x5FFFF  }
0xac: {  	[dreg:$0x1] =	wrdreg $0xFFFFFFFF  }
0xad: {  	[dreg:$0x0] =	wrdreg $0x60  }
0xae: {  	[dreg:$0x2] =	wrdreg s24  }
0xaf: {  	[dreg:$0x3] =	wrdreg s2  }
0xb0: {  	[dreg:$0x4] =	wrdreg $0x43800  }
0xb1: {  	[dreg:$0x5] =	wrdreg $0x44900  }
0xb2: {  	[dreg:$0x6] =	wrdreg $0x45A00  }
0xb3: {  	[dreg:$0x7] =	wrdreg $0x9  }
0xb4: {  	_ =	task.clear_ibuf [dreg:s7], $0x8FFFF;
	_ =	strace $0x90000046  }
0xb5: {  	s29 =	simm.s32 $0x9;
	_ =	strace $0x80000048  }
0xb6: {  	_ =	swait.ge [sflag:s29], $0x1  }
0xb7: {  	[sflag:s29] =	ssyncadd.s32 $0xFFFFFFFF  }
0xb8: {  	_ =	strace $0x90000048  }
0xb9: {  	_ =	sfence  }
0xba: {  	s30 =	sld [smem:$0x0];
	_ =	sdelay $0x2  }
0xbb: {  	s31 =	sshll.u32 s1, $0xD;
	s1 =	sshrl.u32 s1, $0x2  }
0xbc: {  	s3 =	sand.u32 $0x4000, s31;
	s1 =	sadd.s32 s1, s30  }
0xbd: {  	s0 =	sor.u32 s3, s0;
	s1 =	sshll.u32 s1, $0x11  }
0xbe: {  	s0 =	sor.u32 s1, s0  }
0xbf: {  	s0 =	sadd.s32 $0x8F2B, s0  }
0xc0: {  	[sflag:s0] =	ssyncadd.remote.s32 $0x1  }
0xc1: {  	_ =	sfence.sel $0xFFFF  }
0xc2: {  	[dreg:$0x0] =	wrdreg $0xFFFFFFFF;
	(pc) =	sbr.abs _section_cstart, $3  }
0xc3: {  	[dreg:$0x1] =	wrdreg $0xFFFFFFFF  }
0xc4: {  	_ =	task.clear_ibuf [dreg:s7], $0x2FFFF;
	_ =	strace $0x9FFFFFFF  }
0xc5: {  	(tm) =	ssettm $0x7FFFFFFF  }
tec
execute0_lowered:
.L_overlay_start_1:
0x0: {  	(tag) =	ssettag $0x1  }
0x1: {  	v34 =	vlaneseq.u32  }
0x2: {  	v0 =	vadd.s32 $0x1, v34  }
0x3: {  	v37 =	vadd.s32 $0x11, v34;
	[tilespmem:$0x1FEA0] =	vst v0  }
0x4: {  	v38 =	vadd.s32 $0x21, v34;
	[tilespmem:$0x1FEB0] =	vst v37  }
0x5: {  	v39 =	vadd.s32 $0x31, v34;
	[tilespmem:$0x1FEC0] =	vst v38  }
0x6: {  	s4 =	rddreg [dreg:$0x0];
	v40 =	vadd.s32 $0x41, v34;
	[tilespmem:$0x1FED0] =	vst v39  }
0x7: {  	s0 =	rddreg [dreg:$0x1];
	v41 =	vadd.s32 $0x51, v34;
	[tilespmem:$0x1FEE0] =	vst v40  }
0x8: {  	s1 =	srdreg.scid;
	s8 =	rddreg [dreg:$0x2];
	v42 =	vadd.s32 $0x61, v34;
	[tilespmem:$0x1FEF0] =	vst v41  }
0x9: {  	s16 =	stileid.u32;
	s9 =	rddreg [dreg:$0x3];
	v43 =	vadd.s32 $0x71, v34;
	[tilespmem:$0x1FF00] =	vst v42  }
0xa: {  	s10 =	rddreg [dreg:$0x4];
	s28 =	simm.s32 $0x3700;
	s29 =	simm.s32 $0x3;
	v44 =	vadd.s32 $0x81, v34;
	[tilespmem:$0x1FF10] =	vst v43  }
0xb: {  	s30 =	simm.s32 $0x4280;
	s31 =	simm.s32 $0x3A00;
	s3 =	sand.u32 $0x1, s1;
	v45 =	vadd.s32 $0x91, v34;
	[tilespmem:$0x1FF20] =	vst v44  }
0xc: {  	s2 =	sshrl.u32 s16, $0x2;
	v46 =	vadd.s32 $0xA1, v34;
	s19 =	smul.u32 $0x110, s16;
	s20 =	sor.u32 $0x1, s16;
	[tilespmem:$0x1FF30] =	vst v45  }
0xd: {  	v53 =	vimm.s32 $0xEDCBA987;
	v47 =	vadd.s32 $0xB1, v34;
	s21 =	sor.u32 $0x2, s16;
	s1 =	sshll.u32 s3, $0x2;
	[tilespmem:$0x1FF40] =	vst v46;
	s14 =	smul.u32 $0x110, s20  }
0xe: {  	v2 =	vimm.s32 $0x65432100;
	v48 =	vadd.s32 $0xC1, v34;
	s13 =	sshll.u32 s16, $0x4;
	[tilespmem:$0x1FF50] =	vst v47;
	s22 =	smul.u32 $0x110, s21;
	s11 =	sor.u32 s2, s1  }
0xf: {  	v3 =	vimm.s32 $0xDCBA9876;
	v4 =	vimm.s32 $0x54321000;
	v49 =	vadd.s32 $0xD1, v34;
	[tilespmem:$0x1FF60] =	vst v48;
	s3 =	ssub.s32 $0x2, s3;
	s2 =	simm.s32 $0x0;
	s5 =	smul.u32 $0x21, s11  }
0x10: {  	v5 =	vimm.s32 $0xE40000;
	v1 =	vmul.u32 $0x10, v34;
	v50 =	vadd.s32 $0xE1, v34;
	[tilespmem:$0x1FF70] =	vst v49;
	s1 =	sand.u32 $0x3, s16;
	s12 =	sshrl.u32 s3, $0x1;
	s6 =	smul.u32 $0x3100, s11  }
0x11: {  	v6 =	vimm.s32 $0xBA987654;
	v51 =	vadd.s32 $0xF1, v34;
	[tilespmem:$0x1FF80] =	vst v50;
	s16 =	sor.u32 $0x3, s16;
	[smem:$0x7FF] =	sst s2;
	s7 =	smul.u32 $0xC40, s1  }
0x12: {  	v57 =	vimm.s32 $0x32100000;
	v60 =	vimm.s32 $0xFFEDCBA9;
	[tilespmem:$0x1FF90] =	vst v51;
	v52 =	vor.u32 $0xF, v1;
	s18 =	ssub.s32 s3, s12;
	s15 =	sadd.s32 s14, s8;
	s14 =	sadd.s32 s14, s9  }
0x13: {  	v61 =	vimm.s32 $0x87654321;
	v2 =	vunpack.c.l.s4.s8 v2;
	v5 =	vunpack.c.l.s2.s4 v5;
	[tilespmem:$0x1FFA0] =	vst v52;
	s12 =	sshll.u32 s20, $0x4;
	s17 =	smul.u32 $0x110, s16;
	s23 =	sadd.s32 s22, s8  }
0x14: {  	v3 =	vunpack.c.l.s4.s8 v3;
	v4 =	vunpack.c.l.s4.s8 v4;
	v1 =	vunpack.c.l.s4.s8 v53;
	s24 =	sadd.s32 s22, s9;
	_ =	strace $0x80000047;
	[dreg:$0x6] =	wrdreg s15  }
0x15: {  	v55 =	vunpack.c.l.s4.s8 v6;
	v6 =	vunpack.c.l.s4.s8 v61;
	v5 =	vunpack.c.l.s4.s8 v5;
	s25 =	sshll.u32 s16, $0x4;
	s26 =	sshll.u32 s11, $0x1;
	[dreg:$0x7] =	wrdreg s14  }
0x16: {  	v2 =	vunpack.c.0.s8.s32 v2;
	v54 =	vunpack.c.0.s8.s32 v3;
	s20 =	simm.s32 $0x1;
	s22 =	simm.s32 $0xE00;
	v1 =	vunpack.c.0.s8.s32 v1;
	[dreg:$0x9] =	wrdreg s23  }
0x17: {  	v56 =	vunpack.c.0.s8.s32 v4;
	p0 =	sne.s32 s1, $0x0;
	s12 =	sadd.s32 s12, s10;
	[dreg:$0xa] =	wrdreg s24;
	v59 =	vunpack.c.0.s8.s32 v5;
	v5 =	vunpack.c.l.s4.s8 v60  }
0x18: {  	v4 =	vunpack.c.l.s4.s8 v57;
	v63 =	vunpack.c.0.s8.s32 v6;
	s16 =	sadd.s32 s25, s10;
	s18 =	smax.u32 s18, $0x1;
	s23 =	simm.s32 $0x1000;
	v1 =	vand.u32 $0xF, v1  }
0x19: {  	s24 =	simm.s32 $0x1C80;
	s25 =	simm.s32 $0x2900;
	s5 =	sadd.s32 s5, s4;
	v62 =	vunpack.c.0.s8.s32 v5;
	v20 =	vcombine.low v2, v1;
	v1 =	vand.u32 $0xF, v54  }
0x1a: {  	v58 =	vimm.s32 $0x7060504;
	s6 =	sadd.s32 s7, s6;
	s7 =	sadd.s32 s13, s10;
	[dreg:$0x8] =	wrdreg s12;
	v2 =	vunpack.c.0.s8.s32 v55;
	v38 =	vcombine.low v56, v1  }
.Ltmp0:
0x1b: {  	v4 =	vunpack.c.0.s8.s32 v4;
	s13 =	sshll.u32 s21, $0x4;
	s14 =	sadd.s32 s17, s8;
	v1 =	vunpack.c.0.s8.s32 v58;
	v5 =	vcombine.low v63, v62;
	[tilespmem:$0x1FFB0] =	vst v20;
	(pc) =	sbr.rel .LBB2_1-.Ltmp0, $4  }
0x1c: {  	vm0 =	vcmask $0x3F30;
	s15 =	sadd.s32 s17, s9;
	s17 =	sadd.s32 s0, s26;
	s21 =	simm.s32 $0x2;
	v3 =	vand.u32 $0x3, v59;
	v2 =	vand.u32 $0xF, v2;
	[tilespmem:$0x1FFC0] =	vst v38  }
0x1d: {  	s26 =	simm.s32 $0x3580;
	s0 =	simm.s32 $0x0;
	s6 =	sshrl.u32 s6, $0x3;
	v40 =	vcombine.low v4, v2;
	v42 =	vsel vm0, v1, v3;
	[tilespmem:$0x1FFF0] =	vst v5  }
0x1e: {  	v35 =	vimm.s32 $0x0;
	v36 =	vimm.s32 $0x1;
	vm4 =	vcmask $0x3F04;
	s3 =	sadd.s32 $0x3200, s5;
	s5 =	sadd.s32 s19, s8;
	s13 =	sadd.s32 s13, s10;
	[tilespmem:$0x1FFE0] =	vst v42  }
0x1f: {  	vm6 =	vcmask $0x3F08;
	vm7 =	vcmask $0x3F10;
	vm8 =	vcmask $0x3F20;
	s4 =	sadd.s32 s4, s6;
	s6 =	sadd.s32 s19, s9;
	s19 =	simm.s32 $0x180;
	[tilespmem:$0x1FFD0] =	vst v40  }
.LBB2_9:
0x20: {  	s0 =	sadd.s32 $0x1, s0  }
0x21: {  	p1 =	sne.s32 s0, s18  }
.Ltmp1:
0x22: {  	_ = 	snop;
	(pc) =	sbr.rel @!p1 .LBB2_10-.Ltmp1, $1  }
0x23: {  	_ =	sdelay $0x3  }
.LBB2_1:
0x24: {  	[tilespmem:s2], [sflag:$0x1] =	stream.linear.gather [hbm4b:s3+s2], $0x108, $0x38;
	[tilespmem:$0x45B0] =	vst v63  }
0x25: {  	_ = 	snop  }
0x26: {  	[tilespmem:s19], [sflag:$0x2] =	stream.linear.gather [hbm4b:s4+s2], $0xC40, $0x38;
	[tilespmem:$0x45B0] =	vst v63  }
0x27: {  	_ =	swait.ge [sflag:s20], $0x108  }
0x28: {  	[sflag:s20] =	ssyncset.done $0x0  }
0x29: {  	[sflag:s20] =	ssyncadd.s32 $0xFFFFFEF8  }
0x2a: {  	_ =	swait.ge [sflag:s21], $0xC40  }
0x2b: {  	v0 =	vld [tilespmem:$0x1FEA0];
	_ =	sdelay $0x5  }
0x2c: {  	[sflag:s21] =	ssyncset.done $0x0  }
0x2d: {  	[sflag:s21] =	ssyncadd.s32 $0xFFFFF3C0  }
0x2e: {  	v2 =	vld.idx.msk [tilespmem:v0+s2+$0x0], $0xffff  }
0x2f: {  	v0 =	vld [tilespmem:$0x1FEB0];
	_ =	sdelay $0x7  }
0x30: {  	v4 =	vld.idx.msk [tilespmem:v0+s2+$0x0], $0xffff  }
0x31: {  	v0 =	vld [tilespmem:$0x1FEC0];
	_ =	sdelay $0x7  }
0x32: {  	v6 =	vld.idx.msk [tilespmem:v0+s2+$0x0], $0xffff  }
0x33: {  	v0 =	vld [tilespmem:$0x1FED0];
	_ =	sdelay $0x7  }
0x34: {  	v8 =	vld.idx.msk [tilespmem:v0+s2+$0x0], $0xffff  }
0x35: {  	v0 =	vld [tilespmem:$0x1FEE0];
	_ =	sdelay $0x7  }
0x36: {  	v10 =	vld.idx.msk [tilespmem:v0+s2+$0x0], $0xffff  }
0x37: {  	v0 =	vld [tilespmem:$0x1FEF0];
	_ =	sdelay $0x7  }
0x38: {  	v12 =	vld.idx.msk [tilespmem:v0+s2+$0x0], $0xffff  }
0x39: {  	v0 =	vld [tilespmem:$0x1FF00];
	_ =	sdelay $0x7  }
0x3a: {  	v14 =	vld.idx.msk [tilespmem:v0+s2+$0x0], $0xffff  }
0x3b: {  	v0 =	vld [tilespmem:$0x1FF10];
	_ =	sdelay $0x7  }
0x3c: {  	v22 =	vld.idx.msk [tilespmem:v0+s2+$0x0], $0xffff  }
0x3d: {  	v0 =	vld [tilespmem:$0x1FF20];
	_ =	sdelay $0x7  }
0x3e: {  	v24 =	vld.idx.msk [tilespmem:v0+s2+$0x0], $0xffff  }
0x3f: {  	v0 =	vld [tilespmem:$0x1FF30];
	_ =	sdelay $0x7  }
0x40: {  	v26 =	vld.idx.msk [tilespmem:v0+s2+$0x0], $0xffff  }
0x41: {  	v0 =	vld [tilespmem:$0x1FF40];
	_ =	sdelay $0x2  }
0x42: {  	v1 =	vld [tilespmem:$0x0];
	_ =	sdelay $0x4  }
0x43: {  	v1 =	vadd.f32 v2, v1;
	v2 =	vld.idx.msk [tilespmem:v0+s2+$0x0], $0xffff  }
0x44: {  	v0 =	vld [tilespmem:$0x1FF50];
	_ =	sdelay $0x2  }
0x45: {  	v5 =	vld [tilespmem:$0x20];
	_ =	sdelay $0x4  }
0x46: {  	v5 =	vadd.f32 v6, v5;
	v6 =	vld.idx.msk [tilespmem:v0+s2+$0x0], $0xffff  }
0x47: {  	v0 =	vld [tilespmem:$0x1FF60];
	_ =	sdelay $0x7  }
0x48: {  	v62 =	vld.idx.msk [tilespmem:v0+s2+$0x0], $0xffff  }
0x49: {  	v0 =	vld [tilespmem:$0x1FF70];
	_ =	sdelay $0x7  }
0x4a: {  	v33 =	vld.idx.msk [tilespmem:v0+s2+$0x0], $0xffff  }
0x4b: {  	v0 =	vld [tilespmem:$0x1FF80]  }
0x4c: {  	v3 =	vld [tilespmem:$0x10]  }
0x4d: {  	v7 =	vld [tilespmem:$0x30]  }
0x4e: {  	v9 =	vld [tilespmem:$0x40]  }
0x4f: {  	v11 =	vld [tilespmem:$0x50]  }
0x50: {  	v13 =	vld [tilespmem:$0x60]  }
0x51: {  	v19 =	vld [tilespmem:$0x70]  }
0x52: {  	v23 =	vld [tilespmem:$0x80]  }
0x53: {  	v41 =	vld.idx.msk [tilespmem:v0+s2+$0x0], $0xffff  }
0x54: {  	v3 =	vadd.f32 v4, v3;
	v0 =	vld [tilespmem:$0x1FF90]  }
0x55: {  	v25 =	vld [tilespmem:$0x90];
	v1 =	vmul.f32 $5.000000000e-01, v1  }
0x56: {  	v27 =	vld [tilespmem:$0xA0];
	v3 =	vmul.f32 $5.000000000e-01, v3;
	v7 =	vadd.f32 v8, v7  }
0x57: {  	v63 =	vld [tilespmem:$0xD0];
	(xrf1) =	vsort.ascd.msk.f32 $0xffff, v1, v1;
	v5 =	vmul.f32 $5.000000000e-01, v5;
	v9 =	vadd.f32 v10, v9  }
0x58: {  	v4 =	vld [tilespmem:$0xB0];
	(xrf1) =	vsort.dscd.msk.f32 $0xffff, v3, v3;
	v1 =	vmul.f32 $5.000000000e-01, v7;
	v7 =	vadd.f32 v12, v11  }
0x59: {  	(xrf1) =	vsort.ascd.msk.f32 $0xffff, v5, v5;
	v8 =	vld [tilespmem:$0xC0];
	v3 =	vmul.f32 $5.000000000e-01, v9;
	v32 =	vadd.f32 v14, v13  }
0x5a: {  	v37 =	vld [tilespmem:$0xE0];
	(xrf1) =	vsort.dscd.msk.f32 $0xffff, v1, v1;
	v5 =	vmul.f32 $5.000000000e-01, v7;
	v7 =	vadd.f32 v22, v19  }
0x5b: {  	(xrf1) =	vsort.ascd.msk.f32 $0xffff, v3, v3;
	v1 =	vmul.f32 $5.000000000e-01, v32;
	v19 =	vld [tilespmem:$0xF0];
	v39 =	vadd.f32 v24, v23  }
0x5c: {  	(xrf1) =	vsort.dscd.msk.f32 $0xffff, v5, v5;
	v3 =	vmul.f32 $5.000000000e-01, v7;
	v7 =	vadd.f32 v26, v25;
	v43 =	vld.idx.msk [tilespmem:v0+s2+$0x0], $0xffff  }
0x5d: {  	(xrf1) =	vsort.ascd.msk.f32 $0xffff, v1, v1;
	v5 =	vmul.f32 $5.000000000e-01, v39;
	v2 =	vadd.f32 v2, v27  }
0x5e: {  	(xrf1) =	vsort.dscd.msk.f32 $0xffff, v3, v3;
	v1 =	vmul.f32 $5.000000000e-01, v7;
	v4 =	vadd.f32 v6, v4;
	v3 =	vadd.f32 v62, v8  }
0x5f: {  	(xrf1) =	vsort.ascd.msk.f32 $0xffff, v5, v5;
	v2 =	vmul.f32 $5.000000000e-01, v2;
	v5 =	vadd.f32 v33, v63  }
0x60: {  	(xrf1) =	vsort.dscd.msk.f32 $0xffff, v1, v1;
	v4 =	vmul.f32 $5.000000000e-01, v4;
	v1 =	vmul.f32 $5.000000000e-01, v3;
	v3 =	vadd.f32 v41, v37  }
0x61: {  	(xrf1) =	vsort.ascd.msk.f32 $0xffff, v2, v2;
	v2 =	vmul.f32 $5.000000000e-01, v5;
	v5 =	vadd.f32 v43, v19  }
0x62: {  	(xrf1) =	vsort.dscd.msk.f32 $0xffff, v4, v4;
	v3 =	vmul.f32 $5.000000000e-01, v3  }
0x63: {  	(xrf1) =	vsort.ascd.msk.f32 $0xffff, v1, v1;
	v1 =	vmul.f32 $5.000000000e-01, v5;
	_ =	sdelay $0x1  }
0x64: {  	(xrf1) =	vsort.dscd.msk.f32 $0xffff, v2, v2;
	v2, _, _ =	vpop (xrf1)  }
0x65: {  	(xrf1) =	vsort.ascd.msk.f32 $0xffff, v3, v3;
	v3, _, _ =	vpop (xrf1)  }
0x66: {  	(xrf1) =	vsort.dscd.msk.f32 $0xffff, v1, v1;
	v1, _, _ =	vpop (xrf1)  }
0x67: {  	v4 =	vmin.f32 v2, v3;
	v2 =	vmax.f32 v2, v3;
	v5, _, _ =	vpop (xrf1)  }
0x68: {  	(xrf1) =	vsort.ascd.msk.f32 $0xffff, v4, v4;
	v4 =	vmax.f32 v1, v5  }
0x69: {  	v3, _, _ =	vpop (xrf1);
	v1 =	vmin.f32 v1, v5  }
0x6a: {  	(xrf1) =	vsort.ascd.msk.f32 $0xffff, v2, v2;
	v2, _, _ =	vpop (xrf1)  }
0x6b: {  	(xrf1) =	vsort.dscd.msk.f32 $0xffff, v4, v4;
	v5 =	vmin.f32 v3, v2;
	v2 =	vmax.f32 v3, v2;
	v4, _, _ =	vpop (xrf1)  }
0x6c: {  	(xrf1) =	vsort.dscd.msk.f32 $0xffff, v1, v1;
	v1, _, _ =	vpop (xrf1)  }
0x6d: {  	(xrf1) =	vsort.ascd.msk.f32 $0xffff, v5, v5;
	v3, _, _ =	vpop (xrf1);
	v5 =	vmax.f32 v4, v1;
	v1 =	vmin.f32 v4, v1  }
0x6e: {  	(xrf1) =	vsort.ascd.msk.f32 $0xffff, v2, v2;
	v2, _, _ =	vpop (xrf1)  }
0x6f: {  	(xrf1) =	vsort.dscd.msk.f32 $0xffff, v5, v5;
	v4, _, _ =	vpop (xrf1);
	v5 =	vmin.f32 v3, v2;
	v2 =	vmax.f32 v3, v2  }
0x70: {  	(xrf1) =	vsort.dscd.msk.f32 $0xffff, v1, v1;
	v1, _, _ =	vpop (xrf1)  }
0x71: {  	(xrf1) =	vsort.ascd.msk.f32 $0xffff, v5, v5;
	v3, _, _ =	vpop (xrf1);
	v5 =	vmax.f32 v4, v1;
	v1 =	vmin.f32 v4, v1  }
0x72: {  	(xrf1) =	vsort.ascd.msk.f32 $0xffff, v2, v2;
	v2, _, _ =	vpop (xrf1)  }
0x73: {  	(xrf1) =	vsort.dscd.msk.f32 $0xffff, v5, v5;
	v4, _, _ =	vpop (xrf1)  }
0x74: {  	v5 =	vmin.f32 v3, v2;
	(xrf1) =	vsort.dscd.msk.f32 $0xffff, v1, v1;
	v2 =	vmax.f32 v3, v2;
	v1, _, _ =	vpop (xrf1)  }
0x75: {  	v3 =	vmax.f32 v4, v1  }
0x76: {  	(xrf1) =	vsort.ascd.msk.f32 $0xffff, v5, v5;
	v1 =	vmin.f32 v4, v1  }
0x77: {  	(xrf1) =	vsort.ascd.msk.f32 $0xffff, v2, v2;
	v2, _, _ =	vpop (xrf1)  }
0x78: {  	(xrf1) =	vsort.dscd.msk.f32 $0xffff, v3, v3;
	v3, _, _ =	vpop (xrf1)  }
0x79: {  	(xrf1) =	vsort.dscd.msk.f32 $0xffff, v1, v1;
	v1, _, _ =	vpop (xrf1)  }
0x7a: {  	v4, _, _ =	vpop (xrf1)  }
0x7b: {  	v6 =	vmin.f32 v2, v1;
	v7 =	vmin.f32 v3, v4  }
0x7c: {  	v1 =	vmax.f32 v2, v1;
	v5, _, _ =	vpop (xrf1);
	v2 =	vmin.f32 v6, v7  }
0x7d: {  	v8, _, _ =	vpop (xrf1)  }
0x7e: {  	v3 =	vmax.f32 v3, v4;
	v4 =	vmax.f32 v6, v7;
	v44, _, _ =	vpop (xrf1)  }
0x7f: {  	v7 =	vmin.f32 v1, v3;
	v1 =	vmax.f32 v1, v3;
	(xrf1) =	vsort.ascd.msk.f32 $0xffff, v2, v2;
	v2, _, _ =	vpop (xrf1)  }
0x80: {  	v6 =	vmax.f32 v5, v44;
	(xrf1) =	vsort.ascd.msk.f32 $0xffff, v4, v4;
	v45 =	vmax.f32 v8, v2  }
0x81: {  	(xrf1) =	vsort.ascd.msk.f32 $0xffff, v7, v7;
	v4, _, _ =	vpop (xrf1);
	v7 =	vmax.f32 v6, v45  }
0x82: {  	v5 =	vmin.f32 v5, v44;
	v3, _, _ =	vpop (xrf1)  }
0x83: {  	(xrf1) =	vsort.ascd.msk.f32 $0xffff, v1, v1;
	v2 =	vmin.f32 v8, v2;
	v6 =	vmin.f32 v6, v45;
	v1, _, _ =	vpop (xrf1)  }
0x84: {  	v9 =	vmax.f32 v5, v2;
	v2 =	vmin.f32 v5, v2;
	(xrf1) =	vsort.dscd.msk.f32 $0xffff, v7, v7;
	v7, _, _ =	vpop (xrf1)  }
0x85: {  	v8 =	vmin.f32 v4, v1;
	(xrf1) =	vsort.dscd.msk.f32 $0xffff, v6, v6;
	v46 =	vmin.f32 v3, v7  }
0x86: {  	v1 =	vmax.f32 v4, v1;
	v6, _, _ =	vpop (xrf1);
	(xrf1) =	vsort.dscd.msk.f32 $0xffff, v9, v9;
	v4 =	vmin.f32 v8, v46  }
0x87: {  	v3 =	vmax.f32 v3, v7;
	v5, _, _ =	vpop (xrf1);
	(xrf1) =	vsort.dscd.msk.f32 $0xffff, v2, v2  }
0x88: {  	v7 =	vmax.f32 v8, v46;
	v47 =	vmin.f32 v1, v3;
	v2, _, _ =	vpop (xrf1);
	(xrf1) =	vsort.ascd.msk.f32 $0xffff, v4, v4  }
0x89: {  	v1 =	vmax.f32 v1, v3;
	v8 =	vmax.f32 v6, v2;
	v4, _, _ =	vpop (xrf1);
	(xrf1) =	vsort.ascd.msk.f32 $0xffff, v7, v7  }
0x8a: {  	v2 =	vmin.f32 v6, v2;
	v7 =	vmax.f32 v5, v4;
	(xrf1) =	vsort.ascd.msk.f32 $0xffff, v47, v47  }
0x8b: {  	v3 =	vmax.f32 v8, v7;
	(xrf1) =	vsort.ascd.msk.f32 $0xffff, v1, v1;
	v1 =	vmin.f32 v5, v4  }
0x8c: {  	v4 =	vmin.f32 v8, v7;
	(xrf1) =	vsort.dscd.msk.f32 $0xffff, v3, v3;
	v3 =	vmax.f32 v2, v1  }
0x8d: {  	v1 =	vmin.f32 v2, v1;
	(xrf1) =	vsort.dscd.msk.f32 $0xffff, v4, v4  }
0x8e: {  	v2, _, _ =	vpop (xrf1);
	(xrf1) =	vsort.dscd.msk.f32 $0xffff, v3, v3  }
0x8f: {  	v3, _, _ =	vpop (xrf1);
	(xrf1) =	vsort.dscd.msk.f32 $0xffff, v1, v1  }
0x90: {  	v1, _, _ =	vpop (xrf1)  }
0x91: {  	v4, _, _ =	vpop (xrf1)  }
0x92: {  	v5, _, _ =	vpop (xrf1)  }
0x93: {  	v6, _, _ =	vpop (xrf1)  }
0x94: {  	v7, _, _ =	vpop (xrf1)  }
0x95: {  	v8, _, _ =	vpop (xrf1)  }
0x96: {  	v52 =	vmin.f32 v2, v5;
	v2 =	vmax.f32 v2, v5;
	v48, _, _ =	vpop (xrf1)  }
0x97: {  	v53 =	vmin.f32 v3, v6;
	v3 =	vmax.f32 v3, v6;
	v6 =	vmin.f32 v1, v7;
	v49, _, _ =	vpop (xrf1)  }
0x98: {  	v1 =	vmax.f32 v1, v7;
	v7 =	vmin.f32 v4, v8;
	v4 =	vmax.f32 v4, v8;
	v50, _, _ =	vpop (xrf1)  }
0x99: {  	v24 =	vmin.f32 v52, v6;
	v6 =	vmax.f32 v52, v6;
	v58 =	vmin.f32 v2, v1;
	v51, _, _ =	vpop (xrf1)  }
0x9a: {  	v1 =	vmax.f32 v2, v1;
	v25 =	vmin.f32 v53, v7;
	v7 =	vmax.f32 v53, v7;
	v5, _, _ =	vpop (xrf1)  }
0x9b: {  	v59 =	vmin.f32 v3, v4;
	v3 =	vmax.f32 v3, v4;
	v56 =	vmin.f32 v24, v25;
	v19, _, _ =	vpop (xrf1)  }
0x9c: {  	v57 =	vmax.f32 v24, v25;
	v2 =	vmin.f32 v58, v59;
	(xrf1) =	vsort.ascd.msk.f32 $0xffff, v56, v56;
	v8, _, _ =	vpop (xrf1)  }
0x9d: {  	v4 =	vmax.f32 v58, v59;
	(xrf1) =	vsort.ascd.msk.f32 $0xffff, v57, v57;
	v22 =	vmin.f32 v48, v5;
	v23, _, _ =	vpop (xrf1)  }
0x9e: {  	v55 =	vmin.f32 v51, v23;
	v12 =	vmax.f32 v51, v23;
	v23 =	vmin.f32 v6, v7  }
0x9f: {  	v5 =	vmax.f32 v48, v5;
	v6 =	vmax.f32 v6, v7;
	(xrf1) =	vsort.ascd.msk.f32 $0xffff, v23, v23  }
0xa0: {  	v54 =	vmin.f32 v49, v19;
	v10 =	vmax.f32 v49, v19;
	(xrf1) =	vsort.ascd.msk.f32 $0xffff, v6, v6  }
0xa1: {  	v19 =	vmin.f32 v50, v8;
	v8 =	vmax.f32 v50, v8;
	(xrf1) =	vsort.ascd.msk.f32 $0xffff, v2, v2  }
0xa2: {  	v6 =	vmin.f32 v1, v3;
	v1 =	vmax.f32 v1, v3;
	(xrf1) =	vsort.ascd.msk.f32 $0xffff, v4, v4  }
0xa3: {  	v2 =	vmax.f32 v5, v8;
	v4 =	vmax.f32 v10, v12;
	(xrf1) =	vsort.ascd.msk.f32 $0xffff, v6, v6  }
0xa4: {  	v3 =	vmin.f32 v5, v8;
	v5 =	vmax.f32 v2, v4;
	(xrf1) =	vsort.ascd.msk.f32 $0xffff, v1, v1  }
0xa5: {  	v2 =	vmin.f32 v2, v4;
	v1 =	vmin.f32 v10, v12;
	(xrf1) =	vsort.dscd.msk.f32 $0xffff, v5, v5  }
0xa6: {  	v4 =	vmax.f32 v22, v19;
	v5 =	vmax.f32 v3, v1;
	(xrf1) =	vsort.dscd.msk.f32 $0xffff, v2, v2  }
0xa7: {  	v1 =	vmin.f32 v3, v1;
	v2 =	vmax.f32 v54, v55;
	(xrf1) =	vsort.dscd.msk.f32 $0xffff, v5, v5  }
0xa8: {  	v5 =	vmax.f32 v4, v2;
	v2 =	vmin.f32 v4, v2;
	(xrf1) =	vsort.dscd.msk.f32 $0xffff, v1, v1  }
0xa9: {  	v3 =	vmin.f32 v22, v19;
	v1 =	vmin.f32 v54, v55;
	(xrf1) =	vsort.dscd.msk.f32 $0xffff, v5, v5  }
0xaa: {  	v4 =	vmax.f32 v3, v1;
	v1 =	vmin.f32 v3, v1;
	(xrf1) =	vsort.dscd.msk.f32 $0xffff, v2, v2  }
0xab: {  	v2, _, _ =	vpop (xrf1);
	(xrf1) =	vsort.dscd.msk.f32 $0xffff, v4, v4  }
0xac: {  	v3, _, _ =	vpop (xrf1);
	(xrf1) =	vsort.dscd.msk.f32 $0xffff, v1, v1  }
0xad: {  	v1, _, _ =	vpop (xrf1)  }
0xae: {  	v4, _, _ =	vpop (xrf1)  }
0xaf: {  	v5, _, _ =	vpop (xrf1)  }
0xb0: {  	v6, _, _ =	vpop (xrf1)  }
0xb1: {  	v7, _, _ =	vpop (xrf1)  }
0xb2: {  	v8, _, _ =	vpop (xrf1)  }
0xb3: {  	v60, _, _ =	vpop (xrf1)  }
0xb4: {  	v61, _, _ =	vpop (xrf1)  }
0xb5: {  	v0 =	vimm.f32 $3.000000010e+38;
	v33 =	vmin.f32 v2, v60;
	v62, _, _ =	vpop (xrf1)  }
0xb6: {  	v2 =	vmax.f32 v2, v60;
	v37 =	vmin.f32 v3, v61;
	v3 =	vmax.f32 v3, v61;
	v63, _, _ =	vpop (xrf1)  }
0xb7: {  	[tilespmem:$0xF00] =	vst v0;
	v39 =	vmin.f32 v1, v62;
	v1 =	vmax.f32 v1, v62;
	v32, _, _ =	vpop (xrf1);
	v22 =	vmin.f32 v4, v63  }
0xb8: {  	[tilespmem:$0xF10] =	vst v0;
	v4 =	vmax.f32 v4, v63;
	v19, _, _ =	vpop (xrf1);
	v43 =	vmin.f32 v5, v32;
	v5 =	vmax.f32 v5, v32  }
0xb9: {  	[tilespmem:$0xF20] =	vst v0;
	v41, _, _ =	vpop (xrf1);
	v44 =	vmin.f32 v6, v19;
	v6 =	vmax.f32 v6, v19;
	v12 =	vmax.f32 v33, v43  }
0xba: {  	[tilespmem:$0xF30] =	vst v0;
	v23, _, _ =	vpop (xrf1);
	v19 =	vmin.f32 v7, v41;
	v7 =	vmax.f32 v7, v41;
	v46 =	vmin.f32 v37, v44  }
0xbb: {  	[tilespmem:$0xF40] =	vst v0;
	v9 =	vmax.f32 v37, v44;
	v45 =	vmin.f32 v8, v23;
	v8 =	vmax.f32 v8, v23  }
0xbc: {  	[tilespmem:$0xF50] =	vst v0;
	v23 =	vmin.f32 v33, v43;
	v47 =	vmin.f32 v39, v19;
	v10 =	vmax.f32 v39, v19  }
0xbd: {  	[tilespmem:$0xF60] =	vst v0;
	v19 =	vmin.f32 v22, v45;
	v11 =	vmax.f32 v22, v45;
	v22 =	vmin.f32 v2, v5  }
0xbe: {  	[tilespmem:$0xF70] =	vst v0;
	v2 =	vmax.f32 v2, v5;
	v5 =	vmin.f32 v3, v6;
	v3 =	vmax.f32 v3, v6  }
0xbf: {  	[tilespmem:$0xF80] =	vst v0;
	v6 =	vmin.f32 v1, v7;
	v1 =	vmax.f32 v1, v7;
	v7 =	vmin.f32 v4, v8  }
0xc0: {  	[tilespmem:$0x3700] =	vst v0;
	v24 =	vmin.f32 v23, v47;
	v4 =	vmax.f32 v4, v8;
	v25 =	vmin.f32 v46, v19  }
0xc1: {  	[tilespmem:$0x3710] =	vst v0;
	v8 =	vmax.f32 v23, v47;
	v49 =	vmin.f32 v12, v10;
	v48 =	vmin.f32 v24, v25  }
0xc2: {  	[tilespmem:$0x3720] =	vst v0;
	v14 =	vmax.f32 v46, v19;
	v19 =	vmax.f32 v24, v25;
	(xrf1) =	vsort.ascd.msk.f32 $0xffff, v48, v48  }
0xc3: {  	[tilespmem:$0x3730] =	vst v0;
	v10 =	vmax.f32 v12, v10;
	v23 =	vmin.f32 v8, v14;
	(xrf1) =	vsort.ascd.msk.f32 $0xffff, v19, v19  }
0xc4: {  	[tilespmem:$0x3740] =	vst v0;
	v8 =	vmax.f32 v8, v14;
	v19 =	vmin.f32 v9, v11;
	(xrf1) =	vsort.ascd.msk.f32 $0xffff, v23, v23  }
0xc5: {  	[tilespmem:$0x3750] =	vst v0;
	v52 =	vmin.f32 v22, v6;
	v50 =	vmin.f32 v49, v19;
	(xrf1) =	vsort.ascd.msk.f32 $0xffff, v8, v8  }
0xc6: {  	[tilespmem:$0x3760] =	vst v0;
	v51 =	vmax.f32 v49, v19;
	v8 =	vmax.f32 v9, v11;
	(xrf1) =	vsort.ascd.msk.f32 $0xffff, v50, v50  }
0xc7: {  	[tilespmem:$0x3770] =	vst v0;
	v54 =	vmin.f32 v5, v7;
	v53 =	vmin.f32 v10, v8;
	(xrf1) =	vsort.ascd.msk.f32 $0xffff, v51, v51  }
0xc8: {  	[tilespmem:$0x3780] =	vst v0;
	v6 =	vmax.f32 v22, v6;
	v8 =	vmax.f32 v10, v8;
	(xrf1) =	vsort.ascd.msk.f32 $0xffff, v53, v53  }
0xc9: {  	[tilespmem:$0x3790] =	vst v0;
	v5 =	vmax.f32 v5, v7;
	v55 =	vmin.f32 v52, v54;
	(xrf1) =	vsort.ascd.msk.f32 $0xffff, v8, v8  }
0xca: {  	[tilespmem:$0x37A0] =	vst v0;
	v7 =	vmax.f32 v52, v54;
	v56 =	vmin.f32 v6, v5;
	(xrf1) =	vsort.ascd.msk.f32 $0xffff, v55, v55  }
0xcb: {  	[tilespmem:$0x37B0] =	vst v0;
	v5 =	vmax.f32 v6, v5;
	v8 =	vmin.f32 v2, v1;
	(xrf1) =	vsort.ascd.msk.f32 $0xffff, v7, v7  }
0xcc: {  	[tilespmem:$0x37C0] =	vst v0;
	v1 =	vmax.f32 v2, v1;
	v7 =	vmin.f32 v3, v4;
	(xrf1) =	vsort.ascd.msk.f32 $0xffff, v56, v56  }
0xcd: {  	[tilespmem:$0x37D0] =	vst v0;
	v3 =	vmax.f32 v3, v4;
	v2 =	vmin.f32 v8, v7;
	(xrf1) =	vsort.ascd.msk.f32 $0xffff, v5, v5  }
0xce: {  	[tilespmem:$0x37E0] =	vst v0;
	v4 =	vmax.f32 v8, v7;
	(xrf1) =	vsort.ascd.msk.f32 $0xffff, v2, v2;
	v2 =	vmin.f32 v1, v3  }
0xcf: {  	[tilespmem:$0x37F0] =	vst v0;
	v1 =	vmax.f32 v1, v3;
	(xrf1) =	vsort.ascd.msk.f32 $0xffff, v4, v4  }
0xd0: {  	[tilespmem:$0x3800] =	vst v0;
	v3, _, _ =	vpop (xrf1);
	(xrf1) =	vsort.ascd.msk.f32 $0xffff, v2, v2  }
0xd1: {  	v2, _, _ =	vpop (xrf1);
	(xrf1) =	vsort.ascd.msk.f32 $0xffff, v1, v1;
	[tilespmem:$0xE00] =	vst v3  }
0xd2: {  	v1, _, _ =	vpop (xrf1);
	[tilespmem:$0xE10] =	vst v2  }
0xd3: {  	v2, _, _ =	vpop (xrf1);
	[tilespmem:$0xE20] =	vst v1  }
0xd4: {  	v1, _, _ =	vpop (xrf1);
	[tilespmem:$0xE30] =	vst v2  }
0xd5: {  	v2, _, _ =	vpop (xrf1);
	[tilespmem:$0xE40] =	vst v1  }
0xd6: {  	v1, _, _ =	vpop (xrf1);
	[tilespmem:$0xE50] =	vst v2  }
0xd7: {  	v2, _, _ =	vpop (xrf1);
	[tilespmem:$0xE60] =	vst v1  }
0xd8: {  	v1, _, _ =	vpop (xrf1);
	[tilespmem:$0xE70] =	vst v2  }
0xd9: {  	v2, _, _ =	vpop (xrf1);
	[tilespmem:$0xE80] =	vst v1  }
0xda: {  	v1, _, _ =	vpop (xrf1);
	[tilespmem:$0xE90] =	vst v2  }
0xdb: {  	v2, _, _ =	vpop (xrf1);
	[tilespmem:$0xEA0] =	vst v1  }
0xdc: {  	v1, _, _ =	vpop (xrf1);
	[tilespmem:$0xEB0] =	vst v2  }
0xdd: {  	v2, _, _ =	vpop (xrf1);
	[tilespmem:$0xEC0] =	vst v1  }
0xde: {  	v1, _, _ =	vpop (xrf1);
	[tilespmem:$0xED0] =	vst v2  }
0xdf: {  	v2, _, _ =	vpop (xrf1);
	[tilespmem:$0xEE0] =	vst v1  }
0xe0: {  	v1 =	vimm.f32 $-3.000000010e+38;
	[tilespmem:$0xEF0] =	vst v2  }
0xe1: {  	[tilespmem:$0x3580] =	vst v1  }
0xe2: {  	[tilespmem:$0x3590] =	vst v1  }
0xe3: {  	[tilespmem:$0x35A0] =	vst v1  }
0xe4: {  	[tilespmem:$0x35B0] =	vst v1  }
0xe5: {  	[tilespmem:$0x35C0] =	vst v1  }
0xe6: {  	[tilespmem:$0x35D0] =	vst v1  }
0xe7: {  	[tilespmem:$0x35E0] =	vst v1  }
0xe8: {  	[tilespmem:$0x35F0] =	vst v1  }
0xe9: {  	[tilespmem:$0x3600] =	vst v1  }
0xea: {  	v0 =	vld [tilespmem:$0x1FFA0];
	[tilespmem:$0x3610] =	vst v1  }
0xeb: {  	[tilespmem:$0x3620] =	vst v1  }
0xec: {  	[tilespmem:$0x3630] =	vst v1  }
0xed: {  	[tilespmem:$0x3640] =	vst v1  }
0xee: {  	[tilespmem:$0x3650] =	vst v1  }
0xef: {  	[tilespmem:$0x3660] =	vst v1  }
0xf0: {  	[tilespmem:$0x3670] =	vst v1  }
0xf1: {  	[tilespmem:$0x3680] =	vst v1  }
0xf2: {  	v1 =	vld.idx.msk [tilespmem:v0+s22+$0x0], $0xffff;
	_ =	sdelay $0x3  }
0xf3: {  	v0 =	vimm.s32 $0x2  }
0xf4: {  	v43 =	vperm.xlane v1, v0;
	v0 =	vimm.s32 $0x3  }
0xf5: {  	v44 =	vperm.xlane v1, v0;
	v0 =	vimm.s32 $0x4  }
0xf6: {  	v45 =	vperm.xlane v1, v0;
	v0 =	vimm.s32 $0x5  }
0xf7: {  	v46 =	vperm.xlane v1, v0;
	v0 =	vimm.s32 $0x6  }
0xf8: {  	v47 =	vperm.xlane v1, v0;
	v0 =	vimm.s32 $0x7  }
0xf9: {  	v2 =	vor.u32 s2, v34;
	v48 =	vperm.xlane v1, v0;
	v0 =	vimm.s32 $0x8  }
0xfa: {  	v49 =	vperm.xlane v1, v0;
	v0 =	vimm.s32 $0x9  }
0xfb: {  	v50 =	vperm.xlane v1, v0;
	v0 =	vimm.s32 $0xA  }
0xfc: {  	v51 =	vperm.xlane v1, v0;
	v0 =	vimm.s32 $0xB  }
0xfd: {  	v52 =	vperm.xlane v1, v0;
	v0 =	vimm.s32 $0xC  }
0xfe: {  	v22 =	vld.idx.msk [tilespmem:v2+s19+$0x0], $0xffff;
	v53 =	vperm.xlane v1, v0;
	v0 =	vimm.s32 $0xE  }
0xff: {  	v54 =	vperm.xlane v1, v0;
	v0 =	vimm.s32 $0xD  }
0x100: {  	v55 =	vperm.xlane v1, v0;
	v0 =	vimm.s32 $0xF  }
0x101: {  	s1 =	simm.s32 $0x10;
	s12 =	simm.s32 $0x30;
	v56 =	vperm.xlane v1, v0  }
0x102: {  	s8 =	simm.s32 $0x20;
	v57 =	vor.u32 s12, v34;
	v7 =	vor.u32 s1, v34  }
0x103: {  	v8 =	vor.u32 s8, v34;
	v21 =	vperm.xlane v1, v35;
	vm1 =	vlt.f32 v56, v22  }
0x104: {  	v41 =	vperm.xlane v1, v36;
	vm13 =	vlt.f32 v53, v22;
	v0 =	vsel vm1, $0x1, v35  }
0x105: {  	vm12 =	vlt.f32 v47, v22;
	vm14 =	vlt.f32 v55, v22;
	[tilespmem:$0x1FCF0] =	vst v0;
	v0 =	vsel vm13, $0x1, v35  }
0x106: {  	v14 =	vsel vm12, $0x1, v35;
	vm15 =	vlt.f32 v51, v22;
	[tilespmem:$0x1FCE0] =	vst v0;
	v0 =	vsel vm14, $0x1, v35  }
0x107: {  	vm12 =	vlt.f32 v41, v22;
	vm9 =	vlt.f32 v52, v22;
	[tilespmem:$0x1FCD0] =	vst v0;
	v0 =	vsel vm15, $0x1, v35  }
0x108: {  	vm10 =	vlt.f32 v49, v22;
	vm11 =	vlt.f32 v50, v22;
	[tilespmem:$0x1FCC0] =	vst v0;
	v0 =	vsel vm9, $0x1, v35  }
0x109: {  	v37 =	vsel vm12, $0x1, v35;
	v26 =	vsel vm11, $0x1, v35;
	vm11 =	vlt.f32 v21, v22;
	[tilespmem:$0x1FCB0] =	vst v0  }
0x10a: {  	v9 =	vsel vm10, $0x1, v35;
	vm10 =	vlt.f32 v44, v22;
	v33 =	vsel vm11, $0x1, v35;
	v24 =	vld.idx.msk [tilespmem:v7+s19+$0x0], $0xffff  }
0x10b: {  	v32 =	vsel vm10, $0x1, v35;
	v33 =	vadd.s32 v37, v33;
	vm9 =	vlt.f32 v43, v22;
	v23 =	vld.idx.msk [tilespmem:v57+s19+$0x0], $0xffff  }
0x10c: {  	v32 =	vadd.s32 v32, v33;
	vm15 =	vlt.f32 v46, v22;
	v31 =	vsel vm9, $0x1, v35;
	v25 =	vld.idx.msk [tilespmem:v8+s19+$0x0], $0xffff  }
0x10d: {  	vm14 =	vlt.f32 v45, v22;
	v30 =	vsel vm15, $0x1, v35;
	v31 =	vadd.s32 v31, v32  }
0x10e: {  	vm13 =	vlt.f32 v48, v22;
	v29 =	vsel vm14, $0x1, v35;
	v30 =	vadd.s32 v30, v31  }
0x10f: {  	v28 =	vsel vm13, $0x1, v35;
	v29 =	vadd.s32 v29, v30  }
0x110: {  	v28 =	vadd.s32 v28, v29;
	vm13 =	vlt.f32 v54, v24;
	vm14 =	vlt.f32 v54, v23  }
0x111: {  	vm15 =	vlt.f32 v56, v24;
	vm9 =	vlt.f32 v53, v24;
	vm10 =	vlt.f32 v56, v25  }
0x112: {  	vm11 =	vlt.f32 v56, v23;
	vm12 =	vlt.f32 v55, v24;
	v19 =	vsel vm13, $0x1, v35  }
0x113: {  	v10 =	vsel vm15, $0x1, v35;
	v0 =	vsel vm14, $0x1, v35;
	v12 =	vsel vm9, $0x1, v35  }
0x114: {  	v11 =	vsel vm11, $0x1, v35;
	vm13 =	vlt.f32 v53, v25;
	v57 =	vsel vm12, $0x1, v35  }
0x115: {  	vm14 =	vlt.f32 v53, v23;
	vm15 =	vlt.f32 v51, v24;
	vm9 =	vlt.f32 v55, v25  }
0x116: {  	vm11 =	vlt.f32 v52, v24;
	vm12 =	vlt.f32 v51, v25;
	[tilespmem:$0x1FD00] =	vst v0;
	v0 =	vsel vm10, $0x1, v35  }
0x117: {  	v27 =	vsel vm13, $0x1, v35;
	v13 =	vsel vm14, $0x1, v35;
	v58 =	vsel vm15, $0x1, v35  }
0x118: {  	vm10 =	vlt.f32 v55, v23;
	v59 =	vsel vm9, $0x1, v35;
	v61 =	vsel vm11, $0x1, v35  }
0x119: {  	vm13 =	vlt.f32 v51, v23;
	vm14 =	vlt.f32 v49, v24;
	vm15 =	vlt.f32 v52, v25  }
0x11a: {  	vm9 =	vlt.f32 v52, v23;
	vm11 =	vlt.f32 v49, v25;
	v60 =	vsel vm10, $0x1, v35  }
0x11b: {  	[tilespmem:$0x1FD10] =	vst v0;
	v0 =	vsel vm12, $0x1, v35;
	v63 =	vsel vm13, $0x1, v35;
	v15 =	vsel vm14, $0x1, v35  }
0x11c: {  	v16 =	vsel vm15, $0x1, v35;
	vm10 =	vlt.f32 v50, v24;
	v39 =	vsel vm9, $0x1, v35  }
0x11d: {  	vm12 =	vlt.f32 v49, v23;
	v17 =	vsel vm11, $0x1, v35;
	vm13 =	vlt.f32 v47, v24  }
0x11e: {  	vm14 =	vlt.f32 v50, v25;
	vm15 =	vlt.f32 v50, v23;
	vm9 =	vlt.f32 v48, v24  }
0x11f: {  	vm11 =	vlt.f32 v47, v23;
	v18 =	vsel vm10, $0x1, v35;
	v8 =	vsel vm12, $0x1, v35  }
0x120: {  	v5 =	vsel vm13, $0x1, v35;
	v7 =	vsel vm14, $0x1, v35;
	v6 =	vsel vm15, $0x1, v35  }
0x121: {  	vm10 =	vlt.f32 v47, v25;
	v2 =	vsel vm9, $0x1, v35;
	vm12 =	vlt.f32 v21, v24  }
0x122: {  	v4 =	vsel vm11, $0x1, v35;
	vm13 =	vlt.f32 v41, v24;
	vm14 =	vlt.f32 v21, v25  }
0x123: {  	vm15 =	vlt.f32 v41, v25;
	vm9 =	vlt.f32 v44, v24;
	vm11 =	vlt.f32 v41, v23  }
0x124: {  	v3 =	vsel vm10, $0x1, v35;
	v1 =	vsel vm12, $0x1, v35;
	v37 =	vsel vm13, $0x1, v35  }
0x125: {  	v33 =	vsel vm14, $0x1, v35;
	vm10 =	vlt.f32 v21, v23;
	vm12 =	vlt.f32 v45, v24  }
0x126: {  	vm13 =	vlt.f32 v44, v25;
	vm14 =	vlt.f32 v44, v23;
	v1 =	vadd.s32 v37, v1  }
0x127: {  	v37 =	vsel vm15, $0x1, v35;
	v32 =	vsel vm10, $0x1, v35;
	v31 =	vsel vm13, $0x1, v35  }
0x128: {  	vm15 =	vlt.f32 v43, v24;
	v33 =	vadd.s32 v37, v33;
	v37 =	vsel vm9, $0x1, v35  }
0x129: {  	v1 =	vadd.s32 v37, v1;
	v37 =	vsel vm11, $0x1, v35;
	v31 =	vadd.s32 v31, v33  }
0x12a: {  	v33 =	vsel vm14, $0x1, v35;
	v32 =	vadd.s32 v37, v32;
	v37 =	vsel vm12, $0x1, v35  }
0x12b: {  	vm12 =	vlt.f32 v46, v24;
	v32 =	vadd.s32 v33, v32;
	v33 =	vsel vm15, $0x1, v35  }
0x12c: {  	v14 =	vadd.s32 v14, v28;
	v30 =	vsel vm12, $0x1, v35;
	v1 =	vadd.s32 v33, v1  }
0x12d: {  	vm10 =	vlt.f32 v43, v23;
	vm13 =	vlt.f32 v46, v25;
	v1 =	vadd.s32 v30, v1  }
0x12e: {  	vm9 =	vlt.f32 v43, v25;
	vm11 =	vlt.f32 v48, v25;
	v1 =	vadd.s32 v37, v1  }
0x12f: {  	vm15 =	vlt.f32 v45, v25;
	v33 =	vsel vm9, $0x1, v35;
	v1 =	vadd.s32 v2, v1  }
0x130: {  	v31 =	vadd.s32 v33, v31;
	v30 =	vsel vm13, $0x1, v35;
	v1 =	vadd.s32 v5, v1;
	v5 =	vld [tilespmem:$0x1FCB0]  }
0x131: {  	v29 =	vsel vm15, $0x1, v35;
	v33 =	vsel vm10, $0x1, v35;
	v30 =	vadd.s32 v30, v31  }
0x132: {  	v32 =	vadd.s32 v33, v32;
	v33 =	vsel vm11, $0x1, v35;
	v28 =	vadd.s32 v29, v30  }
0x133: {  	v14 =	vadd.s32 v26, v14;
	v2 =	vadd.s32 v33, v28  }
0x134: {  	v2 =	vadd.s32 v3, v2;
	v3 =	vadd.s32 v9, v14  }
0x135: {  	v3 =	vadd.s32 v5, v3;
	v5 =	vld [tilespmem:$0x1FCC0];
	_ =	sdelay $0x4  }
0x136: {  	v3 =	vadd.s32 v5, v3;
	v5 =	vld [tilespmem:$0x1FCD0];
	_ =	sdelay $0x1  }
0x137: {  	vm9 =	vlt.f32 v46, v23  }
0x138: {  	vm14 =	vlt.f32 v48, v23;
	v37 =	vsel vm9, $0x1, v35;
	v2 =	vadd.s32 v7, v2  }
0x139: {  	vm10 =	vlt.f32 v45, v23;
	v32 =	vadd.s32 v37, v32;
	v2 =	vadd.s32 v17, v2  }
0x13a: {  	v37 =	vsel vm10, $0x1, v35;
	v2 =	vadd.s32 v16, v2;
	v3 =	vadd.s32 v5, v3;
	v5 =	vld [tilespmem:$0x1FCE0]  }
0x13b: {  	v31 =	vsel vm14, $0x1, v35;
	v29 =	vadd.s32 v37, v32;
	v2 =	vadd.s32 v0, v2;
	v0 =	vld [tilespmem:$0x1FCF0]  }
0x13c: {  	v28 =	vadd.s32 v31, v29  }
0x13d: {  	v4 =	vadd.s32 v4, v28  }
0x13e: {  	v4 =	vadd.s32 v6, v4  }
0x13f: {  	v4 =	vadd.s32 v8, v4;
	v3 =	vadd.s32 v5, v3  }
0x140: {  	v1 =	vadd.s32 v18, v1;
	v4 =	vadd.s32 v39, v4;
	v3 =	vadd.s32 v0, v3;
	v0 =	vld [tilespmem:$0x1FD00]  }
0x141: {  	v1 =	vadd.s32 v15, v1;
	v4 =	vadd.s32 v63, v4  }
0x142: {  	v1 =	vadd.s32 v61, v1;
	v4 =	vadd.s32 v60, v4  }
0x143: {  	v1 =	vadd.s32 v58, v1;
	v4 =	vadd.s32 v13, v4  }
0x144: {  	vm0 =	vlt.f32 v54, v22;
	v1 =	vadd.s32 v57, v1;
	v4 =	vadd.s32 v11, v4  }
0x145: {  	v62 =	vsel vm0, $0x1, v35;
	v1 =	vadd.s32 v12, v1;
	v4 =	vadd.s32 v0, v4;
	v0 =	vld [tilespmem:$0x1FD10]  }
0x146: {  	v1 =	vadd.s32 v10, v1;
	v3 =	vadd.s32 v62, v3  }
0x147: {  	v1 =	vadd.s32 v19, v1;
	v3 =	vshll.u32 v3, $0x4  }
0x148: {  	v2 =	vadd.s32 v59, v2;
	v1 =	vshll.u32 v1, $0x4;
	v5 =	vor.u32 $0x7, v3  }
0x149: {  	vm5 =	vlt.f32 v54, v25;
	v2 =	vadd.s32 v27, v2;
	v6 =	vor.u32 $0x7, v1  }
0x14a: {  	v7 =	vsel vm5, $0x1, v35;
	v4 =	vshll.u32 v4, $0x4;
	v2 =	vadd.s32 v0, v2  }
0x14b: {  	v8 =	vor.u32 $0x7, v4;
	v2 =	vadd.s32 v7, v2  }
0x14c: {  	v2 =	vshll.u32 v2, $0x4  }
0x14d: {  	v5 =	vld.idx.msk [tilespmem:v5+s22+$0x0], $0xffff;
	v7 =	vor.u32 $0x7, v2  }
0x14e: {  	v6 =	vld.idx.msk [tilespmem:v6+s22+$0x0], $0xffff;
	_ =	sdelay $0x1  }
0x14f: {  	v8 =	vld.idx.msk [tilespmem:v8+s22+$0x0], $0xffff;
	_ =	sdelay $0x1  }
0x150: {  	vm11 =	vlt.f32 v5, v22;
	v5 =	vor.u32 $0x8, v3;
	v7 =	vld.idx.msk [tilespmem:v7+s22+$0x0], $0xffff  }
0x151: {  	v58 =	vor.u32 $0x8, v1;
	vm12 =	vlt.f32 v6, v24;
	v3 =	vsel vm11, v5, v3  }
0x152: {  	v1 =	vsel vm12, v58, v1;
	v5 =	vor.u32 $0x3, v3  }
0x153: {  	v6 =	vor.u32 $0x8, v4;
	vm13 =	vlt.f32 v8, v23;
	v8 =	vor.u32 $0x3, v1  }
0x154: {  	v4 =	vsel vm13, v6, v4  }
0x155: {  	v6 =	vor.u32 $0x3, v4;
	vm14 =	vlt.f32 v7, v25;
	v7 =	vor.u32 $0x8, v2  }
0x156: {  	v2 =	vsel vm14, v7, v2  }
0x157: {  	v5 =	vld.idx.msk [tilespmem:v5+s22+$0x0], $0xffff;
	v7 =	vor.u32 $0x3, v2  }
0x158: {  	v8 =	vld.idx.msk [tilespmem:v8+s22+$0x0], $0xffff;
	_ =	sdelay $0x1  }
0x159: {  	v6 =	vld.idx.msk [tilespmem:v6+s22+$0x0], $0xffff;
	_ =	sdelay $0x1  }
0x15a: {  	vm15 =	vlt.f32 v5, v22;
	v5 =	vor.u32 $0x4, v3;
	v7 =	vld.idx.msk [tilespmem:v7+s22+$0x0], $0xffff  }
0x15b: {  	v9 =	vor.u32 $0x4, v1;
	v3 =	vsel vm15, v5, v3;
	vm9 =	vlt.f32 v8, v24  }
0x15c: {  	v5 =	vor.u32 $0x1, v3;
	v1 =	vsel vm9, v9, v1  }
0x15d: {  	vm10 =	vlt.f32 v6, v23;
	v6 =	vor.u32 $0x4, v4;
	v8 =	vor.u32 $0x1, v1  }
0x15e: {  	v4 =	vsel vm10, v6, v4  }
0x15f: {  	v6 =	vor.u32 $0x1, v4;
	vm11 =	vlt.f32 v7, v25;
	v7 =	vor.u32 $0x4, v2  }
0x160: {  	v2 =	vsel vm11, v7, v2  }
0x161: {  	v5 =	vld.idx.msk [tilespmem:v5+s22+$0x0], $0xffff;
	v7 =	vor.u32 $0x1, v2  }
0x162: {  	v8 =	vld.idx.msk [tilespmem:v8+s22+$0x0], $0xffff;
	_ =	sdelay $0x1  }
0x163: {  	v6 =	vld.idx.msk [tilespmem:v6+s22+$0x0], $0xffff;
	_ =	sdelay $0x1  }
0x164: {  	vm12 =	vlt.f32 v5, v22;
	v5 =	vor.u32 $0x2, v3;
	v7 =	vld.idx.msk [tilespmem:v7+s22+$0x0], $0xffff  }
0x165: {  	v3 =	vsel vm12, v5, v3;
	v5 =	vor.u32 $0x2, v1;
	vm13 =	vlt.f32 v8, v24  }
0x166: {  	v1 =	vsel vm13, v5, v1  }
0x167: {  	v5 =	vor.u32 $0x2, v4;
	vm14 =	vlt.f32 v6, v23  }
0x168: {  	v4 =	vsel vm14, v5, v4  }
0x169: {  	v5 =	vor.u32 $0x2, v2;
	vm15 =	vlt.f32 v7, v25  }
0x16a: {  	v2 =	vsel vm15, v5, v2;
	v5 =	vld.idx.msk [tilespmem:v3+s22+$0x0], $0xffff  }
0x16b: {  	v6 =	vld.idx.msk [tilespmem:v1+s22+$0x0], $0xffff;
	_ =	sdelay $0x1  }
0x16c: {  	v7 =	vld.idx.msk [tilespmem:v4+s22+$0x0], $0xffff;
	_ =	sdelay $0x1  }
0x16d: {  	v8 =	vld.idx.msk [tilespmem:v2+s22+$0x0], $0xffff;
	vm9 =	vlt.f32 v5, v22  }
0x16e: {  	vm10 =	vlt.f32 v6, v24;
	v5 =	vsel vm9, $0x1, v35  }
0x16f: {  	v3 =	vadd.s32 v5, v3;
	v5 =	vsel vm10, $0x1, v35  }
0x170: {  	vm11 =	vlt.f32 v7, v23;
	v6 =	vmax.u32 v3, $0x1;
	v1 =	vadd.s32 v5, v1  }
0x171: {  	v5 =	vsel vm11, $0x1, v35;
	v6 =	vsub.s32 v6, v36;
	v7 =	vxor.u32 $0x80000000, v1  }
0x172: {  	v4 =	vadd.s32 v5, v4;
	v5 =	vmax.u32 v1, $0x1;
	vm12 =	vlt.f32 v8, v25;
	(xrf1) =	vsort.ascd.msk.u32 $0xffff, v7, v24  }
0x173: {  	v5 =	vsub.s32 v5, v36;
	v7 =	vsel vm12, $0x1, v35  }
0x174: {  	v2 =	vadd.s32 v7, v2  }
0x175: {  	v8 =	vxor.u32 $0x80000000, v3;
	v7 =	vld.idx.msk [tilespmem:v3+s22+$0x0], $0xffff;
	v59 =	vmax.u32 v2, $0x1  }
0x176: {  	(xrf1) =	vsort.ascd.msk.u32 $0xffff, v8, v22;
	v8 =	vsub.s32 v59, v36;
	v6 =	vld.idx.msk [tilespmem:v6+s22+$0x0], $0xffff  }
0x177: {  	v61 =	vld.idx.msk [tilespmem:v4+s22+$0x0], $0xffff  }
0x178: {  	v5 =	vld.idx.msk [tilespmem:v5+s22+$0x0], $0xffff  }
0x179: {  	v62 =	vmax.u32 v4, $0x1;
	v0 =	vxor.u32 $0x80000000, v4;
	v63 =	vld.idx.msk [tilespmem:v1+s22+$0x0], $0xffff  }
0x17a: {  	vm13 =	veq.s32 v3, $0x0;
	v10 =	vsub.s32 v62, v36;
	v60 =	vxor.u32 $0x80000000, v2;
	v16 =	vld.idx.msk [tilespmem:v2+s22+$0x0], $0xffff;
	[tilespmem:$0x1FDF0] =	vst v0  }
0x17b: {  	s8 =	simm.s32 $0x40;
	vm15 =	veq.s32 v1, $0x0;
	vm9 =	veq.s32 v4, $0x0;
	vm14 =	veq.s32 v2, $0x0;
	(xrf1) =	vsort.ascd.msk.u32 $0xffff, v60, v25;
	v8 =	vld.idx.msk [tilespmem:v8+s22+$0x0], $0xffff  }
0x17c: {  	v1 =	vsub.f32 v7, v22;
	v7 =	vor.u32 s8, v34;
	v6 =	vsel vm13, $0xFF61B1E6, v6  }
0x17d: {  	v0 =	vsub.f32 v61, v23;
	v2 =	vsub.f32 v22, v6;
	v5 =	vsel vm15, $0xFF61B1E6, v5  }
0x17e: {  	v4 =	vsub.f32 v63, v24;
	v32 =	vmul.f32 v1, v1;
	v5 =	vsub.f32 v24, v5  }
0x17f: {  	v17 =	vimm.f32 $0.0e+00;
	v6 =	vld.idx.msk [tilespmem:v10+s22+$0x0], $0xffff;
	[tilespmem:$0x1FE90] =	vst v0;
	v2 =	vmul.f32 v2, v2;
	v0 =	vsub.f32 v16, v25  }
0x180: {  	v4 =	vmul.f32 v4, v4;
	v5 =	vmul.f32 v5, v5;
	v8 =	vsel vm14, $0xFF61B1E6, v8;
	v33, v37, _ =	vpop (xrf1)  }
0x181: {  	[tilespmem:$0x1FE30] =	vst v0;
	v2 =	vmin.f32 v2, v32;
	v24 =	vxor.u32 $0x80000000, v33;
	v0 =	vsub.f32 v25, v8  }
0x182: {  	s11 =	simm.s32 $0x70;
	v2 =	vadd.f32 v2, v17;
	v22 =	vld.idx.msk [tilespmem:v7+s19+$0x0], $0xffff;
	v39 =	vperm.xlane v24, v20  }
0x183: {  	v9 =	vor.u32 s11, v34;
	v4 =	vmin.f32 v5, v4  }
0x184: {  	s10 =	simm.s32 $0x60;
	v62 =	vadd.f32 v4, v2;
	v2 =	vperm.xlane v37, v20;
	vm10 =	veq.s32 v39, v24  }
0x185: {  	v6 =	vsel vm9, $0xFF61B1E6, v6;
	v7 =	vor.u32 s10, v34;
	[tilespmem:$0x1FE40] =	vst v0;
	v0, v31, _ =	vpop (xrf1);
	vm0 =	vmand vm10, vm4  }
0x186: {  	v4 =	vmax.f32 v37, v2;
	v2 =	vmin.f32 v37, v2;
	[tilespmem:$0x1FE50] =	vst v0;
	v0 =	vsub.f32 v23, v6  }
0x187: {  	v28 =	vsel vm0, v4, v37;
	vm11 =	vlt.f32 v54, v22;
	v29 =	vsel vm0, v2, v37  }
0x188: {  	vm12 =	vlt.f32 v56, v22;
	vm13 =	vlt.f32 v53, v22;
	vm14 =	vlt.f32 v55, v22  }
0x189: {  	s9 =	simm.s32 $0x50;
	v5, v33, _ =	vpop (xrf1);
	vm15 =	vlt.f32 v51, v22;
	vm9 =	vlt.f32 v52, v22;
	vm10 =	vlt.f32 v49, v22  }
0x18a: {  	v59 =	vxor.u32 $0x80000000, v5;
	v5 =	vor.u32 s9, v34;
	v37 =	vsel vm13, $0x1, v35  }
0x18b: {  	v57 =	vsel vm14, $0x1, v35;
	v30 =	vsel vm15, $0x1, v35;
	[tilespmem:$0x1FE80] =	vst v0;
	v0 =	vsel vm11, $0x1, v35  }
0x18c: {  	v19 =	vsel vm9, $0x1, v35;
	v12 =	vsel vm10, $0x1, v35;
	[tilespmem:$0x1FE70] =	vst v0;
	v0 =	vsel vm12, $0x1, v35  }
0x18d: {  	vm13 =	vlt.f32 v48, v22;
	vm14 =	vlt.f32 v45, v22;
	vm11 =	vlt.f32 v50, v22;
	[tilespmem:$0x1FE60] =	vst v0  }
0x18e: {  	vm15 =	vlt.f32 v46, v22;
	vm12 =	vlt.f32 v47, v22;
	v15 =	vsel vm11, $0x1, v35;
	v58 =	vld.idx.msk [tilespmem:v7+s19+$0x0], $0xffff  }
0x18f: {  	vm11 =	vlt.f32 v21, v22;
	v16 =	vsel vm12, $0x1, v35;
	vm12 =	vlt.f32 v41, v22;
	v25 =	vld.idx.msk [tilespmem:v9+s19+$0x0], $0xffff  }
0x190: {  	vm10 =	vlt.f32 v44, v22;
	v4 =	vsel vm11, $0x1, v35;
	v3 =	vsel vm12, $0x1, v35  }
0x191: {  	vm9 =	vlt.f32 v43, v22;
	v60 =	vld.idx.msk [tilespmem:v5+s19+$0x0], $0xffff;
	v5 =	vsel vm10, $0x1, v35;
	v3 =	vadd.s32 v3, v4  }
0x192: {  	v17 =	vsel vm13, $0x1, v35;
	v6 =	vsel vm9, $0x1, v35;
	v3 =	vadd.s32 v5, v3  }
0x193: {  	v18 =	vsel vm14, $0x1, v35;
	v39 =	vsel vm15, $0x1, v35;
	v3 =	vadd.s32 v6, v3  }
0x194: {  	v3 =	vadd.s32 v39, v3;
	vm14 =	vlt.f32 v54, v58;
	vm9 =	vlt.f32 v54, v25  }
0x195: {  	vm10 =	vlt.f32 v56, v58;
	vm12 =	vlt.f32 v56, v25;
	vm1 =	vlt.f32 v51, v58  }
0x196: {  	v3 =	vadd.s32 v18, v3;
	vm2 =	vlt.f32 v50, v25;
	vm13 =	vlt.f32 v54, v60  }
0x197: {  	vm15 =	vlt.f32 v56, v60;
	v32 =	vsel vm14, $0x1, v35;
	v63 =	vsel vm9, $0x1, v35  }
0x198: {  	vm11 =	vlt.f32 v53, v60;
	v27 =	vsel vm10, $0x1, v35;
	v26 =	vsel vm12, $0x1, v35  }
0x199: {  	vm14 =	vlt.f32 v55, v60;
	vm9 =	vlt.f32 v55, v58;
	vm10 =	vlt.f32 v51, v60  }
0x19a: {  	vm12 =	vlt.f32 v55, v25;
	v3 =	vadd.s32 v17, v3;
	v61 =	vsel vm13, $0x1, v35  }
0x19b: {  	v0 =	vsel vm15, $0x1, v35;
	v10 =	vsel vm11, $0x1, v35;
	vm13 =	vlt.f32 v53, v58  }
0x19c: {  	v14 =	vsel vm14, $0x1, v35;
	vm15 =	vlt.f32 v53, v25;
	v8 =	vsel vm10, $0x1, v35  }
0x19d: {  	vm11 =	vlt.f32 v21, v60;
	v9 =	vsel vm9, $0x1, v35;
	vm14 =	vlt.f32 v21, v58  }
0x19e: {  	vm9 =	vlt.f32 v44, v60;
	vm10 =	vlt.f32 v21, v25;
	v7 =	vsel vm12, $0x1, v35  }
0x19f: {  	vm12 =	vlt.f32 v44, v58;
	v3 =	vadd.s32 v16, v3;
	v11 =	vsel vm13, $0x1, v35  }
0x1a0: {  	v13 =	vsel vm15, $0x1, v35;
	v2 =	vsel vm11, $0x1, v35;
	vm13 =	vlt.f32 v41, v60  }
0x1a1: {  	v4 =	vsel vm14, $0x1, v35;
	vm15 =	vlt.f32 v41, v58;
	vm11 =	vlt.f32 v41, v25  }
0x1a2: {  	vm14 =	vlt.f32 v43, v60;
	v3 =	vadd.s32 v15, v3;
	v1 =	vsel vm13, $0x1, v35  }
0x1a3: {  	v5 =	vsel vm15, $0x1, v35;
	v6 =	vsel vm11, $0x1, v35;
	vm13 =	vlt.f32 v44, v25  }
0x1a4: {  	vm15 =	vlt.f32 v43, v58;
	vm11 =	vlt.f32 v46, v60;
	v3 =	vadd.s32 v12, v3  }
0x1a5: {  	[tilespmem:$0x1FD20] =	vst v54;
	v1 =	vadd.s32 v1, v2;
	v2 =	vsel vm9, $0x1, v35;
	v4 =	vadd.s32 v5, v4  }
0x1a6: {  	[tilespmem:$0x1FD50] =	vst v55;
	v5 =	vsel vm10, $0x1, v35;
	v54 =	vsel vm13, $0x1, v35;
	v55 =	vsel vm15, $0x1, v35  }
0x1a7: {  	vm9 =	vlt.f32 v43, v25;
	vm10 =	vlt.f32 v52, v60;
	vm13 =	vlt.f32 v51, v25  }
0x1a8: {  	vm15 =	vlt.f32 v46, v25;
	v3 =	vadd.s32 v19, v3;
	v1 =	vadd.s32 v2, v1  }
0x1a9: {  	v5 =	vadd.s32 v6, v5;
	v6 =	vsel vm12, $0x1, v35;
	v39 =	vsel vm10, $0x1, v35  }
0x1aa: {  	[tilespmem:$0x1FD30] =	vst v56;
	vm12 =	vlt.f32 v46, v58;
	v56 =	vsel vm15, $0x1, v35;
	vm10 =	vlt.f32 v45, v25  }
0x1ab: {  	vm15 =	vlt.f32 v52, v25;
	v2 =	vperm.xlane v59, v20;
	v3 =	vadd.s32 v30, v3  }
0x1ac: {  	v4 =	vadd.s32 v6, v4;
	v6 =	vsel vm14, $0x1, v35;
	v5 =	vadd.s32 v54, v5  }
0x1ad: {  	[tilespmem:$0x1FD90] =	vst v43;
	v18 =	vsel vm12, $0x1, v35;
	vm14 =	vlt.f32 v45, v60;
	v43 =	vsel vm10, $0x1, v35  }
0x1ae: {  	[tilespmem:$0x1FD40] =	vst v53;
	vm12 =	vlt.f32 v48, v58;
	vm10 =	vlt.f32 v47, v58;
	v53 =	vsel vm15, $0x1, v35  }
0x1af: {  	vm15 =	vlt.f32 v50, v58;
	v3 =	vadd.s32 v57, v3;
	v1 =	vadd.s32 v6, v1  }
0x1b0: {  	v6 =	vsel vm9, $0x1, v35;
	v4 =	vadd.s32 v55, v4;
	vm9 =	vlt.f32 v45, v58  }
0x1b1: {  	[tilespmem:$0x1FDC0] =	vst v45;
	v45 =	vsel vm12, $0x1, v35;
	vm12 =	vlt.f32 v50, v60;
	v19 =	vsel vm15, $0x1, v35  }
0x1b2: {  	v3 =	vadd.s32 v37, v3;
	v37 =	vperm.xlane v29, v38;
	v5 =	vadd.s32 v6, v5  }
0x1b3: {  	[tilespmem:$0x1FD60] =	vst v21;
	v6 =	vsel vm11, $0x1, v35;
	v4 =	vadd.s32 v18, v4;
	v18 =	vsel vm14, $0x1, v35  }
0x1b4: {  	[tilespmem:$0x1FD70] =	vst v41;
	v41 =	vsel vm9, $0x1, v35;
	vm11 =	vlt.f32 v48, v60;
	vm14 =	vlt.f32 v48, v25  }
0x1b5: {  	[tilespmem:$0x1FD80] =	vst v44;
	vm9 =	vlt.f32 v47, v60;
	v54 =	vsel vm12, $0x1, v35;
	v1 =	vadd.s32 v6, v1  }
0x1b6: {  	[tilespmem:$0x1FDA0] =	vst v51;
	v21 =	vld [tilespmem:$0x1FDF0];
	v6 =	vsel vm1, $0x1, v35;
	vm1 =	vlt.f32 v52, v58;
	v5 =	vadd.s32 v56, v5  }
0x1b7: {  	[tilespmem:$0x1FDD0] =	vst v48;
	v4 =	vadd.s32 v41, v4;
	v44 =	vsel vm11, $0x1, v35;
	v48 =	vsel vm14, $0x1, v35  }
0x1b8: {  	[tilespmem:$0x1FDE0] =	vst v52;
	v51 =	vsel vm9, $0x1, v35;
	v52 =	vsel vm10, $0x1, v35;
	vm11 =	vlt.f32 v49, v58  }
0x1b9: {  	vm14 =	vlt.f32 v49, v25;
	vm9 =	veq.s32 v2, v59;
	v2 =	vsel vm2, $0x1, v35  }
0x1ba: {  	v1 =	vadd.s32 v18, v1;
	v18 =	vsel vm13, $0x1, v35;
	v5 =	vadd.s32 v43, v5  }
0x1bb: {  	(xrf1) =	vsort.ascd.msk.u32 $0xffff, v21, v23;
	vm13 =	vlt.f32 v49, v60;
	v4 =	vadd.s32 v45, v4;
	v23 =	vsel vm1, $0x1, v35  }
0x1bc: {  	v56 =	vsel vm11, $0x1, v35;
	v41 =	vsel vm14, $0x1, v35;
	vm0 =	vmand vm9, vm4  }
0x1bd: {  	[tilespmem:$0x1FDB0] =	vst v46;
	v1 =	vadd.s32 v44, v1;
	v46 =	vsel vm13, $0x1, v35;
	v5 =	vadd.s32 v48, v5  }
0x1be: {  	v4 =	vadd.s32 v52, v4;
	vm13 =	vlt.f32 v47, v25;
	v44 =	vperm.xlane v33, v20  }
0x1bf: {  	[tilespmem:$0x1FE00] =	vst v47;
	v43 =	vld [tilespmem:$0x1FE50];
	v47 =	vperm.xlane v31, v20;
	v1 =	vadd.s32 v51, v1;
	v55 =	vsel vm13, $0x1, v35  }
0x1c0: {  	v4 =	vadd.s32 v19, v4;
	v19 =	vperm.xlane v28, v38;
	v1 =	vadd.s32 v54, v1  }
0x1c1: {  	v5 =	vadd.s32 v55, v5;
	v4 =	vadd.s32 v56, v4;
	v51 =	vmax.f32 v33, v44  }
0x1c2: {  	v56 =	vperm.xlane v24, v38;
	v2 =	vadd.s32 v2, v5;
	v1 =	vadd.s32 v46, v1  }
0x1c3: {  	v4 =	vadd.s32 v23, v4;
	v16 =	vsel vm0, v51, v33;
	v2 =	vadd.s32 v41, v2  }
0x1c4: {  	v1 =	vadd.s32 v39, v1;
	v4 =	vadd.s32 v6, v4;
	v23 =	vxor.u32 $0x80000000, v43  }
0x1c5: {  	vm9 =	veq.s32 v56, v24;
	v41 =	vmax.f32 v28, v19;
	v19 =	vperm.xlane v16, v38  }
0x1c6: {  	v5 =	vld [tilespmem:$0x1FE30];
	v1 =	vadd.s32 v8, v1;
	v2 =	vadd.s32 v53, v2;
	v4 =	vadd.s32 v9, v4  }
0x1c7: {  	v9 =	vperm.xlane v23, v20;
	v51 =	vperm.xlane v23, v40;
	v2 =	vadd.s32 v18, v2  }
0x1c8: {  	v1 =	vadd.s32 v14, v1;
	v4 =	vadd.s32 v11, v4;
	v11 =	vmin.f32 v31, v47  }
0x1c9: {  	v18 =	vperm.xlane v59, v38;
	v19 =	vmax.f32 v16, v19;
	v2 =	vadd.s32 v7, v2  }
0x1ca: {  	v1 =	vadd.s32 v10, v1;
	v4 =	vadd.s32 v27, v4;
	v10 =	vmin.f32 v33, v44  }
0x1cb: {  	v8 =	vld [tilespmem:$0x1FE40];
	vm11 =	veq.s32 v9, v23;
	v5 =	vmul.f32 v5, v5;
	v2 =	vadd.s32 v13, v2  }
0x1cc: {  	v1 =	vadd.s32 v0, v1;
	v4 =	vadd.s32 v32, v4;
	v6, v7, _ =	vpop (xrf1);
	v2 =	vadd.s32 v26, v2  }
0x1cd: {  	v1 =	vadd.s32 v61, v1;
	v4 =	vshll.u32 v4, $0x4;
	v30 =	vxor.u32 $0x80000000, v6;
	v6 =	vld [tilespmem:$0x1FE60]  }
0x1ce: {  	[tilespmem:$0x1FE10] =	vst v49;
	v45 =	vld [tilespmem:$0x1FE70];
	v2 =	vadd.s32 v63, v2;
	v49 =	vshll.u32 v1, $0x4;
	v52 =	vor.u32 $0x7, v4  }
0x1cf: {  	[tilespmem:$0x1FE20] =	vst v50;
	v10 =	vsel vm0, v10, v33;
	v2 =	vshll.u32 v2, $0x4;
	v50 =	vor.u32 $0x7, v49  }
0x1d0: {  	v0 =	vld [tilespmem:$0x1FE80];
	v8 =	vmul.f32 v8, v8;
	v46 =	vperm.xlane v7, v20;
	v1 =	vor.u32 $0x7, v2  }
0x1d1: {  	v33 =	vor.u32 $0x8, v4;
	v63 =	vor.u32 $0x8, v49;
	v27 =	vperm.xlane v30, v38  }
0x1d2: {  	v12 =	vmin.f32 v7, v46;
	v5 =	vmin.f32 v8, v5;
	v3 =	vadd.s32 v6, v3  }
0x1d3: {  	v8 =	vmax.f32 v31, v47;
	v6 =	vperm.xlane v30, v20;
	v55 =	vld.idx.msk [tilespmem:v52+s22+$0x0], $0xffff;
	v3 =	vadd.s32 v45, v3  }
0x1d4: {  	v61 =	vor.u32 $0x8, v2;
	v54 =	vld.idx.msk [tilespmem:v50+s22+$0x0], $0xffff;
	v50 =	vperm.xlane v24, v40;
	v3 =	vshll.u32 v3, $0x4  }
0x1d5: {  	vm10 =	veq.s32 v6, v30;
	v6 =	vmax.f32 v7, v46;
	v53 =	vld.idx.msk [tilespmem:v1+s22+$0x0], $0xffff;
	v1 =	vmul.f32 v0, v0  }
0x1d6: {  	v48 =	vor.u32 $0x7, v3;
	vm0 =	vmand vm10, vm4;
	v57 =	vor.u32 $0x8, v3  }
0x1d7: {  	vm10 =	veq.s32 v18, v59;
	v18 =	vperm.xlane v10, v38;
	v6 =	vsel vm0, v6, v7  }
0x1d8: {  	v7 =	vsel vm0, v12, v7;
	vm0 =	vmand vm11, vm4;
	vm11 =	veq.s32 v27, v30  }
0x1d9: {  	v8 =	vsel vm0, v8, v31;
	v11 =	vsel vm0, v11, v31;
	vm15 =	vlt.f32 v55, v58  }
0x1da: {  	vm0 =	vmand vm9, vm6;
	v18 =	vmin.f32 v10, v18;
	v31 =	vperm.xlane v30, v40  }
0x1db: {  	vm14 =	vlt.f32 v54, v60;
	v4 =	vsel vm15, v33, v4;
	v12 =	vsel vm0, v41, v28;
	v13 =	vld.idx.msk [tilespmem:v48+s22+$0x0], $0xffff  }
0x1dc: {  	v28 =	vperm.xlane v6, v38;
	v33 =	vperm.xlane v30, v42;
	v32 =	vsel vm14, v63, v49  }
0x1dd: {  	vm13 =	vlt.f32 v53, v25;
	v26 =	vor.u32 $0x3, v4;
	v44 =	vor.u32 $0x3, v32  }
0x1de: {  	v63 =	vperm.xlane v59, v42;
	v2 =	vsel vm13, v61, v2;
	v27 =	vmax.f32 v6, v28  }
0x1df: {  	v28 =	vperm.xlane v23, v38;
	v47 =	vor.u32 $0x4, v32;
	v48 =	vperm.xlane v8, v38  }
0x1e0: {  	v0 =	vld [tilespmem:$0x1FE90];
	v43 =	vor.u32 $0x3, v2;
	v46 =	vor.u32 $0x4, v2;
	vm12 =	vlt.f32 v13, v22  }
0x1e1: {  	vm9 =	veq.s32 v28, v23;
	v13 =	vmin.f32 v29, v37;
	v3 =	vsel vm12, v57, v3  }
0x1e2: {  	v28 =	vperm.xlane v59, v40;
	v17 =	vld.idx.msk [tilespmem:v44+s22+$0x0], $0xffff;
	v13 =	vsel vm0, v13, v29;
	v39 =	vor.u32 $0x3, v3  }
0x1e3: {  	v26 =	vld.idx.msk [tilespmem:v26+s22+$0x0], $0xffff;
	vm0 =	vmand vm10, vm6;
	v29 =	vperm.xlane v12, v40;
	vm10 =	veq.s32 v50, v24  }
0x1e4: {  	v16 =	vsel vm0, v19, v16;
	v10 =	vsel vm0, v18, v10;
	v18 =	vperm.xlane v7, v38  }
0x1e5: {  	v19 =	vmul.f32 v0, v0;
	vm0 =	vmand vm11, vm6;
	v45 =	vor.u32 $0x4, v3  }
0x1e6: {  	v15 =	vld.idx.msk [tilespmem:v43+s22+$0x0], $0xffff;
	v52 =	vperm.xlane v13, v40;
	v6 =	vsel vm0, v27, v6;
	v53 =	vperm.xlane v16, v40  }
0x1e7: {  	v29 =	vmax.f32 v12, v29;
	v18 =	vmin.f32 v7, v18;
	vm14 =	vlt.f32 v17, v60;
	v14 =	vld.idx.msk [tilespmem:v39+s22+$0x0], $0xffff  }
0x1e8: {  	vm15 =	vlt.f32 v26, v58;
	v26 =	vor.u32 $0x4, v4;
	v9 =	vsel vm14, v47, v32  }
0x1e9: {  	v1 =	vmin.f32 v1, v19;
	v4 =	vsel vm15, v26, v4;
	v26 =	vor.u32 $0x1, v9  }
0x1ea: {  	v7 =	vsel vm0, v18, v7;
	v17 =	vmax.f32 v8, v48;
	vm0 =	vmand vm9, vm6  }
0x1eb: {  	vm15 =	veq.s32 v28, v59;
	vm13 =	vlt.f32 v15, v25;
	v27 =	vor.u32 $0x1, v4  }
0x1ec: {  	vm9 =	veq.s32 v31, v30;
	vm12 =	vlt.f32 v14, v22;
	v14 =	vsel vm13, v46, v2  }
0x1ed: {  	v8 =	vsel vm0, v17, v8;
	v3 =	vsel vm12, v45, v3;
	v49 =	vor.u32 $0x1, v14  }
0x1ee: {  	v32 =	vmin.f32 v13, v52;
	v55 =	vperm.xlane v8, v40;
	v26 =	vld.idx.msk [tilespmem:v26+s22+$0x0], $0xffff;
	v18 =	vor.u32 $0x1, v3  }
0x1ef: {  	v56 =	vperm.xlane v7, v40;
	v2 =	vadd.f32 v5, v62;
	v5 =	vperm.xlane v11, v38  }
0x1f0: {  	v17 =	vmax.f32 v16, v53;
	v27 =	vld.idx.msk [tilespmem:v27+s22+$0x0], $0xffff;
	v62 =	vmax.f32 v8, v55;
	v54 =	vor.u32 $0x2, v14  }
0x1f1: {  	v45 =	vperm.xlane v23, v42;
	v5 =	vmin.f32 v11, v5;
	v1 =	vadd.f32 v1, v2  }
0x1f2: {  	v5 =	vsel vm0, v5, v11;
	vm0 =	vmand vm10, vm7;
	vm10 =	veq.s32 v51, v23;
	v15 =	vld.idx.msk [tilespmem:v49+s22+$0x0], $0xffff  }
0x1f3: {  	v12 =	vsel vm0, v29, v12;
	vm13 =	vlt.f32 v26, v60;
	v26 =	vor.u32 $0x2, v9;
	v18 =	vld.idx.msk [tilespmem:v18+s22+$0x0], $0xffff  }
0x1f4: {  	v29 =	vperm.xlane v10, v40;
	v13 =	vsel vm0, v32, v13;
	v9 =	vsel vm13, v26, v9  }
0x1f5: {  	vm14 =	vlt.f32 v27, v58;
	v27 =	vperm.xlane v5, v40;
	vm0 =	vmand vm15, vm7  }
0x1f6: {  	v16 =	vsel vm0, v17, v16;
	v19 =	vperm.xlane v12, v42;
	v26 =	vor.u32 $0x2, v4  }
0x1f7: {  	v37 =	vperm.xlane v13, v42;
	v4 =	vsel vm14, v26, v4;
	vm12 =	vlt.f32 v15, v25  }
0x1f8: {  	vm11 =	vlt.f32 v18, v22;
	v18 =	vor.u32 $0x2, v3;
	v14 =	vsel vm12, v54, v14  }
0x1f9: {  	v26 =	vmin.f32 v10, v29;
	v61 =	vld.idx.msk [tilespmem:v9+s22+$0x0], $0xffff;
	v3 =	vsel vm11, v18, v3;
	v18 =	vperm.xlane v6, v40  }
0x1fa: {  	v19 =	vmax.f32 v12, v19;
	v11 =	vmin.f32 v13, v37;
	v10 =	vsel vm0, v26, v10  }
0x1fb: {  	vm0 =	vmand vm9, vm7;
	v15 =	vmin.f32 v7, v56;
	v18 =	vmax.f32 v6, v18  }
0x1fc: {  	v7 =	vsel vm0, v15, v7;
	v6 =	vsel vm0, v18, v6;
	v18 =	vmin.f32 v5, v27;
	v27 =	vld.idx.msk [tilespmem:v4+s22+$0x0], $0xffff  }
0x1fd: {  	vm9 =	veq.s32 v63, v59;
	v29 =	vperm.xlane v10, v42;
	v40 =	vperm.xlane v7, v42;
	v26 =	vld.idx.msk [tilespmem:v14+s22+$0x0], $0xffff  }
0x1fe: {  	vm0 =	vmand vm10, vm7;
	vm13 =	vlt.f32 v61, v60;
	vm10 =	veq.s32 v33, v30;
	v57 =	vld.idx.msk [tilespmem:v3+s22+$0x0], $0xffff  }
0x1ff: {  	v32 =	vsel vm0, v18, v5;
	v5 =	vperm.xlane v24, v42;
	v28 =	vsel vm13, $0x1, v35  }
0x200: {  	v8 =	vsel vm0, v62, v8;
	v39 =	vperm.xlane v6, v42;
	v9 =	vadd.s32 v28, v9  }
0x201: {  	v49 =	vperm.xlane v32, v42;
	vm15 =	veq.s32 v5, v24;
	v5 =	vperm.xlane v16, v42  }
0x202: {  	v28 =	vxor.u32 $0x80000000, v9;
	v15 =	vmax.f32 v6, v39;
	vm0 =	vmand vm15, vm8  }
0x203: {  	vm14 =	vlt.f32 v27, v58;
	vm12 =	vlt.f32 v26, v25;
	vm11 =	vlt.f32 v57, v22  }
0x204: {  	v27 =	vsel vm14, $0x1, v35;
	v26 =	vsel vm12, $0x1, v35;
	v18 =	vsel vm11, $0x1, v35  }
0x205: {  	v14 =	vadd.s32 v26, v14;
	v26 =	vmax.u32 v9, $0x1;
	v3 =	vadd.s32 v18, v3  }
0x206: {  	v4 =	vadd.s32 v27, v4;
	v26 =	vsub.s32 v26, v36;
	v18 =	vmax.u32 v3, $0x1  }
0x207: {  	s12 =	simm.s32 $0x1020;
	(xrf1) =	vsort.ascd.msk.u32 $0xffff, v28, v60;
	v28 =	vmin.f32 v10, v29;
	v27 =	vmax.u32 v4, $0x1;
	v18 =	vsub.s32 v18, v36  }
0x208: {  	[tilespmem:s12+$0x10] =	vst v30;
	vm15 =	veq.s32 v45, v23;
	v27 =	vsub.s32 v27, v36;
	v31 =	vxor.u32 $0x80000000, v3  }
0x209: {  	v12 =	vsel vm0, v19, v12;
	vm12 =	veq.s32 v9, $0x0;
	v38 =	vxor.u32 $0x80000000, v4;
	v9 =	vld.idx.msk [tilespmem:v9+s22+$0x0], $0xffff;
	(xrf1) =	vsort.ascd.msk.u32 $0xffff, v31, v22  }
0x20a: {  	v19 =	vmax.u32 v14, $0x1;
	v41 =	vxor.u32 $0x80000000, v14;
	vm11 =	veq.s32 v3, $0x0;
	(xrf1) =	vsort.ascd.msk.u32 $0xffff, v38, v58;
	v3 =	vld.idx.msk [tilespmem:v3+s22+$0x0], $0xffff  }
0x20b: {  	v30 =	vmin.f32 v32, v49;
	v19 =	vsub.s32 v19, v36;
	(xrf1) =	vsort.ascd.msk.u32 $0xffff, v41, v25;
	v26 =	vld.idx.msk [tilespmem:v26+s22+$0x0], $0xffff  }
0x20c: {  	v11 =	vsel vm0, v11, v13;
	v5 =	vmax.f32 v16, v5;
	vm0 =	vmand vm9, vm8;
	v18 =	vld.idx.msk [tilespmem:v18+s22+$0x0], $0xffff  }
0x20d: {  	v13 =	vmin.f32 v7, v40;
	vm5 =	vmand vm15, vm8;
	v5 =	vsel vm0, v5, v16;
	v43 =	vld.idx.msk [tilespmem:v27+s22+$0x0], $0xffff  }
0x20e: {  	[tilespmem:s12+$0xFFFFFFF0] =	vst v24;
	v10 =	vsel vm0, v28, v10;
	vm0 =	vmand vm10, vm8;
	vm13 =	veq.s32 v4, $0x0;
	v4 =	vld.idx.msk [tilespmem:v4+s22+$0x0], $0xffff  }
0x20f: {  	v6 =	vsel vm0, v15, v6;
	v7 =	vsel vm0, v13, v7;
	v47 =	vld.idx.msk [tilespmem:v14+s22+$0x0], $0xffff;
	v3 =	vsub.f32 v3, v22  }
0x210: {  	[tilespmem:s12+$0x0] =	vst v59;
	vm14 =	veq.s32 v14, $0x0;
	v9 =	vsub.f32 v9, v60;
	v44 =	vld.idx.msk [tilespmem:v19+s22+$0x0], $0xffff;
	v46 =	vsel vm12, $0xFF61B1E6, v26  }
0x211: {  	s8 =	simm.s32 $0x1CA0;
	[tilespmem:s12+$0xFFFFFFE0] =	vst v23;
	v50 =	vsub.f32 v60, v46;
	v2 =	vsel vm11, $0xFF61B1E6, v18;
	v3 =	vmul.f32 v3, v3  }
0x212: {  	[tilespmem:s8+$0x0] =	vst v5;
	v5 =	vmul.f32 v9, v9;
	v16 =	vsel vm13, $0xFF61B1E6, v43;
	v2 =	vsub.f32 v22, v2  }
0x213: {  	[tilespmem:s8+$0xFFFFFFF0] =	vst v12;
	v4 =	vsub.f32 v4, v58;
	v52 =	vsub.f32 v58, v16;
	v51 =	vmul.f32 v50, v50  }
0x214: {  	s1 =	simm.s32 $0x2920;
	[tilespmem:s8+$0x10] =	vst v6;
	v54 =	vsub.f32 v47, v25;
	v18 =	vperm.xlane v8, v42;
	v2 =	vmul.f32 v2, v2  }
0x215: {  	[tilespmem:s1+$0x10] =	vst v7;
	v17 =	vsel vm14, $0xFF61B1E6, v44;
	v7 =	vmul.f32 v52, v52;
	v5 =	vmin.f32 v51, v5  }
0x216: {  	[tilespmem:s1+$0xFFFFFFF0] =	vst v11;
	v55 =	vsub.f32 v25, v17;
	v48 =	vmax.f32 v8, v18;
	v2 =	vmin.f32 v2, v3;
	v53, v3, _ =	vpop (xrf1)  }
0x217: {  	[tilespmem:s1+$0x0] =	vst v10;
	v8 =	vsel vm5, v48, v8;
	v1 =	vadd.f32 v2, v1;
	v2 =	vmul.f32 v4, v4;
	v6, v26, _ =	vpop (xrf1)  }
0x218: {  	s9 =	simm.s32 $0x1060;
	v58 =	vmul.f32 v54, v54;
	[tilespmem:s8+$0xFFFFFFE0] =	vst v8;
	v8 =	vmul.f32 v55, v55;
	v60 =	vxor.u32 $0x80000000, v53;
	v57, v4, _ =	vpop (xrf1)  }
0x219: {  	[tilespmem:s9+$0xFFFFFFF0] =	vst v60;
	v1 =	vadd.f32 v5, v1;
	v59 =	vxor.u32 $0x80000000, v57;
	v2 =	vmin.f32 v7, v2;
	v7, v5, _ =	vpop (xrf1)  }
0x21a: {  	v41 =	vxor.u32 $0x80000000, v6;
	[tilespmem:s9+$0x0] =	vst v59;
	v61 =	vxor.u32 $0x80000000, v7;
	v7 =	vperm.xlane v60, v20  }
0x21b: {  	s11 =	simm.s32 $0x80;
	s10 =	simm.s32 $0x4;
	v6 =	vperm.xlane v59, v20;
	v1 =	vadd.f32 v2, v1;
	v2 =	vmin.f32 v8, v58;
	[tilespmem:s9+$0x10] =	vst v61  }
.LBB2_2:
0x21c: {  	v0 =	vimm.s32 $0x0;
	v8 =	vor.u32 s11, v34  }
0x21d: {  	v9 =	vperm.xlane v61, v20;
	v0 =	vsel vm5, $0xFFFFFFFF, v0  }
0x21e: {  	v10 =	vperm.xlane v26, v20;
	[tilespmem:$0x1FC70] =	vst v0;
	v0 =	vadd.f32 v2, v1;
	v1 =	vperm.xlane v41, v20  }
0x21f: {  	s12 =	sadd.s32 $0x10, s11;
	v43 =	vimm.s32 $0x0;
	v44 =	vimm.s32 $0x0;
	v46 =	vimm.s32 $0x0  }
0x220: {  	[tilespmem:s9+$0xFFFFFFE0] =	vst v41;
	v47 =	vimm.s32 $0x0;
	vm2 =	veq.s32 v1, v41;
	v1 =	vor.u32 s12, v34;
	s12 =	sadd.s32 $0x20, s11  }
0x221: {  	v49 =	vimm.s32 $0x0;
	v50 =	vimm.s32 $0x0;
	v23 =	vld.idx.msk [tilespmem:v8+s19+$0x0], $0xffff;
	v8 =	vor.u32 s12, v34;
	s12 =	sadd.s32 $0x30, s11  }
0x222: {  	v52 =	vimm.s32 $0x0;
	v53 =	vimm.s32 $0x0;
	v34 =	vor.u32 s12, v34  }
0x223: {  	v36 =	vld [tilespmem:$0x1FD40];
	vm0 =	veq.s32 v7, v60;
	v7 =	vperm.xlane v4, v20;
	vm1 =	veq.s32 v6, v59  }
0x224: {  	v37 =	vld [tilespmem:$0x1FD20];
	v6 =	vperm.xlane v5, v20;
	[tilespmem:$0x1FCA0] =	vst v0;
	v0 =	vimm.s32 $0x0;
	vm2 =	vmand vm2, vm4  }
0x225: {  	v15 =	vld [tilespmem:$0x1FD30];
	v2 =	vperm.xlane v3, v20;
	vm3 =	veq.s32 v9, v61;
	v0 =	vsel vm2, $0xFFFFFFFF, v0  }
0x226: {  	vm0 =	vmand vm0, vm4;
	v12 =	vmax.f32 v4, v7;
	[tilespmem:$0x1FBE0] =	vst v0;
	v0 =	vmax.f32 v26, v10;
	v24 =	vld.idx.msk [tilespmem:v8+s19+$0x0], $0xffff  }
0x227: {  	vm1 =	vmand vm1, vm4;
	v11 =	vmax.f32 v3, v2;
	[tilespmem:$0x1FBF0] =	vst v0;
	v0 =	vmin.f32 v26, v10;
	v22 =	vld.idx.msk [tilespmem:v34+s19+$0x0], $0xffff  }
0x228: {  	vm14 =	vmand vm3, vm4;
	v2 =	vmin.f32 v3, v2;
	[tilespmem:$0x1FC00] =	vst v0;
	v25 =	vld.idx.msk [tilespmem:v1+s19+$0x0], $0xffff;
	v0 =	vsel vm0, v11, v3  }
0x229: {  	v7 =	vmin.f32 v4, v7;
	v13 =	vmax.f32 v5, v6;
	[tilespmem:$0x1FC10] =	vst v0;
	v0 =	vsel vm0, v2, v3  }
0x22a: {  	vm9 =	vlt.f32 v36, v23;
	vm10 =	vlt.f32 v37, v23;
	[tilespmem:$0x1FC20] =	vst v0;
	v0 =	vsel vm1, v12, v4  }
0x22b: {  	v16 =	vsel vm10, $0x1, v35;
	v45 =	vsel vm9, $0x1, v35;
	[tilespmem:$0x1FC30] =	vst v0;
	vm10 =	vlt.f32 v37, v24  }
0x22c: {  	v0 =	vsel vm1, v7, v4;
	[tilespmem:$0x1FBD0] =	vst v16;
	v16 =	vsel vm10, $0xFFFFFFFF, v43;
	vm10 =	vlt.f32 v37, v22  }
0x22d: {  	v38 =	vld [tilespmem:$0x1FDE0];
	[tilespmem:$0x1FC40] =	vst v0;
	v0 =	vsel vm14, v13, v5;
	vm9 =	vlt.f32 v15, v25;
	v13 =	vsel vm10, $0xFFFFFFFF, v44  }
0x22e: {  	v14 =	vld [tilespmem:$0x1FD50];
	v54 =	vimm.s32 $0x0;
	[tilespmem:$0x1F980] =	vst v13;
	v13 =	vsel vm9, $0xFFFFFFFF, v46;
	vm9 =	vlt.f32 v15, v24  }
0x22f: {  	v55 =	vimm.s32 $0x0;
	[tilespmem:$0x1F960] =	vst v13;
	v13 =	vsel vm9, $0xFFFFFFFF, v47;
	vm9 =	vlt.f32 v36, v25  }
0x230: {  	v56 =	vimm.s32 $0x0;
	v3 =	vld [tilespmem:$0x1FE10];
	[tilespmem:$0x1F9A0] =	vst v13;
	v13 =	vsel vm9, $0xFFFFFFFF, v49;
	vm9 =	vlt.f32 v15, v22  }
0x231: {  	v58 =	vimm.s32 $0x0;
	v7 =	vld [tilespmem:$0x1FDA0];
	[tilespmem:$0x1F990] =	vst v13;
	v13 =	vsel vm9, $0xFFFFFFFF, v50;
	vm9 =	vlt.f32 v36, v24  }
0x232: {  	v62 =	vimm.s32 $0x0;
	[tilespmem:$0x1F9B0] =	vst v13;
	v13 =	vsel vm9, $0xFFFFFFFF, v52;
	vm9 =	vlt.f32 v36, v22  }
0x233: {  	vm8 =	vlt.f32 v38, v23;
	[tilespmem:$0x1F970] =	vst v16;
	v12 =	vsel vm9, $0xFFFFFFFF, v53;
	vm9 =	vlt.f32 v14, v25  }
0x234: {  	v57 =	vsel vm8, $0x1, v35;
	[tilespmem:$0x1F9E0] =	vst v12;
	v12 =	vsel vm9, $0xFFFFFFFF, v54;
	vm9 =	vlt.f32 v14, v24  }
0x235: {  	v39 =	vld [tilespmem:$0x1FE20];
	vm7 =	vlt.f32 v3, v23;
	[tilespmem:$0x1F9C0] =	vst v12;
	v12 =	vsel vm9, $0xFFFFFFFF, v55;
	vm9 =	vlt.f32 v14, v22  }
0x236: {  	v63 =	vsel vm7, $0x1, v35;
	vm8 =	vlt.f32 v7, v25;
	[tilespmem:$0x1FA00] =	vst v12;
	v12 =	vsel vm9, $0xFFFFFFFF, v56  }
0x237: {  	vm7 =	vlt.f32 v38, v25;
	[tilespmem:$0x1FA10] =	vst v12;
	v12 =	vsel vm8, $0xFFFFFFFF, v58;
	vm8 =	vlt.f32 v7, v24  }
0x238: {  	vm12 =	vlt.f32 v7, v23;
	v16 =	vimm.s32 $0x0;
	[tilespmem:$0x1F9F0] =	vst v12;
	v12 =	vsel vm8, $0xFFFFFFFF, v62  }
0x239: {  	[tilespmem:$0x1FA30] =	vst v12;
	v12 =	vsel vm7, $0xFFFFFFFF, v16;
	vm7 =	vlt.f32 v7, v22;
	v7 =	vimm.s32 $0x0  }
0x23a: {  	vm6 =	vlt.f32 v39, v23;
	v7 =	vsel vm7, $0xFFFFFFFF, v7  }
0x23b: {  	[tilespmem:$0x1FA40] =	vst v7;
	v7 =	vsel vm6, $0x1, v35  }
0x23c: {  	vm6 =	vlt.f32 v38, v24;
	[tilespmem:$0x1FB60] =	vst v7;
	v7 =	vimm.s32 $0x0  }
0x23d: {  	v7 =	vsel vm6, $0xFFFFFFFF, v7  }
0x23e: {  	vm6 =	vlt.f32 v38, v22;
	[tilespmem:$0x1FA60] =	vst v7;
	v7 =	vimm.s32 $0x0  }
0x23f: {  	v8 =	vld [tilespmem:$0x1FE00];
	v7 =	vsel vm6, $0xFFFFFFFF, v7  }
0x240: {  	vm6 =	vlt.f32 v3, v25;
	[tilespmem:$0x1FA70] =	vst v7;
	v7 =	vimm.s32 $0x0  }
0x241: {  	v6 =	vmin.f32 v5, v6;
	[tilespmem:$0x1FC50] =	vst v0;
	v7 =	vsel vm6, $0xFFFFFFFF, v7  }
0x242: {  	v0 =	vsel vm14, v6, v5;
	vm6 =	vlt.f32 v3, v24;
	[tilespmem:$0x1FA50] =	vst v7;
	v7 =	vimm.s32 $0x0  }
0x243: {  	[tilespmem:$0x1FC60] =	vst v0;
	v0 =	vld [tilespmem:$0x1FD60];
	v7 =	vsel vm6, $0xFFFFFFFF, v7;
	vm6 =	vlt.f32 v3, v22;
	v3 =	vimm.s32 $0x0  }
0x244: {  	vm4 =	vlt.f32 v8, v23;
	v3 =	vsel vm6, $0xFFFFFFFF, v3  }
0x245: {  	v40 =	vld [tilespmem:$0x1FDD0];
	v11 =	vsel vm4, $0x1, v35;
	vm4 =	vlt.f32 v39, v25;
	[tilespmem:$0x1FAA0] =	vst v3;
	v3 =	vimm.s32 $0x0  }
0x246: {  	v2 =	vld [tilespmem:$0x1FD90];
	v3 =	vsel vm4, $0xFFFFFFFF, v3  }
0x247: {  	v5 =	vld [tilespmem:$0x1FDC0];
	vm4 =	vlt.f32 v39, v24;
	[tilespmem:$0x1FA80] =	vst v3;
	v3 =	vimm.s32 $0x0  }
0x248: {  	v1 =	vimm.s32 $0x0;
	vm15 =	vlt.f32 v0, v23;
	v3 =	vsel vm4, $0xFFFFFFFF, v3  }
0x249: {  	v1 =	vsel vm15, $0xFFFFFFFF, v1;
	vm4 =	vlt.f32 v8, v25;
	[tilespmem:$0x1FAC0] =	vst v3;
	v3 =	vimm.s32 $0x0  }
0x24a: {  	v17 =	vimm.s32 $0x0;
	vm5 =	vlt.f32 v40, v23;
	[tilespmem:$0x1F950] =	vst v1;
	v1 =	vld [tilespmem:$0x1FD70];
	v3 =	vsel vm4, $0xFFFFFFFF, v3  }
0x24b: {  	vm1 =	vlt.f32 v2, v23;
	vm4 =	vlt.f32 v39, v22;
	[tilespmem:$0x1FAB0] =	vst v3;
	v3 =	vimm.s32 $0x0  }
0x24c: {  	v51 =	vsel vm12, $0x1, v35;
	vm3 =	vlt.f32 v5, v23;
	v3 =	vsel vm4, $0xFFFFFFFF, v3  }
0x24d: {  	vm12 =	vlt.f32 v40, v25;
	[tilespmem:$0x1FAD0] =	vst v3;
	v3 =	vsel vm3, $0x1, v35;
	vm3 =	vlt.f32 v8, v24  }
0x24e: {  	v10 =	vsel vm3, $0xFFFFFFFF, v17;
	vm3 =	vlt.f32 v8, v22;
	v8 =	vimm.s32 $0x0  }
0x24f: {  	vm14 =	vlt.f32 v1, v23;
	[tilespmem:$0x1FA90] =	vst v7;
	v7 =	vsel vm5, $0x1, v35;
	v8 =	vsel vm3, $0xFFFFFFFF, v8  }
0x250: {  	vm5 =	vlt.f32 v0, v24;
	vm3 =	vlt.f32 v40, v24;
	[tilespmem:$0x1FAF0] =	vst v8;
	v8 =	vimm.s32 $0x0  }
0x251: {  	v17 =	vsel vm1, $0x1, v35;
	vm1 =	vlt.f32 v0, v22;
	v8 =	vsel vm3, $0xFFFFFFFF, v8  }
0x252: {  	vm3 =	vlt.f32 v40, v22;
	v40 =	vsel vm14, $0x1, v35;
	vm14 =	vlt.f32 v0, v25;
	v0 =	vld [tilespmem:$0x1F960];
	_ =	sdelay $0x2  }
0x253: {  	vm11 =	vlt.f32 v15, v23  }
0x254: {  	v42 =	vsel vm11, $0x1, v35;
	vm11 =	vlt.f32 v37, v25  }
0x255: {  	v9 =	vsel vm11, $0x1, v35;
	vm11 =	vnez.u8 v0;
	v0 =	vld [tilespmem:$0x1F970];
	_ =	sdelay $0x4  }
0x256: {  	[tilespmem:$0x1FA20] =	vst v12;
	v12 =	vsel vm11, $0x1, v35;
	vm11 =	vnez.u8 v0;
	v0 =	vld [tilespmem:$0x1F980]  }
0x257: {  	[tilespmem:$0x1FB00] =	vst v8;
	v8 =	vimm.s32 $0x0  }
0x258: {  	vm13 =	vlt.f32 v14, v23;
	v8 =	vsel vm3, $0xFFFFFFFF, v8  }
0x259: {  	v48 =	vsel vm13, $0x1, v35;
	vm13 =	vlt.f32 v5, v24;
	[tilespmem:$0x1FB10] =	vst v8;
	v8 =	vimm.s32 $0x0  }
0x25a: {  	v8 =	vsel vm13, $0xFFFFFFFF, v8  }
0x25b: {  	[tilespmem:$0x1FB20] =	vst v8;
	v8 =	vsel vm11, $0x1, v35;
	vm11 =	vnez.u8 v0;
	v0 =	vld [tilespmem:$0x1F990];
	_ =	sdelay $0x2  }
0x25c: {  	v6 =	vld [tilespmem:$0x1FDB0];
	_ =	sdelay $0x1  }
0x25d: {  	[tilespmem:$0x1F9D0] =	vst v13;
	v13 =	vsel vm11, $0x1, v35;
	vm11 =	vnez.u8 v0;
	v0 =	vld [tilespmem:$0x1F9A0]  }
0x25e: {  	vm10 =	vlt.f32 v5, v25;
	vm15 =	vlt.f32 v5, v22;
	v5 =	vimm.s32 $0x0  }
0x25f: {  	v5 =	vsel vm15, $0xFFFFFFFF, v5  }
0x260: {  	[tilespmem:$0x1FB30] =	vst v5;
	v5 =	vimm.s32 $0x0;
	vm13 =	vlt.f32 v6, v22  }
0x261: {  	v5 =	vsel vm13, $0xFFFFFFFF, v5  }
0x262: {  	[tilespmem:$0x1FB40] =	vst v5;
	v5 =	vsel vm11, $0x1, v35;
	vm11 =	vnez.u8 v0;
	v0 =	vld [tilespmem:$0x1F9B0];
	_ =	sdelay $0x1  }
0x263: {  	v4 =	vld [tilespmem:$0x1FD80];
	_ =	sdelay $0x2  }
0x264: {  	[tilespmem:$0x1FAE0] =	vst v10;
	v10 =	vsel vm11, $0x1, v35;
	vm11 =	vnez.u8 v0;
	v0 =	vld [tilespmem:$0x1F9C0];
	_ =	sdelay $0x1  }
0x265: {  	vm0 =	vlt.f32 v4, v23  }
0x266: {  	v18 =	vsel vm0, $0x1, v35  }
0x267: {  	vm0 =	vlt.f32 v2, v22;
	vm2 =	vlt.f32 v6, v23;
	vm15 =	vlt.f32 v6, v24  }
0x268: {  	vm9 =	vlt.f32 v6, v25;
	v6 =	vsel vm11, $0x1, v35;
	vm11 =	vnez.u8 v0;
	v0 =	vld [tilespmem:$0x1F9D0]  }
0x269: {  	vm6 =	vlt.f32 v2, v25;
	vm13 =	vlt.f32 v2, v24;
	v2 =	vimm.s32 $0x0  }
0x26a: {  	v2 =	vsel vm0, $0xFFFFFFFF, v2  }
0x26b: {  	[tilespmem:$0x1FB50] =	vst v2;
	v2 =	vld [tilespmem:$0x1F950]  }
0x26c: {  	v16 =	vsel vm2, $0x1, v35;
	vm2 =	vlt.f32 v1, v22;
	vm7 =	vlt.f32 v1, v24  }
0x26d: {  	vm4 =	vlt.f32 v1, v25;
	v1 =	vsel vm11, $0x1, v35;
	vm11 =	vnez.u8 v0;
	v0 =	vld [tilespmem:$0x1F9E0];
	_ =	sdelay $0x2  }
0x26e: {  	vm0 =	vnez.u8 v2  }
0x26f: {  	vm8 =	vlt.f32 v4, v25;
	vm3 =	vlt.f32 v4, v22;
	v39 =	vsel vm0, $0x1, v35  }
0x270: {  	vm0 =	vlt.f32 v4, v24;
	v4 =	vsel vm11, $0x1, v35;
	vm11 =	vnez.u8 v0;
	v0 =	vld [tilespmem:$0x1F9F0];
	_ =	sdelay $0x4  }
0x271: {  	v2 =	vsel vm11, $0x1, v35;
	vm11 =	vnez.u8 v0;
	v0 =	vld [tilespmem:$0x1FA00];
	_ =	sdelay $0x4  }
0x272: {  	v44 =	vsel vm11, $0x1, v35;
	vm11 =	vnez.u8 v0;
	v0 =	vld [tilespmem:$0x1FA10];
	_ =	sdelay $0x4  }
0x273: {  	[tilespmem:$0x1FBB0] =	vst v45;
	v45 =	vsel vm11, $0x1, v35;
	vm11 =	vnez.u8 v0;
	v0 =	vld [tilespmem:$0x1FA20];
	_ =	sdelay $0x4  }
0x274: {  	v46 =	vsel vm11, $0x1, v35;
	vm11 =	vnez.u8 v0;
	v0 =	vld [tilespmem:$0x1FA30];
	_ =	sdelay $0x4  }
0x275: {  	v47 =	vsel vm11, $0x1, v35;
	vm11 =	vnez.u8 v0;
	v0 =	vld [tilespmem:$0x1FA40];
	_ =	sdelay $0x4  }
0x276: {  	[tilespmem:$0x1FBA0] =	vst v48;
	v48 =	vsel vm11, $0x1, v35;
	vm11 =	vnez.u8 v0;
	v0 =	vld [tilespmem:$0x1FA50];
	_ =	sdelay $0x4  }
0x277: {  	v34 =	vsel vm11, $0x1, v35;
	vm11 =	vnez.u8 v0;
	v0 =	vld [tilespmem:$0x1FA60];
	_ =	sdelay $0x4  }
0x278: {  	v49 =	vsel vm11, $0x1, v35;
	vm11 =	vnez.u8 v0;
	v0 =	vld [tilespmem:$0x1FA70];
	_ =	sdelay $0x4  }
0x279: {  	v50 =	vsel vm11, $0x1, v35;
	vm11 =	vnez.u8 v0;
	v0 =	vld [tilespmem:$0x1FA80];
	_ =	sdelay $0x4  }
0x27a: {  	[tilespmem:$0x1FB90] =	vst v51;
	v51 =	vsel vm11, $0x1, v35;
	vm11 =	vnez.u8 v0;
	v0 =	vld [tilespmem:$0x1FA90];
	_ =	sdelay $0x4  }
0x27b: {  	v52 =	vsel vm11, $0x1, v35;
	vm11 =	vnez.u8 v0;
	v0 =	vld [tilespmem:$0x1FAA0];
	_ =	sdelay $0x4  }
0x27c: {  	v53 =	vsel vm11, $0x1, v35;
	vm11 =	vnez.u8 v0;
	v0 =	vld [tilespmem:$0x1FAB0];
	_ =	sdelay $0x4  }
0x27d: {  	v54 =	vsel vm11, $0x1, v35;
	vm11 =	vnez.u8 v0;
	v0 =	vld [tilespmem:$0x1FAC0];
	_ =	sdelay $0x4  }
0x27e: {  	v55 =	vsel vm11, $0x1, v35;
	vm11 =	vnez.u8 v0;
	v0 =	vld [tilespmem:$0x1FAD0];
	_ =	sdelay $0x4  }
0x27f: {  	v56 =	vsel vm11, $0x1, v35;
	vm11 =	vnez.u8 v0;
	v0 =	vld [tilespmem:$0x1FAE0];
	_ =	sdelay $0x3  }
0x280: {  	v43 =	vimm.s32 $0x0  }
0x281: {  	v35 =	vsel vm11, $0x1, v43;
	vm11 =	vnez.u8 v0;
	v0 =	vld [tilespmem:$0x1FAF0];
	_ =	sdelay $0x4  }
0x282: {  	v36 =	vsel vm11, $0x1, v43;
	vm11 =	vnez.u8 v0;
	v0 =	vld [tilespmem:$0x1FB00];
	_ =	sdelay $0x4  }
0x283: {  	[tilespmem:$0x1FB70] =	vst v63;
	v63 =	vsel vm10, $0x1, v43;
	vm10 =	vnez.u8 v0;
	v0 =	vld [tilespmem:$0x1FB10];
	_ =	sdelay $0x4  }
0x284: {  	[tilespmem:$0x1FB80] =	vst v57;
	v57 =	vsel vm10, $0x1, v43;
	vm10 =	vnez.u8 v0;
	v0 =	vld [tilespmem:$0x1FB20];
	_ =	sdelay $0x1  }
0x285: {  	v19 =	vsel vm15, $0x1, v43  }
0x286: {  	v37 =	vsel vm9, $0x1, v43;
	v62 =	vsel vm12, $0x1, v43;
	v39 =	vadd.s32 v40, v39  }
0x287: {  	v29 =	vsel vm8, $0x1, v43;
	vm8 =	vcmask $0x3F20;
	v18 =	vadd.s32 v18, v39  }
0x288: {  	v58 =	vsel vm6, $0x1, v43;
	v17 =	vadd.s32 v17, v18;
	vm9 =	vnez.u8 v0;
	v0 =	vld [tilespmem:$0x1FB30]  }
0x289: {  	[tilespmem:$0x1FC90] =	vst v32;
	vm6 =	vcmask $0x3F08;
	v21 =	vsel vm5, $0x1, v43;
	v32 =	vld [tilespmem:$0x1FB40];
	v16 =	vadd.s32 v16, v17  }
0x28a: {  	[tilespmem:$0x1FBC0] =	vst v42;
	v14 =	vsel vm4, $0x1, v43;
	v15 =	vsel vm1, $0x1, v43;
	v42 =	vld [tilespmem:$0x1FB50];
	v3 =	vadd.s32 v3, v16  }
0x28b: {  	v31 =	vsel vm3, $0x1, v43;
	v40 =	vsel vm13, $0x1, v43;
	v3 =	vadd.s32 v7, v3  }
0x28c: {  	[tilespmem:$0x1FC80] =	vst v30;
	v30 =	vsel vm0, $0x1, v43;
	v3 =	vadd.s32 v11, v3;
	v38 =	vsel vm11, $0x1, v43  }
0x28d: {  	v33 =	vsel vm10, $0x1, v43;
	v20 =	vsel vm9, $0x1, v43;
	vm9 =	vnez.u8 v0  }
0x28e: {  	v0 =	vsel vm9, $0x1, v43;
	vm9 =	vnez.u8 v32;
	v32 =	vsel vm14, $0x1, v43  }
0x28f: {  	v27 =	vsel vm9, $0x1, v43;
	vm9 =	vnez.u8 v42;
	v42 =	vsel vm7, $0x1, v43  }
0x290: {  	vm7 =	vcmask $0x3F10;
	v14 =	vadd.s32 v14, v32;
	v28 =	vsel vm9, $0x1, v43  }
0x291: {  	v32 =	vld [tilespmem:$0x1FB60];
	v43 =	vsel vm2, $0x1, v43;
	v21 =	vadd.s32 v42, v21;
	v14 =	vadd.s32 v29, v14  }
0x292: {  	v15 =	vadd.s32 v43, v15;
	v43 =	vadd.s32 v30, v21;
	v14 =	vadd.s32 v58, v14  }
0x293: {  	v15 =	vadd.s32 v31, v15;
	v17 =	vadd.s32 v40, v43;
	v14 =	vadd.s32 v37, v14  }
0x294: {  	v39 =	vld [tilespmem:$0x1FB90];
	v15 =	vadd.s32 v28, v15;
	v58 =	vadd.s32 v19, v17;
	v7 =	vadd.s32 v63, v14  }
0x295: {  	v18 =	vld [tilespmem:$0x1FC50];
	v63 =	vadd.s32 v27, v15;
	v17 =	vadd.s32 v20, v58;
	v7 =	vadd.s32 v62, v7  }
0x296: {  	v21 =	vld [tilespmem:$0x1FC20];
	v3 =	vadd.s32 v32, v3;
	v0 =	vadd.s32 v0, v63;
	v11 =	vadd.s32 v57, v17  }
0x297: {  	v40 =	vld [tilespmem:$0x1FFD0];
	v7 =	vadd.s32 v55, v7;
	v0 =	vadd.s32 v33, v0;
	v11 =	vadd.s32 v36, v11  }
0x298: {  	v36 =	vimm.s32 $0x1;
	v33 =	vld [tilespmem:$0x1FB70];
	v7 =	vadd.s32 v52, v7;
	v0 =	vadd.s32 v38, v0  }
0x299: {  	v37 =	vld [tilespmem:$0x1FB80];
	v11 =	vadd.s32 v56, v11;
	v7 =	vadd.s32 v49, v7;
	v0 =	vadd.s32 v35, v0  }
0x29a: {  	v38 =	vld [tilespmem:$0x1FFC0];
	v35 =	vimm.s32 $0x0;
	v11 =	vadd.s32 v53, v11;
	v7 =	vadd.s32 v47, v7  }
0x29b: {  	v43 =	vld [tilespmem:$0x1FBA0];
	v0 =	vadd.s32 v54, v0;
	v11 =	vadd.s32 v50, v11;
	v7 =	vadd.s32 v44, v7  }
0x29c: {  	v28 =	vld [tilespmem:$0x1FC10];
	v0 =	vadd.s32 v51, v0;
	v11 =	vadd.s32 v48, v11;
	v1 =	vadd.s32 v1, v7  }
0x29d: {  	v27 =	vld [tilespmem:$0x1FC40];
	v3 =	vadd.s32 v33, v3;
	v0 =	vadd.s32 v34, v0;
	v34 =	vlaneseq.u32  }
0x29e: {  	v20 =	vld [tilespmem:$0x1FC60];
	v7 =	vadd.s32 v45, v11;
	v1 =	vadd.s32 v5, v1;
	v3 =	vadd.s32 v37, v3  }
0x29f: {  	v47 =	vld [tilespmem:$0x1FBB0];
	v0 =	vadd.s32 v46, v0;
	v49 =	vperm.xlane v60, v38;
	v51 =	vperm.xlane v59, v38  }
0x2a0: {  	v48 =	vld [tilespmem:$0x1FBC0];
	v1 =	vadd.s32 v12, v1;
	v52 =	vperm.xlane v61, v38;
	v53 =	vperm.xlane v41, v38  }
0x2a1: {  	v54 =	vperm.xlane v28, v38;
	v55 =	vperm.xlane v21, v38;
	v0 =	vadd.s32 v2, v0;
	v2 =	vld [tilespmem:$0x1FBD0]  }
0x2a2: {  	v57 =	vperm.xlane v27, v38;
	v58 =	vperm.xlane v18, v38;
	v3 =	vadd.s32 v39, v3  }
0x2a3: {  	v63 =	vperm.xlane v20, v38;
	v46 =	vperm.xlane v60, v40;
	v3 =	vadd.s32 v43, v3  }
0x2a4: {  	v1 =	vadd.s32 v9, v1;
	v0 =	vadd.s32 v6, v0;
	v3 =	vadd.s32 v47, v3  }
0x2a5: {  	v1 =	vshll.u32 v1, $0x4;
	vm12 =	veq.s32 v49, v60;
	v3 =	vadd.s32 v48, v3  }
0x2a6: {  	vm13 =	veq.s32 v51, v59;
	vm14 =	veq.s32 v52, v61;
	v2 =	vadd.s32 v2, v3  }
0x2a7: {  	v42 =	vld [tilespmem:$0x1FFE0];
	v0 =	vadd.s32 v13, v0;
	v6 =	vor.u32 $0x7, v1;
	v2 =	vshll.u32 v2, $0x4  }
0x2a8: {  	v0 =	vshll.u32 v0, $0x4;
	v3 =	vadd.s32 v4, v7;
	v4 =	vor.u32 $0x7, v2  }
0x2a9: {  	vm3 =	veq.s32 v53, v41;
	v5 =	vor.u32 $0x7, v0;
	v3 =	vadd.s32 v10, v3  }
0x2aa: {  	v14 =	vmax.f32 v28, v54;
	v9 =	vmin.f32 v21, v55;
	v7 =	vld [tilespmem:$0x1FBE0];
	v3 =	vadd.s32 v8, v3  }
0x2ab: {  	v11 =	vmin.f32 v27, v57;
	v16 =	vmax.f32 v18, v58;
	v8 =	vld [tilespmem:$0x1FC00];
	v3 =	vshll.u32 v3, $0x4  }
0x2ac: {  	v55 =	vperm.xlane v60, v42;
	v58 =	vperm.xlane v41, v42;
	v6 =	vld.idx.msk [tilespmem:v6+s22+$0x0], $0xffff;
	v50 =	vor.u32 $0x7, v3  }
0x2ad: {  	v19 =	vmovc v18;
	v18 =	vor.u32 $0x8, v1;
	vm0 =	vmand vm12, vm6;
	vm1 =	vmand vm13, vm6;
	v4 =	vld.idx.msk [tilespmem:v4+s22+$0x0], $0xffff  }
0x2ae: {  	vm3 =	vmand vm3, vm6;
	vm2 =	vmand vm14, vm6;
	v47 =	vperm.xlane v59, v40;
	v5 =	vld.idx.msk [tilespmem:v5+s22+$0x0], $0xffff  }
0x2af: {  	v14 =	vsel vm0, v14, v28;
	v9 =	vsel vm0, v9, v21;
	v11 =	vsel vm1, v11, v27  }
0x2b0: {  	v45 =	vsel vm2, v16, v19;
	v19 =	vperm.xlane v61, v40;
	vm15 =	vnez.u8 v7  }
0x2b1: {  	vm0 =	veq.s32 v46, v60;
	v37 =	vor.u32 $0x8, v3;
	v8 =	vsel vm15, v8, v26;
	v10 =	vld.idx.msk [tilespmem:v50+s22+$0x0], $0xffff  }
0x2b2: {  	v7 =	vld [tilespmem:$0x1FBF0];
	vm5 =	vlt.f32 v6, v25;
	vm4 =	vlt.f32 v4, v23;
	v4 =	vor.u32 $0x8, v2  }
0x2b3: {  	v2 =	vsel vm4, v4, v2;
	vm4 =	vlt.f32 v5, v22;
	v4 =	vor.u32 $0x8, v0  }
0x2b4: {  	v6 =	vmin.f32 v20, v63;
	v5 =	vor.u32 $0x3, v2;
	v0 =	vsel vm4, v4, v0  }
0x2b5: {  	v32 =	vperm.xlane v8, v38;
	v1 =	vsel vm5, v18, v1;
	v4 =	vor.u32 $0x3, v0  }
0x2b6: {  	v6 =	vsel vm2, v6, v20;
	v20 =	vld [tilespmem:$0x1FC70];
	v33 =	vor.u32 $0x3, v1;
	vm4 =	vlt.f32 v10, v24  }
0x2b7: {  	v52 =	vperm.xlane v11, v40;
	v7 =	vsel vm15, v7, v26;
	v26 =	vld [tilespmem:$0x1FC30];
	v3 =	vsel vm4, v37, v3  }
0x2b8: {  	v21 =	vld [tilespmem:$0x1FC90];
	vm0 =	vmand vm0, vm7;
	v43 =	vmin.f32 v8, v32;
	v44 =	vor.u32 $0x3, v3  }
0x2b9: {  	v18 =	vperm.xlane v41, v40;
	v62 =	vperm.xlane v7, v38;
	v8 =	vsel vm3, v43, v8;
	v5 =	vld.idx.msk [tilespmem:v5+s22+$0x0], $0xffff  }
0x2ba: {  	v48 =	vor.u32 $0x4, v1;
	v29 =	vperm.xlane v6, v40;
	v30 =	vperm.xlane v8, v40;
	v4 =	vld.idx.msk [tilespmem:v4+s22+$0x0], $0xffff  }
0x2bb: {  	v39 =	vmax.f32 v7, v62;
	vm15 =	vnez.u8 v20;
	v62 =	vperm.xlane v61, v42;
	v13 =	vld.idx.msk [tilespmem:v33+s22+$0x0], $0xffff  }
0x2bc: {  	v20 =	vld [tilespmem:$0x1FC80];
	v7 =	vsel vm3, v39, v7;
	vm3 =	veq.s32 v18, v41;
	v56 =	vperm.xlane v26, v38  }
0x2bd: {  	v28 =	vperm.xlane v7, v40;
	vm3 =	vmand vm3, vm7;
	v51 =	vor.u32 $0x4, v3;
	v17 =	vld.idx.msk [tilespmem:v44+s22+$0x0], $0xffff  }
0x2be: {  	v15 =	vmax.f32 v26, v56;
	vm12 =	vlt.f32 v5, v23;
	v5 =	vor.u32 $0x4, v2  }
0x2bf: {  	v2 =	vsel vm12, v5, v2;
	vm13 =	vlt.f32 v4, v22;
	v4 =	vor.u32 $0x4, v0  }
0x2c0: {  	vm14 =	vlt.f32 v13, v25;
	v5 =	vor.u32 $0x1, v2;
	v0 =	vsel vm13, v4, v0  }
0x2c1: {  	v15 =	vsel vm1, v15, v26;
	v1 =	vsel vm14, v48, v1;
	v4 =	vor.u32 $0x1, v0  }
0x2c2: {  	v20 =	vsel vm15, v20, v21;
	v50 =	vor.u32 $0x1, v1;
	vm15 =	vlt.f32 v17, v24  }
0x2c3: {  	v21 =	vperm.xlane v14, v40;
	v26 =	vperm.xlane v9, v40;
	v3 =	vsel vm15, v51, v3  }
0x2c4: {  	v56 =	vperm.xlane v59, v42;
	[tilespmem:s1+$0xFFFFFFE0] =	vst v20;
	v49 =	vperm.xlane v15, v40;
	v27 =	vor.u32 $0x1, v3  }
0x2c5: {  	v20 =	vperm.xlane v45, v40;
	v53 =	vmax.f32 v14, v21;
	v18 =	vmin.f32 v9, v26;
	v5 =	vld.idx.msk [tilespmem:v5+s22+$0x0], $0xffff  }
0x2c6: {  	v21 =	vmin.f32 v8, v30;
	v26 =	vmin.f32 v6, v29;
	v12 =	vmax.f32 v15, v49;
	v4 =	vld.idx.msk [tilespmem:v4+s22+$0x0], $0xffff  }
0x2c7: {  	v14 =	vsel vm0, v53, v14;
	v9 =	vsel vm0, v18, v9;
	v32 =	vsel vm3, v21, v8;
	v13 =	vld.idx.msk [tilespmem:v50+s22+$0x0], $0xffff  }
0x2c8: {  	v18 =	vperm.xlane v14, v42;
	vm12 =	veq.s32 v47, v59;
	vm13 =	veq.s32 v19, v61  }
0x2c9: {  	v17 =	vmin.f32 v11, v52;
	v19 =	vmax.f32 v45, v20;
	v20 =	vmax.f32 v7, v28;
	v27 =	vld.idx.msk [tilespmem:v27+s22+$0x0], $0xffff  }
0x2ca: {  	vm1 =	vmand vm12, vm7;
	vm14 =	vlt.f32 v5, v23;
	v5 =	vor.u32 $0x2, v2  }
0x2cb: {  	v2 =	vsel vm14, v5, v2;
	vm15 =	vlt.f32 v4, v22;
	v4 =	vor.u32 $0x2, v0  }
0x2cc: {  	vm4 =	vlt.f32 v13, v25;
	v5 =	vor.u32 $0x2, v1;
	v0 =	vsel vm15, v4, v0  }
0x2cd: {  	vm2 =	vmand vm13, vm7;
	v12 =	vsel vm1, v12, v15;
	v1 =	vsel vm4, v5, v1  }
0x2ce: {  	v7 =	vsel vm3, v20, v7;
	v54 =	vor.u32 $0x2, v3;
	vm12 =	vlt.f32 v27, v24  }
0x2cf: {  	v6 =	vsel vm2, v26, v6;
	v33 =	vperm.xlane v12, v42;
	v3 =	vsel vm12, v54, v3  }
0x2d0: {  	vm13 =	veq.s32 v56, v59;
	v39 =	vperm.xlane v7, v42;
	v26 =	vperm.xlane v6, v42;
	v8 =	vld.idx.msk [tilespmem:v2+s22+$0x0], $0xffff  }
0x2d1: {  	vm3 =	veq.s32 v55, v60;
	vm0 =	vmand vm13, vm8;
	v10 =	vmax.f32 v12, v33;
	v57 =	vld.idx.msk [tilespmem:v0+s22+$0x0], $0xffff  }
0x2d2: {  	v16 =	vmax.f32 v7, v39;
	v26 =	vmin.f32 v6, v26;
	v10 =	vsel vm0, v10, v12;
	v63 =	vld.idx.msk [tilespmem:v1+s22+$0x0], $0xffff  }
0x2d3: {  	vm14 =	veq.s32 v62, v61;
	v5 =	vsel vm2, v19, v45;
	v19 =	vperm.xlane v9, v42  }
0x2d4: {  	v4 =	vsel vm1, v17, v11;
	v27 =	vperm.xlane v32, v42;
	vm15 =	veq.s32 v58, v41;
	v37 =	vld.idx.msk [tilespmem:v3+s22+$0x0], $0xffff  }
0x2d5: {  	v20 =	vperm.xlane v4, v42;
	v43 =	vmin.f32 v9, v19;
	vm4 =	vlt.f32 v8, v23  }
0x2d6: {  	v8 =	vmax.f32 v14, v18;
	v18 =	vsel vm4, $0x1, v35;
	vm4 =	vlt.f32 v57, v22  }
0x2d7: {  	vm5 =	vlt.f32 v63, v25;
	v2 =	vadd.s32 v18, v2;
	v13 =	vsel vm4, $0x1, v35  }
0x2d8: {  	v18 =	vsel vm5, $0x1, v35;
	v44 =	vmax.u32 v2, $0x1;
	v0 =	vadd.s32 v13, v0  }
0x2d9: {  	vm4 =	vlt.f32 v37, v24;
	v1 =	vadd.s32 v18, v1;
	v45 =	vsub.s32 v44, v36  }
0x2da: {  	v18 =	vsel vm4, $0x1, v35;
	v46 =	vmax.u32 v1, $0x1;
	v47 =	vxor.u32 $0x80000000, v1  }
0x2db: {  	v19 =	vxor.u32 $0x80000000, v2;
	v3 =	vadd.s32 v18, v3;
	v11 =	vsub.s32 v46, v36;
	(xrf1) =	vsort.ascd.msk.u32 $0xffff, v47, v25  }
0x2dc: {  	v21 =	vperm.xlane v5, v42;
	v18 =	vmax.u32 v3, $0x1;
	v28 =	vxor.u32 $0x80000000, v3;
	(xrf1) =	vsort.ascd.msk.u32 $0xffff, v19, v23;
	v48 =	vld.idx.msk [tilespmem:v2+s22+$0x0], $0xffff  }
0x2dd: {  	vm1 =	vmand vm14, vm8;
	v29 =	vxor.u32 $0x80000000, v0;
	v18 =	vsub.s32 v18, v36;
	(xrf1) =	vsort.ascd.msk.u32 $0xffff, v28, v24;
	v19 =	vld.idx.msk [tilespmem:v0+s22+$0x0], $0xffff  }
0x2de: {  	vm3 =	vmand vm3, vm8;
	v6 =	vsel vm1, v26, v6;
	v28 =	vmax.u32 v0, $0x1;
	(xrf1) =	vsort.ascd.msk.u32 $0xffff, v29, v22;
	v13 =	vld.idx.msk [tilespmem:v45+s22+$0x0], $0xffff  }
0x2df: {  	v30 =	vmin.f32 v32, v27;
	v20 =	vmin.f32 v4, v20;
	v29 =	vld.idx.msk [tilespmem:v1+s22+$0x0], $0xffff;
	v28 =	vsub.s32 v28, v36  }
0x2e0: {  	v21 =	vmax.f32 v5, v21;
	v9 =	vsel vm3, v43, v9;
	v4 =	vsel vm0, v20, v4;
	v11 =	vld.idx.msk [tilespmem:v11+s22+$0x0], $0xffff  }
0x2e1: {  	v5 =	vsel vm1, v21, v5;
	v8 =	vsel vm3, v8, v14;
	vm5 =	vmand vm15, vm8;
	v27 =	vld.idx.msk [tilespmem:v3+s22+$0x0], $0xffff  }
0x2e2: {  	s8 =	sadd.s32 $0x40, s8;
	vm4 =	vcmask $0x3F04;
	vm12 =	veq.s32 v2, $0x0;
	v2 =	vsel vm5, v16, v7;
	v49 =	vld.idx.msk [tilespmem:v18+s22+$0x0], $0xffff  }
0x2e3: {  	vm14 =	veq.s32 v0, $0x0;
	vm15 =	veq.s32 v1, $0x0;
	[tilespmem:s8+$0xFFFFFFE0] =	vst v2;
	v2 =	vld [tilespmem:$0x1FCA0];
	v7 =	vsel vm12, $0xFF61B1E6, v13  }
0x2e4: {  	vm13 =	veq.s32 v3, $0x0;
	[tilespmem:s8+$0xFFFFFFF0] =	vst v8;
	v50 =	vsub.f32 v48, v23;
	v8 =	vld.idx.msk [tilespmem:v28+s22+$0x0], $0xffff;
	v0 =	vsub.f32 v23, v7  }
0x2e5: {  	v51 =	vsub.f32 v19, v22;
	v1 =	vsel vm15, $0xFF61B1E6, v11;
	v7 =	vsub.f32 v29, v25  }
0x2e6: {  	v52 =	vmul.f32 v50, v50;
	v1 =	vsub.f32 v25, v1;
	v0 =	vmul.f32 v0, v0  }
0x2e7: {  	s1 =	sadd.s32 $0x40, s1;
	[tilespmem:s8+$0x10] =	vst v5;
	v5 =	vsel vm13, $0xFF61B1E6, v49;
	v53 =	vmul.f32 v7, v7;
	v7 =	vsub.f32 v27, v24  }
0x2e8: {  	s10 =	sadd.s32 $0x4, s10;
	v20 =	vld [tilespmem:$0x1FFB0];
	[tilespmem:s1+$0xFFFFFFF0] =	vst v9;
	v54 =	vsub.f32 v24, v5;
	v1 =	vmul.f32 v1, v1;
	v0 =	vmin.f32 v0, v52  }
0x2e9: {  	p1 =	slt.u32 s10, $0xC0;
	[tilespmem:s1+$0x10] =	vst v6;
	v6, v3, _ =	vpop (xrf1);
	v0 =	vadd.f32 v0, v2;
	v2 =	vmul.f32 v7, v7;
	v7 =	vsel vm14, $0xFF61B1E6, v8  }
.Ltmp2:
0x2ea: {  	[tilespmem:s8+$0x0] =	vst v10;
	v55 =	vmul.f32 v54, v54;
	v8, v26, _ =	vpop (xrf1);
	v1 =	vmin.f32 v1, v53;
	v7 =	vsub.f32 v22, v7;
	(pc) =	sbr.rel @p1 .LBB2_2-.Ltmp2, $4  }
0x2eb: {  	s9 =	sadd.s32 $0x40, s9;
	[tilespmem:s1+$0x0] =	vst v4;
	v9 =	vmul.f32 v51, v51;
	v60 =	vxor.u32 $0x80000000, v6;
	v59, v4, _ =	vpop (xrf1);
	v0 =	vadd.f32 v1, v0  }
0x2ec: {  	[tilespmem:s9+$0xFFFFFFF0] =	vst v60;
	v59 =	vxor.u32 $0x80000000, v59;
	v6, v5, _ =	vpop (xrf1);
	v1 =	vmin.f32 v55, v2;
	v2 =	vmul.f32 v7, v7  }
0x2ed: {  	v41 =	vxor.u32 $0x80000000, v8;
	[tilespmem:s9+$0x0] =	vst v59;
	v61 =	vxor.u32 $0x80000000, v6;
	v7 =	vperm.xlane v60, v20  }
0x2ee: {  	s11 =	sadd.s32 $0x40, s11;
	v6 =	vperm.xlane v59, v20;
	v1 =	vadd.f32 v1, v0;
	[tilespmem:s9+$0x10] =	vst v61;
	v2 =	vmin.f32 v2, v9  }
0x2ef: {  	v0 =	vperm.xlane v61, v20  }
0x2f0: {  	v8 =	vperm.xlane v41, v20;
	v9 =	vperm.xlane v3, v20  }
0x2f1: {  	vm0 =	veq.s32 v7, v60;
	v7 =	vperm.xlane v4, v20;
	v10 =	vperm.xlane v26, v20  }
0x2f2: {  	v56 =	vperm.xlane v60, v38;
	v57 =	vperm.xlane v59, v38  }
0x2f3: {  	v58 =	vperm.xlane v61, v38;
	v13 =	vperm.xlane v41, v38  }
0x2f4: {  	v28 =	vperm.xlane v60, v40;
	v29 =	vperm.xlane v59, v40  }
0x2f5: {  	v31 =	vperm.xlane v41, v40;
	v33 =	vperm.xlane v61, v40  }
0x2f6: {  	v51 =	vperm.xlane v60, v42;
	v52 =	vperm.xlane v59, v42  }
0x2f7: {  	v37 =	vsel vm5, v30, v32;
	v53 =	vperm.xlane v41, v42;
	v54 =	vperm.xlane v61, v42  }
0x2f8: {  	vm1 =	veq.s32 v6, v59;
	v6 =	vperm.xlane v5, v20;
	vm0 =	vmand vm0, vm4  }
0x2f9: {  	vm2 =	veq.s32 v8, v41;
	vm3 =	veq.s32 v0, v61;
	vm1 =	vmand vm1, vm4  }
0x2fa: {  	v0 =	vmax.f32 v3, v9;
	v8 =	vmin.f32 v3, v9;
	v55 =	vmax.f32 v4, v7  }
0x2fb: {  	v7 =	vmin.f32 v4, v7;
	v12 =	vmax.f32 v26, v10;
	v10 =	vmin.f32 v26, v10  }
0x2fc: {  	vm13 =	veq.s32 v56, v60;
	vm14 =	veq.s32 v57, v59;
	vm15 =	veq.s32 v58, v61  }
0x2fd: {  	vm12 =	veq.s32 v28, v60;
	vm2 =	vmand vm2, vm4;
	vm3 =	vmand vm3, vm4  }
0x2fe: {  	v11 =	vmax.f32 v5, v6;
	v6 =	vmin.f32 v5, v6;
	v0 =	vsel vm0, v0, v3  }
0x2ff: {  	v3 =	vsel vm0, v8, v3;
	v8 =	vsel vm1, v55, v4;
	v4 =	vsel vm1, v7, v4  }
0x300: {  	vm0 =	vmand vm13, vm6;
	vm1 =	vmand vm14, vm6;
	vm13 =	veq.s32 v29, v59  }
0x301: {  	vm14 =	veq.s32 v33, v61;
	v7 =	vsel vm3, v11, v5;
	v5 =	vsel vm3, v6, v5  }
0x302: {  	v6 =	vsel vm2, v12, v26;
	v14 =	vperm.xlane v0, v38;
	v62 =	vperm.xlane v3, v38  }
0x303: {  	v10 =	vsel vm2, v10, v26;
	v15 =	vperm.xlane v8, v38;
	v63 =	vperm.xlane v4, v38  }
0x304: {  	vm3 =	veq.s32 v13, v41;
	vm2 =	vmand vm15, vm6;
	v16 =	vperm.xlane v7, v38  }
0x305: {  	vm15 =	veq.s32 v51, v60;
	v24 =	vperm.xlane v6, v38;
	v26 =	vperm.xlane v5, v38  }
0x306: {  	v27 =	vperm.xlane v10, v38;
	vm3 =	vmand vm3, vm6;
	v25 =	vmax.f32 v0, v14  }
0x307: {  	v9 =	vmin.f32 v3, v62;
	v15 =	vmax.f32 v8, v15;
	v11 =	vmin.f32 v4, v63  }
0x308: {  	v0 =	vsel vm0, v25, v0;
	v16 =	vmax.f32 v7, v16;
	v14 =	vmin.f32 v5, v26  }
0x309: {  	v12 =	vmax.f32 v6, v24;
	v13 =	vmin.f32 v10, v27;
	v3 =	vsel vm0, v9, v3  }
0x30a: {  	v8 =	vsel vm1, v15, v8;
	v4 =	vsel vm1, v11, v4;
	vm0 =	vmand vm12, vm7  }
0x30b: {  	vm1 =	vmand vm13, vm7;
	vm12 =	veq.s32 v52, v59;
	vm13 =	veq.s32 v54, v61  }
0x30c: {  	v6 =	vsel vm3, v12, v6;
	v7 =	vsel vm2, v16, v7;
	v5 =	vsel vm2, v14, v5  }
0x30d: {  	v10 =	vsel vm3, v13, v10;
	v39 =	vperm.xlane v0, v40;
	v43 =	vperm.xlane v3, v40  }
0x30e: {  	v44 =	vperm.xlane v8, v40;
	v17 =	vperm.xlane v4, v40;
	vm3 =	veq.s32 v31, v41  }
0x30f: {  	vm2 =	vmand vm14, vm7;
	v18 =	vperm.xlane v7, v40;
	v19 =	vperm.xlane v6, v40  }
0x310: {  	vm14 =	vmand vm13, vm8;
	v45 =	vperm.xlane v5, v40;
	v46 =	vperm.xlane v10, v40  }
0x311: {  	vm3 =	vmand vm3, vm7;
	v47 =	vmax.f32 v0, v39;
	v48 =	vmin.f32 v3, v43  }
0x312: {  	v9 =	vmax.f32 v8, v44;
	v49 =	vmin.f32 v4, v17;
	v50 =	vmax.f32 v7, v18  }
0x313: {  	v18 =	vmax.f32 v6, v19;
	v13 =	vmin.f32 v10, v46;
	v11 =	vmin.f32 v5, v45  }
0x314: {  	v0 =	vsel vm0, v47, v0;
	v3 =	vsel vm0, v48, v3;
	v8 =	vsel vm1, v9, v8  }
0x315: {  	v4 =	vsel vm1, v49, v4;
	vm0 =	vmand vm15, vm8;
	vm1 =	vmand vm12, vm8  }
0x316: {  	vm15 =	veq.s32 v53, v41;
	v7 =	vsel vm2, v50, v7;
	v55 =	vperm.xlane v0, v42  }
0x317: {  	v5 =	vsel vm2, v11, v5;
	v6 =	vsel vm3, v18, v6;
	v57 =	vperm.xlane v8, v42  }
0x318: {  	[tilespmem:s9+$0xFFFFFFE0] =	vst v41;
	v10 =	vsel vm3, v13, v10;
	v56 =	vperm.xlane v3, v42;
	v13 =	vmax.f32 v0, v55  }
0x319: {  	s8 =	sadd.s32 $0x40, s8;
	[tilespmem:s1+$0xFFFFFFE0] =	vst v37;
	v58 =	vperm.xlane v4, v42;
	v9 =	vmax.f32 v8, v57;
	v0 =	vsel vm0, v13, v0  }
0x31a: {  	v60 =	vperm.xlane v7, v42;
	v62 =	vmin.f32 v3, v56;
	v8 =	vsel vm1, v9, v8;
	[tilespmem:s8+$0xFFFFFFF0] =	vst v0  }
0x31b: {  	s11 =	sadd.s32 $0x40, s1;
	v18 =	vperm.xlane v5, v42;
	v63 =	vmin.f32 v4, v58;
	v3 =	vsel vm0, v62, v3;
	[tilespmem:s8+$0x0] =	vst v8  }
0x31c: {  	p2 =	por $0x1, $0x1;
	v61 =	vperm.xlane v6, v42;
	v4 =	vsel vm1, v63, v4;
	[tilespmem:s11+$0xFFFFFFF0] =	vst v3;
	v3 =	vmax.f32 v7, v60  }
.Ltmp3:
0x31d: {  	v0 =	vperm.xlane v10, v42;
	v8 =	vmin.f32 v5, v18;
	[tilespmem:s11+$0x0] =	vst v4;
	v3 =	vsel vm14, v3, v7;
	(pc) =	sbr.rel @!p2 .LBB2_4-.Ltmp3, $4  }
0x31e: {  	vm1 =	vmand vm15, vm8;
	v4 =	vmax.f32 v6, v61;
	v5 =	vsel vm14, v8, v5;
	[tilespmem:s8+$0x10] =	vst v3  }
0x31f: {  	v0 =	vmin.f32 v10, v0;
	v3 =	vsel vm1, v4, v6;
	[tilespmem:s11+$0x10] =	vst v5  }
0x320: {  	s12 =	simm.s32 $0x0;
	v0 =	vsel vm1, v0, v10;
	[tilespmem:s8+$0xFFFFFFE0] =	vst v3  }
0x321: {  	p1 =	por $0x0, $0x0;
	s1 =	simm.s32 $0x10;
	v6 =	vadd.f32 v2, v1;
	v1 =	vor.u32 s12, v34;
	[tilespmem:s11+$0xFFFFFFE0] =	vst v0  }
0x322: {  	_ =	sdelay $0x3  }
0x323: {  	v2 =	vld.idx.msk [tilespmem:v1+s23+$0x0], $0xffff  }
0x324: {  	v5 =	vld [tilespmem:$0x1FFF0];
	_ =	sdelay $0x4  }
0x325: {  	v0 =	vperm.xlane v2, v5;
	_ =	sdelay $0x1  }
0x326: {  	v3 =	vld.idx.msk [tilespmem:v1+s24+$0x0], $0xffff;
	vm1 =	vcmask $0x3F3C;
	vm0 =	vne.s32 v2, v0  }
0x327: {  	v0 =	vld.idx.msk [tilespmem:v2+s26+$0x0], $0xffff;
	vm0 =	vmor vm0, vm1;
	_ =	sdelay $0x3  }
0x328: {  	p2 =	por $0x1, $0x1  }
.Ltmp4:
0x329: {  	v0 =	vmax.f32 v0, v3;
	(pc) =	sbr.rel @!p2 .LBB2_7-.Ltmp4, $3  }
0x32a: {  	v3 =	vld.idx.msk [tilespmem:v1+s25+$0x0], $0xffff;
	[tilespmem:v2+s26+$0x0] =	vst.idx.msk vm0, v0  }
0x32b: {  	v4 =	vld.idx.msk [tilespmem:v2+s28+$0x0], $0xffff;
	_ =	sdelay $0x1  }
0x32c: {  	p1 =	por $0x1, $0x1;
	v1 =	vor.u32 s1, v34;
	s1 =	simm.s32 $0x20  }
.LBB2_6:
0x32d: {  	p2 =	sne.s32 s1, $0xC30;
	_ =	sdelay $0x1  }
0x32e: {  	v0 =	vmin.f32 v4, v3  }
0x32f: {  	[tilespmem:v2+s28+$0x0] =	vst.idx.msk vm0, v0  }
0x330: {  	v2 =	vld.idx.msk [tilespmem:v1+s23+$0x0], $0xffff;
	_ =	sdelay $0x5  }
0x331: {  	v0 =	vperm.xlane v2, v5  }
0x332: {  	v3 =	vld.idx.msk [tilespmem:v1+s24+$0x0], $0xffff  }
0x333: {  	vm0 =	vne.s32 v2, v0;
	v0 =	vld.idx.msk [tilespmem:v2+s26+$0x0], $0xffff  }
0x334: {  	vm0 =	vmor vm0, vm1;
	_ =	sdelay $0x4  }
0x335: {  	v0 =	vmax.f32 v0, v3  }
.Ltmp5:
0x336: {  	v3 =	vld.idx.msk [tilespmem:v1+s25+$0x0], $0xffff;
	[tilespmem:v2+s26+$0x0] =	vst.idx.msk vm0, v0;
	(pc) =	sbr.rel @p2 .LBB2_6-.Ltmp5, $2  }
0x337: {  	v4 =	vld.idx.msk [tilespmem:v2+s28+$0x0], $0xffff;
	_ =	sdelay $0x2  }
0x338: {  	v1 =	vor.u32 s1, v34;
	s1 =	sadd.s32 $0x10, s1  }
.LBB2_7:
0x339: {  	_ =	sdelay $0x3  }
0x33a: {  	v0 =	vmin.f32 @p1 v4, v3  }
0x33b: {  	[tilespmem:v2+s28+$0x0] =	vst.idx.msk @p1 vm0, v0  }
0x33c: {  	v0 =	vld.idx.msk [tilespmem:v1+s23+$0x0], $0xffff;
	_ =	sdelay $0x4  }
0x33d: {  	v60 =	vperm.xlane v0, v5;
	_ =	sdelay $0x1  }
0x33e: {  	v61 =	vld.idx.msk [tilespmem:v1+s24+$0x0], $0xffff;
	vm15 =	vne.s32 v0, v60  }
0x33f: {  	v62 =	vld.idx.msk [tilespmem:v0+s26+$0x0], $0xffff;
	vm0 =	vmor vm15, vm1;
	_ =	sdelay $0x4  }
0x340: {  	v2 =	vmax.f32 v62, v61  }
0x341: {  	v63 =	vld.idx.msk [tilespmem:v1+s25+$0x0], $0xffff;
	[tilespmem:v0+s26+$0x0] =	vst.idx.msk vm0, v2  }
0x342: {  	v2 =	vld.idx.msk [tilespmem:v0+s28+$0x0], $0xffff;
	_ =	sdelay $0x4  }
0x343: {  	v1 =	vmin.f32 v2, v63  }
0x344: {  	[tilespmem:v0+s28+$0x0] =	vst.idx.msk vm0, v1  }
0x345: {  	[tilespmem:$0x4280] =	vst v6  }
0x346: {  	[spmem:s5] =	stream.linear.scatter [tilespmem:s26], [sflag:$0x3], $0x110, $0x38;
	[tilespmem:$0x45B0] =	vst v63  }
0x347: {  	_ =	swait.ge [sflag:s29], $0x110  }
0x348: {  	[sflag:s29] =	ssyncset.done $0x0  }
0x349: {  	[sflag:s29] =	ssyncadd.s32 $0xFFFFFEF0  }
0x34a: {  	[spmem:s6] =	stream.linear.scatter [tilespmem:s28], [sflag:$0x3], $0x110, $0x38;
	[tilespmem:$0x45B0] =	vst v63  }
0x34b: {  	_ =	swait.ge [sflag:s29], $0x110  }
0x34c: {  	[sflag:s29] =	ssyncset.done $0x0  }
0x34d: {  	[sflag:s29] =	ssyncadd.s32 $0xFFFFFEF0  }
0x34e: {  	[spmem:s7] =	stream.linear.scatter [tilespmem:s30], [sflag:$0x3], $0x10, $0x38;
	[tilespmem:$0x45B0] =	vst v63  }
.Ltmp6:
0x34f: {  	_ =	swait.ge [sflag:s29], $0x10;
	(pc) =	sbr.rel @p0 .LBB2_9-.Ltmp6, $3  }
0x350: {  	[sflag:s29] =	ssyncset.done $0x0  }
0x351: {  	[sflag:s29] =	ssyncadd.s32 $0xFFFFFFF0  }
0x352: {  	[bflag:$0x0] =	sbarrier.arrive $0xFFFF;
	_ =	sdelay $0x1  }
0x353: {  	s1 =	rddreg [dreg:$0x6];
	s8 =	simm.s32 $0x3B80  }
0x354: {  	[tilespmem:s8], [sflag:$0x3] =	stream.linear.gather [spmem:s1], $0x110, $0x38;
	[tilespmem:$0x45B0] =	vst v63  }
0x355: {  	_ =	swait.ge [sflag:s29], $0x110  }
0x356: {  	[sflag:s29] =	ssyncset.done $0x0  }
0x357: {  	s12 =	simm.s32 $0x3EB0;
	s11 =	rddreg [dreg:$0x7];
	[sflag:s29] =	ssyncadd.s32 $0xFFFFFEF0  }
0x358: {  	[tilespmem:s12], [sflag:$0x3] =	stream.linear.gather [spmem:s11], $0x110, $0x38;
	[tilespmem:$0x45B0] =	vst v63  }
0x359: {  	_ =	swait.ge [sflag:s29], $0x110  }
0x35a: {  	[sflag:s29] =	ssyncset.done $0x0  }
0x35b: {  	s10 =	simm.s32 $0x4200;
	s9 =	rddreg [dreg:$0x8];
	[sflag:s29] =	ssyncadd.s32 $0xFFFFFEF0  }
0x35c: {  	[tilespmem:s10], [sflag:$0x3] =	stream.linear.gather [spmem:s9], $0x10, $0x38;
	[tilespmem:$0x45B0] =	vst v63  }
0x35d: {  	_ =	swait.ge [sflag:s29], $0x10  }
0x35e: {  	[sflag:s29] =	ssyncset.done $0x0  }
0x35f: {  	s12 =	simm.s32 $0x3C90;
	s11 =	rddreg [dreg:$0x9];
	[sflag:s29] =	ssyncadd.s32 $0xFFFFFFF0  }
0x360: {  	[tilespmem:s12], [sflag:$0x3] =	stream.linear.gather [spmem:s11], $0x110, $0x38;
	[tilespmem:$0x45B0] =	vst v63  }
0x361: {  	_ =	swait.ge [sflag:s29], $0x110  }
0x362: {  	[sflag:s29] =	ssyncset.done $0x0  }
0x363: {  	s10 =	simm.s32 $0x3FC0;
	s9 =	rddreg [dreg:$0xa];
	[sflag:s29] =	ssyncadd.s32 $0xFFFFFEF0  }
0x364: {  	[tilespmem:s10], [sflag:$0x3] =	stream.linear.gather [spmem:s9], $0x110, $0x38;
	[tilespmem:$0x45B0] =	vst v63  }
0x365: {  	_ =	swait.ge [sflag:s29], $0x110  }
0x366: {  	[sflag:s29] =	ssyncset.done $0x0  }
0x367: {  	s11 =	simm.s32 $0x4210;
	[sflag:s29] =	ssyncadd.s32 $0xFFFFFEF0  }
0x368: {  	[tilespmem:s11], [sflag:$0x3] =	stream.linear.gather [spmem:s13], $0x10, $0x38;
	[tilespmem:$0x45B0] =	vst v63  }
0x369: {  	_ =	swait.ge [sflag:s29], $0x10  }
0x36a: {  	[sflag:s29] =	ssyncset.done $0x0  }
0x36b: {  	s12 =	simm.s32 $0x3DA0;
	[sflag:s29] =	ssyncadd.s32 $0xFFFFFFF0  }
0x36c: {  	[tilespmem:s12], [sflag:$0x3] =	stream.linear.gather [spmem:s14], $0x110, $0x38;
	[tilespmem:$0x45B0] =	vst v63  }
0x36d: {  	_ =	swait.ge [sflag:s29], $0x110  }
0x36e: {  	[sflag:s29] =	ssyncset.done $0x0  }
0x36f: {  	s8 =	simm.s32 $0x40D0;
	[sflag:s29] =	ssyncadd.s32 $0xFFFFFEF0  }
0x370: {  	[tilespmem:s8], [sflag:$0x3] =	stream.linear.gather [spmem:s15], $0x110, $0x38;
	[tilespmem:$0x45B0] =	vst v63  }
0x371: {  	_ =	swait.ge [sflag:s29], $0x110  }
0x372: {  	[sflag:s29] =	ssyncset.done $0x0  }
0x373: {  	s9 =	simm.s32 $0x4220;
	[sflag:s29] =	ssyncadd.s32 $0xFFFFFEF0  }
0x374: {  	[tilespmem:s9], [sflag:$0x3] =	stream.linear.gather [spmem:s16], $0x10, $0x38;
	[tilespmem:$0x45B0] =	vst v63  }
0x375: {  	_ =	swait.ge [sflag:s29], $0x10  }
0x376: {  	[sflag:s29] =	ssyncset.done $0x0  }
0x377: {  	[sflag:s29] =	ssyncadd.s32 $0xFFFFFFF0  }
0x378: {  	v0 =	vld [tilespmem:$0x3580]  }
0x379: {  	v36 =	vld [tilespmem:$0x3700]  }
0x37a: {  	v43 =	vld [tilespmem:$0x3B80]  }
0x37b: {  	v44 =	vld [tilespmem:$0x3EB0]  }
0x37c: {  	v48 =	vld [tilespmem:$0x3C90]  }
0x37d: {  	v51 =	vld [tilespmem:$0x3FC0]  }
0x37e: {  	v37 =	vld [tilespmem:$0x3DA0]  }
0x37f: {  	v38 =	vld [tilespmem:$0x40D0]  }
0x380: {  	v35 =	vld [tilespmem:$0x3590]  }
0x381: {  	v50 =	vld [tilespmem:$0x3710]  }
0x382: {  	v29 =	vld [tilespmem:$0x3B90]  }
0x383: {  	v40 =	vld [tilespmem:$0x3EC0]  }
0x384: {  	v52 =	vld [tilespmem:$0x3FD0]  }
0x385: {  	v49 =	vld [tilespmem:$0x3DB0]  }
0x386: {  	v57 =	vld [tilespmem:$0x40E0]  }
0x387: {  	v63 =	vld [tilespmem:$0x35A0]  }
0x388: {  	v39 =	vld [tilespmem:$0x3720]  }
0x389: {  	v45 =	vld [tilespmem:$0x3BA0]  }
0x38a: {  	v46 =	vld [tilespmem:$0x3ED0]  }
0x38b: {  	v53 =	vld [tilespmem:$0x3CB0]  }
0x38c: {  	v55 =	vld [tilespmem:$0x3FE0]  }
0x38d: {  	v41 =	vld [tilespmem:$0x3DC0]  }
0x38e: {  	v42 =	vld [tilespmem:$0x40F0]  }
0x38f: {  	v58 =	vld [tilespmem:$0x35B0]  }
0x390: {  	v59 =	vld [tilespmem:$0x3730]  }
0x391: {  	v60 =	vld [tilespmem:$0x3BB0]  }
0x392: {  	v61 =	vld [tilespmem:$0x3EE0]  }
0x393: {  	v62 =	vld [tilespmem:$0x3CC0]  }
0x394: {  	v47 =	vld [tilespmem:$0x3FF0]  }
0x395: {  	v54 =	vld [tilespmem:$0x3DD0]  }
0x396: {  	v56 =	vld [tilespmem:$0x4100]  }
0x397: {  	v4 =	vld [tilespmem:$0x35C0]  }
0x398: {  	v5 =	vld [tilespmem:$0x3740]  }
0x399: {  	v7 =	vld [tilespmem:$0x3BC0]  }
0x39a: {  	v8 =	vld [tilespmem:$0x3EF0]  }
0x39b: {  	v9 =	vld [tilespmem:$0x3CD0]  }
0x39c: {  	v10 =	vld [tilespmem:$0x4000]  }
0x39d: {  	v11 =	vld [tilespmem:$0x3DE0]  }
0x39e: {  	v12 =	vld [tilespmem:$0x4110]  }
0x39f: {  	v13 =	vld [tilespmem:$0x35D0]  }
0x3a0: {  	v14 =	vld [tilespmem:$0x3750]  }
0x3a1: {  	v15 =	vld [tilespmem:$0x3F00]  }
0x3a2: {  	v16 =	vld [tilespmem:$0x3CE0]  }
0x3a3: {  	v17 =	vld [tilespmem:$0x4010]  }
0x3a4: {  	v24 =	vld [tilespmem:$0x3DF0]  }
0x3a5: {  	v25 =	vld [tilespmem:$0x4120]  }
0x3a6: {  	v26 =	vld [tilespmem:$0x3760]  }
0x3a7: {  	v34 =	vld [tilespmem:$0x3BE0]  }
0x3a8: {  	v27 =	vld [tilespmem:$0x3F10]  }
0x3a9: {  	v28 =	vld [tilespmem:$0x4020]  }
0x3aa: {  	v30 =	vld [tilespmem:$0x3E00]  }
0x3ab: {  	v31 =	vld [tilespmem:$0x4130]  }
0x3ac: {  	v32 =	vld [tilespmem:$0x3770]  }
0x3ad: {  	v33 =	vld [tilespmem:$0x3F20]  }
0x3ae: {  	v22 =	vld [tilespmem:$0x3D10]  }
0x3af: {  	v23 =	vld [tilespmem:$0x3E40]  }
0x3b0: {  	v1 =	vld [tilespmem:$0x3C30]  }
0x3b1: {  	v20 =	vld [tilespmem:$0x3E50]  }
0x3b2: {  	v19 =	vld [tilespmem:$0x3640]  }
0x3b3: {  	v3 =	vld [tilespmem:$0x3C50]  }
0x3b4: {  	v21 =	vld [tilespmem:$0x3E70]  }
0x3b5: {  	v2 =	vld [tilespmem:$0x3660]  }
0x3b6: {  	v18 =	vld [tilespmem:$0x3F90]  }
0x3b7: {  	[tilespmem:$0x1F940] =	vst v6;
	v6 =	vld [tilespmem:$0x3D70]  }
0x3b8: {  	[tilespmem:$0x1F600] =	vst v36;
	v36 =	vld [tilespmem:$0x3CA0]  }
0x3b9: {  	[tilespmem:$0x1F670] =	vst v54;
	v54 =	vld [tilespmem:$0x3BD0]  }
0x3ba: {  	[tilespmem:$0x1F640] =	vst v41;
	v41 =	vld [tilespmem:$0x35E0]  }
0x3bb: {  	[tilespmem:$0x1F650] =	vst v42;
	v42 =	vld [tilespmem:$0x3CF0]  }
0x3bc: {  	[tilespmem:$0x1F730] =	vst v30;
	v30 =	vld [tilespmem:$0x35F0]  }
0x3bd: {  	[tilespmem:$0x1F780] =	vst v25;
	v25 =	vld [tilespmem:$0x3BF0]  }
0x3be: {  	[tilespmem:$0x1F7D0] =	vst v28;
	v28 =	vld [tilespmem:$0x3D00]  }
0x3bf: {  	[tilespmem:$0x1F610] =	vst v37;
	v37 =	vld [tilespmem:$0x4030]  }
0x3c0: {  	[tilespmem:$0x1F630] =	vst v39;
	v39 =	vld [tilespmem:$0x3E10]  }
0x3c1: {  	[tilespmem:$0x1F720] =	vst v24;
	v24 =	vld [tilespmem:$0x3600]  }
0x3c2: {  	[tilespmem:$0x1F620] =	vst v38;
	v38 =	vld [tilespmem:$0x3780]  }
0x3c3: {  	[tilespmem:$0x1F710] =	vst v16;
	v16 =	vld [tilespmem:$0x3C00]  }
0x3c4: {  	[tilespmem:$0x1F660] =	vst v47;
	v47 =	vld [tilespmem:$0x3F30]  }
0x3c5: {  	[tilespmem:$0x1F680] =	vst v56;
	v56 =	vld [tilespmem:$0x4040]  }
0x3c6: {  	[tilespmem:$0x1F820] =	vst v31;
	v31 =	vld [tilespmem:$0x3E20]  }
0x3c7: {  	[tilespmem:$0x1F750] =	vst v14;
	v14 =	vld [tilespmem:$0x3610]  }
0x3c8: {  	[tilespmem:$0x1F690] =	vst v4;
	v4 =	vld [tilespmem:$0x3790]  }
0x3c9: {  	[tilespmem:$0x1F6A0] =	vst v7;
	v7 =	vld [tilespmem:$0x3C10]  }
0x3ca: {  	[tilespmem:$0x1F6B0] =	vst v5;
	v5 =	vld [tilespmem:$0x3F40]  }
0x3cb: {  	[tilespmem:$0x1F770] =	vst v17;
	v17 =	vld [tilespmem:$0x3D20]  }
0x3cc: {  	[tilespmem:$0x1F790] =	vst v26;
	v26 =	vld [tilespmem:$0x3E30]  }
0x3cd: {  	[tilespmem:$0x1F700] =	vst v11;
	v11 =	vld [tilespmem:$0x3620]  }
0x3ce: {  	[tilespmem:$0x1F6C0] =	vst v8;
	v8 =	vld [tilespmem:$0x37A0]  }
0x3cf: {  	[tilespmem:$0x1F6D0] =	vst v9;
	v9 =	vld [tilespmem:$0x3F50]  }
0x3d0: {  	[tilespmem:$0x1F6E0] =	vst v10;
	v10 =	vld [tilespmem:$0x4060]  }
0x3d1: {  	[tilespmem:$0x1F740] =	vst v12;
	v12 =	vld [tilespmem:$0x37B0]  }
0x3d2: {  	[tilespmem:$0x1F6F0] =	vst v13;
	v13 =	vld [tilespmem:$0x3F60]  }
0x3d3: {  	[tilespmem:$0x1F760] =	vst v15;
	v15 =	vld [tilespmem:$0x37C0]  }
0x3d4: {  	[tilespmem:$0x1F7A0] =	vst v27;
	v27 =	vld [tilespmem:$0x3F70]  }
0x3d5: {  	[tilespmem:$0x1F870] =	vst v32;
	v32 =	vld [tilespmem:$0x37D0]  }
0x3d6: {  	[tilespmem:$0x1F880] =	vst v33;
	v33 =	vld [tilespmem:$0x3F80]  }
0x3d7: {  	[tilespmem:$0x1F5F0] =	vst v0;
	v0 =	vld [tilespmem:$0x3C60]  }
0x3d8: {  	[tilespmem:$0x1F7C0] =	vst v18;
	v18 =	vld [tilespmem:$0x40A0]  }
0x3d9: {  	v50 =	vmin.f32 v50, v40;
	v58 =	vmax.f32 v58, v60;
	v60 =	vld [tilespmem:$0x1F640]  }
0x3da: {  	v29 =	vmax.f32 v35, v29;
	v35 =	vmin.f32 v50, v52;
	v52 =	vld [tilespmem:$0x3FB0]  }
0x3db: {  	v50 =	vmax.f32 v58, v62;
	v62 =	vld [tilespmem:$0x1F650]  }
0x3dc: {  	v45 =	vmax.f32 v63, v45;
	v63 =	vld [tilespmem:$0x1F660]  }
0x3dd: {  	v45 =	vmax.f32 v45, v53;
	v53 =	vld [tilespmem:$0x1F670]  }
0x3de: {  	v58 =	vld [tilespmem:$0x1F6A0]  }
0x3df: {  	v61 =	vmin.f32 v59, v61;
	v59 =	vld [tilespmem:$0x1F6B0]  }
0x3e0: {  	v35 =	vmin.f32 v35, v57;
	v57 =	vld [tilespmem:$0x1F630]  }
0x3e1: {  	[tilespmem:$0x1F920] =	vst v5;
	v5 =	vld [tilespmem:$0x3C20]  }
0x3e2: {  	[tilespmem:$0x1F8D0] =	vst v9;
	v9 =	vld [tilespmem:$0x3D30]  }
0x3e3: {  	[tilespmem:$0x1F910] =	vst v4;
	v4 =	vld [tilespmem:$0x3630]  }
0x3e4: {  	[tilespmem:$0x1F8C0] =	vst v8;
	v8 =	vld [tilespmem:$0x3D40]  }
0x3e5: {  	[tilespmem:$0x1F8A0] =	vst v12;
	v12 =	vld [tilespmem:$0x3C40]  }
0x3e6: {  	[tilespmem:$0x1F850] =	vst v15;
	v15 =	vld [tilespmem:$0x3D50]  }
0x3e7: {  	[tilespmem:$0x1F860] =	vst v27;
	v27 =	vld [tilespmem:$0x3E60]  }
0x3e8: {  	[tilespmem:$0x1F8B0] =	vst v13;
	v13 =	vld [tilespmem:$0x3650]  }
0x3e9: {  	[tilespmem:$0x1F900] =	vst v10;
	v10 =	vld [tilespmem:$0x3D60]  }
0x3ea: {  	[tilespmem:$0x1F890] =	vst v37;
	v37 =	vld [tilespmem:$0x4090]  }
0x3eb: {  	[tilespmem:$0x1F8E0] =	vst v38;
	v38 =	vld [tilespmem:$0x41A0]  }
0x3ec: {  	[tilespmem:$0x1F8F0] =	vst v47;
	v47 =	vld [tilespmem:$0x37E0]  }
0x3ed: {  	[tilespmem:$0x1F7E0] =	vst v18;
	v18 =	vld [tilespmem:$0x3E80]  }
0x3ee: {  	[tilespmem:$0x1F800] =	vst v32;
	v32 =	vld [tilespmem:$0x41B0]  }
0x3ef: {  	[tilespmem:$0x1F810] =	vst v33;
	v33 =	vld [tilespmem:$0x3FA0]  }
0x3f0: {  	[tilespmem:$0x1F930] =	vst v56;
	v56 =	vld [tilespmem:$0x1F5F0]  }
0x3f1: {  	v29 =	vmax.f32 v29, v36;
	v36 =	vld [tilespmem:$0x41C0]  }
0x3f2: {  	v34 =	vmax.f32 v41, v34;
	v41 =	vld [tilespmem:$0x41D0]  }
0x3f3: {  	v16 =	vmax.f32 v24, v16;
	v24 =	vld [tilespmem:$0x1F780]  }
0x3f4: {  	v25 =	vmax.f32 v30, v25;
	v29 =	vmax.f32 v29, v49;
	v49 =	vld [tilespmem:$0x3800]  }
0x3f5: {  	v25 =	vmax.f32 v25, v28;
	v28 =	vld [tilespmem:$0x1F740]  }
0x3f6: {  	v16 =	vmax.f32 v16, v22;
	v22 =	vld [tilespmem:$0x1F850]  }
0x3f7: {  	v46 =	vmin.f32 v57, v46;
	v57 =	vld [tilespmem:$0x1F690]  }
0x3f8: {  	v25 =	vmax.f32 v25, v39;
	v39 =	vld [tilespmem:$0x1F750]  }
0x3f9: {  	v43 =	vmax.f32 v56, v43;
	v56 =	vld [tilespmem:$0x1F600]  }
0x3fa: {  	v46 =	vmin.f32 v46, v55;
	v55 =	vld [tilespmem:$0x1F680]  }
0x3fb: {  	v46 =	vmin.f32 v46, v62;
	v62 =	vld [tilespmem:$0x1F6E0]  }
0x3fc: {  	[tilespmem:$0x1F830] =	vst v37;
	v37 =	vld [tilespmem:$0x3670]  }
0x3fd: {  	[tilespmem:$0x1F840] =	vst v38;
	v38 =	vld [tilespmem:$0x37F0]  }
0x3fe: {  	[tilespmem:$0x1F7F0] =	vst v32;
	v32 =	vld [tilespmem:$0x3C70];
	v44 =	vmin.f32 v56, v44  }
0x3ff: {  	v0 =	vmax.f32 v2, v0;
	v44 =	vmin.f32 v44, v51;
	v51 =	vld [tilespmem:$0x1F610]  }
0x400: {  	v0 =	vmax.f32 v0, v6;
	[tilespmem:$0x1F7B0] =	vst v47;
	v47 =	vld [tilespmem:$0x3D80]  }
0x401: {  	v1 =	vmax.f32 v4, v1;
	v0 =	vmax.f32 v0, v18;
	v18 =	vld [tilespmem:$0x4080]  }
0x402: {  	v43 =	vmax.f32 v43, v48;
	v48 =	vld [tilespmem:$0x3E90];
	v1 =	vmax.f32 v1, v8  }
0x403: {  	v1 =	vmax.f32 v1, v20;
	v20 =	vld [tilespmem:$0x1F810]  }
0x404: {  	v43 =	vmax.f32 v43, v51;
	v51 =	vld [tilespmem:$0x1F620]  }
0x405: {  	v56 =	vld [tilespmem:$0x40B0]  }
0x406: {  	[tilespmem:$0x3580] =	vst v43;
	v43 =	vmax.f32 v45, v60;
	v45 =	vmax.f32 v50, v53;
	v50 =	vld [tilespmem:$0x3D90]  }
0x407: {  	v60 =	vld [tilespmem:$0x1F6C0];
	[tilespmem:$0x35B0] =	vst v45  }
0x408: {  	[tilespmem:$0x35F0] =	vst v25;
	v25 =	vld [tilespmem:$0x35B0]  }
0x409: {  	v40 =	vmin.f32 v44, v51;
	v44 =	vld [tilespmem:$0x3680]  }
0x40a: {  	v51 =	vld [tilespmem:$0x3C80]  }
0x40b: {  	[tilespmem:$0x3700] =	vst v40;
	v40 =	vmin.f32 v61, v63;
	v61 =	vld [tilespmem:$0x1F6D0]  }
0x40c: {  	v63 =	vld [tilespmem:$0x1F6F0]  }
0x40d: {  	v53 =	vmin.f32 v59, v60;
	v59 =	vld [tilespmem:$0x1F720]  }
0x40e: {  	v60 =	vld [tilespmem:$0x3580]  }
0x40f: {  	[tilespmem:$0x3590] =	vst v29;
	v29 =	vmin.f32 v40, v55;
	v55 =	vld [tilespmem:$0x40C0]  }
0x410: {  	v40 =	vmax.f32 v57, v58;
	v57 =	vld [tilespmem:$0x1F700]  }
0x411: {  	v58 =	vld [tilespmem:$0x1F710]  }
0x412: {  	v5 =	vmax.f32 v11, v5;
	[tilespmem:$0x35A0] =	vst v43;
	v43 =	vmin.f32 v53, v62;
	v62 =	vld [tilespmem:$0x3590]  }
0x413: {  	v5 =	vmax.f32 v5, v9;
	v9 =	vmin.f32 v43, v28;
	v43 =	vld [tilespmem:$0x1F760]  }
0x414: {  	v53 =	vmax.f32 v63, v54;
	v54 =	vld [tilespmem:$0x3EA0]  }
0x415: {  	v3 =	vmax.f32 v13, v3;
	v40 =	vmax.f32 v40, v61;
	v61 =	vld [tilespmem:$0x1F730]  }
0x416: {  	v3 =	vmax.f32 v3, v10;
	v63 =	vld [tilespmem:$0x35A0]  }
0x417: {  	(xrf0) =	vmax.scan.msk.f32 $0xffff, v60;
	v60 =	vmax.f32 v3, v21;
	v21 =	vld [tilespmem:$0x4070]  }
0x418: {  	v16 =	vmax.f32 v16, v31;
	v45 =	vmax.f32 v53, v58;
	v58 =	vld [tilespmem:$0x35F0]  }
0x419: {  	[tilespmem:$0x3600] =	vst v16;
	(xrf0) =	vmax.scan.msk.f32 $0xffff, v62;
	v62 =	vld [tilespmem:$0x1F770]  }
0x41a: {  	v40 =	vmax.f32 v40, v57;
	[tilespmem:$0x3650] =	vst v60;
	v60 =	vld [tilespmem:$0x4190]  }
0x41b: {  	[tilespmem:$0x35C0] =	vst v40;
	v40 =	vmax.f32 v45, v59;
	v59 =	vld [tilespmem:$0x3600]  }
0x41c: {  	v7 =	vmax.f32 v14, v7;
	[tilespmem:$0x3660] =	vst v0;
	v28 =	vmin.f32 v38, v33;
	v33 =	vld [tilespmem:$0x3650]  }
0x41d: {  	v7 =	vmax.f32 v7, v17;
	v8 =	vmin.f32 v39, v43;
	v43 =	vld [tilespmem:$0x3660]  }
0x41e: {  	v7 =	vmax.f32 v7, v26;
	v45 =	vmax.f32 v19, v12;
	v19 =	vld [tilespmem:$0x1F7F0]  }
0x41f: {  	[tilespmem:$0x3610] =	vst v7;
	v39 =	vld [tilespmem:$0x1F860]  }
0x420: {  	v5 =	vmax.f32 v5, v23;
	[tilespmem:$0x35D0] =	vst v40;
	v26 =	vld [tilespmem:$0x35C0]  }
0x421: {  	v34 =	vmax.f32 v34, v42;
	[tilespmem:$0x3620] =	vst v5;
	v57 =	vmax.f32 v45, v15;
	v31 =	vld [tilespmem:$0x35D0]  }
0x422: {  	[tilespmem:$0x3630] =	vst v1;
	v1 =	vmax.f32 v57, v27;
	v34 =	vmax.f32 v34, v61;
	v61 =	vld [tilespmem:$0x3610]  }
0x423: {  	v27 =	vmax.f32 v37, v32;
	[tilespmem:$0x3640] =	vst v1;
	(xrf0) =	vmax.scan.msk.f32 $0xffff, v63;
	v63 =	vld [tilespmem:$0x3620]  }
0x424: {  	v6 =	vmax.f32 v27, v47;
	v30 =	vld [tilespmem:$0x3640]  }
0x425: {  	v6 =	vmax.f32 v6, v48;
	v48 =	vld [tilespmem:$0x1F790]  }
0x426: {  	(xrf0) =	vmax.scan.msk.f32 $0xffff, v25;
	v25 =	vmin.f32 v49, v52;
	v49 =	vld [tilespmem:$0x1F7A0]  }
0x427: {  	v52 =	vld [tilespmem:$0x1F7C0]  }
0x428: {  	v5 =	vmin.f32 v8, v62;
	v8 =	vmin.f32 v28, v56;
	v56 =	vld [tilespmem:$0x1F7E0]  }
0x429: {  	[tilespmem:$0x35E0] =	vst v34;
	v62 =	vld [tilespmem:$0x1F830]  }
0x42a: {  	v53 =	vld [tilespmem:$0x35E0]  }
0x42b: {  	v0 =	vmin.f32 v25, v55;
	v55 =	vld [tilespmem:$0x1F7D0]  }
0x42c: {  	v32, _, _ =	vpop (xrf0);
	v8 =	vmin.f32 v8, v36;
	(xrf0) =	vmax.scan.msk.f32 $0xffff, v26;
	v26 =	vld [tilespmem:$0x3630]  }
0x42d: {  	[tilespmem:$0x37F0] =	vst v8;
	v8 =	vmax.f32 v32, $-3.000000010e+38;
	v32 =	vld [tilespmem:$0x1F840]  }
0x42e: {  	v0 =	vmin.f32 v0, v41;
	(xrf0) =	vmax.scan.msk.f32 $0xffff, v31;
	v31 =	vmax.f32 v44, v51;
	v51 =	vld [tilespmem:$0x1F7B0]  }
0x42f: {  	[tilespmem:$0x3800] =	vst v0;
	v57 =	vld [tilespmem:$0x37F0]  }
0x430: {  	[tilespmem:$0x3670] =	vst v6;
	v22 =	vmin.f32 v22, v39;
	v47 =	vld [tilespmem:$0x3800]  }
0x431: {  	v18 =	vmin.f32 v22, v18;
	v10 =	vmax.f32 v31, v50;
	v50 =	vld [tilespmem:$0x3670]  }
0x432: {  	v44 =	vmax.f32 v10, v54;
	v14 =	vmin.f32 v48, v49;
	v48 =	vmin.f32 v18, v60;
	v60 =	vld [tilespmem:$0x1F900]  }
0x433: {  	v34 =	vlaneseq.u32;
	[tilespmem:$0x3680] =	vst v44;
	v44 =	vld [tilespmem:$0x1F880]  }
0x434: {  	v54 =	vmul.u32 $0xFFFFFFFF, v34;
	v14 =	vmin.f32 v14, v55;
	v55 =	vld [tilespmem:$0x1F8D0]  }
0x435: {  	(xrf0) =	vmax.scan.msk.f32 $0xffff, v53;
	v53 =	vld [tilespmem:$0x3680]  }
0x436: {  	(xrf0) =	vmax.scan.msk.f32 $0xffff, v58;
	v23 =	vadd.s32 $0xF, v54;
	v54 =	vld [tilespmem:$0x1F8C0]  }
0x437: {  	(xrf0) =	vmax.scan.msk.f32 $0xffff, v59;
	v59 =	vld [tilespmem:$0x1F800]  }
0x438: {  	v37 =	vimm.s32 $0xF;
	v41, _, _ =	vpop (xrf0);
	v6 =	vmin.f32 v51, v52;
	v51 =	vld [tilespmem:$0x1F8A0]  }
0x439: {  	v45, _, _ =	vpop (xrf0);
	v58 =	vperm.xlane v8, v37;
	(xrf0) =	vmax.scan.msk.f32 $0xffff, v61;
	v61 =	vld [tilespmem:$0x1F820]  }
0x43a: {  	v15, _, _ =	vpop (xrf0);
	v52 =	vld [tilespmem:$0x1F8B0]  }
0x43b: {  	v16, _, _ =	vpop (xrf0);
	v6 =	vmin.f32 v6, v56;
	v0 =	vmax.f32 v41, v58;
	v41 =	vld [tilespmem:$0x4180];
	(xrf0) =	vmax.scan.msk.f32 $0xffff, v63  }
0x43c: {  	v11, _, _ =	vpop (xrf0);
	v2 =	vperm.xlane v47, v23;
	v47 =	vld [tilespmem:$0x4170];
	v6 =	vmin.f32 v6, v19;
	(xrf0) =	vmax.scan.msk.f32 $0xffff, v26  }
0x43d: {  	v58 =	vld [tilespmem:$0x1F8E0];
	[tilespmem:$0x37E0] =	vst v6;
	(xrf0) =	vmax.scan.msk.f32 $0xffff, v30;
	v17 =	vmin.f32 v59, v20  }
0x43e: {  	v19, _, _ =	vpop (xrf0);
	v63 =	vld [tilespmem:$0x37E0];
	(xrf0) =	vmax.scan.msk.f32 $0xffff, v33;
	v33 =	vperm.xlane v0, v37;
	v12 =	vmin.f32 v14, v61;
	v14 =	vmin.f32 v17, v62  }
0x43f: {  	v20, _, _ =	vpop (xrf0);
	v59 =	vld [tilespmem:$0x1F8F0]  }
0x440: {  	v4 =	vperm.xlane v57, v23;
	v61 =	vld [tilespmem:$0x1F910];
	v10 =	vmax.f32 v45, v33;
	v17, _, _ =	vpop (xrf0);
	(xrf0) =	vmax.scan.msk.f32 $0xffff, v43  }
0x441: {  	v2 =	vsub.f32 $0.0e+00, v2;
	v62 =	vld [tilespmem:$0x1F920];
	v7 =	vmin.f32 v14, v32;
	v18 =	vperm.xlane v10, v37;
	v14, _, _ =	vpop (xrf0);
	(xrf0) =	vmax.scan.msk.f32 $0xffff, v50  }
0x442: {  	v5 =	vmin.f32 v5, v24;
	[tilespmem:$0x37D0] =	vst v7;
	v43 =	vld [tilespmem:$0x1F870];
	v24, _, _ =	vpop (xrf0);
	(xrf0) =	vmax.scan.msk.f32 $0xffff, v53  }
0x443: {  	v49 =	vsub.f32 $0.0e+00, v4;
	v4 =	vmin.f32 v51, v52;
	v45 =	vld [tilespmem:$0x37D0];
	v15 =	vmax.f32 v15, v18;
	v22, _, _ =	vpop (xrf0);
	(xrf0) =	vmax.scan.msk.f32 $0xffff, v2  }
0x444: {  	[tilespmem:$0x3710] =	vst v35;
	v50 =	vld [tilespmem:$0x1F890];
	v57 =	vperm.xlane v15, v37;
	v7, _, _ =	vpop (xrf0)  }
0x445: {  	v35 =	vimm.s32 $0x0;
	[tilespmem:$0x37C0] =	vst v48;
	v21 =	vmin.f32 v4, v21;
	v13 =	vperm.xlane v63, v23;
	v53 =	vld [tilespmem:$0x4050];
	v6, _, _ =	vpop (xrf0)  }
0x446: {  	v30 =	vmin.f32 v54, v55;
	v21 =	vmin.f32 v21, v41;
	v18 =	vld [tilespmem:$0x37C0];
	v16 =	vmax.f32 v16, v57;
	v4, _, _ =	vpop (xrf0);
	(xrf0) =	vmax.scan.msk.f32 $0xffff, v49  }
0x447: {  	v56 =	vld [tilespmem:$0x4160];
	v30 =	vmin.f32 v30, v60;
	[tilespmem:$0x37B0] =	vst v21;
	v13 =	vsub.f32 $0.0e+00, v13;
	v41 =	vperm.xlane v16, v37;
	v2, _, _ =	vpop (xrf0)  }
0x448: {  	[tilespmem:$0x3720] =	vst v46;
	v26 =	vmin.f32 v30, v47;
	v39 =	vld [tilespmem:$0x37B0];
	v32 =	vmin.f32 v58, v59;
	v3 =	vperm.xlane v45, v23;
	v1, _, _ =	vpop (xrf0)  }
0x449: {  	v33 =	vmin.f32 v61, v62;
	v25 =	vmin.f32 v43, v44;
	v43 =	vld [tilespmem:$0x1F930];
	v11 =	vmax.f32 v11, v41;
	v63, _, _ =	vpop (xrf0);
	(xrf0) =	vmax.scan.msk.f32 $0xffff, v13  }
0x44a: {  	[tilespmem:$0x3740] =	vst v9;
	v3 =	vsub.f32 $0.0e+00, v3;
	v48 =	vperm.xlane v11, v37;
	v30 =	vsub.f32 $0.0e+00, v63  }
0x44b: {  	[tilespmem:$0x37A0] =	vst v26;
	v21 =	vld [tilespmem:$0x4150];
	v25 =	vmin.f32 v25, v50;
	v28 =	vmin.f32 v33, v53;
	v18 =	vperm.xlane v18, v23  }
0x44c: {  	v47 =	vld [tilespmem:$0x37A0];
	v27 =	vmin.f32 v28, v56;
	v9 =	vmax.f32 v19, v48;
	v45 =	vperm.xlane v30, v23;
	v46, _, _ =	vpop (xrf0);
	(xrf0) =	vmax.scan.msk.f32 $0xffff, v3  }
0x44d: {  	[tilespmem:$0x3730] =	vst v29;
	v18 =	vsub.f32 $0.0e+00, v18;
	v51 =	vperm.xlane v9, v37;
	v29 =	vsub.f32 $0.0e+00, v46  }
0x44e: {  	v44 =	vld [tilespmem:$0x4140];
	[tilespmem:$0x3790] =	vst v27;
	v13 =	vperm.xlane v39, v23;
	v31 =	vmin.f32 v32, v43;
	v3 =	vmin.f32 v45, $3.000000010e+38  }
0x44f: {  	v20 =	vmax.f32 v20, v51;
	v19 =	vperm.xlane v3, v35;
	v49 =	vperm.xlane v29, v23;
	v50, _, _ =	vpop (xrf0);
	(xrf0) =	vmax.scan.msk.f32 $0xffff, v18;
	v18 =	vld [tilespmem:$0x3790]  }
0x450: {  	[tilespmem:$0x3750] =	vst v5;
	v21 =	vmin.f32 v31, v21;
	v55 =	vperm.xlane v20, v37;
	v28 =	vsub.f32 $0.0e+00, v50  }
0x451: {  	v13 =	vsub.f32 $0.0e+00, v13;
	[tilespmem:$0x3780] =	vst v21;
	v5 =	vmin.f32 v49, v19;
	v19 =	vperm.xlane v47, v23  }
0x452: {  	[tilespmem:$0x3760] =	vst v12;
	v54 =	vld [tilespmem:$0x3780];
	v12 =	vmax.f32 v17, v55;
	v21 =	vperm.xlane v5, v35;
	v52 =	vperm.xlane v28, v23;
	v53, _, _ =	vpop (xrf0)  }
0x453: {  	v25 =	vmin.f32 v25, v44;
	(xrf0) =	vmax.scan.msk.f32 $0xffff, v13;
	v59 =	vperm.xlane v12, v37;
	v27 =	vsub.f32 $0.0e+00, v53  }
0x454: {  	[tilespmem:$0x3880] =	vst v8;
	v33 =	vld [tilespmem:$0x3740];
	v19 =	vsub.f32 $0.0e+00, v19;
	v21 =	vmin.f32 v52, v21;
	v18 =	vperm.xlane v18, v23  }
0x455: {  	[tilespmem:$0x3770] =	vst v25;
	v8 =	vmax.f32 v14, v59;
	v56 =	vperm.xlane v21, v35;
	v57 =	vperm.xlane v27, v23;
	v58, _, _ =	vpop (xrf0)  }
0x456: {  	(xrf0) =	vmax.scan.msk.f32 $0xffff, v19;
	v19 =	vld [tilespmem:$0x3770];
	v63 =	vperm.xlane v8, v37;
	v26 =	vsub.f32 $0.0e+00, v58  }
0x457: {  	[tilespmem:$0x3890] =	vst v0;
	v13 =	vperm.xlane v54, v23;
	v18 =	vsub.f32 $0.0e+00, v18;
	v0 =	vmin.f32 v57, v56  }
0x458: {  	[tilespmem:$0x38A0] =	vst v10;
	v49 =	vld [tilespmem:$0x3720];
	v10 =	vmax.f32 v24, v63;
	v60 =	vperm.xlane v0, v35;
	v61 =	vperm.xlane v26, v23  }
0x459: {  	v46 =	vperm.xlane v33, v23;
	v62, _, _ =	vpop (xrf0);
	(xrf0) =	vmax.scan.msk.f32 $0xffff, v18;
	v18 =	vld [tilespmem:$0x3760];
	v31 =	vperm.xlane v10, v37  }
0x45a: {  	v13 =	vsub.f32 $0.0e+00, v13;
	v25 =	vsub.f32 $0.0e+00, v62;
	v14 =	vmin.f32 v61, v60  }
0x45b: {  	[tilespmem:$0x38C0] =	vst v16;
	v30 =	vld [tilespmem:$0x3750];
	v28 =	vperm.xlane v19, v23;
	v16 =	vmax.f32 v22, v31;
	v17 =	vperm.xlane v14, v35  }
0x45c: {  	v55 =	vld [tilespmem:$0x3710];
	v19 =	vperm.xlane v25, v23;
	v29, _, _ =	vpop (xrf0);
	(xrf0) =	vmax.scan.msk.f32 $0xffff, v13;
	v39 =	vperm.xlane v16, v37  }
0x45d: {  	[tilespmem:$0x38B0] =	vst v15;
	v58 =	vperm.xlane v49, v23;
	v24 =	vsub.f32 $0.0e+00, v29;
	v15 =	vsub.f32 $0.0e+00, v28  }
0x45e: {  	[tilespmem:$0x38D0] =	vst v11;
	v11 =	vmin.f32 v19, v17;
	v32 =	vperm.xlane v18, v23;
	v7 =	vmax.f32 v7, v39  }
0x45f: {  	v18 =	vperm.xlane v11, v35;
	v22, _, _ =	vpop (xrf0);
	v44 =	vperm.xlane v7, v37  }
0x460: {  	v62 =	vld [tilespmem:$0x3700];
	v19 =	vperm.xlane v24, v23;
	(xrf0) =	vmax.scan.msk.f32 $0xffff, v15;
	v22 =	vsub.f32 $0.0e+00, v22;
	v17 =	vsub.f32 $0.0e+00, v32  }
0x461: {  	[tilespmem:$0x38F0] =	vst v20;
	v13 =	vperm.xlane v30, v23;
	v25 =	vperm.xlane v55, v23;
	v6 =	vmax.f32 v6, v44  }
0x462: {  	v43 =	vld [tilespmem:$0x3730];
	v18 =	vmin.f32 v19, v18;
	v19 =	vperm.xlane v22, v23;
	v20, _, _ =	vpop (xrf0);
	(xrf0) =	vmax.scan.msk.f32 $0xffff, v17;
	v50 =	vperm.xlane v6, v37  }
0x463: {  	[tilespmem:$0x3920] =	vst v10;
	v10 =	vsub.f32 $0.0e+00, v58;
	v58 =	vld [tilespmem:$0x1FEB0];
	v13 =	vsub.f32 $0.0e+00, v13;
	v41 =	vperm.xlane v18, v35  }
0x464: {  	v55 =	vld [tilespmem:$0x1FEA0];
	v30 =	vsub.f32 $0.0e+00, v25;
	v20 =	vsub.f32 $0.0e+00, v20;
	v4 =	vmax.f32 v4, v50  }
0x465: {  	[tilespmem:$0x38E0] =	vst v9;
	v25 =	vld [tilespmem:$0xE40];
	v32 =	vperm.xlane v62, v23;
	v45 =	vmin.f32 v19, v41;
	v56 =	vperm.xlane v4, v37  }
0x466: {  	v9 =	vsub.f32 $0.0e+00, v46;
	v62 =	vld [tilespmem:$0xE30];
	v47 =	vperm.xlane v45, v35;
	v48 =	vperm.xlane v20, v23;
	v19, _, _ =	vpop (xrf0);
	(xrf0) =	vmax.scan.msk.f32 $0xffff, v13  }
0x467: {  	[tilespmem:$0x3940] =	vst v7;
	v7 =	vsub.f32 $0.0e+00, v32;
	v32 =	vld [tilespmem:$0x38E0];
	v19 =	vsub.f32 $0.0e+00, v19;
	v2 =	vmax.f32 v2, v56  }
0x468: {  	v51 =	vperm.xlane v43, v23;
	[tilespmem:$0x3900] =	vst v12;
	v12 =	vmin.f32 v48, v47;
	v56 =	vld [tilespmem:$0xE10];
	v54, _, _ =	vpop (xrf0);
	v63 =	vperm.xlane v2, v37  }
0x469: {  	v52 =	vperm.xlane v12, v35;
	v53 =	vperm.xlane v19, v23;
	v17 =	vsub.f32 $0.0e+00, v54;
	v54 =	vld [tilespmem:$0x3880]  }
0x46a: {  	(xrf0) =	vmax.scan.msk.f32 $0xffff, v9;
	v1 =	vmax.f32 v1, v63;
	v63 =	vld [tilespmem:$0x38B0]  }
0x46b: {  	v15 =	vsub.f32 $0.0e+00, v51;
	v57 =	vmin.f32 v53, v52;
	v53 =	vld [tilespmem:$0xE00]  }
0x46c: {  	v60 =	vperm.xlane v17, v23;
	v59 =	vperm.xlane v57, v35;
	v61, _, _ =	vpop (xrf0);
	[tilespmem:$0x3A70] =	vst v57;
	v57 =	vld [tilespmem:$0x3890]  }
0x46d: {  	[tilespmem:$0x3930] =	vst v16;
	(xrf0) =	vmax.scan.msk.f32 $0xffff, v15;
	v16 =	vsub.f32 $0.0e+00, v61;
	v61 =	vld [tilespmem:$0x1FEC0]  }
0x46e: {  	v24 =	vmin.f32 v60, v59;
	v59 =	vld [tilespmem:$0xE20]  }
0x46f: {  	[tilespmem:$0x3B00] =	vst v3;
	v60 =	vld [tilespmem:$0x38A0]  }
0x470: {  	v26, _, _ =	vpop (xrf0);
	(xrf0) =	vmax.scan.msk.f32 $0xffff, v10;
	v27 =	vperm.xlane v24, v35;
	v28 =	vperm.xlane v16, v23;
	[tilespmem:$0x3A60] =	vst v24;
	v24 =	vld [tilespmem:$0x1FED0]  }
0x471: {  	[tilespmem:$0x3AF0] =	vst v5;
	v29 =	vsub.f32 $0.0e+00, v26;
	v26 =	vld [tilespmem:$0x38C0]  }
0x472: {  	[tilespmem:$0x3910] =	vst v8;
	v16 =	vld [tilespmem:$0x3930];
	v31 =	vmin.f32 v28, v27  }
0x473: {  	[tilespmem:$0x3980] =	vst v1;
	v1 =	vperm.xlane v29, v23;
	v27 =	vld [tilespmem:$0x1FEE0];
	v33 =	vperm.xlane v31, v35;
	v37, _, _ =	vpop (xrf0);
	(xrf0) =	vmax.scan.msk.f32 $0xffff, v30  }
0x474: {  	[tilespmem:$0x3AE0] =	vst v21;
	v28 =	vld [tilespmem:$0xE50];
	v39 =	vsub.f32 $0.0e+00, v37  }
0x475: {  	[tilespmem:$0x3AD0] =	vst v0;
	v29 =	vld [tilespmem:$0x38D0];
	v41 =	vmin.f32 v1, v33  }
0x476: {  	[tilespmem:$0x3960] =	vst v4;
	v30 =	vld [tilespmem:$0x1FEF0];
	v43, _, _ =	vpop (xrf0);
	(xrf0) =	vmax.scan.msk.f32 $0xffff, v7;
	v1 =	vperm.xlane v41, v35;
	v4 =	vperm.xlane v39, v23  }
0x477: {  	[tilespmem:$0x3A50] =	vst v31;
	v31 =	vld [tilespmem:$0xE60];
	v5 =	vsub.f32 $0.0e+00, v43  }
0x478: {  	[tilespmem:$0x3AC0] =	vst v14;
	v37 =	vld [tilespmem:$0x1FF00];
	v1 =	vmin.f32 v4, v1  }
0x479: {  	[tilespmem:$0x3A90] =	vst v45;
	v7 =	vsub.f32 v59, v60;
	v60 =	vld [tilespmem:$0x3920];
	v5 =	vperm.xlane v5, v23;
	v44, _, _ =	vpop (xrf0);
	v45 =	vperm.xlane v1, v35  }
0x47a: {  	[tilespmem:$0x3AB0] =	vst v11;
	v43 =	vld [tilespmem:$0xE70];
	v4 =	vsub.f32 $0.0e+00, v44  }
0x47b: {  	[tilespmem:$0x3950] =	vst v6;
	v44 =	vsub.f32 v62, v63;
	v63 =	vld [tilespmem:$0xEB0];
	v5 =	vmin.f32 v5, v45  }
0x47c: {  	[tilespmem:$0x3AA0] =	vst v18;
	v47, _, _ =	vpop (xrf0);
	v45 =	vld [tilespmem:$0x38F0];
	v46 =	vperm.xlane v5, v35;
	v4 =	vperm.xlane v4, v23  }
0x47d: {  	[tilespmem:$0x3970] =	vst v2;
	v48 =	vsub.f32 $0.0e+00, v47;
	v47 =	vmul.f32 v44, v44;
	v44 =	vld [tilespmem:$0xEE0]  }
0x47e: {  	[tilespmem:$0x3A80] =	vst v12;
	v49 =	vmin.f32 v4, v46;
	v46 =	vld [tilespmem:$0x1FF10]  }
0x47f: {  	[tilespmem:$0x3A40] =	vst v41;
	v51 =	vperm.xlane v48, v23;
	v4 =	vsub.f32 v56, v57;
	v57 =	vld [tilespmem:$0x1FF30];
	v50 =	vperm.xlane v49, v35  }
0x480: {  	[tilespmem:$0x3A10] =	vst v49;
	v49 =	vld [tilespmem:$0xE80]  }
0x481: {  	[tilespmem:$0x3A30] =	vst v1;
	v52 =	vmin.f32 v51, v50;
	v51 =	vld [tilespmem:$0x3900]  }
0x482: {  	[tilespmem:$0x3A20] =	vst v5;
	v50 =	vsub.f32 v25, v26;
	v26 =	vld [tilespmem:$0xEC0]  }
0x483: {  	[tilespmem:$0x3A00] =	vst v52;
	v52 =	vld [tilespmem:$0x1FF20]  }
0x484: {  	v2 =	vld.idx.msk [tilespmem:v55+s31+$0x0], $0xffff  }
0x485: {  	v5 =	vld.idx.msk [tilespmem:v58+s31+$0x0], $0xffff  }
0x486: {  	v8 =	vld.idx.msk [tilespmem:v61+s31+$0x0], $0xffff  }
0x487: {  	v11 =	vld.idx.msk [tilespmem:v24+s31+$0x0], $0xffff  }
0x488: {  	v14 =	vld.idx.msk [tilespmem:v27+s31+$0x0], $0xffff  }
0x489: {  	v15 =	vld.idx.msk [tilespmem:v30+s31+$0x0], $0xffff  }
0x48a: {  	v0 =	vsub.f32 v53, v54;
	v55 =	vld [tilespmem:$0xE90]  }
0x48b: {  	v61 =	vld [tilespmem:$0x1FF40];
	v1 =	vsub.f32 v2, v53;
	v3 =	vsub.f32 v5, v56  }
0x48c: {  	v0 =	vmul.f32 v0, v0;
	v4 =	vmul.f32 v4, v4;
	v24 =	vld [tilespmem:$0x1FF50]  }
0x48d: {  	v30 =	vld [tilespmem:$0x1FF60];
	v6 =	vsub.f32 v8, v59;
	v1 =	vmul.f32 v1, v1;
	v3 =	vmul.f32 v3, v3  }
0x48e: {  	v39 =	vmul.f32 v7, v7;
	v10 =	vsub.f32 v43, v45;
	v9 =	vsub.f32 v11, v62;
	v56 =	vld [tilespmem:$0x3910]  }
0x48f: {  	v11 =	vld.idx.msk [tilespmem:v57+s31+$0x0], $0xffff;
	v41 =	vmul.f32 v6, v6;
	v0 =	vmin.f32 v0, v1;
	v33 =	vmin.f32 v4, v3  }
0x490: {  	v45 =	vsub.f32 v63, v16;
	v3 =	vld.idx.msk [tilespmem:v37+s31+$0x0], $0xffff;
	v0 =	vadd.f32 v33, v0  }
0x491: {  	v12 =	vsub.f32 v14, v25;
	v59 =	vld [tilespmem:$0xEA0];
	v48 =	vmul.f32 v9, v9;
	v1 =	vmin.f32 v39, v41  }
0x492: {  	v53 =	vmul.f32 v50, v50;
	v5 =	vsub.f32 v28, v29;
	v4 =	vld.idx.msk [tilespmem:v46+s31+$0x0], $0xffff;
	v0 =	vadd.f32 v1, v0  }
0x493: {  	v2 =	vsub.f32 v15, v28;
	v28 =	vld [tilespmem:$0x3940];
	v54 =	vmul.f32 v12, v12;
	v1 =	vmin.f32 v47, v48  }
0x494: {  	v8 =	vsub.f32 v31, v32;
	v7 =	vld.idx.msk [tilespmem:v52+s31+$0x0], $0xffff;
	v58 =	vmul.f32 v5, v5;
	v0 =	vadd.f32 v1, v0  }
0x495: {  	v50 =	vld [tilespmem:$0xEF0];
	v2 =	vmul.f32 v2, v2;
	v1 =	vmin.f32 v53, v54;
	v3 =	vsub.f32 v3, v31  }
0x496: {  	v17 =	vsub.f32 v49, v51;
	v62 =	vmul.f32 v8, v8;
	v41 =	vld [tilespmem:$0x1FF70];
	v0 =	vadd.f32 v1, v0  }
0x497: {  	v48 =	vld [tilespmem:$0x1FF80];
	v4 =	vsub.f32 v4, v43;
	v1 =	vmin.f32 v58, v2;
	v3 =	vmul.f32 v3, v3  }
0x498: {  	v25 =	vmul.f32 v10, v10;
	v27 =	vsub.f32 v55, v56;
	v2 =	vld.idx.msk [tilespmem:v61+s31+$0x0], $0xffff;
	v0 =	vadd.f32 v1, v0  }
0x499: {  	v9 =	vld.idx.msk [tilespmem:v24+s31+$0x0], $0xffff;
	v7 =	vsub.f32 v7, v49;
	v4 =	vmul.f32 v4, v4;
	v1 =	vmin.f32 v62, v3  }
0x49a: {  	v29 =	vsub.f32 v11, v55;
	v53 =	vld [tilespmem:$0x1FF90];
	v0 =	vadd.f32 v1, v0  }
0x49b: {  	v39 =	vld [tilespmem:$0x3950];
	v7 =	vmul.f32 v7, v7;
	v3 =	vmul.f32 v17, v17;
	v1 =	vmin.f32 v25, v4  }
0x49c: {  	v11 =	vld.idx.msk [tilespmem:v30+s31+$0x0], $0xffff;
	v37 =	vsub.f32 v59, v60;
	v32 =	vmul.f32 v27, v27;
	v0 =	vadd.f32 v1, v0  }
0x49d: {  	v33 =	vld [tilespmem:$0xED0];
	v31 =	vmin.f32 v3, v7;
	v4 =	vmul.f32 v29, v29;
	v2 =	vsub.f32 v2, v59  }
0x49e: {  	v47 =	vsub.f32 v9, v63;
	v1 =	vld.idx.msk [tilespmem:v41+s31+$0x0], $0xffff;
	v0 =	vadd.f32 v31, v0  }
0x49f: {  	v46 =	vld [tilespmem:$0x3960];
	v43 =	vmul.f32 v37, v37;
	v3 =	vmin.f32 v32, v4;
	v2 =	vmul.f32 v2, v2  }
0x4a0: {  	v51 =	vsub.f32 v26, v28;
	v49 =	vmul.f32 v45, v45;
	v8 =	vld.idx.msk [tilespmem:v48+s31+$0x0], $0xffff;
	v0 =	vadd.f32 v3, v0  }
0x4a1: {  	v52 =	vld [tilespmem:$0x3970];
	v10 =	vsub.f32 v11, v26;
	v4 =	vmul.f32 v47, v47;
	v2 =	vmin.f32 v43, v2  }
0x4a2: {  	v9 =	vmul.f32 v51, v51;
	v5 =	vsub.f32 v33, v39;
	v7 =	vld.idx.msk [tilespmem:v53+s31+$0x0], $0xffff;
	v0 =	vadd.f32 v2, v0  }
0x4a3: {  	v60 =	vld [tilespmem:$0x1F940];
	v10 =	vmul.f32 v10, v10;
	v1 =	vsub.f32 v1, v33;
	v2 =	vmin.f32 v49, v4  }
0x4a4: {  	v54 =	vld [tilespmem:$0x4200];
	v6 =	vsub.f32 v44, v46;
	v55 =	vmul.f32 v5, v5;
	v0 =	vadd.f32 v2, v0  }
0x4a5: {  	v56 =	vmin.f32 v9, v10;
	v8 =	vsub.f32 v8, v44;
	v1 =	vmul.f32 v1, v1  }
0x4a6: {  	v57 =	vld [tilespmem:$0x4210];
	v58 =	vsub.f32 v50, v52;
	v6 =	vmul.f32 v6, v6;
	v0 =	vadd.f32 v56, v0  }
0x4a7: {  	v3 =	vsub.f32 v7, v50;
	v59 =	vmul.f32 v8, v8;
	v1 =	vmin.f32 v55, v1  }
0x4a8: {  	v61 =	vld [tilespmem:$0x4220];
	v5 =	vmul.f32 v58, v58;
	v0 =	vadd.f32 v1, v0  }
0x4a9: {  	v4 =	vadd.f32 v54, v60;
	v6 =	vmin.f32 v6, v59;
	v3 =	vmul.f32 v3, v3  }
0x4aa: {  	v0 =	vadd.f32 v6, v0  }
0x4ab: {  	v2 =	vadd.f32 v57, v4;
	v3 =	vmin.f32 v5, v3  }
0x4ac: {  	v0 =	vadd.f32 v3, v0  }
0x4ad: {  	v1 =	vadd.f32 v61, v2  }
0x4ae: {  	(xrf2) =	vadd.scan.msk.f32 $0xffff, v0  }
0x4af: {  	(xrf2) =	vadd.scan.msk.f32 $0xffff, v1;
	_ =	sdelay $0x8  }
0x4b0: {  	v0, _, _ =	vpop (xrf2)  }
0x4b1: {  	(v2sf) =	vpush v0, $0xF;
	v62, _, _ =	vpop (xrf2)  }
0x4b2: {  	(v2sf) =	vpush v62, $0xF;
	_ =	sdelay $0xd  }
0x4b3: {  	s10 =	spop (v2sf)  }
0x4b4: {  	s1 =	smul.f32 $3.906250000e-03, s10;
	s11 =	spop (v2sf)  }
0x4b5: {  	s8 =	smul.f32 $7.971938610e-05, s11;
	_ =	sdelay $0x1  }
0x4b6: {  	s1 =	sadd.f32 s1, s8;
	_ =	sdelay $0x1  }
0x4b7: {  	v42 =	vld [tilespmem:$0x1FFE0];
	v63 =	vmov s1  }
.Ltmp7:
0x4b8: {  	s12 =	simm.s32 $0x4300;
	v38 =	vld [tilespmem:$0x1FFC0];
	[tilespmem:$0x4300] =	vst v63;
	(pc) =	sbr.rel .LBB2_9-.Ltmp7, $4  }
0x4b9: {  	v20 =	vld [tilespmem:$0x1FFB0];
	[hbm4b:s17+s2] =	stream.linear.scatter [tilespmem:s12], [sflag:$0x3], $0x10, $0x38  }
0x4ba: {  	v40 =	vld [tilespmem:$0x1FFD0];
	_ =	swait.ge [sflag:s29], $0x10  }
0x4bb: {  	[sflag:s29] =	ssyncset.done $0x0  }
0x4bc: {  	v36 =	vimm.s32 $0x1;
	[sflag:s29] =	ssyncadd.s32 $0xFFFFFFF0  }
.LBB2_4:
.Ltmp8:
0x4bd: {  	(pc) =	sbr.rel .LBB2_7-.Ltmp8, $2  }
0x4be: {  	_ =	sdelay $0x2  }
0x4bf: {  	v5 =	vld [tilespmem:$0x1FFF0];
	vm1 =	vcmask $0x3F3C  }
.LBB2_10:
0x4c0: {  	_ =	sfence.sel $0x180000  }
0x4c1: {  	[bflag:$0x0] =	sbarrier.arrive $0xFFFF  }
0x4c2: {  	_ =	strace $0x90000047  }
0x4c3: {  	s0 =	stileid.u32;
	[bflag:$0x2] =	sbarrier.arrive $0xFFFF  }
0x4c4: {  	p0 =	sne.s32 s0, $0x0;
	s0 =	rddreg [dreg:$0x5]  }
0x4c5: {  	s0 =	sadd.s32 @!p0 $0x100000, s0  }
0x4c6: {  	[sflag:s0] =	ssyncadd.tile.s32 @!p0 $0x1;
	_ =	shalt  }
.Lfunc_end2:
_tile_overlayer_lowered:
.L_overlay_start_2:
0x4c7: {  	(tag) =	ssettag $0x2  }
0x4c8: {  	s0 =	rddreg [dreg:$0x0];
	s2 =	stileid.u32  }
0x4c9: {  	s1 =	rddreg [dreg:$0x1];
	p0 =	sne.s32 s2, $0x0  }
0x4ca: {  	s3 =	rddreg [dreg:$0x2];
	[bflag:$0x3] =	sbarrier.arrive $0xFFFF;
	s2 =	simm.s32 @!p0 $0x1C03  }
0x4cb: {  	[timem:s3], [sflag:s2] =	dma.local @!p0 [hbm:s0], s1  }
0x4cc: {  	s0 =	simm.s32 @!p0 $0x3  }
0x4cd: {  	_ =	swait.ge @!p0 [sflag:s0], s1  }
0x4ce: {  	s1 =	ssub.s32 @!p0 $0x0, s1;
	[sflag:s0] =	ssyncset.done @!p0 $0x0  }
0x4cf: {  	[sflag:s0] =	ssyncadd.s32 @!p0 s1  }
0x4d0: {  	[bflag:$0x3] =	sbarrier.arrive $0xFFFF  }
0x4d1: {  	_ =	shalt  }

</sc_bundles>
